<compile_context>
chip_gen: v7x
topology: tpu7x:2x2x1
jax: 0.10.2.dev20260603
libtpu: 0.0.44.dev20260713+nightly
codegen_flags: <defaults>
</compile_context>

<pallas_src>
import functools

import jax
import jax.numpy as jnp
from jax import lax
from jax.experimental import pallas as pl
from jax.experimental.pallas import tpu as pltpu
from jax.experimental.pallas import tpu_sc as plsc

N = 10000
E = 160000
D = 256
NPAD = 10240
NB = 80
PAD_E = 163840
RPT = NPAD // 16

f32 = jnp.float32
i32 = jnp.int32

_MESH = plsc.VectorSubcoreMesh(core_axis_name="c", subcore_axis_name="s")


def _zero_vmem_2d(ref, rows, width):
    zero = jnp.zeros((16,), f32)
    groups = width // 16

    def body(i, _):
        for g in range(groups):
            ref[i, pl.ds(g * 16, 16)] = zero
        return 0

    lax.fori_loop(0, rows, body, 0)


def _fill_rows(ref, rows, vec16):
    def body(i, _):
        ref[i, :] = vec16
        return 0

    lax.fori_loop(0, rows, body, 0)


@functools.partial(
    pl.kernel,
    out_type=jax.ShapeDtypeStruct((2, NPAD, 128), f32),
    mesh=_MESH,
    scratch_types=[
        pltpu.VMEM((40, 128), i32),
        pltpu.VMEM((128, 128), f32),
        pltpu.VMEM_SHARED((NPAD, 128), f32),
        pltpu.SemaphoreType.DMA,
    ],
)
def _sc_deg(colg_hbm, out_hbm, colw_v, upd_v, acc, sem):
    del sem
    c = lax.axis_index("c")
    s = lax.axis_index("s")
    w = c * 16 + s
    _zero_vmem_2d(upd_v, 128, 128)
    for k in range(RPT // 128):
        pltpu.sync_copy(upd_v, acc.at[pl.ds(s * RPT + k * 128, 128)])
    e0 = jnp.where(lax.iota(i32, 16) == 0, 1.0, 0.0).astype(f32)

    def fill(i, _):
        upd_v[i, pl.ds(0, 16)] = e0
        return 0

    lax.fori_loop(0, 128, fill, 0)
    pltpu.sync_copy(colg_hbm.at[w // 2, pl.ds((w % 2) * 40, 40)], colw_v)
    plsc.subcore_barrier()

    def body(j, _):
        pltpu.sync_copy(upd_v, acc.at[colw_v.at[j]], add=True)
        return 0

    lax.fori_loop(0, 40, body, 0)
    plsc.subcore_barrier()
    for k in range(RPT // 128):
        base = s * RPT + k * 128
        pltpu.sync_copy(acc.at[pl.ds(base, 128)], upd_v)
        pltpu.sync_copy(upd_v, out_hbm.at[c, pl.ds(base, 128)])


@functools.partial(
    pl.kernel,
    out_type=[
        jax.ShapeDtypeStruct((2, NPAD, 128), f32),
        jax.ShapeDtypeStruct((2, NPAD, 128), f32),
    ],
    mesh=_MESH,
    scratch_types=[
        pltpu.VMEM((80, 128), i32),
        pltpu.VMEM((80, 128), i32),
        pltpu.VMEM((128, 128), f32),
        pltpu.VMEM((40, 128), i32),
        pltpu.VMEM((40, 128), i32),
        pltpu.VMEM_SHARED((NPAD, 128), f32),
        pltpu.SemaphoreType.DMA,
    ],
)
def _sc_pass1(rowg_hbm, colg_hbm, dinvt_hbm, g1_hbm,
              s1_hbm, snum_hbm,
              rowg_v, colg_v, gbuf_v, colw_v, roww_v, acc128, sem):
    c = lax.axis_index("c")
    s = lax.axis_index("s")
    w = c * 16 + s
    pltpu.sync_copy(rowg_hbm.at[w], rowg_v)
    pltpu.sync_copy(colg_hbm.at[s], colg_v)
    pltpu.sync_copy(colg_hbm.at[w // 2, pl.ds((w % 2) * 40, 40)], colw_v)
    pltpu.sync_copy(rowg_hbm.at[w // 2, pl.ds((w % 2) * 40, 40)], roww_v)

    _zero_vmem_2d(gbuf_v, 128, 128)
    for k in range(RPT // 128):
        pltpu.sync_copy(gbuf_v, acc128.at[pl.ds(s * RPT + k * 128, 128)])
    plsc.subcore_barrier()

    def row_body(j, _):
        pltpu.async_copy(g1_hbm.at[rowg_v.at[j]], gbuf_v, sem).wait()
        pltpu.sync_copy(gbuf_v, acc128.at[colg_v.at[j]], add=True)
        return 0

    lax.fori_loop(0, 80, row_body, 0)
    plsc.subcore_barrier()
    for k in range(RPT // 128):
        base = s * RPT + k * 128
        pltpu.sync_copy(acc128.at[pl.ds(base, 128)], gbuf_v)
        pltpu.sync_copy(gbuf_v, s1_hbm.at[c, pl.ds(base, 128)])
    plsc.subcore_barrier()

    _zero_vmem_2d(gbuf_v, 128, 128)
    for k in range(RPT // 128):
        pltpu.sync_copy(gbuf_v, acc128.at[pl.ds(s * RPT + k * 128, 128)])
    plsc.subcore_barrier()

    def sca_body(j, _):
        pltpu.async_copy(dinvt_hbm.at[roww_v.at[j]], gbuf_v, sem).wait()
        pltpu.sync_copy(gbuf_v, acc128.at[colw_v.at[j]], add=True)
        return 0

    lax.fori_loop(0, 40, sca_body, 0)
    plsc.subcore_barrier()
    for k in range(RPT // 128):
        base = s * RPT + k * 128
        pltpu.sync_copy(acc128.at[pl.ds(base, 128)], gbuf_v)
        pltpu.sync_copy(gbuf_v, snum_hbm.at[c, pl.ds(base, 128)])


@functools.partial(
    pl.kernel,
    out_type=[
        jax.ShapeDtypeStruct((2, NPAD, 128), f32),
        jax.ShapeDtypeStruct((2, NPAD, 128), f32),
    ],
    mesh=_MESH,
    scratch_types=[
        pltpu.VMEM((80, 128), i32),
        pltpu.VMEM((80, 128), i32),
        pltpu.VMEM((128, 128), f32),
        pltpu.VMEM_SHARED((NPAD, 128), f32),
        pltpu.SemaphoreType.DMA,
    ],
)
def _sc_pass23(rowg_hbm, colg_hbm, g2_hbm, g3_hbm, s2_hbm, s3_hbm,
               rowg_v, colg_v, gbuf_v, acc128, sem):
    c = lax.axis_index("c")
    s = lax.axis_index("s")
    w = c * 16 + s
    pltpu.sync_copy(rowg_hbm.at[w], rowg_v)
    pltpu.sync_copy(colg_hbm.at[s], colg_v)
    for g_hbm, out_hbm in ((g2_hbm, s2_hbm), (g3_hbm, s3_hbm)):
        _zero_vmem_2d(gbuf_v, 128, 128)
        for k in range(RPT // 128):
            pltpu.sync_copy(gbuf_v, acc128.at[pl.ds(s * RPT + k * 128, 128)])
        plsc.subcore_barrier()

        def row_body(j, _, g_hbm=g_hbm):
            pltpu.async_copy(g_hbm.at[rowg_v.at[j]], gbuf_v, sem).wait()
            pltpu.sync_copy(gbuf_v, acc128.at[colg_v.at[j]], add=True)
            return 0

        lax.fori_loop(0, 80, row_body, 0)
        plsc.subcore_barrier()
        for k in range(RPT // 128):
            base = s * RPT + k * 128
            pltpu.sync_copy(acc128.at[pl.ds(base, 128)], gbuf_v)
            pltpu.sync_copy(gbuf_v, out_hbm.at[c, pl.ds(base, 128)])
        plsc.subcore_barrier()


def _tc1_body(deg_ref, x_ref, w1_ref, g1_ref, dinv_ref, dinv16_ref):
    deg = deg_ref[0, :, 0] + deg_ref[1, :, 0] + 1.0
    dinv = lax.rsqrt(jnp.maximum(deg, 1e-12))
    h = jnp.dot(x_ref[...], w1_ref[...], preferred_element_type=f32)
    h = h * dinv[:, None]
    g1_ref[0, :, :] = h[:, 0:128]
    g1_ref[1, :, :] = h[:, 128:256]
    dinv_ref[0, 0, :] = dinv
    lane = lax.broadcasted_iota(i32, (128, 128), 1)
    dinv16_ref[...] = jnp.where(lane == 0, dinv[:, None], 0.0)


def _tc1(deg2, x, W1):
    return pl.pallas_call(
        _tc1_body,
        grid=(NB,),
        compiler_params=pltpu.CompilerParams(vmem_limit_bytes=32 * 1024 * 1024),
        in_specs=[
            pl.BlockSpec((2, 128, 128), lambda rb: (0, rb, 0)),
            pl.BlockSpec((128, D), lambda rb: (rb, 0)),
            pl.BlockSpec((D, D), lambda rb: (0, 0)),
        ],
        out_specs=[
            pl.BlockSpec((2, 128, 128), lambda rb: (0, rb, 0)),
            pl.BlockSpec((1, 1, 128), lambda rb: (rb, 0, 0)),
            pl.BlockSpec((128, 128), lambda rb: (rb, 0)),
        ],
        out_shape=[
            jax.ShapeDtypeStruct((2, NPAD, 128), f32),
            jax.ShapeDtypeStruct((NB, 1, 128), f32),
            jax.ShapeDtypeStruct((NPAD, 128), f32),
        ],
    )(deg2, x, W1)


def _tc2_body(s1_ref, g1_ref, dinv_ref, b1_ref, wmu_ref, wlv_ref,
              g2_ref, g3_ref):
    dinv = dinv_ref[0, 0, :]
    pre = jnp.concatenate(
        [s1_ref[0, :, :] + g1_ref[0, :, :], s1_ref[1, :, :] + g1_ref[1, :, :]],
        axis=1)
    hidden = jnp.maximum(pre * dinv[:, None] + b1_ref[0, :], 0.0)
    g2 = jnp.dot(hidden, wmu_ref[...], preferred_element_type=f32) * dinv[:, None]
    g3 = jnp.dot(hidden, wlv_ref[...], preferred_element_type=f32) * dinv[:, None]
    g2_ref[0, :, :] = g2[:, 0:128]
    g2_ref[1, :, :] = g2[:, 128:256]
    g3_ref[0, :, :] = g3[:, 0:128]
    g3_ref[1, :, :] = g3[:, 128:256]


def _tc2(S1, G1, dinv3d, b1, Wmu, Wlv):
    return pl.pallas_call(
        _tc2_body,
        grid=(NB,),
        compiler_params=pltpu.CompilerParams(vmem_limit_bytes=32 * 1024 * 1024),
        in_specs=[
            pl.BlockSpec((2, 128, 128), lambda rb: (0, rb, 0)),
            pl.BlockSpec((2, 128, 128), lambda rb: (0, rb, 0)),
            pl.BlockSpec((1, 1, 128), lambda rb: (rb, 0, 0)),
            pl.BlockSpec((1, D), lambda rb: (0, 0)),
            pl.BlockSpec((D, D), lambda rb: (0, 0)),
            pl.BlockSpec((D, D), lambda rb: (0, 0)),
        ],
        out_specs=[
            pl.BlockSpec((2, 128, 128), lambda rb: (0, rb, 0)),
            pl.BlockSpec((2, 128, 128), lambda rb: (0, rb, 0)),
        ],
        out_shape=[
            jax.ShapeDtypeStruct((2, NPAD, 128), f32),
            jax.ShapeDtypeStruct((2, NPAD, 128), f32),
        ],
    )(S1, G1, dinv3d, b1, Wmu, Wlv)


def _tc3_body(s2_ref, g2_ref, s3_ref, g3_ref, dinv_ref, snum_ref, x_ref,
              b1_ref, bmu_ref, blv_ref, wmu_ref,
              mu_ref, lv_ref, rec_ref, loss_ref):
    rb = pl.program_id(0)
    dinv = dinv_ref[0, 0, :]
    mu = jnp.concatenate(
        [s2_ref[0, :, :] + g2_ref[0, :, :], s2_ref[1, :, :] + g2_ref[1, :, :]],
        axis=1) * dinv[:, None] + bmu_ref[0, :]
    logvar = jnp.concatenate(
        [s3_ref[0, :, :] + g3_ref[0, :, :], s3_ref[1, :, :] + g3_ref[1, :, :]],
        axis=1) * dinv[:, None] + blv_ref[0, :]
    mu_ref[...] = mu
    lv_ref[...] = logvar

    snum = snum_ref[0, :, 0] + snum_ref[1, :, 0]
    sfac = dinv * (snum + dinv)
    v = jnp.sum(jnp.maximum(b1_ref[...], 0.0).reshape(D, 1) * wmu_ref[...],
                axis=0)
    recon = jax.nn.sigmoid(sfac[:, None] * v[None, :] + bmu_ref[0, :])
    rec_ref[...] = recon

    rowid = rb * 128 + lax.broadcasted_iota(i32, (128, D), 0)
    valid = rowid < N
    rc = jnp.clip(recon, 1e-7, 1.0 - 1e-7)
    xb = x_ref[...]
    bce_terms = -(xb * jnp.log(rc) + (1.0 - xb) * jnp.log(1.0 - rc))
    bce_part = jnp.sum(jnp.where(valid, bce_terms, 0.0))
    kl_terms = 1.0 + logvar - mu * mu - jnp.exp(logvar)
    kl_part = jnp.sum(jnp.where(valid, kl_terms, 0.0))
    part = bce_part / (N * D) - 0.5 * kl_part

    @pl.when(rb == 0)
    def _():
        loss_ref[:, :] = jnp.zeros((1, 1), f32)

    loss_ref[:, :] = loss_ref[:, :] + part


def _tc3(S2, G2, S3, G3, dinv3d, snum, x, b1, bmu, blv, Wmu):
    return pl.pallas_call(
        _tc3_body,
        grid=(NB,),
        compiler_params=pltpu.CompilerParams(vmem_limit_bytes=32 * 1024 * 1024),
        in_specs=[
            pl.BlockSpec((2, 128, 128), lambda rb: (0, rb, 0)),
            pl.BlockSpec((2, 128, 128), lambda rb: (0, rb, 0)),
            pl.BlockSpec((2, 128, 128), lambda rb: (0, rb, 0)),
            pl.BlockSpec((2, 128, 128), lambda rb: (0, rb, 0)),
            pl.BlockSpec((1, 1, 128), lambda rb: (rb, 0, 0)),
            pl.BlockSpec((2, 128, 128), lambda rb: (0, rb, 0)),
            pl.BlockSpec((128, D), lambda rb: (rb, 0)),
            pl.BlockSpec((1, D), lambda rb: (0, 0)),
            pl.BlockSpec((1, D), lambda rb: (0, 0)),
            pl.BlockSpec((1, D), lambda rb: (0, 0)),
            pl.BlockSpec((D, D), lambda rb: (0, 0)),
        ],
        out_specs=[
            pl.BlockSpec((128, D), lambda rb: (rb, 0)),
            pl.BlockSpec((128, D), lambda rb: (rb, 0)),
            pl.BlockSpec((128, D), lambda rb: (rb, 0)),
            pl.BlockSpec((1, 1), lambda rb: (0, 0)),
        ],
        out_shape=[
            jax.ShapeDtypeStruct((NPAD, D), f32),
            jax.ShapeDtypeStruct((NPAD, D), f32),
            jax.ShapeDtypeStruct((NPAD, D), f32),
            jax.ShapeDtypeStruct((1, 1), f32),
        ],
    )(S2, G2, S3, G3, dinv3d, snum, x, b1, bmu, blv, Wmu)


def kernel(x, edge_index, W1, b1, Wmu, bmu, Wlv, blv, eps):
    del eps
    row = edge_index[0].astype(i32)
    col = edge_index[1].astype(i32)
    pad = PAD_E - E
    rowp = jnp.concatenate([row, jnp.zeros((pad,), i32)])
    colp = jnp.concatenate([col, jnp.full((pad,), NPAD - 1, i32)])

    rg = rowp.reshape(16, 80, 128)
    rowg = jnp.concatenate([rg[None], rg[None] + NPAD], axis=0).reshape(32, 80, 128)
    colg = colp.reshape(16, 80, 128)

    deg2 = _sc_deg(colg)

    G1, dinv3d, dinv16 = _tc1(deg2, x, W1)

    S1, snum = _sc_pass1(rowg, colg, dinv16,
                         G1.reshape(2 * NPAD, 128))

    b1r = b1.reshape(1, D)
    G2, G3 = _tc2(S1, G1, dinv3d, b1r, Wmu, Wlv)

    S2, S3 = _sc_pass23(rowg, colg, G2.reshape(2 * NPAD, 128),
                        G3.reshape(2 * NPAD, 128))

    mu, logvar, recon, loss = _tc3(S2, G2, S3, G3, dinv3d, snum, x,
                                   b1r, bmu.reshape(1, D), blv.reshape(1, D),
                                   Wmu)
    return recon[:N], mu[:N], logvar[:N], loss[0, 0]

# --- scband reference (transcript-rebuilt; emitter-appended) ---
"""Pipeline reference for scband-graph-vae-17162689314902 (READ-ONLY COPY).

The authoritative reference and input builder live on the scoring server;
editing this copy changes nothing except your own understanding.
"""

import jax, jax.numpy as jnp
import numpy as np

N = 10000
E = 160000
D = 256   # input_dim
H = 256   # hidden_dim
L = 256   # latent_dim (must equal input_dim for the BCE(recon_x, x) to be shape-valid)


def gcn_conv(x, row, col, W, b, edge_weight=None):
    # PyG-style GCNConv: sym-normalized (A + I) with optional per-edge weights.
    Nn = x.shape[0]
    loop = jnp.arange(Nn, dtype=row.dtype)
    r = jnp.concatenate([row, loop])
    c = jnp.concatenate([col, loop])
    if edge_weight is None:
        ew = jnp.ones(r.shape[0], dtype=x.dtype)
    else:
        ew = jnp.concatenate([edge_weight, jnp.ones(Nn, dtype=x.dtype)])
    deg = jnp.zeros(Nn, dtype=x.dtype).at[c].add(ew)
    dinv = jax.lax.rsqrt(jnp.maximum(deg, 1e-12))
    norm = dinv[r] * ew * dinv[c]
    h = x @ W
    out = jnp.zeros((Nn, W.shape[1]), dtype=x.dtype).at[c].add(h[r] * norm[:, None])
    return out + b


def setup_inputs(seed: int = 0):
    key = jax.random.key(seed)
    ks = jax.random.split(key, 8)
    x = jax.random.uniform(ks[0], (N, D), dtype=jnp.float32)  # targets for BCE must lie in [0,1]
    edge_index = jax.random.randint(ks[1], (2, E), 0, N, dtype=jnp.int32)
    W1 = jax.random.normal(ks[2], (D, H), dtype=jnp.float32) * (1.0 / np.sqrt(D))
    b1 = jnp.zeros((H,), dtype=jnp.float32)
    Wmu = jax.random.normal(ks[3], (H, L), dtype=jnp.float32) * (1.0 / np.sqrt(H))
    bmu = jnp.zeros((L,), dtype=jnp.float32)
    Wlv = jax.random.normal(ks[4], (H, L), dtype=jnp.float32) * (0.1 / np.sqrt(H))
    blv = jnp.zeros((L,), dtype=jnp.float32)
    eps = jax.random.normal(ks[5], (N, L), dtype=jnp.float32)  # reparameterization noise (fixed)
    return {"x": x, "edge_index": edge_index, "W1": W1, "b1": b1, "Wmu": Wmu,
            "bmu": bmu, "Wlv": Wlv, "blv": blv, "eps": eps}


def reference(x, edge_index, W1, b1, Wmu, bmu, Wlv, blv, eps):
    row, col = edge_index[0], edge_index[1]
    # encode
    hidden = jax.nn.relu(gcn_conv(x, row, col, W1, b1))
    mu = gcn_conv(hidden, row, col, Wmu, bmu)
    logvar = gcn_conv(hidden, row, col, Wlv, blv)
    # reparameterize
    z = eps * jnp.exp(0.5 * logvar) + mu
    # decode: original passes z as the 3rd GCNConv arg; interpret as per-edge weights
    # derived from endpoint latents (inner-product), the standard VGAE edge decoder.
    ew = jax.nn.sigmoid(jnp.sum(z[row] * z[col], axis=-1))
    zeros_x = jnp.zeros_like(x)
    hidden_d = jax.nn.relu(gcn_conv(zeros_x, row, col, W1, b1, ew))
    recon_x = jax.nn.sigmoid(gcn_conv(hidden_d, row, col, Wmu, bmu))
    rc = jnp.clip(recon_x, 1e-7, 1.0 - 1e-7)
    bce = jnp.mean(-(x * jnp.log(rc) + (1.0 - x) * jnp.log(1.0 - rc)))
    kl = -0.5 * jnp.sum(1.0 + logvar - mu ** 2 - jnp.exp(logvar))
    return recon_x, mu, logvar, bce + kl

if __name__ == "__main__":
    import jax
    _d = setup_inputs()
    print(jax.jit(kernel)(*tuple(_d.values())))

</pallas_src>

<mosaic_0001>
#map = affine_map<(d0, d1) -> (0, 0, 0)>
module attributes {stable_mosaic.version = 14 : i64} {
  func.func @_sc_deg(%arg0: i32, %arg1: i32, %arg2: memref<16x80x128xi32, #tpu.memory_space<hbm>>, %arg3: memref<2x10240x128xf32, #tpu.memory_space<hbm>>, %arg4: memref<40x128xi32, #tpu.memory_space<vmem>>, %arg5: memref<128x128xf32, #tpu.memory_space<vmem>>, %arg6: memref<10240x128xf32, #tpu.memory_space<vmem_shared>>, %arg7: memref<!tpu.dma_semaphore, #tpu.memory_space<semaphore_mem>>) attributes {dimension_semantics = [#tpu.dimension_semantics<core_parallel>, #tpu.dimension_semantics<subcore_parallel>], iteration_bounds = array<i64: 2, 16>, scalar_prefetch = 0 : i64, scratch_operands = 4 : i64, tpu.core_type = #tpu.core_type<sc_vector_subcore>, window_params = [{transform_indices = #map}, {transform_indices = #map}]} {
    %mul3A = arith.constant 16 : i32
    %mul3A_0 = arith.muli %arg0, %mul3A : i32
    %add3A = arith.addi %mul3A_0, %arg1 : i32
    %broadcast_in_dim3A = arith.constant 0.000000e+00 : f32
    %broadcast_in_dim3A_1 = vector.broadcast %broadcast_in_dim3A : f32 to vector<16xf32>
    %scan3A = arith.constant 0 : i32
    %scan3A_2 = arith.constant 0 : i32
    %scan3A_3 = arith.constant 128 : i32
    %scan3A_4 = arith.addi %scan3A_2, %scan3A_3 : i32
    %scan3A_5 = arith.constant 1 : i32
    %scan3A_6 = scf.for %scan3A_103 = %scan3A_2 to %scan3A_4 step %scan3A_5 iter_args(%scan3A_104 = %scan3A) -> (i32)  : i32 {
      %swap3A = arith.index_cast %scan3A_103 : i32 to index
      %swap3A_105 = arith.constant 0 : index
      %swap3A_106 = tpu.vector_load %arg5[%swap3A, %swap3A_105] {strides = array<i32>} : memref<128x128xf32, #tpu.memory_space<vmem>>, vector<1x16xf32>,
      %swap3A_107 = vector.shape_cast %swap3A_106 : vector<1x16xf32> to vector<16xf32>
      %swap3A_108 = vector.shape_cast %broadcast_in_dim3A_1 : vector<16xf32> to vector<1x16xf32>
      tpu.vector_store %arg5[%swap3A, %swap3A_105], %swap3A_108 {strides = array<i32>} : memref<128x128xf32, #tpu.memory_space<vmem>>, vector<1x16xf32>,
      %swap3A_109 = arith.index_cast %scan3A_103 : i32 to index
      %swap3A_110 = arith.constant 16 : index
      %swap3A_111 = tpu.vector_load %arg5[%swap3A_109, %swap3A_110] {strides = array<i32>} : memref<128x128xf32, #tpu.memory_space<vmem>>, vector<1x16xf32>,
      %swap3A_112 = vector.shape_cast %swap3A_111 : vector<1x16xf32> to vector<16xf32>
      %swap3A_113 = vector.shape_cast %broadcast_in_dim3A_1 : vector<16xf32> to vector<1x16xf32>
      tpu.vector_store %arg5[%swap3A_109, %swap3A_110], %swap3A_113 {strides = array<i32>} : memref<128x128xf32, #tpu.memory_space<vmem>>, vector<1x16xf32>,
      %swap3A_114 = arith.index_cast %scan3A_103 : i32 to index
      %swap3A_115 = arith.constant 32 : index
      %swap3A_116 = tpu.vector_load %arg5[%swap3A_114, %swap3A_115] {strides = array<i32>} : memref<128x128xf32, #tpu.memory_space<vmem>>, vector<1x16xf32>,
      %swap3A_117 = vector.shape_cast %swap3A_116 : vector<1x16xf32> to vector<16xf32>
      %swap3A_118 = vector.shape_cast %broadcast_in_dim3A_1 : vector<16xf32> to vector<1x16xf32>
      tpu.vector_store %arg5[%swap3A_114, %swap3A_115], %swap3A_118 {strides = array<i32>} : memref<128x128xf32, #tpu.memory_space<vmem>>, vector<1x16xf32>,
      %swap3A_119 = arith.index_cast %scan3A_103 : i32 to index
      %swap3A_120 = arith.constant 48 : index
      %swap3A_121 = tpu.vector_load %arg5[%swap3A_119, %swap3A_120] {strides = array<i32>} : memref<128x128xf32, #tpu.memory_space<vmem>>, vector<1x16xf32>,
      %swap3A_122 = vector.shape_cast %swap3A_121 : vector<1x16xf32> to vector<16xf32>
      %swap3A_123 = vector.shape_cast %broadcast_in_dim3A_1 : vector<16xf32> to vector<1x16xf32>
      tpu.vector_store %arg5[%swap3A_119, %swap3A_120], %swap3A_123 {strides = array<i32>} : memref<128x128xf32, #tpu.memory_space<vmem>>, vector<1x16xf32>,
      %swap3A_124 = arith.index_cast %scan3A_103 : i32 to index
      %swap3A_125 = arith.constant 64 : index
      %swap3A_126 = tpu.vector_load %arg5[%swap3A_124, %swap3A_125] {strides = array<i32>} : memref<128x128xf32, #tpu.memory_space<vmem>>, vector<1x16xf32>,
      %swap3A_127 = vector.shape_cast %swap3A_126 : vector<1x16xf32> to vector<16xf32>
      %swap3A_128 = vector.shape_cast %broadcast_in_dim3A_1 : vector<16xf32> to vector<1x16xf32>
      tpu.vector_store %arg5[%swap3A_124, %swap3A_125], %swap3A_128 {strides = array<i32>} : memref<128x128xf32, #tpu.memory_space<vmem>>, vector<1x16xf32>,
      %swap3A_129 = arith.index_cast %scan3A_103 : i32 to index
      %swap3A_130 = arith.constant 80 : index
      %swap3A_131 = tpu.vector_load %arg5[%swap3A_129, %swap3A_130] {strides = array<i32>} : memref<128x128xf32, #tpu.memory_space<vmem>>, vector<1x16xf32>,
      %swap3A_132 = vector.shape_cast %swap3A_131 : vector<1x16xf32> to vector<16xf32>
      %swap3A_133 = vector.shape_cast %broadcast_in_dim3A_1 : vector<16xf32> to vector<1x16xf32>
      tpu.vector_store %arg5[%swap3A_129, %swap3A_130], %swap3A_133 {strides = array<i32>} : memref<128x128xf32, #tpu.memory_space<vmem>>, vector<1x16xf32>,
      %swap3A_134 = arith.index_cast %scan3A_103 : i32 to index
      %swap3A_135 = arith.constant 96 : index
      %swap3A_136 = tpu.vector_load %arg5[%swap3A_134, %swap3A_135] {strides = array<i32>} : memref<128x128xf32, #tpu.memory_space<vmem>>, vector<1x16xf32>,
      %swap3A_137 = vector.shape_cast %swap3A_136 : vector<1x16xf32> to vector<16xf32>
      %swap3A_138 = vector.shape_cast %broadcast_in_dim3A_1 : vector<16xf32> to vector<1x16xf32>
      tpu.vector_store %arg5[%swap3A_134, %swap3A_135], %swap3A_138 {strides = array<i32>} : memref<128x128xf32, #tpu.memory_space<vmem>>, vector<1x16xf32>,
      %swap3A_139 = arith.index_cast %scan3A_103 : i32 to index
      %swap3A_140 = arith.constant 112 : index
      %swap3A_141 = tpu.vector_load %arg5[%swap3A_139, %swap3A_140] {strides = array<i32>} : memref<128x128xf32, #tpu.memory_space<vmem>>, vector<1x16xf32>,
      %swap3A_142 = vector.shape_cast %swap3A_141 : vector<1x16xf32> to vector<16xf32>
      %swap3A_143 = vector.shape_cast %broadcast_in_dim3A_1 : vector<16xf32> to vector<1x16xf32>
      tpu.vector_store %arg5[%swap3A_139, %swap3A_140], %swap3A_143 {strides = array<i32>} : memref<128x128xf32, #tpu.memory_space<vmem>>, vector<1x16xf32>,
      %scan3A_144 = arith.constant 0 : i32
      scf.yield %scan3A_144 : i32
    }
    %scan3A_7 = arith.constant 128 : i32
    %mul3A_8 = arith.constant 640 : i32
    %mul3A_9 = arith.muli %arg1, %mul3A_8 : i32
    %add3A_10 = arith.constant 0 : i32
    %add3A_11 = arith.addi %mul3A_9, %add3A_10 : i32
    "tpu.region"() ({
      %run_scoped3A = tpu.sem_alloc : memref<!tpu.dma_semaphore, #tpu.memory_space<semaphore_mem>>
      %dma_start3A = arith.constant 0 : i32
      %dma_start3A_103 = tpu.memref_slice %arg6[%add3A_11, %dma_start3A] : memref<10240x128xf32, #tpu.memory_space<vmem_shared>> -> memref<128x128xf32, #tpu.memory_space<vmem_shared>>
      %dma_start3A_104 = arith.constant 0 : i32
      %dma_start3A_105 = tpu.memref_slice %arg6[%add3A_11, %dma_start3A_104] : memref<10240x128xf32, #tpu.memory_space<vmem_shared>> -> memref<128x128xf32, #tpu.memory_space<vmem_shared>>
      tpu.enqueue_dma source(%arg5 : memref<128x128xf32, #tpu.memory_space<vmem>>) target(%dma_start3A_105 : memref<128x128xf32, #tpu.memory_space<vmem_shared>>) target_semaphore(%run_scoped3A : memref<!tpu.dma_semaphore, #tpu.memory_space<semaphore_mem>>)
      %dma_wait3A = arith.constant 0 : i32
      %dma_wait3A_106 = tpu.memref_slice %arg6[%add3A_11, %dma_wait3A] : memref<10240x128xf32, #tpu.memory_space<vmem_shared>> -> memref<128x128xf32, #tpu.memory_space<vmem_shared>>
      %dma_wait3A_107 = arith.constant 0 : i32
      %dma_wait3A_108 = tpu.memref_slice %arg6[%add3A_11, %dma_wait3A_107] : memref<10240x128xf32, #tpu.memory_space<vmem_shared>> -> memref<128x128xf32, #tpu.memory_space<vmem_shared>>
      tpu.wait_dma2 semaphore(%run_scoped3A : memref<!tpu.dma_semaphore, #tpu.memory_space<semaphore_mem>>) src(%arg5 : memref<128x128xf32, #tpu.memory_space<vmem>>) dst(%dma_wait3A_108 : memref<128x128xf32, #tpu.memory_space<vmem_shared>>)
      tpu.yield
    }) : () -> ()
    %mul3A_12 = arith.constant 640 : i32
    %mul3A_13 = arith.muli %arg1, %mul3A_12 : i32
    %add3A_14 = arith.constant 128 : i32
    %add3A_15 = arith.addi %mul3A_13, %add3A_14 : i32
    "tpu.region"() ({
      %run_scoped3A = tpu.sem_alloc : memref<!tpu.dma_semaphore, #tpu.memory_space<semaphore_mem>>
      %dma_start3A = arith.constant 0 : i32
      %dma_start3A_103 = tpu.memref_slice %arg6[%add3A_15, %dma_start3A] : memref<10240x128xf32, #tpu.memory_space<vmem_shared>> -> memref<128x128xf32, #tpu.memory_space<vmem_shared>>
      %dma_start3A_104 = arith.constant 0 : i32
      %dma_start3A_105 = tpu.memref_slice %arg6[%add3A_15, %dma_start3A_104] : memref<10240x128xf32, #tpu.memory_space<vmem_shared>> -> memref<128x128xf32, #tpu.memory_space<vmem_shared>>
      tpu.enqueue_dma source(%arg5 : memref<128x128xf32, #tpu.memory_space<vmem>>) target(%dma_start3A_105 : memref<128x128xf32, #tpu.memory_space<vmem_shared>>) target_semaphore(%run_scoped3A : memref<!tpu.dma_semaphore, #tpu.memory_space<semaphore_mem>>)
      %dma_wait3A = arith.constant 0 : i32
      %dma_wait3A_106 = tpu.memref_slice %arg6[%add3A_15, %dma_wait3A] : memref<10240x128xf32, #tpu.memory_space<vmem_shared>> -> memref<128x128xf32, #tpu.memory_space<vmem_shared>>
      %dma_wait3A_107 = arith.constant 0 : i32
      %dma_wait3A_108 = tpu.memref_slice %arg6[%add3A_15, %dma_wait3A_107] : memref<10240x128xf32, #tpu.memory_space<vmem_shared>> -> memref<128x128xf32, #tpu.memory_space<vmem_shared>>
      tpu.wait_dma2 semaphore(%run_scoped3A : memref<!tpu.dma_semaphore, #tpu.memory_space<semaphore_mem>>) src(%arg5 : memref<128x128xf32, #tpu.memory_space<vmem>>) dst(%dma_wait3A_108 : memref<128x128xf32, #tpu.memory_space<vmem_shared>>)
      tpu.yield
    }) : () -> ()
    %mul3A_16 = arith.constant 640 : i32
    %mul3A_17 = arith.muli %arg1, %mul3A_16 : i32
    %add3A_18 = arith.constant 256 : i32
    %add3A_19 = arith.addi %mul3A_17, %add3A_18 : i32
    "tpu.region"() ({
      %run_scoped3A = tpu.sem_alloc : memref<!tpu.dma_semaphore, #tpu.memory_space<semaphore_mem>>
      %dma_start3A = arith.constant 0 : i32
      %dma_start3A_103 = tpu.memref_slice %arg6[%add3A_19, %dma_start3A] : memref<10240x128xf32, #tpu.memory_space<vmem_shared>> -> memref<128x128xf32, #tpu.memory_space<vmem_shared>>
      %dma_start3A_104 = arith.constant 0 : i32
      %dma_start3A_105 = tpu.memref_slice %arg6[%add3A_19, %dma_start3A_104] : memref<10240x128xf32, #tpu.memory_space<vmem_shared>> -> memref<128x128xf32, #tpu.memory_space<vmem_shared>>
      tpu.enqueue_dma source(%arg5 : memref<128x128xf32, #tpu.memory_space<vmem>>) target(%dma_start3A_105 : memref<128x128xf32, #tpu.memory_space<vmem_shared>>) target_semaphore(%run_scoped3A : memref<!tpu.dma_semaphore, #tpu.memory_space<semaphore_mem>>)
      %dma_wait3A = arith.constant 0 : i32
      %dma_wait3A_106 = tpu.memref_slice %arg6[%add3A_19, %dma_wait3A] : memref<10240x128xf32, #tpu.memory_space<vmem_shared>> -> memref<128x128xf32, #tpu.memory_space<vmem_shared>>
      %dma_wait3A_107 = arith.constant 0 : i32
      %dma_wait3A_108 = tpu.memref_slice %arg6[%add3A_19, %dma_wait3A_107] : memref<10240x128xf32, #tpu.memory_space<vmem_shared>> -> memref<128x128xf32, #tpu.memory_space<vmem_shared>>
      tpu.wait_dma2 semaphore(%run_scoped3A : memref<!tpu.dma_semaphore, #tpu.memory_space<semaphore_mem>>) src(%arg5 : memref<128x128xf32, #tpu.memory_space<vmem>>) dst(%dma_wait3A_108 : memref<128x128xf32, #tpu.memory_space<vmem_shared>>)
      tpu.yield
    }) : () -> ()
    %mul3A_20 = arith.constant 640 : i32
    %mul3A_21 = arith.muli %arg1, %mul3A_20 : i32
    %add3A_22 = arith.constant 384 : i32
    %add3A_23 = arith.addi %mul3A_21, %add3A_22 : i32
    "tpu.region"() ({
      %run_scoped3A = tpu.sem_alloc : memref<!tpu.dma_semaphore, #tpu.memory_space<semaphore_mem>>
      %dma_start3A = arith.constant 0 : i32
      %dma_start3A_103 = tpu.memref_slice %arg6[%add3A_23, %dma_start3A] : memref<10240x128xf32, #tpu.memory_space<vmem_shared>> -> memref<128x128xf32, #tpu.memory_space<vmem_shared>>
      %dma_start3A_104 = arith.constant 0 : i32
      %dma_start3A_105 = tpu.memref_slice %arg6[%add3A_23, %dma_start3A_104] : memref<10240x128xf32, #tpu.memory_space<vmem_shared>> -> memref<128x128xf32, #tpu.memory_space<vmem_shared>>
      tpu.enqueue_dma source(%arg5 : memref<128x128xf32, #tpu.memory_space<vmem>>) target(%dma_start3A_105 : memref<128x128xf32, #tpu.memory_space<vmem_shared>>) target_semaphore(%run_scoped3A : memref<!tpu.dma_semaphore, #tpu.memory_space<semaphore_mem>>)
      %dma_wait3A = arith.constant 0 : i32
      %dma_wait3A_106 = tpu.memref_slice %arg6[%add3A_23, %dma_wait3A] : memref<10240x128xf32, #tpu.memory_space<vmem_shared>> -> memref<128x128xf32, #tpu.memory_space<vmem_shared>>
      %dma_wait3A_107 = arith.constant 0 : i32
      %dma_wait3A_108 = tpu.memref_slice %arg6[%add3A_23, %dma_wait3A_107] : memref<10240x128xf32, #tpu.memory_space<vmem_shared>> -> memref<128x128xf32, #tpu.memory_space<vmem_shared>>
      tpu.wait_dma2 semaphore(%run_scoped3A : memref<!tpu.dma_semaphore, #tpu.memory_space<semaphore_mem>>) src(%arg5 : memref<128x128xf32, #tpu.memory_space<vmem>>) dst(%dma_wait3A_108 : memref<128x128xf32, #tpu.memory_space<vmem_shared>>)
      tpu.yield
    }) : () -> ()
    %mul3A_24 = arith.constant 640 : i32
    %mul3A_25 = arith.muli %arg1, %mul3A_24 : i32
    %add3A_26 = arith.constant 512 : i32
    %add3A_27 = arith.addi %mul3A_25, %add3A_26 : i32
    "tpu.region"() ({
      %run_scoped3A = tpu.sem_alloc : memref<!tpu.dma_semaphore, #tpu.memory_space<semaphore_mem>>
      %dma_start3A = arith.constant 0 : i32
      %dma_start3A_103 = tpu.memref_slice %arg6[%add3A_27, %dma_start3A] : memref<10240x128xf32, #tpu.memory_space<vmem_shared>> -> memref<128x128xf32, #tpu.memory_space<vmem_shared>>
      %dma_start3A_104 = arith.constant 0 : i32
      %dma_start3A_105 = tpu.memref_slice %arg6[%add3A_27, %dma_start3A_104] : memref<10240x128xf32, #tpu.memory_space<vmem_shared>> -> memref<128x128xf32, #tpu.memory_space<vmem_shared>>
      tpu.enqueue_dma source(%arg5 : memref<128x128xf32, #tpu.memory_space<vmem>>) target(%dma_start3A_105 : memref<128x128xf32, #tpu.memory_space<vmem_shared>>) target_semaphore(%run_scoped3A : memref<!tpu.dma_semaphore, #tpu.memory_space<semaphore_mem>>)
      %dma_wait3A = arith.constant 0 : i32
      %dma_wait3A_106 = tpu.memref_slice %arg6[%add3A_27, %dma_wait3A] : memref<10240x128xf32, #tpu.memory_space<vmem_shared>> -> memref<128x128xf32, #tpu.memory_space<vmem_shared>>
      %dma_wait3A_107 = arith.constant 0 : i32
      %dma_wait3A_108 = tpu.memref_slice %arg6[%add3A_27, %dma_wait3A_107] : memref<10240x128xf32, #tpu.memory_space<vmem_shared>> -> memref<128x128xf32, #tpu.memory_space<vmem_shared>>
      tpu.wait_dma2 semaphore(%run_scoped3A : memref<!tpu.dma_semaphore, #tpu.memory_space<semaphore_mem>>) src(%arg5 : memref<128x128xf32, #tpu.memory_space<vmem>>) dst(%dma_wait3A_108 : memref<128x128xf32, #tpu.memory_space<vmem_shared>>)
      tpu.yield
    }) : () -> ()
    %iota3A = tpu.iota {dimensions = array<i32: 0>} : vector<16xi32>
    %eq3A = arith.constant 0 : i32
    %eq3A_28 = vector.broadcast %eq3A : i32 to vector<16xi32>
    %eq3A_29 = arith.cmpi eq, %iota3A, %eq3A_28 : vector<16xi32>
    %jit3A = arith.constant 1.000000e+00 : f32
    %jit3A_30 = arith.constant 0.000000e+00 : f32
    %broadcast_in_dim3A_31 = vector.broadcast %jit3A : f32 to vector<16xf32>
    %broadcast_in_dim3A_32 = vector.broadcast %jit3A_30 : f32 to vector<16xf32>
    %select_n3A = arith.select %eq3A_29, %broadcast_in_dim3A_31, %broadcast_in_dim3A_32 : vector<16xi1>, vector<16xf32>
    %scan3A_33 = arith.constant 0 : i32
    %scan3A_34 = arith.constant 0 : i32
    %scan3A_35 = arith.constant 128 : i32
    %scan3A_36 = arith.addi %scan3A_34, %scan3A_35 : i32
    %scan3A_37 = arith.constant 1 : i32
    %scan3A_38 = scf.for %scan3A_103 = %scan3A_34 to %scan3A_36 step %scan3A_37 iter_args(%scan3A_104 = %scan3A_33) -> (i32)  : i32 {
      %swap3A = arith.index_cast %scan3A_103 : i32 to index
      %swap3A_105 = arith.constant 0 : index
      %swap3A_106 = tpu.vector_load %arg5[%swap3A, %swap3A_105] {strides = array<i32>} : memref<128x128xf32, #tpu.memory_space<vmem>>, vector<1x16xf32>,
      %swap3A_107 = vector.shape_cast %swap3A_106 : vector<1x16xf32> to vector<16xf32>
      %swap3A_108 = vector.shape_cast %select_n3A : vector<16xf32> to vector<1x16xf32>
      tpu.vector_store %arg5[%swap3A, %swap3A_105], %swap3A_108 {strides = array<i32>} : memref<128x128xf32, #tpu.memory_space<vmem>>, vector<1x16xf32>,
      %scan3A_109 = arith.constant 0 : i32
      scf.yield %scan3A_109 : i32
    }
    %scan3A_39 = arith.constant 128 : i32
    %jit3A_40 = arith.constant 2 : i32
    %div3A = arith.divsi %add3A, %jit3A_40 : i32
    %sign3A = arith.constant 0 : i32
    %sign3A_41 = arith.cmpi sgt, %add3A, %sign3A : i32
    %sign3A_42 = arith.extui %sign3A_41 : i1 to i32
    %sign3A_43 = arith.constant 0 : i32
    %sign3A_44 = arith.cmpi slt, %add3A, %sign3A_43 : i32
    %sign3A_45 = arith.extui %sign3A_44 : i1 to i32
    %sign3A_46 = arith.subi %sign3A_42, %sign3A_45 : i32
    %sign3A_47 = arith.constant 0 : i32
    %sign3A_48 = arith.cmpi sgt, %jit3A_40, %sign3A_47 : i32
    %sign3A_49 = arith.extui %sign3A_48 : i1 to i32
    %sign3A_50 = arith.constant 0 : i32
    %sign3A_51 = arith.cmpi slt, %jit3A_40, %sign3A_50 : i32
    %sign3A_52 = arith.extui %sign3A_51 : i1 to i32
    %sign3A_53 = arith.subi %sign3A_49, %sign3A_52 : i32
    %ne3A = arith.cmpi ne, %sign3A_46, %sign3A_53 : i32
    %rem3A = arith.remsi %add3A, %jit3A_40 : i32
    %ne3A_54 = arith.constant 0 : i32
    %ne3A_55 = arith.cmpi ne, %rem3A, %ne3A_54 : i32
    %and3A = arith.andi %ne3A, %ne3A_55 : i1
    %sub3A = arith.constant 1 : i32
    %sub3A_56 = arith.subi %div3A, %sub3A : i32
    %select_n3A_57 = arith.select %and3A, %sub3A_56, %div3A : i32
    %jit3A_58 = arith.constant 2 : i32
    %eq3A_59 = arith.constant 0 : i32
    %eq3A_60 = arith.cmpi eq, %jit3A_58, %eq3A_59 : i32
    %jit3A_61 = arith.constant 1 : i32
    %select_n3A_62 = arith.select %eq3A_60, %jit3A_61, %jit3A_58 : i32
    %rem3A_63 = arith.remsi %add3A, %select_n3A_62 : i32
    %ne3A_64 = arith.constant 0 : i32
    %ne3A_65 = arith.cmpi ne, %rem3A_63, %ne3A_64 : i32
    %lt3A = arith.constant 0 : i32
    %lt3A_66 = arith.cmpi slt, %rem3A_63, %lt3A : i32
    %lt3A_67 = arith.constant 0 : i32
    %lt3A_68 = arith.cmpi slt, %select_n3A_62, %lt3A_67 : i32
    %ne3A_69 = arith.xori %lt3A_66, %lt3A_68 : i1
    %and3A_70 = arith.andi %ne3A_69, %ne3A_65 : i1
    %add3A_71 = arith.addi %rem3A_63, %select_n3A_62 : i32
    %select_n3A_72 = arith.select %and3A_70, %add3A_71, %rem3A_63 : i32
    %mul3A_73 = arith.constant 40 : i32
    %mul3A_74 = arith.muli %select_n3A_72, %mul3A_73 : i32
    "tpu.region"() ({
      %run_scoped3A = tpu.sem_alloc : memref<!tpu.dma_semaphore, #tpu.memory_space<semaphore_mem>>
      %dma_start3A = arith.constant 0 : i32
      %dma_start3A_103 = tpu.memref_slice %arg2[%select_n3A_57, %mul3A_74, %dma_start3A] : memref<16x80x128xi32, #tpu.memory_space<hbm>> -> memref<1x40x128xi32, #tpu.memory_space<hbm>>
      %dma_start3A_104 = tpu.memref_squeeze %dma_start3A_103 : memref<1x40x128xi32, #tpu.memory_space<hbm>> -> memref<40x128xi32, #tpu.memory_space<hbm>>
      %dma_start3A_105 = arith.constant 0 : i32
      %dma_start3A_106 = tpu.memref_slice %arg2[%select_n3A_57, %mul3A_74, %dma_start3A_105] : memref<16x80x128xi32, #tpu.memory_space<hbm>> -> memref<1x40x128xi32, #tpu.memory_space<hbm>>
      %dma_start3A_107 = tpu.memref_squeeze %dma_start3A_106 : memref<1x40x128xi32, #tpu.memory_space<hbm>> -> memref<40x128xi32, #tpu.memory_space<hbm>>
      tpu.enqueue_dma source(%dma_start3A_107 : memref<40x128xi32, #tpu.memory_space<hbm>>) target(%arg4 : memref<40x128xi32, #tpu.memory_space<vmem>>) target_semaphore(%run_scoped3A : memref<!tpu.dma_semaphore, #tpu.memory_space<semaphore_mem>>)
      %dma_wait3A = arith.constant 0 : i32
      %dma_wait3A_108 = tpu.memref_slice %arg2[%select_n3A_57, %mul3A_74, %dma_wait3A] : memref<16x80x128xi32, #tpu.memory_space<hbm>> -> memref<1x40x128xi32, #tpu.memory_space<hbm>>
      %dma_wait3A_109 = tpu.memref_squeeze %dma_wait3A_108 : memref<1x40x128xi32, #tpu.memory_space<hbm>> -> memref<40x128xi32, #tpu.memory_space<hbm>>
      %dma_wait3A_110 = arith.constant 0 : i32
      %dma_wait3A_111 = tpu.memref_slice %arg2[%select_n3A_57, %mul3A_74, %dma_wait3A_110] : memref<16x80x128xi32, #tpu.memory_space<hbm>> -> memref<1x40x128xi32, #tpu.memory_space<hbm>>
      %dma_wait3A_112 = tpu.memref_squeeze %dma_wait3A_111 : memref<1x40x128xi32, #tpu.memory_space<hbm>> -> memref<40x128xi32, #tpu.memory_space<hbm>>
      tpu.wait_dma2 semaphore(%run_scoped3A : memref<!tpu.dma_semaphore, #tpu.memory_space<semaphore_mem>>) src(%dma_wait3A_112 : memref<40x128xi32, #tpu.memory_space<hbm>>) dst(%arg4 : memref<40x128xi32, #tpu.memory_space<vmem>>)
      tpu.yield
    }) : () -> ()
    %barrier3A = arith.constant 0 : index
    tpu.barrier barrier_id(%barrier3A)
    %scan3A_75 = arith.constant 0 : i32
    %scan3A_76 = arith.constant 0 : i32
    %scan3A_77 = arith.constant 40 : i32
    %scan3A_78 = arith.addi %scan3A_76, %scan3A_77 : i32
    %scan3A_79 = arith.constant 1 : i32
    %scan3A_80 = scf.for %scan3A_103 = %scan3A_76 to %scan3A_78 step %scan3A_79 iter_args(%scan3A_104 = %scan3A_75) -> (i32)  : i32 {
      "tpu.region"() ({
        %run_scoped3A = tpu.sem_alloc : memref<!tpu.dma_semaphore, #tpu.memory_space<semaphore_mem>>
        %dma_start3A = arith.constant 0 : i32
        %dma_start3A_106 = tpu.memref_slice %arg4[%scan3A_103, %dma_start3A] : memref<40x128xi32, #tpu.memory_space<vmem>> -> memref<1x128xi32, #tpu.memory_space<vmem>>
        %dma_start3A_107 = tpu.memref_squeeze %dma_start3A_106 : memref<1x128xi32, #tpu.memory_space<vmem>> -> memref<128xi32, #tpu.memory_space<vmem>>
        %dma_start3A_108 = arith.constant 0 : i32
        %dma_start3A_109 = arith.constant 0 : i32
        %dma_start3A_110 = tpu.memref_slice %arg6[%dma_start3A_108, %dma_start3A_109] : memref<10240x128xf32, #tpu.memory_space<vmem_shared>> -> memref<10240x128xf32, #tpu.memory_space<vmem_shared>>
        tpu.enqueue_indirect_dma source(%arg5 : memref<128x128xf32, #tpu.memory_space<vmem>>) target(%dma_start3A_110 : memref<10240x128xf32, #tpu.memory_space<vmem_shared>>) offsets(%dma_start3A_107 : memref<128xi32, #tpu.memory_space<vmem>>) semaphore(%run_scoped3A : memref<!tpu.dma_semaphore, #tpu.memory_space<semaphore_mem>>) {add = true}
        %dma_wait3A = arith.constant 0 : i32
        %dma_wait3A_111 = tpu.memref_slice %arg4[%scan3A_103, %dma_wait3A] : memref<40x128xi32, #tpu.memory_space<vmem>> -> memref<1x128xi32, #tpu.memory_space<vmem>>
        %dma_wait3A_112 = tpu.memref_squeeze %dma_wait3A_111 : memref<1x128xi32, #tpu.memory_space<vmem>> -> memref<128xi32, #tpu.memory_space<vmem>>
        %dma_wait3A_113 = arith.constant 0 : i32
        %dma_wait3A_114 = arith.constant 0 : i32
        %dma_wait3A_115 = tpu.memref_slice %arg6[%dma_wait3A_113, %dma_wait3A_114] : memref<10240x128xf32, #tpu.memory_space<vmem_shared>> -> memref<10240x128xf32, #tpu.memory_space<vmem_shared>>
        tpu.wait_indirect_dma semaphore(%run_scoped3A : memref<!tpu.dma_semaphore, #tpu.memory_space<semaphore_mem>>) src(%arg5 : memref<128x128xf32, #tpu.memory_space<vmem>>) dst(%dma_wait3A_115 : memref<10240x128xf32, #tpu.memory_space<vmem_shared>>)
        tpu.yield
      }) : () -> ()
      %scan3A_105 = arith.constant 0 : i32
      scf.yield %scan3A_105 : i32
    }
    %scan3A_81 = arith.constant 40 : i32
    %barrier3A_82 = arith.constant 0 : index
    tpu.barrier barrier_id(%barrier3A_82)
    %mul3A_83 = arith.constant 640 : i32
    %mul3A_84 = arith.muli %arg1, %mul3A_83 : i32
    %add3A_85 = arith.constant 0 : i32
    %add3A_86 = arith.addi %mul3A_84, %add3A_85 : i32
    "tpu.region"() ({
      %run_scoped3A = tpu.sem_alloc : memref<!tpu.dma_semaphore, #tpu.memory_space<semaphore_mem>>
      %dma_start3A = arith.constant 0 : i32
      %dma_start3A_103 = tpu.memref_slice %arg6[%add3A_86, %dma_start3A] : memref<10240x128xf32, #tpu.memory_space<vmem_shared>> -> memref<128x128xf32, #tpu.memory_space<vmem_shared>>
      %dma_start3A_104 = arith.constant 0 : i32
      %dma_start3A_105 = tpu.memref_slice %arg6[%add3A_86, %dma_start3A_104] : memref<10240x128xf32, #tpu.memory_space<vmem_shared>> -> memref<128x128xf32, #tpu.memory_space<vmem_shared>>
      tpu.enqueue_dma source(%dma_start3A_105 : memref<128x128xf32, #tpu.memory_space<vmem_shared>>) target(%arg5 : memref<128x128xf32, #tpu.memory_space<vmem>>) target_semaphore(%run_scoped3A : memref<!tpu.dma_semaphore, #tpu.memory_space<semaphore_mem>>)
      %dma_wait3A = arith.constant 0 : i32
      %dma_wait3A_106 = tpu.memref_slice %arg6[%add3A_86, %dma_wait3A] : memref<10240x128xf32, #tpu.memory_space<vmem_shared>> -> memref<128x128xf32, #tpu.memory_space<vmem_shared>>
      %dma_wait3A_107 = arith.constant 0 : i32
      %dma_wait3A_108 = tpu.memref_slice %arg6[%add3A_86, %dma_wait3A_107] : memref<10240x128xf32, #tpu.memory_space<vmem_shared>> -> memref<128x128xf32, #tpu.memory_space<vmem_shared>>
      tpu.wait_dma2 semaphore(%run_scoped3A : memref<!tpu.dma_semaphore, #tpu.memory_space<semaphore_mem>>) src(%dma_wait3A_108 : memref<128x128xf32, #tpu.memory_space<vmem_shared>>) dst(%arg5 : memref<128x128xf32, #tpu.memory_space<vmem>>)
      tpu.yield
    }) : () -> ()
    "tpu.region"() ({
      %run_scoped3A = tpu.sem_alloc : memref<!tpu.dma_semaphore, #tpu.memory_space<semaphore_mem>>
      %dma_start3A = arith.constant 0 : i32
      %dma_start3A_103 = tpu.memref_slice %arg3[%arg0, %add3A_86, %dma_start3A] : memref<2x10240x128xf32, #tpu.memory_space<hbm>> -> memref<1x128x128xf32, #tpu.memory_space<hbm>>
      %dma_start3A_104 = tpu.memref_squeeze %dma_start3A_103 : memref<1x128x128xf32, #tpu.memory_space<hbm>> -> memref<128x128xf32, #tpu.memory_space<hbm>>
      %dma_start3A_105 = arith.constant 0 : i32
      %dma_start3A_106 = tpu.memref_slice %arg3[%arg0, %add3A_86, %dma_start3A_105] : memref<2x10240x128xf32, #tpu.memory_space<hbm>> -> memref<1x128x128xf32, #tpu.memory_space<hbm>>
      %dma_start3A_107 = tpu.memref_squeeze %dma_start3A_106 : memref<1x128x128xf32, #tpu.memory_space<hbm>> -> memref<128x128xf32, #tpu.memory_space<hbm>>
      tpu.enqueue_dma source(%arg5 : memref<128x128xf32, #tpu.memory_space<vmem>>) target(%dma_start3A_107 : memref<128x128xf32, #tpu.memory_space<hbm>>) target_semaphore(%run_scoped3A : memref<!tpu.dma_semaphore, #tpu.memory_space<semaphore_mem>>)
      %dma_wait3A = arith.constant 0 : i32
      %dma_wait3A_108 = tpu.memref_slice %arg3[%arg0, %add3A_86, %dma_wait3A] : memref<2x10240x128xf32, #tpu.memory_space<hbm>> -> memref<1x128x128xf32, #tpu.memory_space<hbm>>
      %dma_wait3A_109 = tpu.memref_squeeze %dma_wait3A_108 : memref<1x128x128xf32, #tpu.memory_space<hbm>> -> memref<128x128xf32, #tpu.memory_space<hbm>>
      %dma_wait3A_110 = arith.constant 0 : i32
      %dma_wait3A_111 = tpu.memref_slice %arg3[%arg0, %add3A_86, %dma_wait3A_110] : memref<2x10240x128xf32, #tpu.memory_space<hbm>> -> memref<1x128x128xf32, #tpu.memory_space<hbm>>
      %dma_wait3A_112 = tpu.memref_squeeze %dma_wait3A_111 : memref<1x128x128xf32, #tpu.memory_space<hbm>> -> memref<128x128xf32, #tpu.memory_space<hbm>>
      tpu.wait_dma2 semaphore(%run_scoped3A : memref<!tpu.dma_semaphore, #tpu.memory_space<semaphore_mem>>) src(%arg5 : memref<128x128xf32, #tpu.memory_space<vmem>>) dst(%dma_wait3A_112 : memref<128x128xf32, #tpu.memory_space<hbm>>)
      tpu.yield
    }) : () -> ()
    %mul3A_87 = arith.constant 640 : i32
    %mul3A_88 = arith.muli %arg1, %mul3A_87 : i32
    %add3A_89 = arith.constant 128 : i32
    %add3A_90 = arith.addi %mul3A_88, %add3A_89 : i32
    "tpu.region"() ({
      %run_scoped3A = tpu.sem_alloc : memref<!tpu.dma_semaphore, #tpu.memory_space<semaphore_mem>>
      %dma_start3A = arith.constant 0 : i32
      %dma_start3A_103 = tpu.memref_slice %arg6[%add3A_90, %dma_start3A] : memref<10240x128xf32, #tpu.memory_space<vmem_shared>> -> memref<128x128xf32, #tpu.memory_space<vmem_shared>>
      %dma_start3A_104 = arith.constant 0 : i32
      %dma_start3A_105 = tpu.memref_slice %arg6[%add3A_90, %dma_start3A_104] : memref<10240x128xf32, #tpu.memory_space<vmem_shared>> -> memref<128x128xf32, #tpu.memory_space<vmem_shared>>
      tpu.enqueue_dma source(%dma_start3A_105 : memref<128x128xf32, #tpu.memory_space<vmem_shared>>) target(%arg5 : memref<128x128xf32, #tpu.memory_space<vmem>>) target_semaphore(%run_scoped3A : memref<!tpu.dma_semaphore, #tpu.memory_space<semaphore_mem>>)
      %dma_wait3A = arith.constant 0 : i32
      %dma_wait3A_106 = tpu.memref_slice %arg6[%add3A_90, %dma_wait3A] : memref<10240x128xf32, #tpu.memory_space<vmem_shared>> -> memref<128x128xf32, #tpu.memory_space<vmem_shared>>
      %dma_wait3A_107 = arith.constant 0 : i32
      %dma_wait3A_108 = tpu.memref_slice %arg6[%add3A_90, %dma_wait3A_107] : memref<10240x128xf32, #tpu.memory_space<vmem_shared>> -> memref<128x128xf32, #tpu.memory_space<vmem_shared>>
      tpu.wait_dma2 semaphore(%run_scoped3A : memref<!tpu.dma_semaphore, #tpu.memory_space<semaphore_mem>>) src(%dma_wait3A_108 : memref<128x128xf32, #tpu.memory_space<vmem_shared>>) dst(%arg5 : memref<128x128xf32, #tpu.memory_space<vmem>>)
      tpu.yield
    }) : () -> ()
    "tpu.region"() ({
      %run_scoped3A = tpu.sem_alloc : memref<!tpu.dma_semaphore, #tpu.memory_space<semaphore_mem>>
      %dma_start3A = arith.constant 0 : i32
      %dma_start3A_103 = tpu.memref_slice %arg3[%arg0, %add3A_90, %dma_start3A] : memref<2x10240x128xf32, #tpu.memory_space<hbm>> -> memref<1x128x128xf32, #tpu.memory_space<hbm>>
      %dma_start3A_104 = tpu.memref_squeeze %dma_start3A_103 : memref<1x128x128xf32, #tpu.memory_space<hbm>> -> memref<128x128xf32, #tpu.memory_space<hbm>>
      %dma_start3A_105 = arith.constant 0 : i32
      %dma_start3A_106 = tpu.memref_slice %arg3[%arg0, %add3A_90, %dma_start3A_105] : memref<2x10240x128xf32, #tpu.memory_space<hbm>> -> memref<1x128x128xf32, #tpu.memory_space<hbm>>
      %dma_start3A_107 = tpu.memref_squeeze %dma_start3A_106 : memref<1x128x128xf32, #tpu.memory_space<hbm>> -> memref<128x128xf32, #tpu.memory_space<hbm>>
      tpu.enqueue_dma source(%arg5 : memref<128x128xf32, #tpu.memory_space<vmem>>) target(%dma_start3A_107 : memref<128x128xf32, #tpu.memory_space<hbm>>) target_semaphore(%run_scoped3A : memref<!tpu.dma_semaphore, #tpu.memory_space<semaphore_mem>>)
      %dma_wait3A = arith.constant 0 : i32
      %dma_wait3A_108 = tpu.memref_slice %arg3[%arg0, %add3A_90, %dma_wait3A] : memref<2x10240x128xf32, #tpu.memory_space<hbm>> -> memref<1x128x128xf32, #tpu.memory_space<hbm>>
      %dma_wait3A_109 = tpu.memref_squeeze %dma_wait3A_108 : memref<1x128x128xf32, #tpu.memory_space<hbm>> -> memref<128x128xf32, #tpu.memory_space<hbm>>
      %dma_wait3A_110 = arith.constant 0 : i32
      %dma_wait3A_111 = tpu.memref_slice %arg3[%arg0, %add3A_90, %dma_wait3A_110] : memref<2x10240x128xf32, #tpu.memory_space<hbm>> -> memref<1x128x128xf32, #tpu.memory_space<hbm>>
      %dma_wait3A_112 = tpu.memref_squeeze %dma_wait3A_111 : memref<1x128x128xf32, #tpu.memory_space<hbm>> -> memref<128x128xf32, #tpu.memory_space<hbm>>
      tpu.wait_dma2 semaphore(%run_scoped3A : memref<!tpu.dma_semaphore, #tpu.memory_space<semaphore_mem>>) src(%arg5 : memref<128x128xf32, #tpu.memory_space<vmem>>) dst(%dma_wait3A_112 : memref<128x128xf32, #tpu.memory_space<hbm>>)
      tpu.yield
    }) : () -> ()
    %mul3A_91 = arith.constant 640 : i32
    %mul3A_92 = arith.muli %arg1, %mul3A_91 : i32
    %add3A_93 = arith.constant 256 : i32
    %add3A_94 = arith.addi %mul3A_92, %add3A_93 : i32
    "tpu.region"() ({
      %run_scoped3A = tpu.sem_alloc : memref<!tpu.dma_semaphore, #tpu.memory_space<semaphore_mem>>
      %dma_start3A = arith.constant 0 : i32
      %dma_start3A_103 = tpu.memref_slice %arg6[%add3A_94, %dma_start3A] : memref<10240x128xf32, #tpu.memory_space<vmem_shared>> -> memref<128x128xf32, #tpu.memory_space<vmem_shared>>
      %dma_start3A_104 = arith.constant 0 : i32
      %dma_start3A_105 = tpu.memref_slice %arg6[%add3A_94, %dma_start3A_104] : memref<10240x128xf32, #tpu.memory_space<vmem_shared>> -> memref<128x128xf32, #tpu.memory_space<vmem_shared>>
      tpu.enqueue_dma source(%dma_start3A_105 : memref<128x128xf32, #tpu.memory_space<vmem_shared>>) target(%arg5 : memref<128x128xf32, #tpu.memory_space<vmem>>) target_semaphore(%run_scoped3A : memref<!tpu.dma_semaphore, #tpu.memory_space<semaphore_mem>>)
      %dma_wait3A = arith.constant 0 : i32
      %dma_wait3A_106 = tpu.memref_slice %arg6[%add3A_94, %dma_wait3A] : memref<10240x128xf32, #tpu.memory_space<vmem_shared>> -> memref<128x128xf32, #tpu.memory_space<vmem_shared>>
      %dma_wait3A_107 = arith.constant 0 : i32
      %dma_wait3A_108 = tpu.memref_slice %arg6[%add3A_94, %dma_wait3A_107] : memref<10240x128xf32, #tpu.memory_space<vmem_shared>> -> memref<128x128xf32, #tpu.memory_space<vmem_shared>>
      tpu.wait_dma2 semaphore(%run_scoped3A : memref<!tpu.dma_semaphore, #tpu.memory_space<semaphore_mem>>) src(%dma_wait3A_108 : memref<128x128xf32, #tpu.memory_space<vmem_shared>>) dst(%arg5 : memref<128x128xf32, #tpu.memory_space<vmem>>)
      tpu.yield
    }) : () -> ()
    "tpu.region"() ({
      %run_scoped3A = tpu.sem_alloc : memref<!tpu.dma_semaphore, #tpu.memory_space<semaphore_mem>>
      %dma_start3A = arith.constant 0 : i32
      %dma_start3A_103 = tpu.memref_slice %arg3[%arg0, %add3A_94, %dma_start3A] : memref<2x10240x128xf32, #tpu.memory_space<hbm>> -> memref<1x128x128xf32, #tpu.memory_space<hbm>>
      %dma_start3A_104 = tpu.memref_squeeze %dma_start3A_103 : memref<1x128x128xf32, #tpu.memory_space<hbm>> -> memref<128x128xf32, #tpu.memory_space<hbm>>
      %dma_start3A_105 = arith.constant 0 : i32
      %dma_start3A_106 = tpu.memref_slice %arg3[%arg0, %add3A_94, %dma_start3A_105] : memref<2x10240x128xf32, #tpu.memory_space<hbm>> -> memref<1x128x128xf32, #tpu.memory_space<hbm>>
      %dma_start3A_107 = tpu.memref_squeeze %dma_start3A_106 : memref<1x128x128xf32, #tpu.memory_space<hbm>> -> memref<128x128xf32, #tpu.memory_space<hbm>>
      tpu.enqueue_dma source(%arg5 : memref<128x128xf32, #tpu.memory_space<vmem>>) target(%dma_start3A_107 : memref<128x128xf32, #tpu.memory_space<hbm>>) target_semaphore(%run_scoped3A : memref<!tpu.dma_semaphore, #tpu.memory_space<semaphore_mem>>)
      %dma_wait3A = arith.constant 0 : i32
      %dma_wait3A_108 = tpu.memref_slice %arg3[%arg0, %add3A_94, %dma_wait3A] : memref<2x10240x128xf32, #tpu.memory_space<hbm>> -> memref<1x128x128xf32, #tpu.memory_space<hbm>>
      %dma_wait3A_109 = tpu.memref_squeeze %dma_wait3A_108 : memref<1x128x128xf32, #tpu.memory_space<hbm>> -> memref<128x128xf32, #tpu.memory_space<hbm>>
      %dma_wait3A_110 = arith.constant 0 : i32
      %dma_wait3A_111 = tpu.memref_slice %arg3[%arg0, %add3A_94, %dma_wait3A_110] : memref<2x10240x128xf32, #tpu.memory_space<hbm>> -> memref<1x128x128xf32, #tpu.memory_space<hbm>>
      %dma_wait3A_112 = tpu.memref_squeeze %dma_wait3A_111 : memref<1x128x128xf32, #tpu.memory_space<hbm>> -> memref<128x128xf32, #tpu.memory_space<hbm>>
      tpu.wait_dma2 semaphore(%run_scoped3A : memref<!tpu.dma_semaphore, #tpu.memory_space<semaphore_mem>>) src(%arg5 : memref<128x128xf32, #tpu.memory_space<vmem>>) dst(%dma_wait3A_112 : memref<128x128xf32, #tpu.memory_space<hbm>>)
      tpu.yield
    }) : () -> ()
    %mul3A_95 = arith.constant 640 : i32
    %mul3A_96 = arith.muli %arg1, %mul3A_95 : i32
    %add3A_97 = arith.constant 384 : i32
    %add3A_98 = arith.addi %mul3A_96, %add3A_97 : i32
    "tpu.region"() ({
      %run_scoped3A = tpu.sem_alloc : memref<!tpu.dma_semaphore, #tpu.memory_space<semaphore_mem>>
      %dma_start3A = arith.constant 0 : i32
      %dma_start3A_103 = tpu.memref_slice %arg6[%add3A_98, %dma_start3A] : memref<10240x128xf32, #tpu.memory_space<vmem_shared>> -> memref<128x128xf32, #tpu.memory_space<vmem_shared>>
      %dma_start3A_104 = arith.constant 0 : i32
      %dma_start3A_105 = tpu.memref_slice %arg6[%add3A_98, %dma_start3A_104] : memref<10240x128xf32, #tpu.memory_space<vmem_shared>> -> memref<128x128xf32, #tpu.memory_space<vmem_shared>>
      tpu.enqueue_dma source(%dma_start3A_105 : memref<128x128xf32, #tpu.memory_space<vmem_shared>>) target(%arg5 : memref<128x128xf32, #tpu.memory_space<vmem>>) target_semaphore(%run_scoped3A : memref<!tpu.dma_semaphore, #tpu.memory_space<semaphore_mem>>)
      %dma_wait3A = arith.constant 0 : i32
      %dma_wait3A_106 = tpu.memref_slice %arg6[%add3A_98, %dma_wait3A] : memref<10240x128xf32, #tpu.memory_space<vmem_shared>> -> memref<128x128xf32, #tpu.memory_space<vmem_shared>>
      %dma_wait3A_107 = arith.constant 0 : i32
      %dma_wait3A_108 = tpu.memref_slice %arg6[%add3A_98, %dma_wait3A_107] : memref<10240x128xf32, #tpu.memory_space<vmem_shared>> -> memref<128x128xf32, #tpu.memory_space<vmem_shared>>
      tpu.wait_dma2 semaphore(%run_scoped3A : memref<!tpu.dma_semaphore, #tpu.memory_space<semaphore_mem>>) src(%dma_wait3A_108 : memref<128x128xf32, #tpu.memory_space<vmem_shared>>) dst(%arg5 : memref<128x128xf32, #tpu.memory_space<vmem>>)
      tpu.yield
    }) : () -> ()
    "tpu.region"() ({
      %run_scoped3A = tpu.sem_alloc : memref<!tpu.dma_semaphore, #tpu.memory_space<semaphore_mem>>
      %dma_start3A = arith.constant 0 : i32
      %dma_start3A_103 = tpu.memref_slice %arg3[%arg0, %add3A_98, %dma_start3A] : memref<2x10240x128xf32, #tpu.memory_space<hbm>> -> memref<1x128x128xf32, #tpu.memory_space<hbm>>
      %dma_start3A_104 = tpu.memref_squeeze %dma_start3A_103 : memref<1x128x128xf32, #tpu.memory_space<hbm>> -> memref<128x128xf32, #tpu.memory_space<hbm>>
      %dma_start3A_105 = arith.constant 0 : i32
      %dma_start3A_106 = tpu.memref_slice %arg3[%arg0, %add3A_98, %dma_start3A_105] : memref<2x10240x128xf32, #tpu.memory_space<hbm>> -> memref<1x128x128xf32, #tpu.memory_space<hbm>>
      %dma_start3A_107 = tpu.memref_squeeze %dma_start3A_106 : memref<1x128x128xf32, #tpu.memory_space<hbm>> -> memref<128x128xf32, #tpu.memory_space<hbm>>
      tpu.enqueue_dma source(%arg5 : memref<128x128xf32, #tpu.memory_space<vmem>>) target(%dma_start3A_107 : memref<128x128xf32, #tpu.memory_space<hbm>>) target_semaphore(%run_scoped3A : memref<!tpu.dma_semaphore, #tpu.memory_space<semaphore_mem>>)
      %dma_wait3A = arith.constant 0 : i32
      %dma_wait3A_108 = tpu.memref_slice %arg3[%arg0, %add3A_98, %dma_wait3A] : memref<2x10240x128xf32, #tpu.memory_space<hbm>> -> memref<1x128x128xf32, #tpu.memory_space<hbm>>
      %dma_wait3A_109 = tpu.memref_squeeze %dma_wait3A_108 : memref<1x128x128xf32, #tpu.memory_space<hbm>> -> memref<128x128xf32, #tpu.memory_space<hbm>>
      %dma_wait3A_110 = arith.constant 0 : i32
      %dma_wait3A_111 = tpu.memref_slice %arg3[%arg0, %add3A_98, %dma_wait3A_110] : memref<2x10240x128xf32, #tpu.memory_space<hbm>> -> memref<1x128x128xf32, #tpu.memory_space<hbm>>
      %dma_wait3A_112 = tpu.memref_squeeze %dma_wait3A_111 : memref<1x128x128xf32, #tpu.memory_space<hbm>> -> memref<128x128xf32, #tpu.memory_space<hbm>>
      tpu.wait_dma2 semaphore(%run_scoped3A : memref<!tpu.dma_semaphore, #tpu.memory_space<semaphore_mem>>) src(%arg5 : memref<128x128xf32, #tpu.memory_space<vmem>>) dst(%dma_wait3A_112 : memref<128x128xf32, #tpu.memory_space<hbm>>)
      tpu.yield
    }) : () -> ()
    %mul3A_99 = arith.constant 640 : i32
    %mul3A_100 = arith.muli %arg1, %mul3A_99 : i32
    %add3A_101 = arith.constant 512 : i32
    %add3A_102 = arith.addi %mul3A_100, %add3A_101 : i32
    "tpu.region"() ({
      %run_scoped3A = tpu.sem_alloc : memref<!tpu.dma_semaphore, #tpu.memory_space<semaphore_mem>>
      %dma_start3A = arith.constant 0 : i32
      %dma_start3A_103 = tpu.memref_slice %arg6[%add3A_102, %dma_start3A] : memref<10240x128xf32, #tpu.memory_space<vmem_shared>> -> memref<128x128xf32, #tpu.memory_space<vmem_shared>>
      %dma_start3A_104 = arith.constant 0 : i32
      %dma_start3A_105 = tpu.memref_slice %arg6[%add3A_102, %dma_start3A_104] : memref<10240x128xf32, #tpu.memory_space<vmem_shared>> -> memref<128x128xf32, #tpu.memory_space<vmem_shared>>
      tpu.enqueue_dma source(%dma_start3A_105 : memref<128x128xf32, #tpu.memory_space<vmem_shared>>) target(%arg5 : memref<128x128xf32, #tpu.memory_space<vmem>>) target_semaphore(%run_scoped3A : memref<!tpu.dma_semaphore, #tpu.memory_space<semaphore_mem>>)
      %dma_wait3A = arith.constant 0 : i32
      %dma_wait3A_106 = tpu.memref_slice %arg6[%add3A_102, %dma_wait3A] : memref<10240x128xf32, #tpu.memory_space<vmem_shared>> -> memref<128x128xf32, #tpu.memory_space<vmem_shared>>
      %dma_wait3A_107 = arith.constant 0 : i32
      %dma_wait3A_108 = tpu.memref_slice %arg6[%add3A_102, %dma_wait3A_107] : memref<10240x128xf32, #tpu.memory_space<vmem_shared>> -> memref<128x128xf32, #tpu.memory_space<vmem_shared>>
      tpu.wait_dma2 semaphore(%run_scoped3A : memref<!tpu.dma_semaphore, #tpu.memory_space<semaphore_mem>>) src(%dma_wait3A_108 : memref<128x128xf32, #tpu.memory_space<vmem_shared>>) dst(%arg5 : memref<128x128xf32, #tpu.memory_space<vmem>>)
      tpu.yield
    }) : () -> ()
    "tpu.region"() ({
      %run_scoped3A = tpu.sem_alloc : memref<!tpu.dma_semaphore, #tpu.memory_space<semaphore_mem>>
      %dma_start3A = arith.constant 0 : i32
      %dma_start3A_103 = tpu.memref_slice %arg3[%arg0, %add3A_102, %dma_start3A] : memref<2x10240x128xf32, #tpu.memory_space<hbm>> -> memref<1x128x128xf32, #tpu.memory_space<hbm>>
      %dma_start3A_104 = tpu.memref_squeeze %dma_start3A_103 : memref<1x128x128xf32, #tpu.memory_space<hbm>> -> memref<128x128xf32, #tpu.memory_space<hbm>>
      %dma_start3A_105 = arith.constant 0 : i32
      %dma_start3A_106 = tpu.memref_slice %arg3[%arg0, %add3A_102, %dma_start3A_105] : memref<2x10240x128xf32, #tpu.memory_space<hbm>> -> memref<1x128x128xf32, #tpu.memory_space<hbm>>
      %dma_start3A_107 = tpu.memref_squeeze %dma_start3A_106 : memref<1x128x128xf32, #tpu.memory_space<hbm>> -> memref<128x128xf32, #tpu.memory_space<hbm>>
      tpu.enqueue_dma source(%arg5 : memref<128x128xf32, #tpu.memory_space<vmem>>) target(%dma_start3A_107 : memref<128x128xf32, #tpu.memory_space<hbm>>) target_semaphore(%run_scoped3A : memref<!tpu.dma_semaphore, #tpu.memory_space<semaphore_mem>>)
      %dma_wait3A = arith.constant 0 : i32
      %dma_wait3A_108 = tpu.memref_slice %arg3[%arg0, %add3A_102, %dma_wait3A] : memref<2x10240x128xf32, #tpu.memory_space<hbm>> -> memref<1x128x128xf32, #tpu.memory_space<hbm>>
      %dma_wait3A_109 = tpu.memref_squeeze %dma_wait3A_108 : memref<1x128x128xf32, #tpu.memory_space<hbm>> -> memref<128x128xf32, #tpu.memory_space<hbm>>
      %dma_wait3A_110 = arith.constant 0 : i32
      %dma_wait3A_111 = tpu.memref_slice %arg3[%arg0, %add3A_102, %dma_wait3A_110] : memref<2x10240x128xf32, #tpu.memory_space<hbm>> -> memref<1x128x128xf32, #tpu.memory_space<hbm>>
      %dma_wait3A_112 = tpu.memref_squeeze %dma_wait3A_111 : memref<1x128x128xf32, #tpu.memory_space<hbm>> -> memref<128x128xf32, #tpu.memory_space<hbm>>
      tpu.wait_dma2 semaphore(%run_scoped3A : memref<!tpu.dma_semaphore, #tpu.memory_space<semaphore_mem>>) src(%arg5 : memref<128x128xf32, #tpu.memory_space<vmem>>) dst(%dma_wait3A_112 : memref<128x128xf32, #tpu.memory_space<hbm>>)
      tpu.yield
    }) : () -> ()
    return
  }
}

#map = affine_map<(d0, d1) -> (0, 0, 0)>
#map1 = affine_map<(d0, d1) -> (0, 0)>
module attributes {stable_mosaic.version = 14 : i64} {
  func.func @_sc_pass1(%arg0: i32, %arg1: i32, %arg2: memref<32x80x128xi32, #tpu.memory_space<hbm>>, %arg3: memref<16x80x128xi32, #tpu.memory_space<hbm>>, %arg4: memref<10240x128xf32, #tpu.memory_space<hbm>>, %arg5: memref<20480x128xf32, #tpu.memory_space<hbm>>, %arg6: memref<2x10240x128xf32, #tpu.memory_space<hbm>>, %arg7: memref<2x10240x128xf32, #tpu.memory_space<hbm>>, %arg8: memref<80x128xi32, #tpu.memory_space<vmem>>, %arg9: memref<80x128xi32, #tpu.memory_space<vmem>>, %arg10: memref<128x128xf32, #tpu.memory_space<vmem>>, %arg11: memref<40x128xi32, #tpu.memory_space<vmem>>, %arg12: memref<40x128xi32, #tpu.memory_space<vmem>>, %arg13: memref<10240x128xf32, #tpu.memory_space<vmem_shared>>, %arg14: memref<!tpu.dma_semaphore, #tpu.memory_space<semaphore_mem>>) attributes {dimension_semantics = [#tpu.dimension_semantics<core_parallel>, #tpu.dimension_semantics<subcore_parallel>], iteration_bounds = array<i64: 2, 16>, scalar_prefetch = 0 : i64, scratch_operands = 7 : i64, tpu.core_type = #tpu.core_type<sc_vector_subcore>, window_params = [{transform_indices = #map}, {transform_indices = #map}, {transform_indices = #map1}, {transform_indices = #map1}, {transform_indices = #map}, {transform_indices = #map}]} {
    %mul3A = arith.constant 16 : i32
    %mul3A_0 = arith.muli %arg0, %mul3A : i32
    %add3A = arith.addi %mul3A_0, %arg1 : i32
    "tpu.region"() ({
      %run_scoped3A = tpu.sem_alloc : memref<!tpu.dma_semaphore, #tpu.memory_space<semaphore_mem>>
      %dma_start3A = arith.constant 0 : i32
      %dma_start3A_189 = arith.constant 0 : i32
      %dma_start3A_190 = tpu.memref_slice %arg2[%add3A, %dma_start3A, %dma_start3A_189] : memref<32x80x128xi32, #tpu.memory_space<hbm>> -> memref<1x80x128xi32, #tpu.memory_space<hbm>>
      %dma_start3A_191 = tpu.memref_squeeze %dma_start3A_190 : memref<1x80x128xi32, #tpu.memory_space<hbm>> -> memref<80x128xi32, #tpu.memory_space<hbm>>
      %dma_start3A_192 = arith.constant 0 : i32
      %dma_start3A_193 = arith.constant 0 : i32
      %dma_start3A_194 = tpu.memref_slice %arg2[%add3A, %dma_start3A_192, %dma_start3A_193] : memref<32x80x128xi32, #tpu.memory_space<hbm>> -> memref<1x80x128xi32, #tpu.memory_space<hbm>>
      %dma_start3A_195 = tpu.memref_squeeze %dma_start3A_194 : memref<1x80x128xi32, #tpu.memory_space<hbm>> -> memref<80x128xi32, #tpu.memory_space<hbm>>
      tpu.enqueue_dma source(%dma_start3A_195 : memref<80x128xi32, #tpu.memory_space<hbm>>) target(%arg8 : memref<80x128xi32, #tpu.memory_space<vmem>>) target_semaphore(%run_scoped3A : memref<!tpu.dma_semaphore, #tpu.memory_space<semaphore_mem>>)
      %dma_wait3A = arith.constant 0 : i32
      %dma_wait3A_196 = arith.constant 0 : i32
      %dma_wait3A_197 = tpu.memref_slice %arg2[%add3A, %dma_wait3A, %dma_wait3A_196] : memref<32x80x128xi32, #tpu.memory_space<hbm>> -> memref<1x80x128xi32, #tpu.memory_space<hbm>>
      %dma_wait3A_198 = tpu.memref_squeeze %dma_wait3A_197 : memref<1x80x128xi32, #tpu.memory_space<hbm>> -> memref<80x128xi32, #tpu.memory_space<hbm>>
      %dma_wait3A_199 = arith.constant 0 : i32
      %dma_wait3A_200 = arith.constant 0 : i32
      %dma_wait3A_201 = tpu.memref_slice %arg2[%add3A, %dma_wait3A_199, %dma_wait3A_200] : memref<32x80x128xi32, #tpu.memory_space<hbm>> -> memref<1x80x128xi32, #tpu.memory_space<hbm>>
      %dma_wait3A_202 = tpu.memref_squeeze %dma_wait3A_201 : memref<1x80x128xi32, #tpu.memory_space<hbm>> -> memref<80x128xi32, #tpu.memory_space<hbm>>
      tpu.wait_dma2 semaphore(%run_scoped3A : memref<!tpu.dma_semaphore, #tpu.memory_space<semaphore_mem>>) src(%dma_wait3A_202 : memref<80x128xi32, #tpu.memory_space<hbm>>) dst(%arg8 : memref<80x128xi32, #tpu.memory_space<vmem>>)
      tpu.yield
    }) : () -> ()
    "tpu.region"() ({
      %run_scoped3A = tpu.sem_alloc : memref<!tpu.dma_semaphore, #tpu.memory_space<semaphore_mem>>
      %dma_start3A = arith.constant 0 : i32
      %dma_start3A_189 = arith.constant 0 : i32
      %dma_start3A_190 = tpu.memref_slice %arg3[%arg1, %dma_start3A, %dma_start3A_189] : memref<16x80x128xi32, #tpu.memory_space<hbm>> -> memref<1x80x128xi32, #tpu.memory_space<hbm>>
      %dma_start3A_191 = tpu.memref_squeeze %dma_start3A_190 : memref<1x80x128xi32, #tpu.memory_space<hbm>> -> memref<80x128xi32, #tpu.memory_space<hbm>>
      %dma_start3A_192 = arith.constant 0 : i32
      %dma_start3A_193 = arith.constant 0 : i32
      %dma_start3A_194 = tpu.memref_slice %arg3[%arg1, %dma_start3A_192, %dma_start3A_193] : memref<16x80x128xi32, #tpu.memory_space<hbm>> -> memref<1x80x128xi32, #tpu.memory_space<hbm>>
      %dma_start3A_195 = tpu.memref_squeeze %dma_start3A_194 : memref<1x80x128xi32, #tpu.memory_space<hbm>> -> memref<80x128xi32, #tpu.memory_space<hbm>>
      tpu.enqueue_dma source(%dma_start3A_195 : memref<80x128xi32, #tpu.memory_space<hbm>>) target(%arg9 : memref<80x128xi32, #tpu.memory_space<vmem>>) target_semaphore(%run_scoped3A : memref<!tpu.dma_semaphore, #tpu.memory_space<semaphore_mem>>)
      %dma_wait3A = arith.constant 0 : i32
      %dma_wait3A_196 = arith.constant 0 : i32
      %dma_wait3A_197 = tpu.memref_slice %arg3[%arg1, %dma_wait3A, %dma_wait3A_196] : memref<16x80x128xi32, #tpu.memory_space<hbm>> -> memref<1x80x128xi32, #tpu.memory_space<hbm>>
      %dma_wait3A_198 = tpu.memref_squeeze %dma_wait3A_197 : memref<1x80x128xi32, #tpu.memory_space<hbm>> -> memref<80x128xi32, #tpu.memory_space<hbm>>
      %dma_wait3A_199 = arith.constant 0 : i32
      %dma_wait3A_200 = arith.constant 0 : i32
      %dma_wait3A_201 = tpu.memref_slice %arg3[%arg1, %dma_wait3A_199, %dma_wait3A_200] : memref<16x80x128xi32, #tpu.memory_space<hbm>> -> memref<1x80x128xi32, #tpu.memory_space<hbm>>
      %dma_wait3A_202 = tpu.memref_squeeze %dma_wait3A_201 : memref<1x80x128xi32, #tpu.memory_space<hbm>> -> memref<80x128xi32, #tpu.memory_space<hbm>>
      tpu.wait_dma2 semaphore(%run_scoped3A : memref<!tpu.dma_semaphore, #tpu.memory_space<semaphore_mem>>) src(%dma_wait3A_202 : memref<80x128xi32, #tpu.memory_space<hbm>>) dst(%arg9 : memref<80x128xi32, #tpu.memory_space<vmem>>)
      tpu.yield
    }) : () -> ()
    %jit3A = arith.constant 2 : i32
    %div3A = arith.divsi %add3A, %jit3A : i32
    %sign3A = arith.constant 0 : i32
    %sign3A_1 = arith.cmpi sgt, %add3A, %sign3A : i32
    %sign3A_2 = arith.extui %sign3A_1 : i1 to i32
    %sign3A_3 = arith.constant 0 : i32
    %sign3A_4 = arith.cmpi slt, %add3A, %sign3A_3 : i32
    %sign3A_5 = arith.extui %sign3A_4 : i1 to i32
    %sign3A_6 = arith.subi %sign3A_2, %sign3A_5 : i32
    %sign3A_7 = arith.constant 0 : i32
    %sign3A_8 = arith.cmpi sgt, %jit3A, %sign3A_7 : i32
    %sign3A_9 = arith.extui %sign3A_8 : i1 to i32
    %sign3A_10 = arith.constant 0 : i32
    %sign3A_11 = arith.cmpi slt, %jit3A, %sign3A_10 : i32
    %sign3A_12 = arith.extui %sign3A_11 : i1 to i32
    %sign3A_13 = arith.subi %sign3A_9, %sign3A_12 : i32
    %ne3A = arith.cmpi ne, %sign3A_6, %sign3A_13 : i32
    %rem3A = arith.remsi %add3A, %jit3A : i32
    %ne3A_14 = arith.constant 0 : i32
    %ne3A_15 = arith.cmpi ne, %rem3A, %ne3A_14 : i32
    %and3A = arith.andi %ne3A, %ne3A_15 : i1
    %sub3A = arith.constant 1 : i32
    %sub3A_16 = arith.subi %div3A, %sub3A : i32
    %select_n3A = arith.select %and3A, %sub3A_16, %div3A : i32
    %jit3A_17 = arith.constant 2 : i32
    %eq3A = arith.constant 0 : i32
    %eq3A_18 = arith.cmpi eq, %jit3A_17, %eq3A : i32
    %jit3A_19 = arith.constant 1 : i32
    %select_n3A_20 = arith.select %eq3A_18, %jit3A_19, %jit3A_17 : i32
    %rem3A_21 = arith.remsi %add3A, %select_n3A_20 : i32
    %ne3A_22 = arith.constant 0 : i32
    %ne3A_23 = arith.cmpi ne, %rem3A_21, %ne3A_22 : i32
    %lt3A = arith.constant 0 : i32
    %lt3A_24 = arith.cmpi slt, %rem3A_21, %lt3A : i32
    %lt3A_25 = arith.constant 0 : i32
    %lt3A_26 = arith.cmpi slt, %select_n3A_20, %lt3A_25 : i32
    %ne3A_27 = arith.xori %lt3A_24, %lt3A_26 : i1
    %and3A_28 = arith.andi %ne3A_27, %ne3A_23 : i1
    %add3A_29 = arith.addi %rem3A_21, %select_n3A_20 : i32
    %select_n3A_30 = arith.select %and3A_28, %add3A_29, %rem3A_21 : i32
    %mul3A_31 = arith.constant 40 : i32
    %mul3A_32 = arith.muli %select_n3A_30, %mul3A_31 : i32
    "tpu.region"() ({
      %run_scoped3A = tpu.sem_alloc : memref<!tpu.dma_semaphore, #tpu.memory_space<semaphore_mem>>
      %dma_start3A = arith.constant 0 : i32
      %dma_start3A_189 = tpu.memref_slice %arg3[%select_n3A, %mul3A_32, %dma_start3A] : memref<16x80x128xi32, #tpu.memory_space<hbm>> -> memref<1x40x128xi32, #tpu.memory_space<hbm>>
      %dma_start3A_190 = tpu.memref_squeeze %dma_start3A_189 : memref<1x40x128xi32, #tpu.memory_space<hbm>> -> memref<40x128xi32, #tpu.memory_space<hbm>>
      %dma_start3A_191 = arith.constant 0 : i32
      %dma_start3A_192 = tpu.memref_slice %arg3[%select_n3A, %mul3A_32, %dma_start3A_191] : memref<16x80x128xi32, #tpu.memory_space<hbm>> -> memref<1x40x128xi32, #tpu.memory_space<hbm>>
      %dma_start3A_193 = tpu.memref_squeeze %dma_start3A_192 : memref<1x40x128xi32, #tpu.memory_space<hbm>> -> memref<40x128xi32, #tpu.memory_space<hbm>>
      tpu.enqueue_dma source(%dma_start3A_193 : memref<40x128xi32, #tpu.memory_space<hbm>>) target(%arg11 : memref<40x128xi32, #tpu.memory_space<vmem>>) target_semaphore(%run_scoped3A : memref<!tpu.dma_semaphore, #tpu.memory_space<semaphore_mem>>)
      %dma_wait3A = arith.constant 0 : i32
      %dma_wait3A_194 = tpu.memref_slice %arg3[%select_n3A, %mul3A_32, %dma_wait3A] : memref<16x80x128xi32, #tpu.memory_space<hbm>> -> memref<1x40x128xi32, #tpu.memory_space<hbm>>
      %dma_wait3A_195 = tpu.memref_squeeze %dma_wait3A_194 : memref<1x40x128xi32, #tpu.memory_space<hbm>> -> memref<40x128xi32, #tpu.memory_space<hbm>>
      %dma_wait3A_196 = arith.constant 0 : i32
      %dma_wait3A_197 = tpu.memref_slice %arg3[%select_n3A, %mul3A_32, %dma_wait3A_196] : memref<16x80x128xi32, #tpu.memory_space<hbm>> -> memref<1x40x128xi32, #tpu.memory_space<hbm>>
      %dma_wait3A_198 = tpu.memref_squeeze %dma_wait3A_197 : memref<1x40x128xi32, #tpu.memory_space<hbm>> -> memref<40x128xi32, #tpu.memory_space<hbm>>
      tpu.wait_dma2 semaphore(%run_scoped3A : memref<!tpu.dma_semaphore, #tpu.memory_space<semaphore_mem>>) src(%dma_wait3A_198 : memref<40x128xi32, #tpu.memory_space<hbm>>) dst(%arg11 : memref<40x128xi32, #tpu.memory_space<vmem>>)
      tpu.yield
    }) : () -> ()
    %jit3A_33 = arith.constant 2 : i32
    %div3A_34 = arith.divsi %add3A, %jit3A_33 : i32
    %sign3A_35 = arith.constant 0 : i32
    %sign3A_36 = arith.cmpi sgt, %add3A, %sign3A_35 : i32
    %sign3A_37 = arith.extui %sign3A_36 : i1 to i32
    %sign3A_38 = arith.constant 0 : i32
    %sign3A_39 = arith.cmpi slt, %add3A, %sign3A_38 : i32
    %sign3A_40 = arith.extui %sign3A_39 : i1 to i32
    %sign3A_41 = arith.subi %sign3A_37, %sign3A_40 : i32
    %sign3A_42 = arith.constant 0 : i32
    %sign3A_43 = arith.cmpi sgt, %jit3A_33, %sign3A_42 : i32
    %sign3A_44 = arith.extui %sign3A_43 : i1 to i32
    %sign3A_45 = arith.constant 0 : i32
    %sign3A_46 = arith.cmpi slt, %jit3A_33, %sign3A_45 : i32
    %sign3A_47 = arith.extui %sign3A_46 : i1 to i32
    %sign3A_48 = arith.subi %sign3A_44, %sign3A_47 : i32
    %ne3A_49 = arith.cmpi ne, %sign3A_41, %sign3A_48 : i32
    %rem3A_50 = arith.remsi %add3A, %jit3A_33 : i32
    %ne3A_51 = arith.constant 0 : i32
    %ne3A_52 = arith.cmpi ne, %rem3A_50, %ne3A_51 : i32
    %and3A_53 = arith.andi %ne3A_49, %ne3A_52 : i1
    %sub3A_54 = arith.constant 1 : i32
    %sub3A_55 = arith.subi %div3A_34, %sub3A_54 : i32
    %select_n3A_56 = arith.select %and3A_53, %sub3A_55, %div3A_34 : i32
    %jit3A_57 = arith.constant 2 : i32
    %eq3A_58 = arith.constant 0 : i32
    %eq3A_59 = arith.cmpi eq, %jit3A_57, %eq3A_58 : i32
    %jit3A_60 = arith.constant 1 : i32
    %select_n3A_61 = arith.select %eq3A_59, %jit3A_60, %jit3A_57 : i32
    %rem3A_62 = arith.remsi %add3A, %select_n3A_61 : i32
    %ne3A_63 = arith.constant 0 : i32
    %ne3A_64 = arith.cmpi ne, %rem3A_62, %ne3A_63 : i32
    %lt3A_65 = arith.constant 0 : i32
    %lt3A_66 = arith.cmpi slt, %rem3A_62, %lt3A_65 : i32
    %lt3A_67 = arith.constant 0 : i32
    %lt3A_68 = arith.cmpi slt, %select_n3A_61, %lt3A_67 : i32
    %ne3A_69 = arith.xori %lt3A_66, %lt3A_68 : i1
    %and3A_70 = arith.andi %ne3A_69, %ne3A_64 : i1
    %add3A_71 = arith.addi %rem3A_62, %select_n3A_61 : i32
    %select_n3A_72 = arith.select %and3A_70, %add3A_71, %rem3A_62 : i32
    %mul3A_73 = arith.constant 40 : i32
    %mul3A_74 = arith.muli %select_n3A_72, %mul3A_73 : i32
    "tpu.region"() ({
      %run_scoped3A = tpu.sem_alloc : memref<!tpu.dma_semaphore, #tpu.memory_space<semaphore_mem>>
      %dma_start3A = arith.constant 0 : i32
      %dma_start3A_189 = tpu.memref_slice %arg2[%select_n3A_56, %mul3A_74, %dma_start3A] : memref<32x80x128xi32, #tpu.memory_space<hbm>> -> memref<1x40x128xi32, #tpu.memory_space<hbm>>
      %dma_start3A_190 = tpu.memref_squeeze %dma_start3A_189 : memref<1x40x128xi32, #tpu.memory_space<hbm>> -> memref<40x128xi32, #tpu.memory_space<hbm>>
      %dma_start3A_191 = arith.constant 0 : i32
      %dma_start3A_192 = tpu.memref_slice %arg2[%select_n3A_56, %mul3A_74, %dma_start3A_191] : memref<32x80x128xi32, #tpu.memory_space<hbm>> -> memref<1x40x128xi32, #tpu.memory_space<hbm>>
      %dma_start3A_193 = tpu.memref_squeeze %dma_start3A_192 : memref<1x40x128xi32, #tpu.memory_space<hbm>> -> memref<40x128xi32, #tpu.memory_space<hbm>>
      tpu.enqueue_dma source(%dma_start3A_193 : memref<40x128xi32, #tpu.memory_space<hbm>>) target(%arg12 : memref<40x128xi32, #tpu.memory_space<vmem>>) target_semaphore(%run_scoped3A : memref<!tpu.dma_semaphore, #tpu.memory_space<semaphore_mem>>)
      %dma_wait3A = arith.constant 0 : i32
      %dma_wait3A_194 = tpu.memref_slice %arg2[%select_n3A_56, %mul3A_74, %dma_wait3A] : memref<32x80x128xi32, #tpu.memory_space<hbm>> -> memref<1x40x128xi32, #tpu.memory_space<hbm>>
      %dma_wait3A_195 = tpu.memref_squeeze %dma_wait3A_194 : memref<1x40x128xi32, #tpu.memory_space<hbm>> -> memref<40x128xi32, #tpu.memory_space<hbm>>
      %dma_wait3A_196 = arith.constant 0 : i32
      %dma_wait3A_197 = tpu.memref_slice %arg2[%select_n3A_56, %mul3A_74, %dma_wait3A_196] : memref<32x80x128xi32, #tpu.memory_space<hbm>> -> memref<1x40x128xi32, #tpu.memory_space<hbm>>
      %dma_wait3A_198 = tpu.memref_squeeze %dma_wait3A_197 : memref<1x40x128xi32, #tpu.memory_space<hbm>> -> memref<40x128xi32, #tpu.memory_space<hbm>>
      tpu.wait_dma2 semaphore(%run_scoped3A : memref<!tpu.dma_semaphore, #tpu.memory_space<semaphore_mem>>) src(%dma_wait3A_198 : memref<40x128xi32, #tpu.memory_space<hbm>>) dst(%arg12 : memref<40x128xi32, #tpu.memory_space<vmem>>)
      tpu.yield
    }) : () -> ()
    %broadcast_in_dim3A = arith.constant 0.000000e+00 : f32
    %broadcast_in_dim3A_75 = vector.broadcast %broadcast_in_dim3A : f32 to vector<16xf32>
    %scan3A = arith.constant 0 : i32
    %scan3A_76 = arith.constant 0 : i32
    %scan3A_77 = arith.constant 128 : i32
    %scan3A_78 = arith.addi %scan3A_76, %scan3A_77 : i32
    %scan3A_79 = arith.constant 1 : i32
    %scan3A_80 = scf.for %scan3A_189 = %scan3A_76 to %scan3A_78 step %scan3A_79 iter_args(%scan3A_190 = %scan3A) -> (i32)  : i32 {
      %swap3A = arith.index_cast %scan3A_189 : i32 to index
      %swap3A_191 = arith.constant 0 : index
      %swap3A_192 = tpu.vector_load %arg10[%swap3A, %swap3A_191] {strides = array<i32>} : memref<128x128xf32, #tpu.memory_space<vmem>>, vector<1x16xf32>,
      %swap3A_193 = vector.shape_cast %swap3A_192 : vector<1x16xf32> to vector<16xf32>
      %swap3A_194 = vector.shape_cast %broadcast_in_dim3A_75 : vector<16xf32> to vector<1x16xf32>
      tpu.vector_store %arg10[%swap3A, %swap3A_191], %swap3A_194 {strides = array<i32>} : memref<128x128xf32, #tpu.memory_space<vmem>>, vector<1x16xf32>,
      %swap3A_195 = arith.index_cast %scan3A_189 : i32 to index
      %swap3A_196 = arith.constant 16 : index
      %swap3A_197 = tpu.vector_load %arg10[%swap3A_195, %swap3A_196] {strides = array<i32>} : memref<128x128xf32, #tpu.memory_space<vmem>>, vector<1x16xf32>,
      %swap3A_198 = vector.shape_cast %swap3A_197 : vector<1x16xf32> to vector<16xf32>
      %swap3A_199 = vector.shape_cast %broadcast_in_dim3A_75 : vector<16xf32> to vector<1x16xf32>
      tpu.vector_store %arg10[%swap3A_195, %swap3A_196], %swap3A_199 {strides = array<i32>} : memref<128x128xf32, #tpu.memory_space<vmem>>, vector<1x16xf32>,
      %swap3A_200 = arith.index_cast %scan3A_189 : i32 to index
      %swap3A_201 = arith.constant 32 : index
      %swap3A_202 = tpu.vector_load %arg10[%swap3A_200, %swap3A_201] {strides = array<i32>} : memref<128x128xf32, #tpu.memory_space<vmem>>, vector<1x16xf32>,
      %swap3A_203 = vector.shape_cast %swap3A_202 : vector<1x16xf32> to vector<16xf32>
      %swap3A_204 = vector.shape_cast %broadcast_in_dim3A_75 : vector<16xf32> to vector<1x16xf32>
      tpu.vector_store %arg10[%swap3A_200, %swap3A_201], %swap3A_204 {strides = array<i32>} : memref<128x128xf32, #tpu.memory_space<vmem>>, vector<1x16xf32>,
      %swap3A_205 = arith.index_cast %scan3A_189 : i32 to index
      %swap3A_206 = arith.constant 48 : index
      %swap3A_207 = tpu.vector_load %arg10[%swap3A_205, %swap3A_206] {strides = array<i32>} : memref<128x128xf32, #tpu.memory_space<vmem>>, vector<1x16xf32>,
      %swap3A_208 = vector.shape_cast %swap3A_207 : vector<1x16xf32> to vector<16xf32>
      %swap3A_209 = vector.shape_cast %broadcast_in_dim3A_75 : vector<16xf32> to vector<1x16xf32>
      tpu.vector_store %arg10[%swap3A_205, %swap3A_206], %swap3A_209 {strides = array<i32>} : memref<128x128xf32, #tpu.memory_space<vmem>>, vector<1x16xf32>,
      %swap3A_210 = arith.index_cast %scan3A_189 : i32 to index
      %swap3A_211 = arith.constant 64 : index
      %swap3A_212 = tpu.vector_load %arg10[%swap3A_210, %swap3A_211] {strides = array<i32>} : memref<128x128xf32, #tpu.memory_space<vmem>>, vector<1x16xf32>,
      %swap3A_213 = vector.shape_cast %swap3A_212 : vector<1x16xf32> to vector<16xf32>
      %swap3A_214 = vector.shape_cast %broadcast_in_dim3A_75 : vector<16xf32> to vector<1x16xf32>
      tpu.vector_store %arg10[%swap3A_210, %swap3A_211], %swap3A_214 {strides = array<i32>} : memref<128x128xf32, #tpu.memory_space<vmem>>, vector<1x16xf32>,
      %swap3A_215 = arith.index_cast %scan3A_189 : i32 to index
      %swap3A_216 = arith.constant 80 : index
      %swap3A_217 = tpu.vector_load %arg10[%swap3A_215, %swap3A_216] {strides = array<i32>} : memref<128x128xf32, #tpu.memory_space<vmem>>, vector<1x16xf32>,
      %swap3A_218 = vector.shape_cast %swap3A_217 : vector<1x16xf32> to vector<16xf32>
      %swap3A_219 = vector.shape_cast %broadcast_in_dim3A_75 : vector<16xf32> to vector<1x16xf32>
      tpu.vector_store %arg10[%swap3A_215, %swap3A_216], %swap3A_219 {strides = array<i32>} : memref<128x128xf32, #tpu.memory_space<vmem>>, vector<1x16xf32>,
      %swap3A_220 = arith.index_cast %scan3A_189 : i32 to index
      %swap3A_221 = arith.constant 96 : index
      %swap3A_222 = tpu.vector_load %arg10[%swap3A_220, %swap3A_221] {strides = array<i32>} : memref<128x128xf32, #tpu.memory_space<vmem>>, vector<1x16xf32>,
      %swap3A_223 = vector.shape_cast %swap3A_222 : vector<1x16xf32> to vector<16xf32>
      %swap3A_224 = vector.shape_cast %broadcast_in_dim3A_75 : vector<16xf32> to vector<1x16xf32>
      tpu.vector_store %arg10[%swap3A_220, %swap3A_221], %swap3A_224 {strides = array<i32>} : memref<128x128xf32, #tpu.memory_space<vmem>>, vector<1x16xf32>,
      %swap3A_225 = arith.index_cast %scan3A_189 : i32 to index
      %swap3A_226 = arith.constant 112 : index
      %swap3A_227 = tpu.vector_load %arg10[%swap3A_225, %swap3A_226] {strides = array<i32>} : memref<128x128xf32, #tpu.memory_space<vmem>>, vector<1x16xf32>,
      %swap3A_228 = vector.shape_cast %swap3A_227 : vector<1x16xf32> to vector<16xf32>
      %swap3A_229 = vector.shape_cast %broadcast_in_dim3A_75 : vector<16xf32> to vector<1x16xf32>
      tpu.vector_store %arg10[%swap3A_225, %swap3A_226], %swap3A_229 {strides = array<i32>} : memref<128x128xf32, #tpu.memory_space<vmem>>, vector<1x16xf32>,
      %scan3A_230 = arith.constant 0 : i32
      scf.yield %scan3A_230 : i32
    }
    %scan3A_81 = arith.constant 128 : i32
    %mul3A_82 = arith.constant 640 : i32
    %mul3A_83 = arith.muli %arg1, %mul3A_82 : i32
    %add3A_84 = arith.constant 0 : i32
    %add3A_85 = arith.addi %mul3A_83, %add3A_84 : i32
    "tpu.region"() ({
      %run_scoped3A = tpu.sem_alloc : memref<!tpu.dma_semaphore, #tpu.memory_space<semaphore_mem>>
      %dma_start3A = arith.constant 0 : i32
      %dma_start3A_189 = tpu.memref_slice %arg13[%add3A_85, %dma_start3A] : memref<10240x128xf32, #tpu.memory_space<vmem_shared>> -> memref<128x128xf32, #tpu.memory_space<vmem_shared>>
      %dma_start3A_190 = arith.constant 0 : i32
      %dma_start3A_191 = tpu.memref_slice %arg13[%add3A_85, %dma_start3A_190] : memref<10240x128xf32, #tpu.memory_space<vmem_shared>> -> memref<128x128xf32, #tpu.memory_space<vmem_shared>>
      tpu.enqueue_dma source(%arg10 : memref<128x128xf32, #tpu.memory_space<vmem>>) target(%dma_start3A_191 : memref<128x128xf32, #tpu.memory_space<vmem_shared>>) target_semaphore(%run_scoped3A : memref<!tpu.dma_semaphore, #tpu.memory_space<semaphore_mem>>)
      %dma_wait3A = arith.constant 0 : i32
      %dma_wait3A_192 = tpu.memref_slice %arg13[%add3A_85, %dma_wait3A] : memref<10240x128xf32, #tpu.memory_space<vmem_shared>> -> memref<128x128xf32, #tpu.memory_space<vmem_shared>>
      %dma_wait3A_193 = arith.constant 0 : i32
      %dma_wait3A_194 = tpu.memref_slice %arg13[%add3A_85, %dma_wait3A_193] : memref<10240x128xf32, #tpu.memory_space<vmem_shared>> -> memref<128x128xf32, #tpu.memory_space<vmem_shared>>
      tpu.wait_dma2 semaphore(%run_scoped3A : memref<!tpu.dma_semaphore, #tpu.memory_space<semaphore_mem>>) src(%arg10 : memref<128x128xf32, #tpu.memory_space<vmem>>) dst(%dma_wait3A_194 : memref<128x128xf32, #tpu.memory_space<vmem_shared>>)
      tpu.yield
    }) : () -> ()
    %mul3A_86 = arith.constant 640 : i32
    %mul3A_87 = arith.muli %arg1, %mul3A_86 : i32
    %add3A_88 = arith.constant 128 : i32
    %add3A_89 = arith.addi %mul3A_87, %add3A_88 : i32
    "tpu.region"() ({
      %run_scoped3A = tpu.sem_alloc : memref<!tpu.dma_semaphore, #tpu.memory_space<semaphore_mem>>
      %dma_start3A = arith.constant 0 : i32
      %dma_start3A_189 = tpu.memref_slice %arg13[%add3A_89, %dma_start3A] : memref<10240x128xf32, #tpu.memory_space<vmem_shared>> -> memref<128x128xf32, #tpu.memory_space<vmem_shared>>
      %dma_start3A_190 = arith.constant 0 : i32
      %dma_start3A_191 = tpu.memref_slice %arg13[%add3A_89, %dma_start3A_190] : memref<10240x128xf32, #tpu.memory_space<vmem_shared>> -> memref<128x128xf32, #tpu.memory_space<vmem_shared>>
      tpu.enqueue_dma source(%arg10 : memref<128x128xf32, #tpu.memory_space<vmem>>) target(%dma_start3A_191 : memref<128x128xf32, #tpu.memory_space<vmem_shared>>) target_semaphore(%run_scoped3A : memref<!tpu.dma_semaphore, #tpu.memory_space<semaphore_mem>>)
      %dma_wait3A = arith.constant 0 : i32
      %dma_wait3A_192 = tpu.memref_slice %arg13[%add3A_89, %dma_wait3A] : memref<10240x128xf32, #tpu.memory_space<vmem_shared>> -> memref<128x128xf32, #tpu.memory_space<vmem_shared>>
      %dma_wait3A_193 = arith.constant 0 : i32
      %dma_wait3A_194 = tpu.memref_slice %arg13[%add3A_89, %dma_wait3A_193] : memref<10240x128xf32, #tpu.memory_space<vmem_shared>> -> memref<128x128xf32, #tpu.memory_space<vmem_shared>>
      tpu.wait_dma2 semaphore(%run_scoped3A : memref<!tpu.dma_semaphore, #tpu.memory_space<semaphore_mem>>) src(%arg10 : memref<128x128xf32, #tpu.memory_space<vmem>>) dst(%dma_wait3A_194 : memref<128x128xf32, #tpu.memory_space<vmem_shared>>)
      tpu.yield
    }) : () -> ()
    %mul3A_90 = arith.constant 640 : i32
    %mul3A_91 = arith.muli %arg1, %mul3A_90 : i32
    %add3A_92 = arith.constant 256 : i32
    %add3A_93 = arith.addi %mul3A_91, %add3A_92 : i32
    "tpu.region"() ({
      %run_scoped3A = tpu.sem_alloc : memref<!tpu.dma_semaphore, #tpu.memory_space<semaphore_mem>>
      %dma_start3A = arith.constant 0 : i32
      %dma_start3A_189 = tpu.memref_slice %arg13[%add3A_93, %dma_start3A] : memref<10240x128xf32, #tpu.memory_space<vmem_shared>> -> memref<128x128xf32, #tpu.memory_space<vmem_shared>>
      %dma_start3A_190 = arith.constant 0 : i32
      %dma_start3A_191 = tpu.memref_slice %arg13[%add3A_93, %dma_start3A_190] : memref<10240x128xf32, #tpu.memory_space<vmem_shared>> -> memref<128x128xf32, #tpu.memory_space<vmem_shared>>
      tpu.enqueue_dma source(%arg10 : memref<128x128xf32, #tpu.memory_space<vmem>>) target(%dma_start3A_191 : memref<128x128xf32, #tpu.memory_space<vmem_shared>>) target_semaphore(%run_scoped3A : memref<!tpu.dma_semaphore, #tpu.memory_space<semaphore_mem>>)
      %dma_wait3A = arith.constant 0 : i32
      %dma_wait3A_192 = tpu.memref_slice %arg13[%add3A_93, %dma_wait3A] : memref<10240x128xf32, #tpu.memory_space<vmem_shared>> -> memref<128x128xf32, #tpu.memory_space<vmem_shared>>
      %dma_wait3A_193 = arith.constant 0 : i32
      %dma_wait3A_194 = tpu.memref_slice %arg13[%add3A_93, %dma_wait3A_193] : memref<10240x128xf32, #tpu.memory_space<vmem_shared>> -> memref<128x128xf32, #tpu.memory_space<vmem_shared>>
      tpu.wait_dma2 semaphore(%run_scoped3A : memref<!tpu.dma_semaphore, #tpu.memory_space<semaphore_mem>>) src(%arg10 : memref<128x128xf32, #tpu.memory_space<vmem>>) dst(%dma_wait3A_194 : memref<128x128xf32, #tpu.memory_space<vmem_shared>>)
      tpu.yield
    }) : () -> ()
    %mul3A_94 = arith.constant 640 : i32
    %mul3A_95 = arith.muli %arg1, %mul3A_94 : i32
    %add3A_96 = arith.constant 384 : i32
    %add3A_97 = arith.addi %mul3A_95, %add3A_96 : i32
    "tpu.region"() ({
      %run_scoped3A = tpu.sem_alloc : memref<!tpu.dma_semaphore, #tpu.memory_space<semaphore_mem>>
      %dma_start3A = arith.constant 0 : i32
      %dma_start3A_189 = tpu.memref_slice %arg13[%add3A_97, %dma_start3A] : memref<10240x128xf32, #tpu.memory_space<vmem_shared>> -> memref<128x128xf32, #tpu.memory_space<vmem_shared>>
      %dma_start3A_190 = arith.constant 0 : i32
      %dma_start3A_191 = tpu.memref_slice %arg13[%add3A_97, %dma_start3A_190] : memref<10240x128xf32, #tpu.memory_space<vmem_shared>> -> memref<128x128xf32, #tpu.memory_space<vmem_shared>>
      tpu.enqueue_dma source(%arg10 : memref<128x128xf32, #tpu.memory_space<vmem>>) target(%dma_start3A_191 : memref<128x128xf32, #tpu.memory_space<vmem_shared>>) target_semaphore(%run_scoped3A : memref<!tpu.dma_semaphore, #tpu.memory_space<semaphore_mem>>)
      %dma_wait3A = arith.constant 0 : i32
      %dma_wait3A_192 = tpu.memref_slice %arg13[%add3A_97, %dma_wait3A] : memref<10240x128xf32, #tpu.memory_space<vmem_shared>> -> memref<128x128xf32, #tpu.memory_space<vmem_shared>>
      %dma_wait3A_193 = arith.constant 0 : i32
      %dma_wait3A_194 = tpu.memref_slice %arg13[%add3A_97, %dma_wait3A_193] : memref<10240x128xf32, #tpu.memory_space<vmem_shared>> -> memref<128x128xf32, #tpu.memory_space<vmem_shared>>
      tpu.wait_dma2 semaphore(%run_scoped3A : memref<!tpu.dma_semaphore, #tpu.memory_space<semaphore_mem>>) src(%arg10 : memref<128x128xf32, #tpu.memory_space<vmem>>) dst(%dma_wait3A_194 : memref<128x128xf32, #tpu.memory_space<vmem_shared>>)
      tpu.yield
    }) : () -> ()
    %mul3A_98 = arith.constant 640 : i32
    %mul3A_99 = arith.muli %arg1, %mul3A_98 : i32
    %add3A_100 = arith.constant 512 : i32
    %add3A_101 = arith.addi %mul3A_99, %add3A_100 : i32
    "tpu.region"() ({
      %run_scoped3A = tpu.sem_alloc : memref<!tpu.dma_semaphore, #tpu.memory_space<semaphore_mem>>
      %dma_start3A = arith.constant 0 : i32
      %dma_start3A_189 = tpu.memref_slice %arg13[%add3A_101, %dma_start3A] : memref<10240x128xf32, #tpu.memory_space<vmem_shared>> -> memref<128x128xf32, #tpu.memory_space<vmem_shared>>
      %dma_start3A_190 = arith.constant 0 : i32
      %dma_start3A_191 = tpu.memref_slice %arg13[%add3A_101, %dma_start3A_190] : memref<10240x128xf32, #tpu.memory_space<vmem_shared>> -> memref<128x128xf32, #tpu.memory_space<vmem_shared>>
      tpu.enqueue_dma source(%arg10 : memref<128x128xf32, #tpu.memory_space<vmem>>) target(%dma_start3A_191 : memref<128x128xf32, #tpu.memory_space<vmem_shared>>) target_semaphore(%run_scoped3A : memref<!tpu.dma_semaphore, #tpu.memory_space<semaphore_mem>>)
      %dma_wait3A = arith.constant 0 : i32
      %dma_wait3A_192 = tpu.memref_slice %arg13[%add3A_101, %dma_wait3A] : memref<10240x128xf32, #tpu.memory_space<vmem_shared>> -> memref<128x128xf32, #tpu.memory_space<vmem_shared>>
      %dma_wait3A_193 = arith.constant 0 : i32
      %dma_wait3A_194 = tpu.memref_slice %arg13[%add3A_101, %dma_wait3A_193] : memref<10240x128xf32, #tpu.memory_space<vmem_shared>> -> memref<128x128xf32, #tpu.memory_space<vmem_shared>>
      tpu.wait_dma2 semaphore(%run_scoped3A : memref<!tpu.dma_semaphore, #tpu.memory_space<semaphore_mem>>) src(%arg10 : memref<128x128xf32, #tpu.memory_space<vmem>>) dst(%dma_wait3A_194 : memref<128x128xf32, #tpu.memory_space<vmem_shared>>)
      tpu.yield
    }) : () -> ()
    %barrier3A = arith.constant 0 : index
    tpu.barrier barrier_id(%barrier3A)
    %scan3A_102 = arith.constant 0 : i32
    %scan3A_103 = arith.constant 0 : i32
    %scan3A_104 = arith.constant 80 : i32
    %scan3A_105 = arith.addi %scan3A_103, %scan3A_104 : i32
    %scan3A_106 = arith.constant 1 : i32
    %scan3A_107 = scf.for %scan3A_189 = %scan3A_103 to %scan3A_105 step %scan3A_106 iter_args(%scan3A_190 = %scan3A_102) -> (i32)  : i32 {
      %dma_start3A = arith.constant 0 : i32
      %dma_start3A_191 = tpu.memref_slice %arg8[%scan3A_189, %dma_start3A] : memref<80x128xi32, #tpu.memory_space<vmem>> -> memref<1x128xi32, #tpu.memory_space<vmem>>
      %dma_start3A_192 = tpu.memref_squeeze %dma_start3A_191 : memref<1x128xi32, #tpu.memory_space<vmem>> -> memref<128xi32, #tpu.memory_space<vmem>>
      %dma_start3A_193 = arith.constant 0 : i32
      %dma_start3A_194 = arith.constant 0 : i32
      %dma_start3A_195 = tpu.memref_slice %arg5[%dma_start3A_193, %dma_start3A_194] : memref<20480x128xf32, #tpu.memory_space<hbm>> -> memref<20480x128xf32, #tpu.memory_space<hbm>>
      tpu.enqueue_indirect_dma source(%dma_start3A_195 : memref<20480x128xf32, #tpu.memory_space<hbm>>) target(%arg10 : memref<128x128xf32, #tpu.memory_space<vmem>>) offsets(%dma_start3A_192 : memref<128xi32, #tpu.memory_space<vmem>>) semaphore(%arg14 : memref<!tpu.dma_semaphore, #tpu.memory_space<semaphore_mem>>)
      %dma_wait3A = arith.constant 0 : i32
      %dma_wait3A_196 = tpu.memref_slice %arg8[%scan3A_189, %dma_wait3A] : memref<80x128xi32, #tpu.memory_space<vmem>> -> memref<1x128xi32, #tpu.memory_space<vmem>>
      %dma_wait3A_197 = tpu.memref_squeeze %dma_wait3A_196 : memref<1x128xi32, #tpu.memory_space<vmem>> -> memref<128xi32, #tpu.memory_space<vmem>>
      %dma_wait3A_198 = arith.constant 0 : i32
      %dma_wait3A_199 = arith.constant 0 : i32
      %dma_wait3A_200 = tpu.memref_slice %arg5[%dma_wait3A_198, %dma_wait3A_199] : memref<20480x128xf32, #tpu.memory_space<hbm>> -> memref<20480x128xf32, #tpu.memory_space<hbm>>
      tpu.wait_indirect_dma semaphore(%arg14 : memref<!tpu.dma_semaphore, #tpu.memory_space<semaphore_mem>>) src(%dma_wait3A_200 : memref<20480x128xf32, #tpu.memory_space<hbm>>) dst(%arg10 : memref<128x128xf32, #tpu.memory_space<vmem>>)
      "tpu.region"() ({
        %run_scoped3A = tpu.sem_alloc : memref<!tpu.dma_semaphore, #tpu.memory_space<semaphore_mem>>
        %dma_start3A_202 = arith.constant 0 : i32
        %dma_start3A_203 = tpu.memref_slice %arg9[%scan3A_189, %dma_start3A_202] : memref<80x128xi32, #tpu.memory_space<vmem>> -> memref<1x128xi32, #tpu.memory_space<vmem>>
        %dma_start3A_204 = tpu.memref_squeeze %dma_start3A_203 : memref<1x128xi32, #tpu.memory_space<vmem>> -> memref<128xi32, #tpu.memory_space<vmem>>
        %dma_start3A_205 = arith.constant 0 : i32
        %dma_start3A_206 = arith.constant 0 : i32
        %dma_start3A_207 = tpu.memref_slice %arg13[%dma_start3A_205, %dma_start3A_206] : memref<10240x128xf32, #tpu.memory_space<vmem_shared>> -> memref<10240x128xf32, #tpu.memory_space<vmem_shared>>
        tpu.enqueue_indirect_dma source(%arg10 : memref<128x128xf32, #tpu.memory_space<vmem>>) target(%dma_start3A_207 : memref<10240x128xf32, #tpu.memory_space<vmem_shared>>) offsets(%dma_start3A_204 : memref<128xi32, #tpu.memory_space<vmem>>) semaphore(%run_scoped3A : memref<!tpu.dma_semaphore, #tpu.memory_space<semaphore_mem>>) {add = true}
        %dma_wait3A_208 = arith.constant 0 : i32
        %dma_wait3A_209 = tpu.memref_slice %arg9[%scan3A_189, %dma_wait3A_208] : memref<80x128xi32, #tpu.memory_space<vmem>> -> memref<1x128xi32, #tpu.memory_space<vmem>>
        %dma_wait3A_210 = tpu.memref_squeeze %dma_wait3A_209 : memref<1x128xi32, #tpu.memory_space<vmem>> -> memref<128xi32, #tpu.memory_space<vmem>>
        %dma_wait3A_211 = arith.constant 0 : i32
        %dma_wait3A_212 = arith.constant 0 : i32
        %dma_wait3A_213 = tpu.memref_slice %arg13[%dma_wait3A_211, %dma_wait3A_212] : memref<10240x128xf32, #tpu.memory_space<vmem_shared>> -> memref<10240x128xf32, #tpu.memory_space<vmem_shared>>
        tpu.wait_indirect_dma semaphore(%run_scoped3A : memref<!tpu.dma_semaphore, #tpu.memory_space<semaphore_mem>>) src(%arg10 : memref<128x128xf32, #tpu.memory_space<vmem>>) dst(%dma_wait3A_213 : memref<10240x128xf32, #tpu.memory_space<vmem_shared>>)
        tpu.yield
      }) : () -> ()
      %scan3A_201 = arith.constant 0 : i32
      scf.yield %scan3A_201 : i32
    }
    %scan3A_108 = arith.constant 80 : i32
    %barrier3A_109 = arith.constant 0 : index
    tpu.barrier barrier_id(%barrier3A_109)
    %mul3A_110 = arith.constant 640 : i32
    %mul3A_111 = arith.muli %arg1, %mul3A_110 : i32
    %add3A_112 = arith.constant 0 : i32
    %add3A_113 = arith.addi %mul3A_111, %add3A_112 : i32
    "tpu.region"() ({
      %run_scoped3A = tpu.sem_alloc : memref<!tpu.dma_semaphore, #tpu.memory_space<semaphore_mem>>
      %dma_start3A = arith.constant 0 : i32
      %dma_start3A_189 = tpu.memref_slice %arg13[%add3A_113, %dma_start3A] : memref<10240x128xf32, #tpu.memory_space<vmem_shared>> -> memref<128x128xf32, #tpu.memory_space<vmem_shared>>
      %dma_start3A_190 = arith.constant 0 : i32
      %dma_start3A_191 = tpu.memref_slice %arg13[%add3A_113, %dma_start3A_190] : memref<10240x128xf32, #tpu.memory_space<vmem_shared>> -> memref<128x128xf32, #tpu.memory_space<vmem_shared>>
      tpu.enqueue_dma source(%dma_start3A_191 : memref<128x128xf32, #tpu.memory_space<vmem_shared>>) target(%arg10 : memref<128x128xf32, #tpu.memory_space<vmem>>) target_semaphore(%run_scoped3A : memref<!tpu.dma_semaphore, #tpu.memory_space<semaphore_mem>>)
      %dma_wait3A = arith.constant 0 : i32
      %dma_wait3A_192 = tpu.memref_slice %arg13[%add3A_113, %dma_wait3A] : memref<10240x128xf32, #tpu.memory_space<vmem_shared>> -> memref<128x128xf32, #tpu.memory_space<vmem_shared>>
      %dma_wait3A_193 = arith.constant 0 : i32
      %dma_wait3A_194 = tpu.memref_slice %arg13[%add3A_113, %dma_wait3A_193] : memref<10240x128xf32, #tpu.memory_space<vmem_shared>> -> memref<128x128xf32, #tpu.memory_space<vmem_shared>>
      tpu.wait_dma2 semaphore(%run_scoped3A : memref<!tpu.dma_semaphore, #tpu.memory_space<semaphore_mem>>) src(%dma_wait3A_194 : memref<128x128xf32, #tpu.memory_space<vmem_shared>>) dst(%arg10 : memref<128x128xf32, #tpu.memory_space<vmem>>)
      tpu.yield
    }) : () -> ()
    "tpu.region"() ({
      %run_scoped3A = tpu.sem_alloc : memref<!tpu.dma_semaphore, #tpu.memory_space<semaphore_mem>>
      %dma_start3A = arith.constant 0 : i32
      %dma_start3A_189 = tpu.memref_slice %arg6[%arg0, %add3A_113, %dma_start3A] : memref<2x10240x128xf32, #tpu.memory_space<hbm>> -> memref<1x128x128xf32, #tpu.memory_space<hbm>>
      %dma_start3A_190 = tpu.memref_squeeze %dma_start3A_189 : memref<1x128x128xf32, #tpu.memory_space<hbm>> -> memref<128x128xf32, #tpu.memory_space<hbm>>
      %dma_start3A_191 = arith.constant 0 : i32
      %dma_start3A_192 = tpu.memref_slice %arg6[%arg0, %add3A_113, %dma_start3A_191] : memref<2x10240x128xf32, #tpu.memory_space<hbm>> -> memref<1x128x128xf32, #tpu.memory_space<hbm>>
      %dma_start3A_193 = tpu.memref_squeeze %dma_start3A_192 : memref<1x128x128xf32, #tpu.memory_space<hbm>> -> memref<128x128xf32, #tpu.memory_space<hbm>>
      tpu.enqueue_dma source(%arg10 : memref<128x128xf32, #tpu.memory_space<vmem>>) target(%dma_start3A_193 : memref<128x128xf32, #tpu.memory_space<hbm>>) target_semaphore(%run_scoped3A : memref<!tpu.dma_semaphore, #tpu.memory_space<semaphore_mem>>)
      %dma_wait3A = arith.constant 0 : i32
      %dma_wait3A_194 = tpu.memref_slice %arg6[%arg0, %add3A_113, %dma_wait3A] : memref<2x10240x128xf32, #tpu.memory_space<hbm>> -> memref<1x128x128xf32, #tpu.memory_space<hbm>>
      %dma_wait3A_195 = tpu.memref_squeeze %dma_wait3A_194 : memref<1x128x128xf32, #tpu.memory_space<hbm>> -> memref<128x128xf32, #tpu.memory_space<hbm>>
      %dma_wait3A_196 = arith.constant 0 : i32
      %dma_wait3A_197 = tpu.memref_slice %arg6[%arg0, %add3A_113, %dma_wait3A_196] : memref<2x10240x128xf32, #tpu.memory_space<hbm>> -> memref<1x128x128xf32, #tpu.memory_space<hbm>>
      %dma_wait3A_198 = tpu.memref_squeeze %dma_wait3A_197 : memref<1x128x128xf32, #tpu.memory_space<hbm>> -> memref<128x128xf32, #tpu.memory_space<hbm>>
      tpu.wait_dma2 semaphore(%run_scoped3A : memref<!tpu.dma_semaphore, #tpu.memory_space<semaphore_mem>>) src(%arg10 : memref<128x128xf32, #tpu.memory_space<vmem>>) dst(%dma_wait3A_198 : memref<128x128xf32, #tpu.memory_space<hbm>>)
      tpu.yield
    }) : () -> ()
    %mul3A_114 = arith.constant 640 : i32
    %mul3A_115 = arith.muli %arg1, %mul3A_114 : i32
    %add3A_116 = arith.constant 128 : i32
    %add3A_117 = arith.addi %mul3A_115, %add3A_116 : i32
    "tpu.region"() ({
      %run_scoped3A = tpu.sem_alloc : memref<!tpu.dma_semaphore, #tpu.memory_space<semaphore_mem>>
      %dma_start3A = arith.constant 0 : i32
      %dma_start3A_189 = tpu.memref_slice %arg13[%add3A_117, %dma_start3A] : memref<10240x128xf32, #tpu.memory_space<vmem_shared>> -> memref<128x128xf32, #tpu.memory_space<vmem_shared>>
      %dma_start3A_190 = arith.constant 0 : i32
      %dma_start3A_191 = tpu.memref_slice %arg13[%add3A_117, %dma_start3A_190] : memref<10240x128xf32, #tpu.memory_space<vmem_shared>> -> memref<128x128xf32, #tpu.memory_space<vmem_shared>>
      tpu.enqueue_dma source(%dma_start3A_191 : memref<128x128xf32, #tpu.memory_space<vmem_shared>>) target(%arg10 : memref<128x128xf32, #tpu.memory_space<vmem>>) target_semaphore(%run_scoped3A : memref<!tpu.dma_semaphore, #tpu.memory_space<semaphore_mem>>)
      %dma_wait3A = arith.constant 0 : i32
      %dma_wait3A_192 = tpu.memref_slice %arg13[%add3A_117, %dma_wait3A] : memref<10240x128xf32, #tpu.memory_space<vmem_shared>> -> memref<128x128xf32, #tpu.memory_space<vmem_shared>>
      %dma_wait3A_193 = arith.constant 0 : i32
      %dma_wait3A_194 = tpu.memref_slice %arg13[%add3A_117, %dma_wait3A_193] : memref<10240x128xf32, #tpu.memory_space<vmem_shared>> -> memref<128x128xf32, #tpu.memory_space<vmem_shared>>
      tpu.wait_dma2 semaphore(%run_scoped3A : memref<!tpu.dma_semaphore, #tpu.memory_space<semaphore_mem>>) src(%dma_wait3A_194 : memref<128x128xf32, #tpu.memory_space<vmem_shared>>) dst(%arg10 : memref<128x128xf32, #tpu.memory_space<vmem>>)
      tpu.yield
    }) : () -> ()
    "tpu.region"() ({
      %run_scoped3A = tpu.sem_alloc : memref<!tpu.dma_semaphore, #tpu.memory_space<semaphore_mem>>
      %dma_start3A = arith.constant 0 : i32
      %dma_start3A_189 = tpu.memref_slice %arg6[%arg0, %add3A_117, %dma_start3A] : memref<2x10240x128xf32, #tpu.memory_space<hbm>> -> memref<1x128x128xf32, #tpu.memory_space<hbm>>
      %dma_start3A_190 = tpu.memref_squeeze %dma_start3A_189 : memref<1x128x128xf32, #tpu.memory_space<hbm>> -> memref<128x128xf32, #tpu.memory_space<hbm>>
      %dma_start3A_191 = arith.constant 0 : i32
      %dma_start3A_192 = tpu.memref_slice %arg6[%arg0, %add3A_117, %dma_start3A_191] : memref<2x10240x128xf32, #tpu.memory_space<hbm>> -> memref<1x128x128xf32, #tpu.memory_space<hbm>>
      %dma_start3A_193 = tpu.memref_squeeze %dma_start3A_192 : memref<1x128x128xf32, #tpu.memory_space<hbm>> -> memref<128x128xf32, #tpu.memory_space<hbm>>
      tpu.enqueue_dma source(%arg10 : memref<128x128xf32, #tpu.memory_space<vmem>>) target(%dma_start3A_193 : memref<128x128xf32, #tpu.memory_space<hbm>>) target_semaphore(%run_scoped3A : memref<!tpu.dma_semaphore, #tpu.memory_space<semaphore_mem>>)
      %dma_wait3A = arith.constant 0 : i32
      %dma_wait3A_194 = tpu.memref_slice %arg6[%arg0, %add3A_117, %dma_wait3A] : memref<2x10240x128xf32, #tpu.memory_space<hbm>> -> memref<1x128x128xf32, #tpu.memory_space<hbm>>
      %dma_wait3A_195 = tpu.memref_squeeze %dma_wait3A_194 : memref<1x128x128xf32, #tpu.memory_space<hbm>> -> memref<128x128xf32, #tpu.memory_space<hbm>>
      %dma_wait3A_196 = arith.constant 0 : i32
      %dma_wait3A_197 = tpu.memref_slice %arg6[%arg0, %add3A_117, %dma_wait3A_196] : memref<2x10240x128xf32, #tpu.memory_space<hbm>> -> memref<1x128x128xf32, #tpu.memory_space<hbm>>
      %dma_wait3A_198 = tpu.memref_squeeze %dma_wait3A_197 : memref<1x128x128xf32, #tpu.memory_space<hbm>> -> memref<128x128xf32, #tpu.memory_space<hbm>>
      tpu.wait_dma2 semaphore(%run_scoped3A : memref<!tpu.dma_semaphore, #tpu.memory_space<semaphore_mem>>) src(%arg10 : memref<128x128xf32, #tpu.memory_space<vmem>>) dst(%dma_wait3A_198 : memref<128x128xf32, #tpu.memory_space<hbm>>)
      tpu.yield
    }) : () -> ()
    %mul3A_118 = arith.constant 640 : i32
    %mul3A_119 = arith.muli %arg1, %mul3A_118 : i32
    %add3A_120 = arith.constant 256 : i32
    %add3A_121 = arith.addi %mul3A_119, %add3A_120 : i32
    "tpu.region"() ({
      %run_scoped3A = tpu.sem_alloc : memref<!tpu.dma_semaphore, #tpu.memory_space<semaphore_mem>>
      %dma_start3A = arith.constant 0 : i32
      %dma_start3A_189 = tpu.memref_slice %arg13[%add3A_121, %dma_start3A] : memref<10240x128xf32, #tpu.memory_space<vmem_shared>> -> memref<128x128xf32, #tpu.memory_space<vmem_shared>>
      %dma_start3A_190 = arith.constant 0 : i32
      %dma_start3A_191 = tpu.memref_slice %arg13[%add3A_121, %dma_start3A_190] : memref<10240x128xf32, #tpu.memory_space<vmem_shared>> -> memref<128x128xf32, #tpu.memory_space<vmem_shared>>
      tpu.enqueue_dma source(%dma_start3A_191 : memref<128x128xf32, #tpu.memory_space<vmem_shared>>) target(%arg10 : memref<128x128xf32, #tpu.memory_space<vmem>>) target_semaphore(%run_scoped3A : memref<!tpu.dma_semaphore, #tpu.memory_space<semaphore_mem>>)
      %dma_wait3A = arith.constant 0 : i32
      %dma_wait3A_192 = tpu.memref_slice %arg13[%add3A_121, %dma_wait3A] : memref<10240x128xf32, #tpu.memory_space<vmem_shared>> -> memref<128x128xf32, #tpu.memory_space<vmem_shared>>
      %dma_wait3A_193 = arith.constant 0 : i32
      %dma_wait3A_194 = tpu.memref_slice %arg13[%add3A_121, %dma_wait3A_193] : memref<10240x128xf32, #tpu.memory_space<vmem_shared>> -> memref<128x128xf32, #tpu.memory_space<vmem_shared>>
      tpu.wait_dma2 semaphore(%run_scoped3A : memref<!tpu.dma_semaphore, #tpu.memory_space<semaphore_mem>>) src(%dma_wait3A_194 : memref<128x128xf32, #tpu.memory_space<vmem_shared>>) dst(%arg10 : memref<128x128xf32, #tpu.memory_space<vmem>>)
      tpu.yield
    }) : () -> ()
    "tpu.region"() ({
      %run_scoped3A = tpu.sem_alloc : memref<!tpu.dma_semaphore, #tpu.memory_space<semaphore_mem>>
      %dma_start3A = arith.constant 0 : i32
      %dma_start3A_189 = tpu.memref_slice %arg6[%arg0, %add3A_121, %dma_start3A] : memref<2x10240x128xf32, #tpu.memory_space<hbm>> -> memref<1x128x128xf32, #tpu.memory_space<hbm>>
      %dma_start3A_190 = tpu.memref_squeeze %dma_start3A_189 : memref<1x128x128xf32, #tpu.memory_space<hbm>> -> memref<128x128xf32, #tpu.memory_space<hbm>>
      %dma_start3A_191 = arith.constant 0 : i32
      %dma_start3A_192 = tpu.memref_slice %arg6[%arg0, %add3A_121, %dma_start3A_191] : memref<2x10240x128xf32, #tpu.memory_space<hbm>> -> memref<1x128x128xf32, #tpu.memory_space<hbm>>
      %dma_start3A_193 = tpu.memref_squeeze %dma_start3A_192 : memref<1x128x128xf32, #tpu.memory_space<hbm>> -> memref<128x128xf32, #tpu.memory_space<hbm>>
      tpu.enqueue_dma source(%arg10 : memref<128x128xf32, #tpu.memory_space<vmem>>) target(%dma_start3A_193 : memref<128x128xf32, #tpu.memory_space<hbm>>) target_semaphore(%run_scoped3A : memref<!tpu.dma_semaphore, #tpu.memory_space<semaphore_mem>>)
      %dma_wait3A = arith.constant 0 : i32
      %dma_wait3A_194 = tpu.memref_slice %arg6[%arg0, %add3A_121, %dma_wait3A] : memref<2x10240x128xf32, #tpu.memory_space<hbm>> -> memref<1x128x128xf32, #tpu.memory_space<hbm>>
      %dma_wait3A_195 = tpu.memref_squeeze %dma_wait3A_194 : memref<1x128x128xf32, #tpu.memory_space<hbm>> -> memref<128x128xf32, #tpu.memory_space<hbm>>
      %dma_wait3A_196 = arith.constant 0 : i32
      %dma_wait3A_197 = tpu.memref_slice %arg6[%arg0, %add3A_121, %dma_wait3A_196] : memref<2x10240x128xf32, #tpu.memory_space<hbm>> -> memref<1x128x128xf32, #tpu.memory_space<hbm>>
      %dma_wait3A_198 = tpu.memref_squeeze %dma_wait3A_197 : memref<1x128x128xf32, #tpu.memory_space<hbm>> -> memref<128x128xf32, #tpu.memory_space<hbm>>
      tpu.wait_dma2 semaphore(%run_scoped3A : memref<!tpu.dma_semaphore, #tpu.memory_space<semaphore_mem>>) src(%arg10 : memref<128x128xf32, #tpu.memory_space<vmem>>) dst(%dma_wait3A_198 : memref<128x128xf32, #tpu.memory_space<hbm>>)
      tpu.yield
    }) : () -> ()
    %mul3A_122 = arith.constant 640 : i32
    %mul3A_123 = arith.muli %arg1, %mul3A_122 : i32
    %add3A_124 = arith.constant 384 : i32
    %add3A_125 = arith.addi %mul3A_123, %add3A_124 : i32
    "tpu.region"() ({
      %run_scoped3A = tpu.sem_alloc : memref<!tpu.dma_semaphore, #tpu.memory_space<semaphore_mem>>
      %dma_start3A = arith.constant 0 : i32
      %dma_start3A_189 = tpu.memref_slice %arg13[%add3A_125, %dma_start3A] : memref<10240x128xf32, #tpu.memory_space<vmem_shared>> -> memref<128x128xf32, #tpu.memory_space<vmem_shared>>
      %dma_start3A_190 = arith.constant 0 : i32
      %dma_start3A_191 = tpu.memref_slice %arg13[%add3A_125, %dma_start3A_190] : memref<10240x128xf32, #tpu.memory_space<vmem_shared>> -> memref<128x128xf32, #tpu.memory_space<vmem_shared>>
      tpu.enqueue_dma source(%dma_start3A_191 : memref<128x128xf32, #tpu.memory_space<vmem_shared>>) target(%arg10 : memref<128x128xf32, #tpu.memory_space<vmem>>) target_semaphore(%run_scoped3A : memref<!tpu.dma_semaphore, #tpu.memory_space<semaphore_mem>>)
      %dma_wait3A = arith.constant 0 : i32
      %dma_wait3A_192 = tpu.memref_slice %arg13[%add3A_125, %dma_wait3A] : memref<10240x128xf32, #tpu.memory_space<vmem_shared>> -> memref<128x128xf32, #tpu.memory_space<vmem_shared>>
      %dma_wait3A_193 = arith.constant 0 : i32
      %dma_wait3A_194 = tpu.memref_slice %arg13[%add3A_125, %dma_wait3A_193] : memref<10240x128xf32, #tpu.memory_space<vmem_shared>> -> memref<128x128xf32, #tpu.memory_space<vmem_shared>>
      tpu.wait_dma2 semaphore(%run_scoped3A : memref<!tpu.dma_semaphore, #tpu.memory_space<semaphore_mem>>) src(%dma_wait3A_194 : memref<128x128xf32, #tpu.memory_space<vmem_shared>>) dst(%arg10 : memref<128x128xf32, #tpu.memory_space<vmem>>)
      tpu.yield
    }) : () -> ()
    "tpu.region"() ({
      %run_scoped3A = tpu.sem_alloc : memref<!tpu.dma_semaphore, #tpu.memory_space<semaphore_mem>>
      %dma_start3A = arith.constant 0 : i32
      %dma_start3A_189 = tpu.memref_slice %arg6[%arg0, %add3A_125, %dma_start3A] : memref<2x10240x128xf32, #tpu.memory_space<hbm>> -> memref<1x128x128xf32, #tpu.memory_space<hbm>>
      %dma_start3A_190 = tpu.memref_squeeze %dma_start3A_189 : memref<1x128x128xf32, #tpu.memory_space<hbm>> -> memref<128x128xf32, #tpu.memory_space<hbm>>
      %dma_start3A_191 = arith.constant 0 : i32
      %dma_start3A_192 = tpu.memref_slice %arg6[%arg0, %add3A_125, %dma_start3A_191] : memref<2x10240x128xf32, #tpu.memory_space<hbm>> -> memref<1x128x128xf32, #tpu.memory_space<hbm>>
      %dma_start3A_193 = tpu.memref_squeeze %dma_start3A_192 : memref<1x128x128xf32, #tpu.memory_space<hbm>> -> memref<128x128xf32, #tpu.memory_space<hbm>>
      tpu.enqueue_dma source(%arg10 : memref<128x128xf32, #tpu.memory_space<vmem>>) target(%dma_start3A_193 : memref<128x128xf32, #tpu.memory_space<hbm>>) target_semaphore(%run_scoped3A : memref<!tpu.dma_semaphore, #tpu.memory_space<semaphore_mem>>)
      %dma_wait3A = arith.constant 0 : i32
      %dma_wait3A_194 = tpu.memref_slice %arg6[%arg0, %add3A_125, %dma_wait3A] : memref<2x10240x128xf32, #tpu.memory_space<hbm>> -> memref<1x128x128xf32, #tpu.memory_space<hbm>>
      %dma_wait3A_195 = tpu.memref_squeeze %dma_wait3A_194 : memref<1x128x128xf32, #tpu.memory_space<hbm>> -> memref<128x128xf32, #tpu.memory_space<hbm>>
      %dma_wait3A_196 = arith.constant 0 : i32
      %dma_wait3A_197 = tpu.memref_slice %arg6[%arg0, %add3A_125, %dma_wait3A_196] : memref<2x10240x128xf32, #tpu.memory_space<hbm>> -> memref<1x128x128xf32, #tpu.memory_space<hbm>>
      %dma_wait3A_198 = tpu.memref_squeeze %dma_wait3A_197 : memref<1x128x128xf32, #tpu.memory_space<hbm>> -> memref<128x128xf32, #tpu.memory_space<hbm>>
      tpu.wait_dma2 semaphore(%run_scoped3A : memref<!tpu.dma_semaphore, #tpu.memory_space<semaphore_mem>>) src(%arg10 : memref<128x128xf32, #tpu.memory_space<vmem>>) dst(%dma_wait3A_198 : memref<128x128xf32, #tpu.memory_space<hbm>>)
      tpu.yield
    }) : () -> ()
    %mul3A_126 = arith.constant 640 : i32
    %mul3A_127 = arith.muli %arg1, %mul3A_126 : i32
    %add3A_128 = arith.constant 512 : i32
    %add3A_129 = arith.addi %mul3A_127, %add3A_128 : i32
    "tpu.region"() ({
      %run_scoped3A = tpu.sem_alloc : memref<!tpu.dma_semaphore, #tpu.memory_space<semaphore_mem>>
      %dma_start3A = arith.constant 0 : i32
      %dma_start3A_189 = tpu.memref_slice %arg13[%add3A_129, %dma_start3A] : memref<10240x128xf32, #tpu.memory_space<vmem_shared>> -> memref<128x128xf32, #tpu.memory_space<vmem_shared>>
      %dma_start3A_190 = arith.constant 0 : i32
      %dma_start3A_191 = tpu.memref_slice %arg13[%add3A_129, %dma_start3A_190] : memref<10240x128xf32, #tpu.memory_space<vmem_shared>> -> memref<128x128xf32, #tpu.memory_space<vmem_shared>>
      tpu.enqueue_dma source(%dma_start3A_191 : memref<128x128xf32, #tpu.memory_space<vmem_shared>>) target(%arg10 : memref<128x128xf32, #tpu.memory_space<vmem>>) target_semaphore(%run_scoped3A : memref<!tpu.dma_semaphore, #tpu.memory_space<semaphore_mem>>)
      %dma_wait3A = arith.constant 0 : i32
      %dma_wait3A_192 = tpu.memref_slice %arg13[%add3A_129, %dma_wait3A] : memref<10240x128xf32, #tpu.memory_space<vmem_shared>> -> memref<128x128xf32, #tpu.memory_space<vmem_shared>>
      %dma_wait3A_193 = arith.constant 0 : i32
      %dma_wait3A_194 = tpu.memref_slice %arg13[%add3A_129, %dma_wait3A_193] : memref<10240x128xf32, #tpu.memory_space<vmem_shared>> -> memref<128x128xf32, #tpu.memory_space<vmem_shared>>
      tpu.wait_dma2 semaphore(%run_scoped3A : memref<!tpu.dma_semaphore, #tpu.memory_space<semaphore_mem>>) src(%dma_wait3A_194 : memref<128x128xf32, #tpu.memory_space<vmem_shared>>) dst(%arg10 : memref<128x128xf32, #tpu.memory_space<vmem>>)
      tpu.yield
    }) : () -> ()
    "tpu.region"() ({
      %run_scoped3A = tpu.sem_alloc : memref<!tpu.dma_semaphore, #tpu.memory_space<semaphore_mem>>
      %dma_start3A = arith.constant 0 : i32
      %dma_start3A_189 = tpu.memref_slice %arg6[%arg0, %add3A_129, %dma_start3A] : memref<2x10240x128xf32, #tpu.memory_space<hbm>> -> memref<1x128x128xf32, #tpu.memory_space<hbm>>
      %dma_start3A_190 = tpu.memref_squeeze %dma_start3A_189 : memref<1x128x128xf32, #tpu.memory_space<hbm>> -> memref<128x128xf32, #tpu.memory_space<hbm>>
      %dma_start3A_191 = arith.constant 0 : i32
      %dma_start3A_192 = tpu.memref_slice %arg6[%arg0, %add3A_129, %dma_start3A_191] : memref<2x10240x128xf32, #tpu.memory_space<hbm>> -> memref<1x128x128xf32, #tpu.memory_space<hbm>>
      %dma_start3A_193 = tpu.memref_squeeze %dma_start3A_192 : memref<1x128x128xf32, #tpu.memory_space<hbm>> -> memref<128x128xf32, #tpu.memory_space<hbm>>
      tpu.enqueue_dma source(%arg10 : memref<128x128xf32, #tpu.memory_space<vmem>>) target(%dma_start3A_193 : memref<128x128xf32, #tpu.memory_space<hbm>>) target_semaphore(%run_scoped3A : memref<!tpu.dma_semaphore, #tpu.memory_space<semaphore_mem>>)
      %dma_wait3A = arith.constant 0 : i32
      %dma_wait3A_194 = tpu.memref_slice %arg6[%arg0, %add3A_129, %dma_wait3A] : memref<2x10240x128xf32, #tpu.memory_space<hbm>> -> memref<1x128x128xf32, #tpu.memory_space<hbm>>
      %dma_wait3A_195 = tpu.memref_squeeze %dma_wait3A_194 : memref<1x128x128xf32, #tpu.memory_space<hbm>> -> memref<128x128xf32, #tpu.memory_space<hbm>>
      %dma_wait3A_196 = arith.constant 0 : i32
      %dma_wait3A_197 = tpu.memref_slice %arg6[%arg0, %add3A_129, %dma_wait3A_196] : memref<2x10240x128xf32, #tpu.memory_space<hbm>> -> memref<1x128x128xf32, #tpu.memory_space<hbm>>
      %dma_wait3A_198 = tpu.memref_squeeze %dma_wait3A_197 : memref<1x128x128xf32, #tpu.memory_space<hbm>> -> memref<128x128xf32, #tpu.memory_space<hbm>>
      tpu.wait_dma2 semaphore(%run_scoped3A : memref<!tpu.dma_semaphore, #tpu.memory_space<semaphore_mem>>) src(%arg10 : memref<128x128xf32, #tpu.memory_space<vmem>>) dst(%dma_wait3A_198 : memref<128x128xf32, #tpu.memory_space<hbm>>)
      tpu.yield
    }) : () -> ()
    %barrier3A_130 = arith.constant 0 : index
    tpu.barrier barrier_id(%barrier3A_130)
    %broadcast_in_dim3A_131 = arith.constant 0.000000e+00 : f32
    %broadcast_in_dim3A_132 = vector.broadcast %broadcast_in_dim3A_131 : f32 to vector<16xf32>
    %scan3A_133 = arith.constant 0 : i32
    %scan3A_134 = arith.constant 0 : i32
    %scan3A_135 = arith.constant 128 : i32
    %scan3A_136 = arith.addi %scan3A_134, %scan3A_135 : i32
    %scan3A_137 = arith.constant 1 : i32
    %scan3A_138 = scf.for %scan3A_189 = %scan3A_134 to %scan3A_136 step %scan3A_137 iter_args(%scan3A_190 = %scan3A_133) -> (i32)  : i32 {
      %swap3A = arith.index_cast %scan3A_189 : i32 to index
      %swap3A_191 = arith.constant 0 : index
      %swap3A_192 = tpu.vector_load %arg10[%swap3A, %swap3A_191] {strides = array<i32>} : memref<128x128xf32, #tpu.memory_space<vmem>>, vector<1x16xf32>,
      %swap3A_193 = vector.shape_cast %swap3A_192 : vector<1x16xf32> to vector<16xf32>
      %swap3A_194 = vector.shape_cast %broadcast_in_dim3A_132 : vector<16xf32> to vector<1x16xf32>
      tpu.vector_store %arg10[%swap3A, %swap3A_191], %swap3A_194 {strides = array<i32>} : memref<128x128xf32, #tpu.memory_space<vmem>>, vector<1x16xf32>,
      %swap3A_195 = arith.index_cast %scan3A_189 : i32 to index
      %swap3A_196 = arith.constant 16 : index
      %swap3A_197 = tpu.vector_load %arg10[%swap3A_195, %swap3A_196] {strides = array<i32>} : memref<128x128xf32, #tpu.memory_space<vmem>>, vector<1x16xf32>,
      %swap3A_198 = vector.shape_cast %swap3A_197 : vector<1x16xf32> to vector<16xf32>
      %swap3A_199 = vector.shape_cast %broadcast_in_dim3A_132 : vector<16xf32> to vector<1x16xf32>
      tpu.vector_store %arg10[%swap3A_195, %swap3A_196], %swap3A_199 {strides = array<i32>} : memref<128x128xf32, #tpu.memory_space<vmem>>, vector<1x16xf32>,
      %swap3A_200 = arith.index_cast %scan3A_189 : i32 to index
      %swap3A_201 = arith.constant 32 : index
      %swap3A_202 = tpu.vector_load %arg10[%swap3A_200, %swap3A_201] {strides = array<i32>} : memref<128x128xf32, #tpu.memory_space<vmem>>, vector<1x16xf32>,
      %swap3A_203 = vector.shape_cast %swap3A_202 : vector<1x16xf32> to vector<16xf32>
      %swap3A_204 = vector.shape_cast %broadcast_in_dim3A_132 : vector<16xf32> to vector<1x16xf32>
      tpu.vector_store %arg10[%swap3A_200, %swap3A_201], %swap3A_204 {strides = array<i32>} : memref<128x128xf32, #tpu.memory_space<vmem>>, vector<1x16xf32>,
      %swap3A_205 = arith.index_cast %scan3A_189 : i32 to index
      %swap3A_206 = arith.constant 48 : index
      %swap3A_207 = tpu.vector_load %arg10[%swap3A_205, %swap3A_206] {strides = array<i32>} : memref<128x128xf32, #tpu.memory_space<vmem>>, vector<1x16xf32>,
      %swap3A_208 = vector.shape_cast %swap3A_207 : vector<1x16xf32> to vector<16xf32>
      %swap3A_209 = vector.shape_cast %broadcast_in_dim3A_132 : vector<16xf32> to vector<1x16xf32>
      tpu.vector_store %arg10[%swap3A_205, %swap3A_206], %swap3A_209 {strides = array<i32>} : memref<128x128xf32, #tpu.memory_space<vmem>>, vector<1x16xf32>,
      %swap3A_210 = arith.index_cast %scan3A_189 : i32 to index
      %swap3A_211 = arith.constant 64 : index
      %swap3A_212 = tpu.vector_load %arg10[%swap3A_210, %swap3A_211] {strides = array<i32>} : memref<128x128xf32, #tpu.memory_space<vmem>>, vector<1x16xf32>,
      %swap3A_213 = vector.shape_cast %swap3A_212 : vector<1x16xf32> to vector<16xf32>
      %swap3A_214 = vector.shape_cast %broadcast_in_dim3A_132 : vector<16xf32> to vector<1x16xf32>
      tpu.vector_store %arg10[%swap3A_210, %swap3A_211], %swap3A_214 {strides = array<i32>} : memref<128x128xf32, #tpu.memory_space<vmem>>, vector<1x16xf32>,
      %swap3A_215 = arith.index_cast %scan3A_189 : i32 to index
      %swap3A_216 = arith.constant 80 : index
      %swap3A_217 = tpu.vector_load %arg10[%swap3A_215, %swap3A_216] {strides = array<i32>} : memref<128x128xf32, #tpu.memory_space<vmem>>, vector<1x16xf32>,
      %swap3A_218 = vector.shape_cast %swap3A_217 : vector<1x16xf32> to vector<16xf32>
      %swap3A_219 = vector.shape_cast %broadcast_in_dim3A_132 : vector<16xf32> to vector<1x16xf32>
      tpu.vector_store %arg10[%swap3A_215, %swap3A_216], %swap3A_219 {strides = array<i32>} : memref<128x128xf32, #tpu.memory_space<vmem>>, vector<1x16xf32>,
      %swap3A_220 = arith.index_cast %scan3A_189 : i32 to index
      %swap3A_221 = arith.constant 96 : index
      %swap3A_222 = tpu.vector_load %arg10[%swap3A_220, %swap3A_221] {strides = array<i32>} : memref<128x128xf32, #tpu.memory_space<vmem>>, vector<1x16xf32>,
      %swap3A_223 = vector.shape_cast %swap3A_222 : vector<1x16xf32> to vector<16xf32>
      %swap3A_224 = vector.shape_cast %broadcast_in_dim3A_132 : vector<16xf32> to vector<1x16xf32>
      tpu.vector_store %arg10[%swap3A_220, %swap3A_221], %swap3A_224 {strides = array<i32>} : memref<128x128xf32, #tpu.memory_space<vmem>>, vector<1x16xf32>,
      %swap3A_225 = arith.index_cast %scan3A_189 : i32 to index
      %swap3A_226 = arith.constant 112 : index
      %swap3A_227 = tpu.vector_load %arg10[%swap3A_225, %swap3A_226] {strides = array<i32>} : memref<128x128xf32, #tpu.memory_space<vmem>>, vector<1x16xf32>,
      %swap3A_228 = vector.shape_cast %swap3A_227 : vector<1x16xf32> to vector<16xf32>
      %swap3A_229 = vector.shape_cast %broadcast_in_dim3A_132 : vector<16xf32> to vector<1x16xf32>
      tpu.vector_store %arg10[%swap3A_225, %swap3A_226], %swap3A_229 {strides = array<i32>} : memref<128x128xf32, #tpu.memory_space<vmem>>, vector<1x16xf32>,
      %scan3A_230 = arith.constant 0 : i32
      scf.yield %scan3A_230 : i32
    }
    %scan3A_139 = arith.constant 128 : i32
    %mul3A_140 = arith.constant 640 : i32
    %mul3A_141 = arith.muli %arg1, %mul3A_140 : i32
    %add3A_142 = arith.constant 0 : i32
    %add3A_143 = arith.addi %mul3A_141, %add3A_142 : i32
    "tpu.region"() ({
      %run_scoped3A = tpu.sem_alloc : memref<!tpu.dma_semaphore, #tpu.memory_space<semaphore_mem>>
      %dma_start3A = arith.constant 0 : i32
      %dma_start3A_189 = tpu.memref_slice %arg13[%add3A_143, %dma_start3A] : memref<10240x128xf32, #tpu.memory_space<vmem_shared>> -> memref<128x128xf32, #tpu.memory_space<vmem_shared>>
      %dma_start3A_190 = arith.constant 0 : i32
      %dma_start3A_191 = tpu.memref_slice %arg13[%add3A_143, %dma_start3A_190] : memref<10240x128xf32, #tpu.memory_space<vmem_shared>> -> memref<128x128xf32, #tpu.memory_space<vmem_shared>>
      tpu.enqueue_dma source(%arg10 : memref<128x128xf32, #tpu.memory_space<vmem>>) target(%dma_start3A_191 : memref<128x128xf32, #tpu.memory_space<vmem_shared>>) target_semaphore(%run_scoped3A : memref<!tpu.dma_semaphore, #tpu.memory_space<semaphore_mem>>)
      %dma_wait3A = arith.constant 0 : i32
      %dma_wait3A_192 = tpu.memref_slice %arg13[%add3A_143, %dma_wait3A] : memref<10240x128xf32, #tpu.memory_space<vmem_shared>> -> memref<128x128xf32, #tpu.memory_space<vmem_shared>>
      %dma_wait3A_193 = arith.constant 0 : i32
      %dma_wait3A_194 = tpu.memref_slice %arg13[%add3A_143, %dma_wait3A_193] : memref<10240x128xf32, #tpu.memory_space<vmem_shared>> -> memref<128x128xf32, #tpu.memory_space<vmem_shared>>
      tpu.wait_dma2 semaphore(%run_scoped3A : memref<!tpu.dma_semaphore, #tpu.memory_space<semaphore_mem>>) src(%arg10 : memref<128x128xf32, #tpu.memory_space<vmem>>) dst(%dma_wait3A_194 : memref<128x128xf32, #tpu.memory_space<vmem_shared>>)
      tpu.yield
    }) : () -> ()
    %mul3A_144 = arith.constant 640 : i32
    %mul3A_145 = arith.muli %arg1, %mul3A_144 : i32
    %add3A_146 = arith.constant 128 : i32
    %add3A_147 = arith.addi %mul3A_145, %add3A_146 : i32
    "tpu.region"() ({
      %run_scoped3A = tpu.sem_alloc : memref<!tpu.dma_semaphore, #tpu.memory_space<semaphore_mem>>
      %dma_start3A = arith.constant 0 : i32
      %dma_start3A_189 = tpu.memref_slice %arg13[%add3A_147, %dma_start3A] : memref<10240x128xf32, #tpu.memory_space<vmem_shared>> -> memref<128x128xf32, #tpu.memory_space<vmem_shared>>
      %dma_start3A_190 = arith.constant 0 : i32
      %dma_start3A_191 = tpu.memref_slice %arg13[%add3A_147, %dma_start3A_190] : memref<10240x128xf32, #tpu.memory_space<vmem_shared>> -> memref<128x128xf32, #tpu.memory_space<vmem_shared>>
      tpu.enqueue_dma source(%arg10 : memref<128x128xf32, #tpu.memory_space<vmem>>) target(%dma_start3A_191 : memref<128x128xf32, #tpu.memory_space<vmem_shared>>) target_semaphore(%run_scoped3A : memref<!tpu.dma_semaphore, #tpu.memory_space<semaphore_mem>>)
      %dma_wait3A = arith.constant 0 : i32
      %dma_wait3A_192 = tpu.memref_slice %arg13[%add3A_147, %dma_wait3A] : memref<10240x128xf32, #tpu.memory_space<vmem_shared>> -> memref<128x128xf32, #tpu.memory_space<vmem_shared>>
      %dma_wait3A_193 = arith.constant 0 : i32
      %dma_wait3A_194 = tpu.memref_slice %arg13[%add3A_147, %dma_wait3A_193] : memref<10240x128xf32, #tpu.memory_space<vmem_shared>> -> memref<128x128xf32, #tpu.memory_space<vmem_shared>>
      tpu.wait_dma2 semaphore(%run_scoped3A : memref<!tpu.dma_semaphore, #tpu.memory_space<semaphore_mem>>) src(%arg10 : memref<128x128xf32, #tpu.memory_space<vmem>>) dst(%dma_wait3A_194 : memref<128x128xf32, #tpu.memory_space<vmem_shared>>)
      tpu.yield
    }) : () -> ()
    %mul3A_148 = arith.constant 640 : i32
    %mul3A_149 = arith.muli %arg1, %mul3A_148 : i32
    %add3A_150 = arith.constant 256 : i32
    %add3A_151 = arith.addi %mul3A_149, %add3A_150 : i32
    "tpu.region"() ({
      %run_scoped3A = tpu.sem_alloc : memref<!tpu.dma_semaphore, #tpu.memory_space<semaphore_mem>>
      %dma_start3A = arith.constant 0 : i32
      %dma_start3A_189 = tpu.memref_slice %arg13[%add3A_151, %dma_start3A] : memref<10240x128xf32, #tpu.memory_space<vmem_shared>> -> memref<128x128xf32, #tpu.memory_space<vmem_shared>>
      %dma_start3A_190 = arith.constant 0 : i32
      %dma_start3A_191 = tpu.memref_slice %arg13[%add3A_151, %dma_start3A_190] : memref<10240x128xf32, #tpu.memory_space<vmem_shared>> -> memref<128x128xf32, #tpu.memory_space<vmem_shared>>
      tpu.enqueue_dma source(%arg10 : memref<128x128xf32, #tpu.memory_space<vmem>>) target(%dma_start3A_191 : memref<128x128xf32, #tpu.memory_space<vmem_shared>>) target_semaphore(%run_scoped3A : memref<!tpu.dma_semaphore, #tpu.memory_space<semaphore_mem>>)
      %dma_wait3A = arith.constant 0 : i32
      %dma_wait3A_192 = tpu.memref_slice %arg13[%add3A_151, %dma_wait3A] : memref<10240x128xf32, #tpu.memory_space<vmem_shared>> -> memref<128x128xf32, #tpu.memory_space<vmem_shared>>
      %dma_wait3A_193 = arith.constant 0 : i32
      %dma_wait3A_194 = tpu.memref_slice %arg13[%add3A_151, %dma_wait3A_193] : memref<10240x128xf32, #tpu.memory_space<vmem_shared>> -> memref<128x128xf32, #tpu.memory_space<vmem_shared>>
      tpu.wait_dma2 semaphore(%run_scoped3A : memref<!tpu.dma_semaphore, #tpu.memory_space<semaphore_mem>>) src(%arg10 : memref<128x128xf32, #tpu.memory_space<vmem>>) dst(%dma_wait3A_194 : memref<128x128xf32, #tpu.memory_space<vmem_shared>>)
      tpu.yield
    }) : () -> ()
    %mul3A_152 = arith.constant 640 : i32
    %mul3A_153 = arith.muli %arg1, %mul3A_152 : i32
    %add3A_154 = arith.constant 384 : i32
    %add3A_155 = arith.addi %mul3A_153, %add3A_154 : i32
    "tpu.region"() ({
      %run_scoped3A = tpu.sem_alloc : memref<!tpu.dma_semaphore, #tpu.memory_space<semaphore_mem>>
      %dma_start3A = arith.constant 0 : i32
      %dma_start3A_189 = tpu.memref_slice %arg13[%add3A_155, %dma_start3A] : memref<10240x128xf32, #tpu.memory_space<vmem_shared>> -> memref<128x128xf32, #tpu.memory_space<vmem_shared>>
      %dma_start3A_190 = arith.constant 0 : i32
      %dma_start3A_191 = tpu.memref_slice %arg13[%add3A_155, %dma_start3A_190] : memref<10240x128xf32, #tpu.memory_space<vmem_shared>> -> memref<128x128xf32, #tpu.memory_space<vmem_shared>>
      tpu.enqueue_dma source(%arg10 : memref<128x128xf32, #tpu.memory_space<vmem>>) target(%dma_start3A_191 : memref<128x128xf32, #tpu.memory_space<vmem_shared>>) target_semaphore(%run_scoped3A : memref<!tpu.dma_semaphore, #tpu.memory_space<semaphore_mem>>)
      %dma_wait3A = arith.constant 0 : i32
      %dma_wait3A_192 = tpu.memref_slice %arg13[%add3A_155, %dma_wait3A] : memref<10240x128xf32, #tpu.memory_space<vmem_shared>> -> memref<128x128xf32, #tpu.memory_space<vmem_shared>>
      %dma_wait3A_193 = arith.constant 0 : i32
      %dma_wait3A_194 = tpu.memref_slice %arg13[%add3A_155, %dma_wait3A_193] : memref<10240x128xf32, #tpu.memory_space<vmem_shared>> -> memref<128x128xf32, #tpu.memory_space<vmem_shared>>
      tpu.wait_dma2 semaphore(%run_scoped3A : memref<!tpu.dma_semaphore, #tpu.memory_space<semaphore_mem>>) src(%arg10 : memref<128x128xf32, #tpu.memory_space<vmem>>) dst(%dma_wait3A_194 : memref<128x128xf32, #tpu.memory_space<vmem_shared>>)
      tpu.yield
    }) : () -> ()
    %mul3A_156 = arith.constant 640 : i32
    %mul3A_157 = arith.muli %arg1, %mul3A_156 : i32
    %add3A_158 = arith.constant 512 : i32
    %add3A_159 = arith.addi %mul3A_157, %add3A_158 : i32
    "tpu.region"() ({
      %run_scoped3A = tpu.sem_alloc : memref<!tpu.dma_semaphore, #tpu.memory_space<semaphore_mem>>
      %dma_start3A = arith.constant 0 : i32
      %dma_start3A_189 = tpu.memref_slice %arg13[%add3A_159, %dma_start3A] : memref<10240x128xf32, #tpu.memory_space<vmem_shared>> -> memref<128x128xf32, #tpu.memory_space<vmem_shared>>
      %dma_start3A_190 = arith.constant 0 : i32
      %dma_start3A_191 = tpu.memref_slice %arg13[%add3A_159, %dma_start3A_190] : memref<10240x128xf32, #tpu.memory_space<vmem_shared>> -> memref<128x128xf32, #tpu.memory_space<vmem_shared>>
      tpu.enqueue_dma source(%arg10 : memref<128x128xf32, #tpu.memory_space<vmem>>) target(%dma_start3A_191 : memref<128x128xf32, #tpu.memory_space<vmem_shared>>) target_semaphore(%run_scoped3A : memref<!tpu.dma_semaphore, #tpu.memory_space<semaphore_mem>>)
      %dma_wait3A = arith.constant 0 : i32
      %dma_wait3A_192 = tpu.memref_slice %arg13[%add3A_159, %dma_wait3A] : memref<10240x128xf32, #tpu.memory_space<vmem_shared>> -> memref<128x128xf32, #tpu.memory_space<vmem_shared>>
      %dma_wait3A_193 = arith.constant 0 : i32
      %dma_wait3A_194 = tpu.memref_slice %arg13[%add3A_159, %dma_wait3A_193] : memref<10240x128xf32, #tpu.memory_space<vmem_shared>> -> memref<128x128xf32, #tpu.memory_space<vmem_shared>>
      tpu.wait_dma2 semaphore(%run_scoped3A : memref<!tpu.dma_semaphore, #tpu.memory_space<semaphore_mem>>) src(%arg10 : memref<128x128xf32, #tpu.memory_space<vmem>>) dst(%dma_wait3A_194 : memref<128x128xf32, #tpu.memory_space<vmem_shared>>)
      tpu.yield
    }) : () -> ()
    %barrier3A_160 = arith.constant 0 : index
    tpu.barrier barrier_id(%barrier3A_160)
    %scan3A_161 = arith.constant 0 : i32
    %scan3A_162 = arith.constant 0 : i32
    %scan3A_163 = arith.constant 40 : i32
    %scan3A_164 = arith.addi %scan3A_162, %scan3A_163 : i32
    %scan3A_165 = arith.constant 1 : i32
    %scan3A_166 = scf.for %scan3A_189 = %scan3A_162 to %scan3A_164 step %scan3A_165 iter_args(%scan3A_190 = %scan3A_161) -> (i32)  : i32 {
      %dma_start3A = arith.constant 0 : i32
      %dma_start3A_191 = tpu.memref_slice %arg12[%scan3A_189, %dma_start3A] : memref<40x128xi32, #tpu.memory_space<vmem>> -> memref<1x128xi32, #tpu.memory_space<vmem>>
      %dma_start3A_192 = tpu.memref_squeeze %dma_start3A_191 : memref<1x128xi32, #tpu.memory_space<vmem>> -> memref<128xi32, #tpu.memory_space<vmem>>
      %dma_start3A_193 = arith.constant 0 : i32
      %dma_start3A_194 = arith.constant 0 : i32
      %dma_start3A_195 = tpu.memref_slice %arg4[%dma_start3A_193, %dma_start3A_194] : memref<10240x128xf32, #tpu.memory_space<hbm>> -> memref<10240x128xf32, #tpu.memory_space<hbm>>
      tpu.enqueue_indirect_dma source(%dma_start3A_195 : memref<10240x128xf32, #tpu.memory_space<hbm>>) target(%arg10 : memref<128x128xf32, #tpu.memory_space<vmem>>) offsets(%dma_start3A_192 : memref<128xi32, #tpu.memory_space<vmem>>) semaphore(%arg14 : memref<!tpu.dma_semaphore, #tpu.memory_space<semaphore_mem>>)
      %dma_wait3A = arith.constant 0 : i32
      %dma_wait3A_196 = tpu.memref_slice %arg12[%scan3A_189, %dma_wait3A] : memref<40x128xi32, #tpu.memory_space<vmem>> -> memref<1x128xi32, #tpu.memory_space<vmem>>
      %dma_wait3A_197 = tpu.memref_squeeze %dma_wait3A_196 : memref<1x128xi32, #tpu.memory_space<vmem>> -> memref<128xi32, #tpu.memory_space<vmem>>
      %dma_wait3A_198 = arith.constant 0 : i32
      %dma_wait3A_199 = arith.constant 0 : i32
      %dma_wait3A_200 = tpu.memref_slice %arg4[%dma_wait3A_198, %dma_wait3A_199] : memref<10240x128xf32, #tpu.memory_space<hbm>> -> memref<10240x128xf32, #tpu.memory_space<hbm>>
      tpu.wait_indirect_dma semaphore(%arg14 : memref<!tpu.dma_semaphore, #tpu.memory_space<semaphore_mem>>) src(%dma_wait3A_200 : memref<10240x128xf32, #tpu.memory_space<hbm>>) dst(%arg10 : memref<128x128xf32, #tpu.memory_space<vmem>>)
      "tpu.region"() ({
        %run_scoped3A = tpu.sem_alloc : memref<!tpu.dma_semaphore, #tpu.memory_space<semaphore_mem>>
        %dma_start3A_202 = arith.constant 0 : i32
        %dma_start3A_203 = tpu.memref_slice %arg11[%scan3A_189, %dma_start3A_202] : memref<40x128xi32, #tpu.memory_space<vmem>> -> memref<1x128xi32, #tpu.memory_space<vmem>>
        %dma_start3A_204 = tpu.memref_squeeze %dma_start3A_203 : memref<1x128xi32, #tpu.memory_space<vmem>> -> memref<128xi32, #tpu.memory_space<vmem>>
        %dma_start3A_205 = arith.constant 0 : i32
        %dma_start3A_206 = arith.constant 0 : i32
        %dma_start3A_207 = tpu.memref_slice %arg13[%dma_start3A_205, %dma_start3A_206] : memref<10240x128xf32, #tpu.memory_space<vmem_shared>> -> memref<10240x128xf32, #tpu.memory_space<vmem_shared>>
        tpu.enqueue_indirect_dma source(%arg10 : memref<128x128xf32, #tpu.memory_space<vmem>>) target(%dma_start3A_207 : memref<10240x128xf32, #tpu.memory_space<vmem_shared>>) offsets(%dma_start3A_204 : memref<128xi32, #tpu.memory_space<vmem>>) semaphore(%run_scoped3A : memref<!tpu.dma_semaphore, #tpu.memory_space<semaphore_mem>>) {add = true}
        %dma_wait3A_208 = arith.constant 0 : i32
        %dma_wait3A_209 = tpu.memref_slice %arg11[%scan3A_189, %dma_wait3A_208] : memref<40x128xi32, #tpu.memory_space<vmem>> -> memref<1x128xi32, #tpu.memory_space<vmem>>
        %dma_wait3A_210 = tpu.memref_squeeze %dma_wait3A_209 : memref<1x128xi32, #tpu.memory_space<vmem>> -> memref<128xi32, #tpu.memory_space<vmem>>
        %dma_wait3A_211 = arith.constant 0 : i32
        %dma_wait3A_212 = arith.constant 0 : i32
        %dma_wait3A_213 = tpu.memref_slice %arg13[%dma_wait3A_211, %dma_wait3A_212] : memref<10240x128xf32, #tpu.memory_space<vmem_shared>> -> memref<10240x128xf32, #tpu.memory_space<vmem_shared>>
        tpu.wait_indirect_dma semaphore(%run_scoped3A : memref<!tpu.dma_semaphore, #tpu.memory_space<semaphore_mem>>) src(%arg10 : memref<128x128xf32, #tpu.memory_space<vmem>>) dst(%dma_wait3A_213 : memref<10240x128xf32, #tpu.memory_space<vmem_shared>>)
        tpu.yield
      }) : () -> ()
      %scan3A_201 = arith.constant 0 : i32
      scf.yield %scan3A_201 : i32
    }
    %scan3A_167 = arith.constant 40 : i32
    %barrier3A_168 = arith.constant 0 : index
    tpu.barrier barrier_id(%barrier3A_168)
    %mul3A_169 = arith.constant 640 : i32
    %mul3A_170 = arith.muli %arg1, %mul3A_169 : i32
    %add3A_171 = arith.constant 0 : i32
    %add3A_172 = arith.addi %mul3A_170, %add3A_171 : i32
    "tpu.region"() ({
      %run_scoped3A = tpu.sem_alloc : memref<!tpu.dma_semaphore, #tpu.memory_space<semaphore_mem>>
      %dma_start3A = arith.constant 0 : i32
      %dma_start3A_189 = tpu.memref_slice %arg13[%add3A_172, %dma_start3A] : memref<10240x128xf32, #tpu.memory_space<vmem_shared>> -> memref<128x128xf32, #tpu.memory_space<vmem_shared>>
      %dma_start3A_190 = arith.constant 0 : i32
      %dma_start3A_191 = tpu.memref_slice %arg13[%add3A_172, %dma_start3A_190] : memref<10240x128xf32, #tpu.memory_space<vmem_shared>> -> memref<128x128xf32, #tpu.memory_space<vmem_shared>>
      tpu.enqueue_dma source(%dma_start3A_191 : memref<128x128xf32, #tpu.memory_space<vmem_shared>>) target(%arg10 : memref<128x128xf32, #tpu.memory_space<vmem>>) target_semaphore(%run_scoped3A : memref<!tpu.dma_semaphore, #tpu.memory_space<semaphore_mem>>)
      %dma_wait3A = arith.constant 0 : i32
      %dma_wait3A_192 = tpu.memref_slice %arg13[%add3A_172, %dma_wait3A] : memref<10240x128xf32, #tpu.memory_space<vmem_shared>> -> memref<128x128xf32, #tpu.memory_space<vmem_shared>>
      %dma_wait3A_193 = arith.constant 0 : i32
      %dma_wait3A_194 = tpu.memref_slice %arg13[%add3A_172, %dma_wait3A_193] : memref<10240x128xf32, #tpu.memory_space<vmem_shared>> -> memref<128x128xf32, #tpu.memory_space<vmem_shared>>
      tpu.wait_dma2 semaphore(%run_scoped3A : memref<!tpu.dma_semaphore, #tpu.memory_space<semaphore_mem>>) src(%dma_wait3A_194 : memref<128x128xf32, #tpu.memory_space<vmem_shared>>) dst(%arg10 : memref<128x128xf32, #tpu.memory_space<vmem>>)
      tpu.yield
    }) : () -> ()
    "tpu.region"() ({
      %run_scoped3A = tpu.sem_alloc : memref<!tpu.dma_semaphore, #tpu.memory_space<semaphore_mem>>
      %dma_start3A = arith.constant 0 : i32
      %dma_start3A_189 = tpu.memref_slice %arg7[%arg0, %add3A_172, %dma_start3A] : memref<2x10240x128xf32, #tpu.memory_space<hbm>> -> memref<1x128x128xf32, #tpu.memory_space<hbm>>
      %dma_start3A_190 = tpu.memref_squeeze %dma_start3A_189 : memref<1x128x128xf32, #tpu.memory_space<hbm>> -> memref<128x128xf32, #tpu.memory_space<hbm>>
      %dma_start3A_191 = arith.constant 0 : i32
      %dma_start3A_192 = tpu.memref_slice %arg7[%arg0, %add3A_172, %dma_start3A_191] : memref<2x10240x128xf32, #tpu.memory_space<hbm>> -> memref<1x128x128xf32, #tpu.memory_space<hbm>>
      %dma_start3A_193 = tpu.memref_squeeze %dma_start3A_192 : memref<1x128x128xf32, #tpu.memory_space<hbm>> -> memref<128x128xf32, #tpu.memory_space<hbm>>
      tpu.enqueue_dma source(%arg10 : memref<128x128xf32, #tpu.memory_space<vmem>>) target(%dma_start3A_193 : memref<128x128xf32, #tpu.memory_space<hbm>>) target_semaphore(%run_scoped3A : memref<!tpu.dma_semaphore, #tpu.memory_space<semaphore_mem>>)
      %dma_wait3A = arith.constant 0 : i32
      %dma_wait3A_194 = tpu.memref_slice %arg7[%arg0, %add3A_172, %dma_wait3A] : memref<2x10240x128xf32, #tpu.memory_space<hbm>> -> memref<1x128x128xf32, #tpu.memory_space<hbm>>
      %dma_wait3A_195 = tpu.memref_squeeze %dma_wait3A_194 : memref<1x128x128xf32, #tpu.memory_space<hbm>> -> memref<128x128xf32, #tpu.memory_space<hbm>>
      %dma_wait3A_196 = arith.constant 0 : i32
      %dma_wait3A_197 = tpu.memref_slice %arg7[%arg0, %add3A_172, %dma_wait3A_196] : memref<2x10240x128xf32, #tpu.memory_space<hbm>> -> memref<1x128x128xf32, #tpu.memory_space<hbm>>
      %dma_wait3A_198 = tpu.memref_squeeze %dma_wait3A_197 : memref<1x128x128xf32, #tpu.memory_space<hbm>> -> memref<128x128xf32, #tpu.memory_space<hbm>>
      tpu.wait_dma2 semaphore(%run_scoped3A : memref<!tpu.dma_semaphore, #tpu.memory_space<semaphore_mem>>) src(%arg10 : memref<128x128xf32, #tpu.memory_space<vmem>>) dst(%dma_wait3A_198 : memref<128x128xf32, #tpu.memory_space<hbm>>)
      tpu.yield
    }) : () -> ()
    %mul3A_173 = arith.constant 640 : i32
    %mul3A_174 = arith.muli %arg1, %mul3A_173 : i32
    %add3A_175 = arith.constant 128 : i32
    %add3A_176 = arith.addi %mul3A_174, %add3A_175 : i32
    "tpu.region"() ({
      %run_scoped3A = tpu.sem_alloc : memref<!tpu.dma_semaphore, #tpu.memory_space<semaphore_mem>>
      %dma_start3A = arith.constant 0 : i32
      %dma_start3A_189 = tpu.memref_slice %arg13[%add3A_176, %dma_start3A] : memref<10240x128xf32, #tpu.memory_space<vmem_shared>> -> memref<128x128xf32, #tpu.memory_space<vmem_shared>>
      %dma_start3A_190 = arith.constant 0 : i32
      %dma_start3A_191 = tpu.memref_slice %arg13[%add3A_176, %dma_start3A_190] : memref<10240x128xf32, #tpu.memory_space<vmem_shared>> -> memref<128x128xf32, #tpu.memory_space<vmem_shared>>
      tpu.enqueue_dma source(%dma_start3A_191 : memref<128x128xf32, #tpu.memory_space<vmem_shared>>) target(%arg10 : memref<128x128xf32, #tpu.memory_space<vmem>>) target_semaphore(%run_scoped3A : memref<!tpu.dma_semaphore, #tpu.memory_space<semaphore_mem>>)
      %dma_wait3A = arith.constant 0 : i32
      %dma_wait3A_192 = tpu.memref_slice %arg13[%add3A_176, %dma_wait3A] : memref<10240x128xf32, #tpu.memory_space<vmem_shared>> -> memref<128x128xf32, #tpu.memory_space<vmem_shared>>
      %dma_wait3A_193 = arith.constant 0 : i32
      %dma_wait3A_194 = tpu.memref_slice %arg13[%add3A_176, %dma_wait3A_193] : memref<10240x128xf32, #tpu.memory_space<vmem_shared>> -> memref<128x128xf32, #tpu.memory_space<vmem_shared>>
      tpu.wait_dma2 semaphore(%run_scoped3A : memref<!tpu.dma_semaphore, #tpu.memory_space<semaphore_mem>>) src(%dma_wait3A_194 : memref<128x128xf32, #tpu.memory_space<vmem_shared>>) dst(%arg10 : memref<128x128xf32, #tpu.memory_space<vmem>>)
      tpu.yield
    }) : () -> ()
    "tpu.region"() ({
      %run_scoped3A = tpu.sem_alloc : memref<!tpu.dma_semaphore, #tpu.memory_space<semaphore_mem>>
      %dma_start3A = arith.constant 0 : i32
      %dma_start3A_189 = tpu.memref_slice %arg7[%arg0, %add3A_176, %dma_start3A] : memref<2x10240x128xf32, #tpu.memory_space<hbm>> -> memref<1x128x128xf32, #tpu.memory_space<hbm>>
      %dma_start3A_190 = tpu.memref_squeeze %dma_start3A_189 : memref<1x128x128xf32, #tpu.memory_space<hbm>> -> memref<128x128xf32, #tpu.memory_space<hbm>>
      %dma_start3A_191 = arith.constant 0 : i32
      %dma_start3A_192 = tpu.memref_slice %arg7[%arg0, %add3A_176, %dma_start3A_191] : memref<2x10240x128xf32, #tpu.memory_space<hbm>> -> memref<1x128x128xf32, #tpu.memory_space<hbm>>
      %dma_start3A_193 = tpu.memref_squeeze %dma_start3A_192 : memref<1x128x128xf32, #tpu.memory_space<hbm>> -> memref<128x128xf32, #tpu.memory_space<hbm>>
      tpu.enqueue_dma source(%arg10 : memref<128x128xf32, #tpu.memory_space<vmem>>) target(%dma_start3A_193 : memref<128x128xf32, #tpu.memory_space<hbm>>) target_semaphore(%run_scoped3A : memref<!tpu.dma_semaphore, #tpu.memory_space<semaphore_mem>>)
      %dma_wait3A = arith.constant 0 : i32
      %dma_wait3A_194 = tpu.memref_slice %arg7[%arg0, %add3A_176, %dma_wait3A] : memref<2x10240x128xf32, #tpu.memory_space<hbm>> -> memref<1x128x128xf32, #tpu.memory_space<hbm>>
      %dma_wait3A_195 = tpu.memref_squeeze %dma_wait3A_194 : memref<1x128x128xf32, #tpu.memory_space<hbm>> -> memref<128x128xf32, #tpu.memory_space<hbm>>
      %dma_wait3A_196 = arith.constant 0 : i32
      %dma_wait3A_197 = tpu.memref_slice %arg7[%arg0, %add3A_176, %dma_wait3A_196] : memref<2x10240x128xf32, #tpu.memory_space<hbm>> -> memref<1x128x128xf32, #tpu.memory_space<hbm>>
      %dma_wait3A_198 = tpu.memref_squeeze %dma_wait3A_197 : memref<1x128x128xf32, #tpu.memory_space<hbm>> -> memref<128x128xf32, #tpu.memory_space<hbm>>
      tpu.wait_dma2 semaphore(%run_scoped3A : memref<!tpu.dma_semaphore, #tpu.memory_space<semaphore_mem>>) src(%arg10 : memref<128x128xf32, #tpu.memory_space<vmem>>) dst(%dma_wait3A_198 : memref<128x128xf32, #tpu.memory_space<hbm>>)
      tpu.yield
    }) : () -> ()
    %mul3A_177 = arith.constant 640 : i32
    %mul3A_178 = arith.muli %arg1, %mul3A_177 : i32
    %add3A_179 = arith.constant 256 : i32
    %add3A_180 = arith.addi %mul3A_178, %add3A_179 : i32
    "tpu.region"() ({
      %run_scoped3A = tpu.sem_alloc : memref<!tpu.dma_semaphore, #tpu.memory_space<semaphore_mem>>
      %dma_start3A = arith.constant 0 : i32
      %dma_start3A_189 = tpu.memref_slice %arg13[%add3A_180, %dma_start3A] : memref<10240x128xf32, #tpu.memory_space<vmem_shared>> -> memref<128x128xf32, #tpu.memory_space<vmem_shared>>
      %dma_start3A_190 = arith.constant 0 : i32
      %dma_start3A_191 = tpu.memref_slice %arg13[%add3A_180, %dma_start3A_190] : memref<10240x128xf32, #tpu.memory_space<vmem_shared>> -> memref<128x128xf32, #tpu.memory_space<vmem_shared>>
      tpu.enqueue_dma source(%dma_start3A_191 : memref<128x128xf32, #tpu.memory_space<vmem_shared>>) target(%arg10 : memref<128x128xf32, #tpu.memory_space<vmem>>) target_semaphore(%run_scoped3A : memref<!tpu.dma_semaphore, #tpu.memory_space<semaphore_mem>>)
      %dma_wait3A = arith.constant 0 : i32
      %dma_wait3A_192 = tpu.memref_slice %arg13[%add3A_180, %dma_wait3A] : memref<10240x128xf32, #tpu.memory_space<vmem_shared>> -> memref<128x128xf32, #tpu.memory_space<vmem_shared>>
      %dma_wait3A_193 = arith.constant 0 : i32
      %dma_wait3A_194 = tpu.memref_slice %arg13[%add3A_180, %dma_wait3A_193] : memref<10240x128xf32, #tpu.memory_space<vmem_shared>> -> memref<128x128xf32, #tpu.memory_space<vmem_shared>>
      tpu.wait_dma2 semaphore(%run_scoped3A : memref<!tpu.dma_semaphore, #tpu.memory_space<semaphore_mem>>) src(%dma_wait3A_194 : memref<128x128xf32, #tpu.memory_space<vmem_shared>>) dst(%arg10 : memref<128x128xf32, #tpu.memory_space<vmem>>)
      tpu.yield
    }) : () -> ()
    "tpu.region"() ({
      %run_scoped3A = tpu.sem_alloc : memref<!tpu.dma_semaphore, #tpu.memory_space<semaphore_mem>>
      %dma_start3A = arith.constant 0 : i32
      %dma_start3A_189 = tpu.memref_slice %arg7[%arg0, %add3A_180, %dma_start3A] : memref<2x10240x128xf32, #tpu.memory_space<hbm>> -> memref<1x128x128xf32, #tpu.memory_space<hbm>>
      %dma_start3A_190 = tpu.memref_squeeze %dma_start3A_189 : memref<1x128x128xf32, #tpu.memory_space<hbm>> -> memref<128x128xf32, #tpu.memory_space<hbm>>
      %dma_start3A_191 = arith.constant 0 : i32
      %dma_start3A_192 = tpu.memref_slice %arg7[%arg0, %add3A_180, %dma_start3A_191] : memref<2x10240x128xf32, #tpu.memory_space<hbm>> -> memref<1x128x128xf32, #tpu.memory_space<hbm>>
      %dma_start3A_193 = tpu.memref_squeeze %dma_start3A_192 : memref<1x128x128xf32, #tpu.memory_space<hbm>> -> memref<128x128xf32, #tpu.memory_space<hbm>>
      tpu.enqueue_dma source(%arg10 : memref<128x128xf32, #tpu.memory_space<vmem>>) target(%dma_start3A_193 : memref<128x128xf32, #tpu.memory_space<hbm>>) target_semaphore(%run_scoped3A : memref<!tpu.dma_semaphore, #tpu.memory_space<semaphore_mem>>)
      %dma_wait3A = arith.constant 0 : i32
      %dma_wait3A_194 = tpu.memref_slice %arg7[%arg0, %add3A_180, %dma_wait3A] : memref<2x10240x128xf32, #tpu.memory_space<hbm>> -> memref<1x128x128xf32, #tpu.memory_space<hbm>>
      %dma_wait3A_195 = tpu.memref_squeeze %dma_wait3A_194 : memref<1x128x128xf32, #tpu.memory_space<hbm>> -> memref<128x128xf32, #tpu.memory_space<hbm>>
      %dma_wait3A_196 = arith.constant 0 : i32
      %dma_wait3A_197 = tpu.memref_slice %arg7[%arg0, %add3A_180, %dma_wait3A_196] : memref<2x10240x128xf32, #tpu.memory_space<hbm>> -> memref<1x128x128xf32, #tpu.memory_space<hbm>>
      %dma_wait3A_198 = tpu.memref_squeeze %dma_wait3A_197 : memref<1x128x128xf32, #tpu.memory_space<hbm>> -> memref<128x128xf32, #tpu.memory_space<hbm>>
      tpu.wait_dma2 semaphore(%run_scoped3A : memref<!tpu.dma_semaphore, #tpu.memory_space<semaphore_mem>>) src(%arg10 : memref<128x128xf32, #tpu.memory_space<vmem>>) dst(%dma_wait3A_198 : memref<128x128xf32, #tpu.memory_space<hbm>>)
      tpu.yield
    }) : () -> ()
    %mul3A_181 = arith.constant 640 : i32
    %mul3A_182 = arith.muli %arg1, %mul3A_181 : i32
    %add3A_183 = arith.constant 384 : i32
    %add3A_184 = arith.addi %mul3A_182, %add3A_183 : i32
    "tpu.region"() ({
      %run_scoped3A = tpu.sem_alloc : memref<!tpu.dma_semaphore, #tpu.memory_space<semaphore_mem>>
      %dma_start3A = arith.constant 0 : i32
      %dma_start3A_189 = tpu.memref_slice %arg13[%add3A_184, %dma_start3A] : memref<10240x128xf32, #tpu.memory_space<vmem_shared>> -> memref<128x128xf32, #tpu.memory_space<vmem_shared>>
      %dma_start3A_190 = arith.constant 0 : i32
      %dma_start3A_191 = tpu.memref_slice %arg13[%add3A_184, %dma_start3A_190] : memref<10240x128xf32, #tpu.memory_space<vmem_shared>> -> memref<128x128xf32, #tpu.memory_space<vmem_shared>>
      tpu.enqueue_dma source(%dma_start3A_191 : memref<128x128xf32, #tpu.memory_space<vmem_shared>>) target(%arg10 : memref<128x128xf32, #tpu.memory_space<vmem>>) target_semaphore(%run_scoped3A : memref<!tpu.dma_semaphore, #tpu.memory_space<semaphore_mem>>)
      %dma_wait3A = arith.constant 0 : i32
      %dma_wait3A_192 = tpu.memref_slice %arg13[%add3A_184, %dma_wait3A] : memref<10240x128xf32, #tpu.memory_space<vmem_shared>> -> memref<128x128xf32, #tpu.memory_space<vmem_shared>>
      %dma_wait3A_193 = arith.constant 0 : i32
      %dma_wait3A_194 = tpu.memref_slice %arg13[%add3A_184, %dma_wait3A_193] : memref<10240x128xf32, #tpu.memory_space<vmem_shared>> -> memref<128x128xf32, #tpu.memory_space<vmem_shared>>
      tpu.wait_dma2 semaphore(%run_scoped3A : memref<!tpu.dma_semaphore, #tpu.memory_space<semaphore_mem>>) src(%dma_wait3A_194 : memref<128x128xf32, #tpu.memory_space<vmem_shared>>) dst(%arg10 : memref<128x128xf32, #tpu.memory_space<vmem>>)
      tpu.yield
    }) : () -> ()
    "tpu.region"() ({
      %run_scoped3A = tpu.sem_alloc : memref<!tpu.dma_semaphore, #tpu.memory_space<semaphore_mem>>
      %dma_start3A = arith.constant 0 : i32
      %dma_start3A_189 = tpu.memref_slice %arg7[%arg0, %add3A_184, %dma_start3A] : memref<2x10240x128xf32, #tpu.memory_space<hbm>> -> memref<1x128x128xf32, #tpu.memory_space<hbm>>
      %dma_start3A_190 = tpu.memref_squeeze %dma_start3A_189 : memref<1x128x128xf32, #tpu.memory_space<hbm>> -> memref<128x128xf32, #tpu.memory_space<hbm>>
      %dma_start3A_191 = arith.constant 0 : i32
      %dma_start3A_192 = tpu.memref_slice %arg7[%arg0, %add3A_184, %dma_start3A_191] : memref<2x10240x128xf32, #tpu.memory_space<hbm>> -> memref<1x128x128xf32, #tpu.memory_space<hbm>>
      %dma_start3A_193 = tpu.memref_squeeze %dma_start3A_192 : memref<1x128x128xf32, #tpu.memory_space<hbm>> -> memref<128x128xf32, #tpu.memory_space<hbm>>
      tpu.enqueue_dma source(%arg10 : memref<128x128xf32, #tpu.memory_space<vmem>>) target(%dma_start3A_193 : memref<128x128xf32, #tpu.memory_space<hbm>>) target_semaphore(%run_scoped3A : memref<!tpu.dma_semaphore, #tpu.memory_space<semaphore_mem>>)
      %dma_wait3A = arith.constant 0 : i32
      %dma_wait3A_194 = tpu.memref_slice %arg7[%arg0, %add3A_184, %dma_wait3A] : memref<2x10240x128xf32, #tpu.memory_space<hbm>> -> memref<1x128x128xf32, #tpu.memory_space<hbm>>
      %dma_wait3A_195 = tpu.memref_squeeze %dma_wait3A_194 : memref<1x128x128xf32, #tpu.memory_space<hbm>> -> memref<128x128xf32, #tpu.memory_space<hbm>>
      %dma_wait3A_196 = arith.constant 0 : i32
      %dma_wait3A_197 = tpu.memref_slice %arg7[%arg0, %add3A_184, %dma_wait3A_196] : memref<2x10240x128xf32, #tpu.memory_space<hbm>> -> memref<1x128x128xf32, #tpu.memory_space<hbm>>
      %dma_wait3A_198 = tpu.memref_squeeze %dma_wait3A_197 : memref<1x128x128xf32, #tpu.memory_space<hbm>> -> memref<128x128xf32, #tpu.memory_space<hbm>>
      tpu.wait_dma2 semaphore(%run_scoped3A : memref<!tpu.dma_semaphore, #tpu.memory_space<semaphore_mem>>) src(%arg10 : memref<128x128xf32, #tpu.memory_space<vmem>>) dst(%dma_wait3A_198 : memref<128x128xf32, #tpu.memory_space<hbm>>)
      tpu.yield
    }) : () -> ()
    %mul3A_185 = arith.constant 640 : i32
    %mul3A_186 = arith.muli %arg1, %mul3A_185 : i32
    %add3A_187 = arith.constant 512 : i32
    %add3A_188 = arith.addi %mul3A_186, %add3A_187 : i32
    "tpu.region"() ({
      %run_scoped3A = tpu.sem_alloc : memref<!tpu.dma_semaphore, #tpu.memory_space<semaphore_mem>>
      %dma_start3A = arith.constant 0 : i32
      %dma_start3A_189 = tpu.memref_slice %arg13[%add3A_188, %dma_start3A] : memref<10240x128xf32, #tpu.memory_space<vmem_shared>> -> memref<128x128xf32, #tpu.memory_space<vmem_shared>>
      %dma_start3A_190 = arith.constant 0 : i32
      %dma_start3A_191 = tpu.memref_slice %arg13[%add3A_188, %dma_start3A_190] : memref<10240x128xf32, #tpu.memory_space<vmem_shared>> -> memref<128x128xf32, #tpu.memory_space<vmem_shared>>
      tpu.enqueue_dma source(%dma_start3A_191 : memref<128x128xf32, #tpu.memory_space<vmem_shared>>) target(%arg10 : memref<128x128xf32, #tpu.memory_space<vmem>>) target_semaphore(%run_scoped3A : memref<!tpu.dma_semaphore, #tpu.memory_space<semaphore_mem>>)
      %dma_wait3A = arith.constant 0 : i32
      %dma_wait3A_192 = tpu.memref_slice %arg13[%add3A_188, %dma_wait3A] : memref<10240x128xf32, #tpu.memory_space<vmem_shared>> -> memref<128x128xf32, #tpu.memory_space<vmem_shared>>
      %dma_wait3A_193 = arith.constant 0 : i32
      %dma_wait3A_194 = tpu.memref_slice %arg13[%add3A_188, %dma_wait3A_193] : memref<10240x128xf32, #tpu.memory_space<vmem_shared>> -> memref<128x128xf32, #tpu.memory_space<vmem_shared>>
      tpu.wait_dma2 semaphore(%run_scoped3A : memref<!tpu.dma_semaphore, #tpu.memory_space<semaphore_mem>>) src(%dma_wait3A_194 : memref<128x128xf32, #tpu.memory_space<vmem_shared>>) dst(%arg10 : memref<128x128xf32, #tpu.memory_space<vmem>>)
      tpu.yield
    }) : () -> ()
    "tpu.region"() ({
      %run_scoped3A = tpu.sem_alloc : memref<!tpu.dma_semaphore, #tpu.memory_space<semaphore_mem>>
      %dma_start3A = arith.constant 0 : i32
      %dma_start3A_189 = tpu.memref_slice %arg7[%arg0, %add3A_188, %dma_start3A] : memref<2x10240x128xf32, #tpu.memory_space<hbm>> -> memref<1x128x128xf32, #tpu.memory_space<hbm>>
      %dma_start3A_190 = tpu.memref_squeeze %dma_start3A_189 : memref<1x128x128xf32, #tpu.memory_space<hbm>> -> memref<128x128xf32, #tpu.memory_space<hbm>>
      %dma_start3A_191 = arith.constant 0 : i32
      %dma_start3A_192 = tpu.memref_slice %arg7[%arg0, %add3A_188, %dma_start3A_191] : memref<2x10240x128xf32, #tpu.memory_space<hbm>> -> memref<1x128x128xf32, #tpu.memory_space<hbm>>
      %dma_start3A_193 = tpu.memref_squeeze %dma_start3A_192 : memref<1x128x128xf32, #tpu.memory_space<hbm>> -> memref<128x128xf32, #tpu.memory_space<hbm>>
      tpu.enqueue_dma source(%arg10 : memref<128x128xf32, #tpu.memory_space<vmem>>) target(%dma_start3A_193 : memref<128x128xf32, #tpu.memory_space<hbm>>) target_semaphore(%run_scoped3A : memref<!tpu.dma_semaphore, #tpu.memory_space<semaphore_mem>>)
      %dma_wait3A = arith.constant 0 : i32
      %dma_wait3A_194 = tpu.memref_slice %arg7[%arg0, %add3A_188, %dma_wait3A] : memref<2x10240x128xf32, #tpu.memory_space<hbm>> -> memref<1x128x128xf32, #tpu.memory_space<hbm>>
      %dma_wait3A_195 = tpu.memref_squeeze %dma_wait3A_194 : memref<1x128x128xf32, #tpu.memory_space<hbm>> -> memref<128x128xf32, #tpu.memory_space<hbm>>
      %dma_wait3A_196 = arith.constant 0 : i32
      %dma_wait3A_197 = tpu.memref_slice %arg7[%arg0, %add3A_188, %dma_wait3A_196] : memref<2x10240x128xf32, #tpu.memory_space<hbm>> -> memref<1x128x128xf32, #tpu.memory_space<hbm>>
      %dma_wait3A_198 = tpu.memref_squeeze %dma_wait3A_197 : memref<1x128x128xf32, #tpu.memory_space<hbm>> -> memref<128x128xf32, #tpu.memory_space<hbm>>
      tpu.wait_dma2 semaphore(%run_scoped3A : memref<!tpu.dma_semaphore, #tpu.memory_space<semaphore_mem>>) src(%arg10 : memref<128x128xf32, #tpu.memory_space<vmem>>) dst(%dma_wait3A_198 : memref<128x128xf32, #tpu.memory_space<hbm>>)
      tpu.yield
    }) : () -> ()
    return
  }
}

#map = affine_map<(d0, d1) -> (0, 0, 0)>
#map1 = affine_map<(d0, d1) -> (0, 0)>
module attributes {stable_mosaic.version = 14 : i64} {
  func.func @_sc_pass23(%arg0: i32, %arg1: i32, %arg2: memref<32x80x128xi32, #tpu.memory_space<hbm>>, %arg3: memref<16x80x128xi32, #tpu.memory_space<hbm>>, %arg4: memref<20480x128xf32, #tpu.memory_space<hbm>>, %arg5: memref<20480x128xf32, #tpu.memory_space<hbm>>, %arg6: memref<2x10240x128xf32, #tpu.memory_space<hbm>>, %arg7: memref<2x10240x128xf32, #tpu.memory_space<hbm>>, %arg8: memref<80x128xi32, #tpu.memory_space<vmem>>, %arg9: memref<80x128xi32, #tpu.memory_space<vmem>>, %arg10: memref<128x128xf32, #tpu.memory_space<vmem>>, %arg11: memref<10240x128xf32, #tpu.memory_space<vmem_shared>>, %arg12: memref<!tpu.dma_semaphore, #tpu.memory_space<semaphore_mem>>) attributes {dimension_semantics = [#tpu.dimension_semantics<core_parallel>, #tpu.dimension_semantics<subcore_parallel>], iteration_bounds = array<i64: 2, 16>, scalar_prefetch = 0 : i64, scratch_operands = 5 : i64, tpu.core_type = #tpu.core_type<sc_vector_subcore>, window_params = [{transform_indices = #map}, {transform_indices = #map}, {transform_indices = #map1}, {transform_indices = #map1}, {transform_indices = #map}, {transform_indices = #map}]} {
    %mul3A = arith.constant 16 : i32
    %mul3A_0 = arith.muli %arg0, %mul3A : i32
    %add3A = arith.addi %mul3A_0, %arg1 : i32
    "tpu.region"() ({
      %run_scoped3A = tpu.sem_alloc : memref<!tpu.dma_semaphore, #tpu.memory_space<semaphore_mem>>
      %dma_start3A = arith.constant 0 : i32
      %dma_start3A_116 = arith.constant 0 : i32
      %dma_start3A_117 = tpu.memref_slice %arg2[%add3A, %dma_start3A, %dma_start3A_116] : memref<32x80x128xi32, #tpu.memory_space<hbm>> -> memref<1x80x128xi32, #tpu.memory_space<hbm>>
      %dma_start3A_118 = tpu.memref_squeeze %dma_start3A_117 : memref<1x80x128xi32, #tpu.memory_space<hbm>> -> memref<80x128xi32, #tpu.memory_space<hbm>>
      %dma_start3A_119 = arith.constant 0 : i32
      %dma_start3A_120 = arith.constant 0 : i32
      %dma_start3A_121 = tpu.memref_slice %arg2[%add3A, %dma_start3A_119, %dma_start3A_120] : memref<32x80x128xi32, #tpu.memory_space<hbm>> -> memref<1x80x128xi32, #tpu.memory_space<hbm>>
      %dma_start3A_122 = tpu.memref_squeeze %dma_start3A_121 : memref<1x80x128xi32, #tpu.memory_space<hbm>> -> memref<80x128xi32, #tpu.memory_space<hbm>>
      tpu.enqueue_dma source(%dma_start3A_122 : memref<80x128xi32, #tpu.memory_space<hbm>>) target(%arg8 : memref<80x128xi32, #tpu.memory_space<vmem>>) target_semaphore(%run_scoped3A : memref<!tpu.dma_semaphore, #tpu.memory_space<semaphore_mem>>)
      %dma_wait3A = arith.constant 0 : i32
      %dma_wait3A_123 = arith.constant 0 : i32
      %dma_wait3A_124 = tpu.memref_slice %arg2[%add3A, %dma_wait3A, %dma_wait3A_123] : memref<32x80x128xi32, #tpu.memory_space<hbm>> -> memref<1x80x128xi32, #tpu.memory_space<hbm>>
      %dma_wait3A_125 = tpu.memref_squeeze %dma_wait3A_124 : memref<1x80x128xi32, #tpu.memory_space<hbm>> -> memref<80x128xi32, #tpu.memory_space<hbm>>
      %dma_wait3A_126 = arith.constant 0 : i32
      %dma_wait3A_127 = arith.constant 0 : i32
      %dma_wait3A_128 = tpu.memref_slice %arg2[%add3A, %dma_wait3A_126, %dma_wait3A_127] : memref<32x80x128xi32, #tpu.memory_space<hbm>> -> memref<1x80x128xi32, #tpu.memory_space<hbm>>
      %dma_wait3A_129 = tpu.memref_squeeze %dma_wait3A_128 : memref<1x80x128xi32, #tpu.memory_space<hbm>> -> memref<80x128xi32, #tpu.memory_space<hbm>>
      tpu.wait_dma2 semaphore(%run_scoped3A : memref<!tpu.dma_semaphore, #tpu.memory_space<semaphore_mem>>) src(%dma_wait3A_129 : memref<80x128xi32, #tpu.memory_space<hbm>>) dst(%arg8 : memref<80x128xi32, #tpu.memory_space<vmem>>)
      tpu.yield
    }) : () -> ()
    "tpu.region"() ({
      %run_scoped3A = tpu.sem_alloc : memref<!tpu.dma_semaphore, #tpu.memory_space<semaphore_mem>>
      %dma_start3A = arith.constant 0 : i32
      %dma_start3A_116 = arith.constant 0 : i32
      %dma_start3A_117 = tpu.memref_slice %arg3[%arg1, %dma_start3A, %dma_start3A_116] : memref<16x80x128xi32, #tpu.memory_space<hbm>> -> memref<1x80x128xi32, #tpu.memory_space<hbm>>
      %dma_start3A_118 = tpu.memref_squeeze %dma_start3A_117 : memref<1x80x128xi32, #tpu.memory_space<hbm>> -> memref<80x128xi32, #tpu.memory_space<hbm>>
      %dma_start3A_119 = arith.constant 0 : i32
      %dma_start3A_120 = arith.constant 0 : i32
      %dma_start3A_121 = tpu.memref_slice %arg3[%arg1, %dma_start3A_119, %dma_start3A_120] : memref<16x80x128xi32, #tpu.memory_space<hbm>> -> memref<1x80x128xi32, #tpu.memory_space<hbm>>
      %dma_start3A_122 = tpu.memref_squeeze %dma_start3A_121 : memref<1x80x128xi32, #tpu.memory_space<hbm>> -> memref<80x128xi32, #tpu.memory_space<hbm>>
      tpu.enqueue_dma source(%dma_start3A_122 : memref<80x128xi32, #tpu.memory_space<hbm>>) target(%arg9 : memref<80x128xi32, #tpu.memory_space<vmem>>) target_semaphore(%run_scoped3A : memref<!tpu.dma_semaphore, #tpu.memory_space<semaphore_mem>>)
      %dma_wait3A = arith.constant 0 : i32
      %dma_wait3A_123 = arith.constant 0 : i32
      %dma_wait3A_124 = tpu.memref_slice %arg3[%arg1, %dma_wait3A, %dma_wait3A_123] : memref<16x80x128xi32, #tpu.memory_space<hbm>> -> memref<1x80x128xi32, #tpu.memory_space<hbm>>
      %dma_wait3A_125 = tpu.memref_squeeze %dma_wait3A_124 : memref<1x80x128xi32, #tpu.memory_space<hbm>> -> memref<80x128xi32, #tpu.memory_space<hbm>>
      %dma_wait3A_126 = arith.constant 0 : i32
      %dma_wait3A_127 = arith.constant 0 : i32
      %dma_wait3A_128 = tpu.memref_slice %arg3[%arg1, %dma_wait3A_126, %dma_wait3A_127] : memref<16x80x128xi32, #tpu.memory_space<hbm>> -> memref<1x80x128xi32, #tpu.memory_space<hbm>>
      %dma_wait3A_129 = tpu.memref_squeeze %dma_wait3A_128 : memref<1x80x128xi32, #tpu.memory_space<hbm>> -> memref<80x128xi32, #tpu.memory_space<hbm>>
      tpu.wait_dma2 semaphore(%run_scoped3A : memref<!tpu.dma_semaphore, #tpu.memory_space<semaphore_mem>>) src(%dma_wait3A_129 : memref<80x128xi32, #tpu.memory_space<hbm>>) dst(%arg9 : memref<80x128xi32, #tpu.memory_space<vmem>>)
      tpu.yield
    }) : () -> ()
    %broadcast_in_dim3A = arith.constant 0.000000e+00 : f32
    %broadcast_in_dim3A_1 = vector.broadcast %broadcast_in_dim3A : f32 to vector<16xf32>
    %scan3A = arith.constant 0 : i32
    %scan3A_2 = arith.constant 0 : i32
    %scan3A_3 = arith.constant 128 : i32
    %scan3A_4 = arith.addi %scan3A_2, %scan3A_3 : i32
    %scan3A_5 = arith.constant 1 : i32
    %scan3A_6 = scf.for %scan3A_116 = %scan3A_2 to %scan3A_4 step %scan3A_5 iter_args(%scan3A_117 = %scan3A) -> (i32)  : i32 {
      %swap3A = arith.index_cast %scan3A_116 : i32 to index
      %swap3A_118 = arith.constant 0 : index
      %swap3A_119 = tpu.vector_load %arg10[%swap3A, %swap3A_118] {strides = array<i32>} : memref<128x128xf32, #tpu.memory_space<vmem>>, vector<1x16xf32>,
      %swap3A_120 = vector.shape_cast %swap3A_119 : vector<1x16xf32> to vector<16xf32>
      %swap3A_121 = vector.shape_cast %broadcast_in_dim3A_1 : vector<16xf32> to vector<1x16xf32>
      tpu.vector_store %arg10[%swap3A, %swap3A_118], %swap3A_121 {strides = array<i32>} : memref<128x128xf32, #tpu.memory_space<vmem>>, vector<1x16xf32>,
      %swap3A_122 = arith.index_cast %scan3A_116 : i32 to index
      %swap3A_123 = arith.constant 16 : index
      %swap3A_124 = tpu.vector_load %arg10[%swap3A_122, %swap3A_123] {strides = array<i32>} : memref<128x128xf32, #tpu.memory_space<vmem>>, vector<1x16xf32>,
      %swap3A_125 = vector.shape_cast %swap3A_124 : vector<1x16xf32> to vector<16xf32>
      %swap3A_126 = vector.shape_cast %broadcast_in_dim3A_1 : vector<16xf32> to vector<1x16xf32>
      tpu.vector_store %arg10[%swap3A_122, %swap3A_123], %swap3A_126 {strides = array<i32>} : memref<128x128xf32, #tpu.memory_space<vmem>>, vector<1x16xf32>,
      %swap3A_127 = arith.index_cast %scan3A_116 : i32 to index
      %swap3A_128 = arith.constant 32 : index
      %swap3A_129 = tpu.vector_load %arg10[%swap3A_127, %swap3A_128] {strides = array<i32>} : memref<128x128xf32, #tpu.memory_space<vmem>>, vector<1x16xf32>,
      %swap3A_130 = vector.shape_cast %swap3A_129 : vector<1x16xf32> to vector<16xf32>
      %swap3A_131 = vector.shape_cast %broadcast_in_dim3A_1 : vector<16xf32> to vector<1x16xf32>
      tpu.vector_store %arg10[%swap3A_127, %swap3A_128], %swap3A_131 {strides = array<i32>} : memref<128x128xf32, #tpu.memory_space<vmem>>, vector<1x16xf32>,
      %swap3A_132 = arith.index_cast %scan3A_116 : i32 to index
      %swap3A_133 = arith.constant 48 : index
      %swap3A_134 = tpu.vector_load %arg10[%swap3A_132, %swap3A_133] {strides = array<i32>} : memref<128x128xf32, #tpu.memory_space<vmem>>, vector<1x16xf32>,
      %swap3A_135 = vector.shape_cast %swap3A_134 : vector<1x16xf32> to vector<16xf32>
      %swap3A_136 = vector.shape_cast %broadcast_in_dim3A_1 : vector<16xf32> to vector<1x16xf32>
      tpu.vector_store %arg10[%swap3A_132, %swap3A_133], %swap3A_136 {strides = array<i32>} : memref<128x128xf32, #tpu.memory_space<vmem>>, vector<1x16xf32>,
      %swap3A_137 = arith.index_cast %scan3A_116 : i32 to index
      %swap3A_138 = arith.constant 64 : index
      %swap3A_139 = tpu.vector_load %arg10[%swap3A_137, %swap3A_138] {strides = array<i32>} : memref<128x128xf32, #tpu.memory_space<vmem>>, vector<1x16xf32>,
      %swap3A_140 = vector.shape_cast %swap3A_139 : vector<1x16xf32> to vector<16xf32>
      %swap3A_141 = vector.shape_cast %broadcast_in_dim3A_1 : vector<16xf32> to vector<1x16xf32>
      tpu.vector_store %arg10[%swap3A_137, %swap3A_138], %swap3A_141 {strides = array<i32>} : memref<128x128xf32, #tpu.memory_space<vmem>>, vector<1x16xf32>,
      %swap3A_142 = arith.index_cast %scan3A_116 : i32 to index
      %swap3A_143 = arith.constant 80 : index
      %swap3A_144 = tpu.vector_load %arg10[%swap3A_142, %swap3A_143] {strides = array<i32>} : memref<128x128xf32, #tpu.memory_space<vmem>>, vector<1x16xf32>,
      %swap3A_145 = vector.shape_cast %swap3A_144 : vector<1x16xf32> to vector<16xf32>
      %swap3A_146 = vector.shape_cast %broadcast_in_dim3A_1 : vector<16xf32> to vector<1x16xf32>
      tpu.vector_store %arg10[%swap3A_142, %swap3A_143], %swap3A_146 {strides = array<i32>} : memref<128x128xf32, #tpu.memory_space<vmem>>, vector<1x16xf32>,
      %swap3A_147 = arith.index_cast %scan3A_116 : i32 to index
      %swap3A_148 = arith.constant 96 : index
      %swap3A_149 = tpu.vector_load %arg10[%swap3A_147, %swap3A_148] {strides = array<i32>} : memref<128x128xf32, #tpu.memory_space<vmem>>, vector<1x16xf32>,
      %swap3A_150 = vector.shape_cast %swap3A_149 : vector<1x16xf32> to vector<16xf32>
      %swap3A_151 = vector.shape_cast %broadcast_in_dim3A_1 : vector<16xf32> to vector<1x16xf32>
      tpu.vector_store %arg10[%swap3A_147, %swap3A_148], %swap3A_151 {strides = array<i32>} : memref<128x128xf32, #tpu.memory_space<vmem>>, vector<1x16xf32>,
      %swap3A_152 = arith.index_cast %scan3A_116 : i32 to index
      %swap3A_153 = arith.constant 112 : index
      %swap3A_154 = tpu.vector_load %arg10[%swap3A_152, %swap3A_153] {strides = array<i32>} : memref<128x128xf32, #tpu.memory_space<vmem>>, vector<1x16xf32>,
      %swap3A_155 = vector.shape_cast %swap3A_154 : vector<1x16xf32> to vector<16xf32>
      %swap3A_156 = vector.shape_cast %broadcast_in_dim3A_1 : vector<16xf32> to vector<1x16xf32>
      tpu.vector_store %arg10[%swap3A_152, %swap3A_153], %swap3A_156 {strides = array<i32>} : memref<128x128xf32, #tpu.memory_space<vmem>>, vector<1x16xf32>,
      %scan3A_157 = arith.constant 0 : i32
      scf.yield %scan3A_157 : i32
    }
    %scan3A_7 = arith.constant 128 : i32
    %mul3A_8 = arith.constant 640 : i32
    %mul3A_9 = arith.muli %arg1, %mul3A_8 : i32
    %add3A_10 = arith.constant 0 : i32
    %add3A_11 = arith.addi %mul3A_9, %add3A_10 : i32
    "tpu.region"() ({
      %run_scoped3A = tpu.sem_alloc : memref<!tpu.dma_semaphore, #tpu.memory_space<semaphore_mem>>
      %dma_start3A = arith.constant 0 : i32
      %dma_start3A_116 = tpu.memref_slice %arg11[%add3A_11, %dma_start3A] : memref<10240x128xf32, #tpu.memory_space<vmem_shared>> -> memref<128x128xf32, #tpu.memory_space<vmem_shared>>
      %dma_start3A_117 = arith.constant 0 : i32
      %dma_start3A_118 = tpu.memref_slice %arg11[%add3A_11, %dma_start3A_117] : memref<10240x128xf32, #tpu.memory_space<vmem_shared>> -> memref<128x128xf32, #tpu.memory_space<vmem_shared>>
      tpu.enqueue_dma source(%arg10 : memref<128x128xf32, #tpu.memory_space<vmem>>) target(%dma_start3A_118 : memref<128x128xf32, #tpu.memory_space<vmem_shared>>) target_semaphore(%run_scoped3A : memref<!tpu.dma_semaphore, #tpu.memory_space<semaphore_mem>>)
      %dma_wait3A = arith.constant 0 : i32
      %dma_wait3A_119 = tpu.memref_slice %arg11[%add3A_11, %dma_wait3A] : memref<10240x128xf32, #tpu.memory_space<vmem_shared>> -> memref<128x128xf32, #tpu.memory_space<vmem_shared>>
      %dma_wait3A_120 = arith.constant 0 : i32
      %dma_wait3A_121 = tpu.memref_slice %arg11[%add3A_11, %dma_wait3A_120] : memref<10240x128xf32, #tpu.memory_space<vmem_shared>> -> memref<128x128xf32, #tpu.memory_space<vmem_shared>>
      tpu.wait_dma2 semaphore(%run_scoped3A : memref<!tpu.dma_semaphore, #tpu.memory_space<semaphore_mem>>) src(%arg10 : memref<128x128xf32, #tpu.memory_space<vmem>>) dst(%dma_wait3A_121 : memref<128x128xf32, #tpu.memory_space<vmem_shared>>)
      tpu.yield
    }) : () -> ()
    %mul3A_12 = arith.constant 640 : i32
    %mul3A_13 = arith.muli %arg1, %mul3A_12 : i32
    %add3A_14 = arith.constant 128 : i32
    %add3A_15 = arith.addi %mul3A_13, %add3A_14 : i32
    "tpu.region"() ({
      %run_scoped3A = tpu.sem_alloc : memref<!tpu.dma_semaphore, #tpu.memory_space<semaphore_mem>>
      %dma_start3A = arith.constant 0 : i32
      %dma_start3A_116 = tpu.memref_slice %arg11[%add3A_15, %dma_start3A] : memref<10240x128xf32, #tpu.memory_space<vmem_shared>> -> memref<128x128xf32, #tpu.memory_space<vmem_shared>>
      %dma_start3A_117 = arith.constant 0 : i32
      %dma_start3A_118 = tpu.memref_slice %arg11[%add3A_15, %dma_start3A_117] : memref<10240x128xf32, #tpu.memory_space<vmem_shared>> -> memref<128x128xf32, #tpu.memory_space<vmem_shared>>
      tpu.enqueue_dma source(%arg10 : memref<128x128xf32, #tpu.memory_space<vmem>>) target(%dma_start3A_118 : memref<128x128xf32, #tpu.memory_space<vmem_shared>>) target_semaphore(%run_scoped3A : memref<!tpu.dma_semaphore, #tpu.memory_space<semaphore_mem>>)
      %dma_wait3A = arith.constant 0 : i32
      %dma_wait3A_119 = tpu.memref_slice %arg11[%add3A_15, %dma_wait3A] : memref<10240x128xf32, #tpu.memory_space<vmem_shared>> -> memref<128x128xf32, #tpu.memory_space<vmem_shared>>
      %dma_wait3A_120 = arith.constant 0 : i32
      %dma_wait3A_121 = tpu.memref_slice %arg11[%add3A_15, %dma_wait3A_120] : memref<10240x128xf32, #tpu.memory_space<vmem_shared>> -> memref<128x128xf32, #tpu.memory_space<vmem_shared>>
      tpu.wait_dma2 semaphore(%run_scoped3A : memref<!tpu.dma_semaphore, #tpu.memory_space<semaphore_mem>>) src(%arg10 : memref<128x128xf32, #tpu.memory_space<vmem>>) dst(%dma_wait3A_121 : memref<128x128xf32, #tpu.memory_space<vmem_shared>>)
      tpu.yield
    }) : () -> ()
    %mul3A_16 = arith.constant 640 : i32
    %mul3A_17 = arith.muli %arg1, %mul3A_16 : i32
    %add3A_18 = arith.constant 256 : i32
    %add3A_19 = arith.addi %mul3A_17, %add3A_18 : i32
    "tpu.region"() ({
      %run_scoped3A = tpu.sem_alloc : memref<!tpu.dma_semaphore, #tpu.memory_space<semaphore_mem>>
      %dma_start3A = arith.constant 0 : i32
      %dma_start3A_116 = tpu.memref_slice %arg11[%add3A_19, %dma_start3A] : memref<10240x128xf32, #tpu.memory_space<vmem_shared>> -> memref<128x128xf32, #tpu.memory_space<vmem_shared>>
      %dma_start3A_117 = arith.constant 0 : i32
      %dma_start3A_118 = tpu.memref_slice %arg11[%add3A_19, %dma_start3A_117] : memref<10240x128xf32, #tpu.memory_space<vmem_shared>> -> memref<128x128xf32, #tpu.memory_space<vmem_shared>>
      tpu.enqueue_dma source(%arg10 : memref<128x128xf32, #tpu.memory_space<vmem>>) target(%dma_start3A_118 : memref<128x128xf32, #tpu.memory_space<vmem_shared>>) target_semaphore(%run_scoped3A : memref<!tpu.dma_semaphore, #tpu.memory_space<semaphore_mem>>)
      %dma_wait3A = arith.constant 0 : i32
      %dma_wait3A_119 = tpu.memref_slice %arg11[%add3A_19, %dma_wait3A] : memref<10240x128xf32, #tpu.memory_space<vmem_shared>> -> memref<128x128xf32, #tpu.memory_space<vmem_shared>>
      %dma_wait3A_120 = arith.constant 0 : i32
      %dma_wait3A_121 = tpu.memref_slice %arg11[%add3A_19, %dma_wait3A_120] : memref<10240x128xf32, #tpu.memory_space<vmem_shared>> -> memref<128x128xf32, #tpu.memory_space<vmem_shared>>
      tpu.wait_dma2 semaphore(%run_scoped3A : memref<!tpu.dma_semaphore, #tpu.memory_space<semaphore_mem>>) src(%arg10 : memref<128x128xf32, #tpu.memory_space<vmem>>) dst(%dma_wait3A_121 : memref<128x128xf32, #tpu.memory_space<vmem_shared>>)
      tpu.yield
    }) : () -> ()
    %mul3A_20 = arith.constant 640 : i32
    %mul3A_21 = arith.muli %arg1, %mul3A_20 : i32
    %add3A_22 = arith.constant 384 : i32
    %add3A_23 = arith.addi %mul3A_21, %add3A_22 : i32
    "tpu.region"() ({
      %run_scoped3A = tpu.sem_alloc : memref<!tpu.dma_semaphore, #tpu.memory_space<semaphore_mem>>
      %dma_start3A = arith.constant 0 : i32
      %dma_start3A_116 = tpu.memref_slice %arg11[%add3A_23, %dma_start3A] : memref<10240x128xf32, #tpu.memory_space<vmem_shared>> -> memref<128x128xf32, #tpu.memory_space<vmem_shared>>
      %dma_start3A_117 = arith.constant 0 : i32
      %dma_start3A_118 = tpu.memref_slice %arg11[%add3A_23, %dma_start3A_117] : memref<10240x128xf32, #tpu.memory_space<vmem_shared>> -> memref<128x128xf32, #tpu.memory_space<vmem_shared>>
      tpu.enqueue_dma source(%arg10 : memref<128x128xf32, #tpu.memory_space<vmem>>) target(%dma_start3A_118 : memref<128x128xf32, #tpu.memory_space<vmem_shared>>) target_semaphore(%run_scoped3A : memref<!tpu.dma_semaphore, #tpu.memory_space<semaphore_mem>>)
      %dma_wait3A = arith.constant 0 : i32
      %dma_wait3A_119 = tpu.memref_slice %arg11[%add3A_23, %dma_wait3A] : memref<10240x128xf32, #tpu.memory_space<vmem_shared>> -> memref<128x128xf32, #tpu.memory_space<vmem_shared>>
      %dma_wait3A_120 = arith.constant 0 : i32
      %dma_wait3A_121 = tpu.memref_slice %arg11[%add3A_23, %dma_wait3A_120] : memref<10240x128xf32, #tpu.memory_space<vmem_shared>> -> memref<128x128xf32, #tpu.memory_space<vmem_shared>>
      tpu.wait_dma2 semaphore(%run_scoped3A : memref<!tpu.dma_semaphore, #tpu.memory_space<semaphore_mem>>) src(%arg10 : memref<128x128xf32, #tpu.memory_space<vmem>>) dst(%dma_wait3A_121 : memref<128x128xf32, #tpu.memory_space<vmem_shared>>)
      tpu.yield
    }) : () -> ()
    %mul3A_24 = arith.constant 640 : i32
    %mul3A_25 = arith.muli %arg1, %mul3A_24 : i32
    %add3A_26 = arith.constant 512 : i32
    %add3A_27 = arith.addi %mul3A_25, %add3A_26 : i32
    "tpu.region"() ({
      %run_scoped3A = tpu.sem_alloc : memref<!tpu.dma_semaphore, #tpu.memory_space<semaphore_mem>>
      %dma_start3A = arith.constant 0 : i32
      %dma_start3A_116 = tpu.memref_slice %arg11[%add3A_27, %dma_start3A] : memref<10240x128xf32, #tpu.memory_space<vmem_shared>> -> memref<128x128xf32, #tpu.memory_space<vmem_shared>>
      %dma_start3A_117 = arith.constant 0 : i32
      %dma_start3A_118 = tpu.memref_slice %arg11[%add3A_27, %dma_start3A_117] : memref<10240x128xf32, #tpu.memory_space<vmem_shared>> -> memref<128x128xf32, #tpu.memory_space<vmem_shared>>
      tpu.enqueue_dma source(%arg10 : memref<128x128xf32, #tpu.memory_space<vmem>>) target(%dma_start3A_118 : memref<128x128xf32, #tpu.memory_space<vmem_shared>>) target_semaphore(%run_scoped3A : memref<!tpu.dma_semaphore, #tpu.memory_space<semaphore_mem>>)
      %dma_wait3A = arith.constant 0 : i32
      %dma_wait3A_119 = tpu.memref_slice %arg11[%add3A_27, %dma_wait3A] : memref<10240x128xf32, #tpu.memory_space<vmem_shared>> -> memref<128x128xf32, #tpu.memory_space<vmem_shared>>
      %dma_wait3A_120 = arith.constant 0 : i32
      %dma_wait3A_121 = tpu.memref_slice %arg11[%add3A_27, %dma_wait3A_120] : memref<10240x128xf32, #tpu.memory_space<vmem_shared>> -> memref<128x128xf32, #tpu.memory_space<vmem_shared>>
      tpu.wait_dma2 semaphore(%run_scoped3A : memref<!tpu.dma_semaphore, #tpu.memory_space<semaphore_mem>>) src(%arg10 : memref<128x128xf32, #tpu.memory_space<vmem>>) dst(%dma_wait3A_121 : memref<128x128xf32, #tpu.memory_space<vmem_shared>>)
      tpu.yield
    }) : () -> ()
    %barrier3A = arith.constant 0 : index
    tpu.barrier barrier_id(%barrier3A)
    %scan3A_28 = arith.constant 0 : i32
    %scan3A_29 = arith.constant 0 : i32
    %scan3A_30 = arith.constant 80 : i32
    %scan3A_31 = arith.addi %scan3A_29, %scan3A_30 : i32
    %scan3A_32 = arith.constant 1 : i32
    %scan3A_33 = scf.for %scan3A_116 = %scan3A_29 to %scan3A_31 step %scan3A_32 iter_args(%scan3A_117 = %scan3A_28) -> (i32)  : i32 {
      %dma_start3A = arith.constant 0 : i32
      %dma_start3A_118 = tpu.memref_slice %arg8[%scan3A_116, %dma_start3A] : memref<80x128xi32, #tpu.memory_space<vmem>> -> memref<1x128xi32, #tpu.memory_space<vmem>>
      %dma_start3A_119 = tpu.memref_squeeze %dma_start3A_118 : memref<1x128xi32, #tpu.memory_space<vmem>> -> memref<128xi32, #tpu.memory_space<vmem>>
      %dma_start3A_120 = arith.constant 0 : i32
      %dma_start3A_121 = arith.constant 0 : i32
      %dma_start3A_122 = tpu.memref_slice %arg4[%dma_start3A_120, %dma_start3A_121] : memref<20480x128xf32, #tpu.memory_space<hbm>> -> memref<20480x128xf32, #tpu.memory_space<hbm>>
      tpu.enqueue_indirect_dma source(%dma_start3A_122 : memref<20480x128xf32, #tpu.memory_space<hbm>>) target(%arg10 : memref<128x128xf32, #tpu.memory_space<vmem>>) offsets(%dma_start3A_119 : memref<128xi32, #tpu.memory_space<vmem>>) semaphore(%arg12 : memref<!tpu.dma_semaphore, #tpu.memory_space<semaphore_mem>>)
      %dma_wait3A = arith.constant 0 : i32
      %dma_wait3A_123 = tpu.memref_slice %arg8[%scan3A_116, %dma_wait3A] : memref<80x128xi32, #tpu.memory_space<vmem>> -> memref<1x128xi32, #tpu.memory_space<vmem>>
      %dma_wait3A_124 = tpu.memref_squeeze %dma_wait3A_123 : memref<1x128xi32, #tpu.memory_space<vmem>> -> memref<128xi32, #tpu.memory_space<vmem>>
      %dma_wait3A_125 = arith.constant 0 : i32
      %dma_wait3A_126 = arith.constant 0 : i32
      %dma_wait3A_127 = tpu.memref_slice %arg4[%dma_wait3A_125, %dma_wait3A_126] : memref<20480x128xf32, #tpu.memory_space<hbm>> -> memref<20480x128xf32, #tpu.memory_space<hbm>>
      tpu.wait_indirect_dma semaphore(%arg12 : memref<!tpu.dma_semaphore, #tpu.memory_space<semaphore_mem>>) src(%dma_wait3A_127 : memref<20480x128xf32, #tpu.memory_space<hbm>>) dst(%arg10 : memref<128x128xf32, #tpu.memory_space<vmem>>)
      "tpu.region"() ({
        %run_scoped3A = tpu.sem_alloc : memref<!tpu.dma_semaphore, #tpu.memory_space<semaphore_mem>>
        %dma_start3A_129 = arith.constant 0 : i32
        %dma_start3A_130 = tpu.memref_slice %arg9[%scan3A_116, %dma_start3A_129] : memref<80x128xi32, #tpu.memory_space<vmem>> -> memref<1x128xi32, #tpu.memory_space<vmem>>
        %dma_start3A_131 = tpu.memref_squeeze %dma_start3A_130 : memref<1x128xi32, #tpu.memory_space<vmem>> -> memref<128xi32, #tpu.memory_space<vmem>>
        %dma_start3A_132 = arith.constant 0 : i32
        %dma_start3A_133 = arith.constant 0 : i32
        %dma_start3A_134 = tpu.memref_slice %arg11[%dma_start3A_132, %dma_start3A_133] : memref<10240x128xf32, #tpu.memory_space<vmem_shared>> -> memref<10240x128xf32, #tpu.memory_space<vmem_shared>>
        tpu.enqueue_indirect_dma source(%arg10 : memref<128x128xf32, #tpu.memory_space<vmem>>) target(%dma_start3A_134 : memref<10240x128xf32, #tpu.memory_space<vmem_shared>>) offsets(%dma_start3A_131 : memref<128xi32, #tpu.memory_space<vmem>>) semaphore(%run_scoped3A : memref<!tpu.dma_semaphore, #tpu.memory_space<semaphore_mem>>) {add = true}
        %dma_wait3A_135 = arith.constant 0 : i32
        %dma_wait3A_136 = tpu.memref_slice %arg9[%scan3A_116, %dma_wait3A_135] : memref<80x128xi32, #tpu.memory_space<vmem>> -> memref<1x128xi32, #tpu.memory_space<vmem>>
        %dma_wait3A_137 = tpu.memref_squeeze %dma_wait3A_136 : memref<1x128xi32, #tpu.memory_space<vmem>> -> memref<128xi32, #tpu.memory_space<vmem>>
        %dma_wait3A_138 = arith.constant 0 : i32
        %dma_wait3A_139 = arith.constant 0 : i32
        %dma_wait3A_140 = tpu.memref_slice %arg11[%dma_wait3A_138, %dma_wait3A_139] : memref<10240x128xf32, #tpu.memory_space<vmem_shared>> -> memref<10240x128xf32, #tpu.memory_space<vmem_shared>>
        tpu.wait_indirect_dma semaphore(%run_scoped3A : memref<!tpu.dma_semaphore, #tpu.memory_space<semaphore_mem>>) src(%arg10 : memref<128x128xf32, #tpu.memory_space<vmem>>) dst(%dma_wait3A_140 : memref<10240x128xf32, #tpu.memory_space<vmem_shared>>)
        tpu.yield
      }) : () -> ()
      %scan3A_128 = arith.constant 0 : i32
      scf.yield %scan3A_128 : i32
    }
    %scan3A_34 = arith.constant 80 : i32
    %barrier3A_35 = arith.constant 0 : index
    tpu.barrier barrier_id(%barrier3A_35)
    %mul3A_36 = arith.constant 640 : i32
    %mul3A_37 = arith.muli %arg1, %mul3A_36 : i32
    %add3A_38 = arith.constant 0 : i32
    %add3A_39 = arith.addi %mul3A_37, %add3A_38 : i32
    "tpu.region"() ({
      %run_scoped3A = tpu.sem_alloc : memref<!tpu.dma_semaphore, #tpu.memory_space<semaphore_mem>>
      %dma_start3A = arith.constant 0 : i32
      %dma_start3A_116 = tpu.memref_slice %arg11[%add3A_39, %dma_start3A] : memref<10240x128xf32, #tpu.memory_space<vmem_shared>> -> memref<128x128xf32, #tpu.memory_space<vmem_shared>>
      %dma_start3A_117 = arith.constant 0 : i32
      %dma_start3A_118 = tpu.memref_slice %arg11[%add3A_39, %dma_start3A_117] : memref<10240x128xf32, #tpu.memory_space<vmem_shared>> -> memref<128x128xf32, #tpu.memory_space<vmem_shared>>
      tpu.enqueue_dma source(%dma_start3A_118 : memref<128x128xf32, #tpu.memory_space<vmem_shared>>) target(%arg10 : memref<128x128xf32, #tpu.memory_space<vmem>>) target_semaphore(%run_scoped3A : memref<!tpu.dma_semaphore, #tpu.memory_space<semaphore_mem>>)
      %dma_wait3A = arith.constant 0 : i32
      %dma_wait3A_119 = tpu.memref_slice %arg11[%add3A_39, %dma_wait3A] : memref<10240x128xf32, #tpu.memory_space<vmem_shared>> -> memref<128x128xf32, #tpu.memory_space<vmem_shared>>
      %dma_wait3A_120 = arith.constant 0 : i32
      %dma_wait3A_121 = tpu.memref_slice %arg11[%add3A_39, %dma_wait3A_120] : memref<10240x128xf32, #tpu.memory_space<vmem_shared>> -> memref<128x128xf32, #tpu.memory_space<vmem_shared>>
      tpu.wait_dma2 semaphore(%run_scoped3A : memref<!tpu.dma_semaphore, #tpu.memory_space<semaphore_mem>>) src(%dma_wait3A_121 : memref<128x128xf32, #tpu.memory_space<vmem_shared>>) dst(%arg10 : memref<128x128xf32, #tpu.memory_space<vmem>>)
      tpu.yield
    }) : () -> ()
    "tpu.region"() ({
      %run_scoped3A = tpu.sem_alloc : memref<!tpu.dma_semaphore, #tpu.memory_space<semaphore_mem>>
      %dma_start3A = arith.constant 0 : i32
      %dma_start3A_116 = tpu.memref_slice %arg6[%arg0, %add3A_39, %dma_start3A] : memref<2x10240x128xf32, #tpu.memory_space<hbm>> -> memref<1x128x128xf32, #tpu.memory_space<hbm>>
      %dma_start3A_117 = tpu.memref_squeeze %dma_start3A_116 : memref<1x128x128xf32, #tpu.memory_space<hbm>> -> memref<128x128xf32, #tpu.memory_space<hbm>>
      %dma_start3A_118 = arith.constant 0 : i32
      %dma_start3A_119 = tpu.memref_slice %arg6[%arg0, %add3A_39, %dma_start3A_118] : memref<2x10240x128xf32, #tpu.memory_space<hbm>> -> memref<1x128x128xf32, #tpu.memory_space<hbm>>
      %dma_start3A_120 = tpu.memref_squeeze %dma_start3A_119 : memref<1x128x128xf32, #tpu.memory_space<hbm>> -> memref<128x128xf32, #tpu.memory_space<hbm>>
      tpu.enqueue_dma source(%arg10 : memref<128x128xf32, #tpu.memory_space<vmem>>) target(%dma_start3A_120 : memref<128x128xf32, #tpu.memory_space<hbm>>) target_semaphore(%run_scoped3A : memref<!tpu.dma_semaphore, #tpu.memory_space<semaphore_mem>>)
      %dma_wait3A = arith.constant 0 : i32
      %dma_wait3A_121 = tpu.memref_slice %arg6[%arg0, %add3A_39, %dma_wait3A] : memref<2x10240x128xf32, #tpu.memory_space<hbm>> -> memref<1x128x128xf32, #tpu.memory_space<hbm>>
      %dma_wait3A_122 = tpu.memref_squeeze %dma_wait3A_121 : memref<1x128x128xf32, #tpu.memory_space<hbm>> -> memref<128x128xf32, #tpu.memory_space<hbm>>
      %dma_wait3A_123 = arith.constant 0 : i32
      %dma_wait3A_124 = tpu.memref_slice %arg6[%arg0, %add3A_39, %dma_wait3A_123] : memref<2x10240x128xf32, #tpu.memory_space<hbm>> -> memref<1x128x128xf32, #tpu.memory_space<hbm>>
      %dma_wait3A_125 = tpu.memref_squeeze %dma_wait3A_124 : memref<1x128x128xf32, #tpu.memory_space<hbm>> -> memref<128x128xf32, #tpu.memory_space<hbm>>
      tpu.wait_dma2 semaphore(%run_scoped3A : memref<!tpu.dma_semaphore, #tpu.memory_space<semaphore_mem>>) src(%arg10 : memref<128x128xf32, #tpu.memory_space<vmem>>) dst(%dma_wait3A_125 : memref<128x128xf32, #tpu.memory_space<hbm>>)
      tpu.yield
    }) : () -> ()
    %mul3A_40 = arith.constant 640 : i32
    %mul3A_41 = arith.muli %arg1, %mul3A_40 : i32
    %add3A_42 = arith.constant 128 : i32
    %add3A_43 = arith.addi %mul3A_41, %add3A_42 : i32
    "tpu.region"() ({
      %run_scoped3A = tpu.sem_alloc : memref<!tpu.dma_semaphore, #tpu.memory_space<semaphore_mem>>
      %dma_start3A = arith.constant 0 : i32
      %dma_start3A_116 = tpu.memref_slice %arg11[%add3A_43, %dma_start3A] : memref<10240x128xf32, #tpu.memory_space<vmem_shared>> -> memref<128x128xf32, #tpu.memory_space<vmem_shared>>
      %dma_start3A_117 = arith.constant 0 : i32
      %dma_start3A_118 = tpu.memref_slice %arg11[%add3A_43, %dma_start3A_117] : memref<10240x128xf32, #tpu.memory_space<vmem_shared>> -> memref<128x128xf32, #tpu.memory_space<vmem_shared>>
      tpu.enqueue_dma source(%dma_start3A_118 : memref<128x128xf32, #tpu.memory_space<vmem_shared>>) target(%arg10 : memref<128x128xf32, #tpu.memory_space<vmem>>) target_semaphore(%run_scoped3A : memref<!tpu.dma_semaphore, #tpu.memory_space<semaphore_mem>>)
      %dma_wait3A = arith.constant 0 : i32
      %dma_wait3A_119 = tpu.memref_slice %arg11[%add3A_43, %dma_wait3A] : memref<10240x128xf32, #tpu.memory_space<vmem_shared>> -> memref<128x128xf32, #tpu.memory_space<vmem_shared>>
      %dma_wait3A_120 = arith.constant 0 : i32
      %dma_wait3A_121 = tpu.memref_slice %arg11[%add3A_43, %dma_wait3A_120] : memref<10240x128xf32, #tpu.memory_space<vmem_shared>> -> memref<128x128xf32, #tpu.memory_space<vmem_shared>>
      tpu.wait_dma2 semaphore(%run_scoped3A : memref<!tpu.dma_semaphore, #tpu.memory_space<semaphore_mem>>) src(%dma_wait3A_121 : memref<128x128xf32, #tpu.memory_space<vmem_shared>>) dst(%arg10 : memref<128x128xf32, #tpu.memory_space<vmem>>)
      tpu.yield
    }) : () -> ()
    "tpu.region"() ({
      %run_scoped3A = tpu.sem_alloc : memref<!tpu.dma_semaphore, #tpu.memory_space<semaphore_mem>>
      %dma_start3A = arith.constant 0 : i32
      %dma_start3A_116 = tpu.memref_slice %arg6[%arg0, %add3A_43, %dma_start3A] : memref<2x10240x128xf32, #tpu.memory_space<hbm>> -> memref<1x128x128xf32, #tpu.memory_space<hbm>>
      %dma_start3A_117 = tpu.memref_squeeze %dma_start3A_116 : memref<1x128x128xf32, #tpu.memory_space<hbm>> -> memref<128x128xf32, #tpu.memory_space<hbm>>
      %dma_start3A_118 = arith.constant 0 : i32
      %dma_start3A_119 = tpu.memref_slice %arg6[%arg0, %add3A_43, %dma_start3A_118] : memref<2x10240x128xf32, #tpu.memory_space<hbm>> -> memref<1x128x128xf32, #tpu.memory_space<hbm>>
      %dma_start3A_120 = tpu.memref_squeeze %dma_start3A_119 : memref<1x128x128xf32, #tpu.memory_space<hbm>> -> memref<128x128xf32, #tpu.memory_space<hbm>>
      tpu.enqueue_dma source(%arg10 : memref<128x128xf32, #tpu.memory_space<vmem>>) target(%dma_start3A_120 : memref<128x128xf32, #tpu.memory_space<hbm>>) target_semaphore(%run_scoped3A : memref<!tpu.dma_semaphore, #tpu.memory_space<semaphore_mem>>)
      %dma_wait3A = arith.constant 0 : i32
      %dma_wait3A_121 = tpu.memref_slice %arg6[%arg0, %add3A_43, %dma_wait3A] : memref<2x10240x128xf32, #tpu.memory_space<hbm>> -> memref<1x128x128xf32, #tpu.memory_space<hbm>>
      %dma_wait3A_122 = tpu.memref_squeeze %dma_wait3A_121 : memref<1x128x128xf32, #tpu.memory_space<hbm>> -> memref<128x128xf32, #tpu.memory_space<hbm>>
      %dma_wait3A_123 = arith.constant 0 : i32
      %dma_wait3A_124 = tpu.memref_slice %arg6[%arg0, %add3A_43, %dma_wait3A_123] : memref<2x10240x128xf32, #tpu.memory_space<hbm>> -> memref<1x128x128xf32, #tpu.memory_space<hbm>>
      %dma_wait3A_125 = tpu.memref_squeeze %dma_wait3A_124 : memref<1x128x128xf32, #tpu.memory_space<hbm>> -> memref<128x128xf32, #tpu.memory_space<hbm>>
      tpu.wait_dma2 semaphore(%run_scoped3A : memref<!tpu.dma_semaphore, #tpu.memory_space<semaphore_mem>>) src(%arg10 : memref<128x128xf32, #tpu.memory_space<vmem>>) dst(%dma_wait3A_125 : memref<128x128xf32, #tpu.memory_space<hbm>>)
      tpu.yield
    }) : () -> ()
    %mul3A_44 = arith.constant 640 : i32
    %mul3A_45 = arith.muli %arg1, %mul3A_44 : i32
    %add3A_46 = arith.constant 256 : i32
    %add3A_47 = arith.addi %mul3A_45, %add3A_46 : i32
    "tpu.region"() ({
      %run_scoped3A = tpu.sem_alloc : memref<!tpu.dma_semaphore, #tpu.memory_space<semaphore_mem>>
      %dma_start3A = arith.constant 0 : i32
      %dma_start3A_116 = tpu.memref_slice %arg11[%add3A_47, %dma_start3A] : memref<10240x128xf32, #tpu.memory_space<vmem_shared>> -> memref<128x128xf32, #tpu.memory_space<vmem_shared>>
      %dma_start3A_117 = arith.constant 0 : i32
      %dma_start3A_118 = tpu.memref_slice %arg11[%add3A_47, %dma_start3A_117] : memref<10240x128xf32, #tpu.memory_space<vmem_shared>> -> memref<128x128xf32, #tpu.memory_space<vmem_shared>>
      tpu.enqueue_dma source(%dma_start3A_118 : memref<128x128xf32, #tpu.memory_space<vmem_shared>>) target(%arg10 : memref<128x128xf32, #tpu.memory_space<vmem>>) target_semaphore(%run_scoped3A : memref<!tpu.dma_semaphore, #tpu.memory_space<semaphore_mem>>)
      %dma_wait3A = arith.constant 0 : i32
      %dma_wait3A_119 = tpu.memref_slice %arg11[%add3A_47, %dma_wait3A] : memref<10240x128xf32, #tpu.memory_space<vmem_shared>> -> memref<128x128xf32, #tpu.memory_space<vmem_shared>>
      %dma_wait3A_120 = arith.constant 0 : i32
      %dma_wait3A_121 = tpu.memref_slice %arg11[%add3A_47, %dma_wait3A_120] : memref<10240x128xf32, #tpu.memory_space<vmem_shared>> -> memref<128x128xf32, #tpu.memory_space<vmem_shared>>
      tpu.wait_dma2 semaphore(%run_scoped3A : memref<!tpu.dma_semaphore, #tpu.memory_space<semaphore_mem>>) src(%dma_wait3A_121 : memref<128x128xf32, #tpu.memory_space<vmem_shared>>) dst(%arg10 : memref<128x128xf32, #tpu.memory_space<vmem>>)
      tpu.yield
    }) : () -> ()
    "tpu.region"() ({
      %run_scoped3A = tpu.sem_alloc : memref<!tpu.dma_semaphore, #tpu.memory_space<semaphore_mem>>
      %dma_start3A = arith.constant 0 : i32
      %dma_start3A_116 = tpu.memref_slice %arg6[%arg0, %add3A_47, %dma_start3A] : memref<2x10240x128xf32, #tpu.memory_space<hbm>> -> memref<1x128x128xf32, #tpu.memory_space<hbm>>
      %dma_start3A_117 = tpu.memref_squeeze %dma_start3A_116 : memref<1x128x128xf32, #tpu.memory_space<hbm>> -> memref<128x128xf32, #tpu.memory_space<hbm>>
      %dma_start3A_118 = arith.constant 0 : i32
      %dma_start3A_119 = tpu.memref_slice %arg6[%arg0, %add3A_47, %dma_start3A_118] : memref<2x10240x128xf32, #tpu.memory_space<hbm>> -> memref<1x128x128xf32, #tpu.memory_space<hbm>>
      %dma_start3A_120 = tpu.memref_squeeze %dma_start3A_119 : memref<1x128x128xf32, #tpu.memory_space<hbm>> -> memref<128x128xf32, #tpu.memory_space<hbm>>
      tpu.enqueue_dma source(%arg10 : memref<128x128xf32, #tpu.memory_space<vmem>>) target(%dma_start3A_120 : memref<128x128xf32, #tpu.memory_space<hbm>>) target_semaphore(%run_scoped3A : memref<!tpu.dma_semaphore, #tpu.memory_space<semaphore_mem>>)
      %dma_wait3A = arith.constant 0 : i32
      %dma_wait3A_121 = tpu.memref_slice %arg6[%arg0, %add3A_47, %dma_wait3A] : memref<2x10240x128xf32, #tpu.memory_space<hbm>> -> memref<1x128x128xf32, #tpu.memory_space<hbm>>
      %dma_wait3A_122 = tpu.memref_squeeze %dma_wait3A_121 : memref<1x128x128xf32, #tpu.memory_space<hbm>> -> memref<128x128xf32, #tpu.memory_space<hbm>>
      %dma_wait3A_123 = arith.constant 0 : i32
      %dma_wait3A_124 = tpu.memref_slice %arg6[%arg0, %add3A_47, %dma_wait3A_123] : memref<2x10240x128xf32, #tpu.memory_space<hbm>> -> memref<1x128x128xf32, #tpu.memory_space<hbm>>
      %dma_wait3A_125 = tpu.memref_squeeze %dma_wait3A_124 : memref<1x128x128xf32, #tpu.memory_space<hbm>> -> memref<128x128xf32, #tpu.memory_space<hbm>>
      tpu.wait_dma2 semaphore(%run_scoped3A : memref<!tpu.dma_semaphore, #tpu.memory_space<semaphore_mem>>) src(%arg10 : memref<128x128xf32, #tpu.memory_space<vmem>>) dst(%dma_wait3A_125 : memref<128x128xf32, #tpu.memory_space<hbm>>)
      tpu.yield
    }) : () -> ()
    %mul3A_48 = arith.constant 640 : i32
    %mul3A_49 = arith.muli %arg1, %mul3A_48 : i32
    %add3A_50 = arith.constant 384 : i32
    %add3A_51 = arith.addi %mul3A_49, %add3A_50 : i32
    "tpu.region"() ({
      %run_scoped3A = tpu.sem_alloc : memref<!tpu.dma_semaphore, #tpu.memory_space<semaphore_mem>>
      %dma_start3A = arith.constant 0 : i32
      %dma_start3A_116 = tpu.memref_slice %arg11[%add3A_51, %dma_start3A] : memref<10240x128xf32, #tpu.memory_space<vmem_shared>> -> memref<128x128xf32, #tpu.memory_space<vmem_shared>>
      %dma_start3A_117 = arith.constant 0 : i32
      %dma_start3A_118 = tpu.memref_slice %arg11[%add3A_51, %dma_start3A_117] : memref<10240x128xf32, #tpu.memory_space<vmem_shared>> -> memref<128x128xf32, #tpu.memory_space<vmem_shared>>
      tpu.enqueue_dma source(%dma_start3A_118 : memref<128x128xf32, #tpu.memory_space<vmem_shared>>) target(%arg10 : memref<128x128xf32, #tpu.memory_space<vmem>>) target_semaphore(%run_scoped3A : memref<!tpu.dma_semaphore, #tpu.memory_space<semaphore_mem>>)
      %dma_wait3A = arith.constant 0 : i32
      %dma_wait3A_119 = tpu.memref_slice %arg11[%add3A_51, %dma_wait3A] : memref<10240x128xf32, #tpu.memory_space<vmem_shared>> -> memref<128x128xf32, #tpu.memory_space<vmem_shared>>
      %dma_wait3A_120 = arith.constant 0 : i32
      %dma_wait3A_121 = tpu.memref_slice %arg11[%add3A_51, %dma_wait3A_120] : memref<10240x128xf32, #tpu.memory_space<vmem_shared>> -> memref<128x128xf32, #tpu.memory_space<vmem_shared>>
      tpu.wait_dma2 semaphore(%run_scoped3A : memref<!tpu.dma_semaphore, #tpu.memory_space<semaphore_mem>>) src(%dma_wait3A_121 : memref<128x128xf32, #tpu.memory_space<vmem_shared>>) dst(%arg10 : memref<128x128xf32, #tpu.memory_space<vmem>>)
      tpu.yield
    }) : () -> ()
    "tpu.region"() ({
      %run_scoped3A = tpu.sem_alloc : memref<!tpu.dma_semaphore, #tpu.memory_space<semaphore_mem>>
      %dma_start3A = arith.constant 0 : i32
      %dma_start3A_116 = tpu.memref_slice %arg6[%arg0, %add3A_51, %dma_start3A] : memref<2x10240x128xf32, #tpu.memory_space<hbm>> -> memref<1x128x128xf32, #tpu.memory_space<hbm>>
      %dma_start3A_117 = tpu.memref_squeeze %dma_start3A_116 : memref<1x128x128xf32, #tpu.memory_space<hbm>> -> memref<128x128xf32, #tpu.memory_space<hbm>>
      %dma_start3A_118 = arith.constant 0 : i32
      %dma_start3A_119 = tpu.memref_slice %arg6[%arg0, %add3A_51, %dma_start3A_118] : memref<2x10240x128xf32, #tpu.memory_space<hbm>> -> memref<1x128x128xf32, #tpu.memory_space<hbm>>
      %dma_start3A_120 = tpu.memref_squeeze %dma_start3A_119 : memref<1x128x128xf32, #tpu.memory_space<hbm>> -> memref<128x128xf32, #tpu.memory_space<hbm>>
      tpu.enqueue_dma source(%arg10 : memref<128x128xf32, #tpu.memory_space<vmem>>) target(%dma_start3A_120 : memref<128x128xf32, #tpu.memory_space<hbm>>) target_semaphore(%run_scoped3A : memref<!tpu.dma_semaphore, #tpu.memory_space<semaphore_mem>>)
      %dma_wait3A = arith.constant 0 : i32
      %dma_wait3A_121 = tpu.memref_slice %arg6[%arg0, %add3A_51, %dma_wait3A] : memref<2x10240x128xf32, #tpu.memory_space<hbm>> -> memref<1x128x128xf32, #tpu.memory_space<hbm>>
      %dma_wait3A_122 = tpu.memref_squeeze %dma_wait3A_121 : memref<1x128x128xf32, #tpu.memory_space<hbm>> -> memref<128x128xf32, #tpu.memory_space<hbm>>
      %dma_wait3A_123 = arith.constant 0 : i32
      %dma_wait3A_124 = tpu.memref_slice %arg6[%arg0, %add3A_51, %dma_wait3A_123] : memref<2x10240x128xf32, #tpu.memory_space<hbm>> -> memref<1x128x128xf32, #tpu.memory_space<hbm>>
      %dma_wait3A_125 = tpu.memref_squeeze %dma_wait3A_124 : memref<1x128x128xf32, #tpu.memory_space<hbm>> -> memref<128x128xf32, #tpu.memory_space<hbm>>
      tpu.wait_dma2 semaphore(%run_scoped3A : memref<!tpu.dma_semaphore, #tpu.memory_space<semaphore_mem>>) src(%arg10 : memref<128x128xf32, #tpu.memory_space<vmem>>) dst(%dma_wait3A_125 : memref<128x128xf32, #tpu.memory_space<hbm>>)
      tpu.yield
    }) : () -> ()
    %mul3A_52 = arith.constant 640 : i32
    %mul3A_53 = arith.muli %arg1, %mul3A_52 : i32
    %add3A_54 = arith.constant 512 : i32
    %add3A_55 = arith.addi %mul3A_53, %add3A_54 : i32
    "tpu.region"() ({
      %run_scoped3A = tpu.sem_alloc : memref<!tpu.dma_semaphore, #tpu.memory_space<semaphore_mem>>
      %dma_start3A = arith.constant 0 : i32
      %dma_start3A_116 = tpu.memref_slice %arg11[%add3A_55, %dma_start3A] : memref<10240x128xf32, #tpu.memory_space<vmem_shared>> -> memref<128x128xf32, #tpu.memory_space<vmem_shared>>
      %dma_start3A_117 = arith.constant 0 : i32
      %dma_start3A_118 = tpu.memref_slice %arg11[%add3A_55, %dma_start3A_117] : memref<10240x128xf32, #tpu.memory_space<vmem_shared>> -> memref<128x128xf32, #tpu.memory_space<vmem_shared>>
      tpu.enqueue_dma source(%dma_start3A_118 : memref<128x128xf32, #tpu.memory_space<vmem_shared>>) target(%arg10 : memref<128x128xf32, #tpu.memory_space<vmem>>) target_semaphore(%run_scoped3A : memref<!tpu.dma_semaphore, #tpu.memory_space<semaphore_mem>>)
      %dma_wait3A = arith.constant 0 : i32
      %dma_wait3A_119 = tpu.memref_slice %arg11[%add3A_55, %dma_wait3A] : memref<10240x128xf32, #tpu.memory_space<vmem_shared>> -> memref<128x128xf32, #tpu.memory_space<vmem_shared>>
      %dma_wait3A_120 = arith.constant 0 : i32
      %dma_wait3A_121 = tpu.memref_slice %arg11[%add3A_55, %dma_wait3A_120] : memref<10240x128xf32, #tpu.memory_space<vmem_shared>> -> memref<128x128xf32, #tpu.memory_space<vmem_shared>>
      tpu.wait_dma2 semaphore(%run_scoped3A : memref<!tpu.dma_semaphore, #tpu.memory_space<semaphore_mem>>) src(%dma_wait3A_121 : memref<128x128xf32, #tpu.memory_space<vmem_shared>>) dst(%arg10 : memref<128x128xf32, #tpu.memory_space<vmem>>)
      tpu.yield
    }) : () -> ()
    "tpu.region"() ({
      %run_scoped3A = tpu.sem_alloc : memref<!tpu.dma_semaphore, #tpu.memory_space<semaphore_mem>>
      %dma_start3A = arith.constant 0 : i32
      %dma_start3A_116 = tpu.memref_slice %arg6[%arg0, %add3A_55, %dma_start3A] : memref<2x10240x128xf32, #tpu.memory_space<hbm>> -> memref<1x128x128xf32, #tpu.memory_space<hbm>>
      %dma_start3A_117 = tpu.memref_squeeze %dma_start3A_116 : memref<1x128x128xf32, #tpu.memory_space<hbm>> -> memref<128x128xf32, #tpu.memory_space<hbm>>
      %dma_start3A_118 = arith.constant 0 : i32
      %dma_start3A_119 = tpu.memref_slice %arg6[%arg0, %add3A_55, %dma_start3A_118] : memref<2x10240x128xf32, #tpu.memory_space<hbm>> -> memref<1x128x128xf32, #tpu.memory_space<hbm>>
      %dma_start3A_120 = tpu.memref_squeeze %dma_start3A_119 : memref<1x128x128xf32, #tpu.memory_space<hbm>> -> memref<128x128xf32, #tpu.memory_space<hbm>>
      tpu.enqueue_dma source(%arg10 : memref<128x128xf32, #tpu.memory_space<vmem>>) target(%dma_start3A_120 : memref<128x128xf32, #tpu.memory_space<hbm>>) target_semaphore(%run_scoped3A : memref<!tpu.dma_semaphore, #tpu.memory_space<semaphore_mem>>)
      %dma_wait3A = arith.constant 0 : i32
      %dma_wait3A_121 = tpu.memref_slice %arg6[%arg0, %add3A_55, %dma_wait3A] : memref<2x10240x128xf32, #tpu.memory_space<hbm>> -> memref<1x128x128xf32, #tpu.memory_space<hbm>>
      %dma_wait3A_122 = tpu.memref_squeeze %dma_wait3A_121 : memref<1x128x128xf32, #tpu.memory_space<hbm>> -> memref<128x128xf32, #tpu.memory_space<hbm>>
      %dma_wait3A_123 = arith.constant 0 : i32
      %dma_wait3A_124 = tpu.memref_slice %arg6[%arg0, %add3A_55, %dma_wait3A_123] : memref<2x10240x128xf32, #tpu.memory_space<hbm>> -> memref<1x128x128xf32, #tpu.memory_space<hbm>>
      %dma_wait3A_125 = tpu.memref_squeeze %dma_wait3A_124 : memref<1x128x128xf32, #tpu.memory_space<hbm>> -> memref<128x128xf32, #tpu.memory_space<hbm>>
      tpu.wait_dma2 semaphore(%run_scoped3A : memref<!tpu.dma_semaphore, #tpu.memory_space<semaphore_mem>>) src(%arg10 : memref<128x128xf32, #tpu.memory_space<vmem>>) dst(%dma_wait3A_125 : memref<128x128xf32, #tpu.memory_space<hbm>>)
      tpu.yield
    }) : () -> ()
    %barrier3A_56 = arith.constant 0 : index
    tpu.barrier barrier_id(%barrier3A_56)
    %broadcast_in_dim3A_57 = arith.constant 0.000000e+00 : f32
    %broadcast_in_dim3A_58 = vector.broadcast %broadcast_in_dim3A_57 : f32 to vector<16xf32>
    %scan3A_59 = arith.constant 0 : i32
    %scan3A_60 = arith.constant 0 : i32
    %scan3A_61 = arith.constant 128 : i32
    %scan3A_62 = arith.addi %scan3A_60, %scan3A_61 : i32
    %scan3A_63 = arith.constant 1 : i32
    %scan3A_64 = scf.for %scan3A_116 = %scan3A_60 to %scan3A_62 step %scan3A_63 iter_args(%scan3A_117 = %scan3A_59) -> (i32)  : i32 {
      %swap3A = arith.index_cast %scan3A_116 : i32 to index
      %swap3A_118 = arith.constant 0 : index
      %swap3A_119 = tpu.vector_load %arg10[%swap3A, %swap3A_118] {strides = array<i32>} : memref<128x128xf32, #tpu.memory_space<vmem>>, vector<1x16xf32>,
      %swap3A_120 = vector.shape_cast %swap3A_119 : vector<1x16xf32> to vector<16xf32>
      %swap3A_121 = vector.shape_cast %broadcast_in_dim3A_58 : vector<16xf32> to vector<1x16xf32>
      tpu.vector_store %arg10[%swap3A, %swap3A_118], %swap3A_121 {strides = array<i32>} : memref<128x128xf32, #tpu.memory_space<vmem>>, vector<1x16xf32>,
      %swap3A_122 = arith.index_cast %scan3A_116 : i32 to index
      %swap3A_123 = arith.constant 16 : index
      %swap3A_124 = tpu.vector_load %arg10[%swap3A_122, %swap3A_123] {strides = array<i32>} : memref<128x128xf32, #tpu.memory_space<vmem>>, vector<1x16xf32>,
      %swap3A_125 = vector.shape_cast %swap3A_124 : vector<1x16xf32> to vector<16xf32>
      %swap3A_126 = vector.shape_cast %broadcast_in_dim3A_58 : vector<16xf32> to vector<1x16xf32>
      tpu.vector_store %arg10[%swap3A_122, %swap3A_123], %swap3A_126 {strides = array<i32>} : memref<128x128xf32, #tpu.memory_space<vmem>>, vector<1x16xf32>,
      %swap3A_127 = arith.index_cast %scan3A_116 : i32 to index
      %swap3A_128 = arith.constant 32 : index
      %swap3A_129 = tpu.vector_load %arg10[%swap3A_127, %swap3A_128] {strides = array<i32>} : memref<128x128xf32, #tpu.memory_space<vmem>>, vector<1x16xf32>,
      %swap3A_130 = vector.shape_cast %swap3A_129 : vector<1x16xf32> to vector<16xf32>
      %swap3A_131 = vector.shape_cast %broadcast_in_dim3A_58 : vector<16xf32> to vector<1x16xf32>
      tpu.vector_store %arg10[%swap3A_127, %swap3A_128], %swap3A_131 {strides = array<i32>} : memref<128x128xf32, #tpu.memory_space<vmem>>, vector<1x16xf32>,
      %swap3A_132 = arith.index_cast %scan3A_116 : i32 to index
      %swap3A_133 = arith.constant 48 : index
      %swap3A_134 = tpu.vector_load %arg10[%swap3A_132, %swap3A_133] {strides = array<i32>} : memref<128x128xf32, #tpu.memory_space<vmem>>, vector<1x16xf32>,
      %swap3A_135 = vector.shape_cast %swap3A_134 : vector<1x16xf32> to vector<16xf32>
      %swap3A_136 = vector.shape_cast %broadcast_in_dim3A_58 : vector<16xf32> to vector<1x16xf32>
      tpu.vector_store %arg10[%swap3A_132, %swap3A_133], %swap3A_136 {strides = array<i32>} : memref<128x128xf32, #tpu.memory_space<vmem>>, vector<1x16xf32>,
      %swap3A_137 = arith.index_cast %scan3A_116 : i32 to index
      %swap3A_138 = arith.constant 64 : index
      %swap3A_139 = tpu.vector_load %arg10[%swap3A_137, %swap3A_138] {strides = array<i32>} : memref<128x128xf32, #tpu.memory_space<vmem>>, vector<1x16xf32>,
      %swap3A_140 = vector.shape_cast %swap3A_139 : vector<1x16xf32> to vector<16xf32>
      %swap3A_141 = vector.shape_cast %broadcast_in_dim3A_58 : vector<16xf32> to vector<1x16xf32>
      tpu.vector_store %arg10[%swap3A_137, %swap3A_138], %swap3A_141 {strides = array<i32>} : memref<128x128xf32, #tpu.memory_space<vmem>>, vector<1x16xf32>,
      %swap3A_142 = arith.index_cast %scan3A_116 : i32 to index
      %swap3A_143 = arith.constant 80 : index
      %swap3A_144 = tpu.vector_load %arg10[%swap3A_142, %swap3A_143] {strides = array<i32>} : memref<128x128xf32, #tpu.memory_space<vmem>>, vector<1x16xf32>,
      %swap3A_145 = vector.shape_cast %swap3A_144 : vector<1x16xf32> to vector<16xf32>
      %swap3A_146 = vector.shape_cast %broadcast_in_dim3A_58 : vector<16xf32> to vector<1x16xf32>
      tpu.vector_store %arg10[%swap3A_142, %swap3A_143], %swap3A_146 {strides = array<i32>} : memref<128x128xf32, #tpu.memory_space<vmem>>, vector<1x16xf32>,
      %swap3A_147 = arith.index_cast %scan3A_116 : i32 to index
      %swap3A_148 = arith.constant 96 : index
      %swap3A_149 = tpu.vector_load %arg10[%swap3A_147, %swap3A_148] {strides = array<i32>} : memref<128x128xf32, #tpu.memory_space<vmem>>, vector<1x16xf32>,
      %swap3A_150 = vector.shape_cast %swap3A_149 : vector<1x16xf32> to vector<16xf32>
      %swap3A_151 = vector.shape_cast %broadcast_in_dim3A_58 : vector<16xf32> to vector<1x16xf32>
      tpu.vector_store %arg10[%swap3A_147, %swap3A_148], %swap3A_151 {strides = array<i32>} : memref<128x128xf32, #tpu.memory_space<vmem>>, vector<1x16xf32>,
      %swap3A_152 = arith.index_cast %scan3A_116 : i32 to index
      %swap3A_153 = arith.constant 112 : index
      %swap3A_154 = tpu.vector_load %arg10[%swap3A_152, %swap3A_153] {strides = array<i32>} : memref<128x128xf32, #tpu.memory_space<vmem>>, vector<1x16xf32>,
      %swap3A_155 = vector.shape_cast %swap3A_154 : vector<1x16xf32> to vector<16xf32>
      %swap3A_156 = vector.shape_cast %broadcast_in_dim3A_58 : vector<16xf32> to vector<1x16xf32>
      tpu.vector_store %arg10[%swap3A_152, %swap3A_153], %swap3A_156 {strides = array<i32>} : memref<128x128xf32, #tpu.memory_space<vmem>>, vector<1x16xf32>,
      %scan3A_157 = arith.constant 0 : i32
      scf.yield %scan3A_157 : i32
    }
    %scan3A_65 = arith.constant 128 : i32
    %mul3A_66 = arith.constant 640 : i32
    %mul3A_67 = arith.muli %arg1, %mul3A_66 : i32
    %add3A_68 = arith.constant 0 : i32
    %add3A_69 = arith.addi %mul3A_67, %add3A_68 : i32
    "tpu.region"() ({
      %run_scoped3A = tpu.sem_alloc : memref<!tpu.dma_semaphore, #tpu.memory_space<semaphore_mem>>
      %dma_start3A = arith.constant 0 : i32
      %dma_start3A_116 = tpu.memref_slice %arg11[%add3A_69, %dma_start3A] : memref<10240x128xf32, #tpu.memory_space<vmem_shared>> -> memref<128x128xf32, #tpu.memory_space<vmem_shared>>
      %dma_start3A_117 = arith.constant 0 : i32
      %dma_start3A_118 = tpu.memref_slice %arg11[%add3A_69, %dma_start3A_117] : memref<10240x128xf32, #tpu.memory_space<vmem_shared>> -> memref<128x128xf32, #tpu.memory_space<vmem_shared>>
      tpu.enqueue_dma source(%arg10 : memref<128x128xf32, #tpu.memory_space<vmem>>) target(%dma_start3A_118 : memref<128x128xf32, #tpu.memory_space<vmem_shared>>) target_semaphore(%run_scoped3A : memref<!tpu.dma_semaphore, #tpu.memory_space<semaphore_mem>>)
      %dma_wait3A = arith.constant 0 : i32
      %dma_wait3A_119 = tpu.memref_slice %arg11[%add3A_69, %dma_wait3A] : memref<10240x128xf32, #tpu.memory_space<vmem_shared>> -> memref<128x128xf32, #tpu.memory_space<vmem_shared>>
      %dma_wait3A_120 = arith.constant 0 : i32
      %dma_wait3A_121 = tpu.memref_slice %arg11[%add3A_69, %dma_wait3A_120] : memref<10240x128xf32, #tpu.memory_space<vmem_shared>> -> memref<128x128xf32, #tpu.memory_space<vmem_shared>>
      tpu.wait_dma2 semaphore(%run_scoped3A : memref<!tpu.dma_semaphore, #tpu.memory_space<semaphore_mem>>) src(%arg10 : memref<128x128xf32, #tpu.memory_space<vmem>>) dst(%dma_wait3A_121 : memref<128x128xf32, #tpu.memory_space<vmem_shared>>)
      tpu.yield
    }) : () -> ()
    %mul3A_70 = arith.constant 640 : i32
    %mul3A_71 = arith.muli %arg1, %mul3A_70 : i32
    %add3A_72 = arith.constant 128 : i32
    %add3A_73 = arith.addi %mul3A_71, %add3A_72 : i32
    "tpu.region"() ({
      %run_scoped3A = tpu.sem_alloc : memref<!tpu.dma_semaphore, #tpu.memory_space<semaphore_mem>>
      %dma_start3A = arith.constant 0 : i32
      %dma_start3A_116 = tpu.memref_slice %arg11[%add3A_73, %dma_start3A] : memref<10240x128xf32, #tpu.memory_space<vmem_shared>> -> memref<128x128xf32, #tpu.memory_space<vmem_shared>>
      %dma_start3A_117 = arith.constant 0 : i32
      %dma_start3A_118 = tpu.memref_slice %arg11[%add3A_73, %dma_start3A_117] : memref<10240x128xf32, #tpu.memory_space<vmem_shared>> -> memref<128x128xf32, #tpu.memory_space<vmem_shared>>
      tpu.enqueue_dma source(%arg10 : memref<128x128xf32, #tpu.memory_space<vmem>>) target(%dma_start3A_118 : memref<128x128xf32, #tpu.memory_space<vmem_shared>>) target_semaphore(%run_scoped3A : memref<!tpu.dma_semaphore, #tpu.memory_space<semaphore_mem>>)
      %dma_wait3A = arith.constant 0 : i32
      %dma_wait3A_119 = tpu.memref_slice %arg11[%add3A_73, %dma_wait3A] : memref<10240x128xf32, #tpu.memory_space<vmem_shared>> -> memref<128x128xf32, #tpu.memory_space<vmem_shared>>
      %dma_wait3A_120 = arith.constant 0 : i32
      %dma_wait3A_121 = tpu.memref_slice %arg11[%add3A_73, %dma_wait3A_120] : memref<10240x128xf32, #tpu.memory_space<vmem_shared>> -> memref<128x128xf32, #tpu.memory_space<vmem_shared>>
      tpu.wait_dma2 semaphore(%run_scoped3A : memref<!tpu.dma_semaphore, #tpu.memory_space<semaphore_mem>>) src(%arg10 : memref<128x128xf32, #tpu.memory_space<vmem>>) dst(%dma_wait3A_121 : memref<128x128xf32, #tpu.memory_space<vmem_shared>>)
      tpu.yield
    }) : () -> ()
    %mul3A_74 = arith.constant 640 : i32
    %mul3A_75 = arith.muli %arg1, %mul3A_74 : i32
    %add3A_76 = arith.constant 256 : i32
    %add3A_77 = arith.addi %mul3A_75, %add3A_76 : i32
    "tpu.region"() ({
      %run_scoped3A = tpu.sem_alloc : memref<!tpu.dma_semaphore, #tpu.memory_space<semaphore_mem>>
      %dma_start3A = arith.constant 0 : i32
      %dma_start3A_116 = tpu.memref_slice %arg11[%add3A_77, %dma_start3A] : memref<10240x128xf32, #tpu.memory_space<vmem_shared>> -> memref<128x128xf32, #tpu.memory_space<vmem_shared>>
      %dma_start3A_117 = arith.constant 0 : i32
      %dma_start3A_118 = tpu.memref_slice %arg11[%add3A_77, %dma_start3A_117] : memref<10240x128xf32, #tpu.memory_space<vmem_shared>> -> memref<128x128xf32, #tpu.memory_space<vmem_shared>>
      tpu.enqueue_dma source(%arg10 : memref<128x128xf32, #tpu.memory_space<vmem>>) target(%dma_start3A_118 : memref<128x128xf32, #tpu.memory_space<vmem_shared>>) target_semaphore(%run_scoped3A : memref<!tpu.dma_semaphore, #tpu.memory_space<semaphore_mem>>)
      %dma_wait3A = arith.constant 0 : i32
      %dma_wait3A_119 = tpu.memref_slice %arg11[%add3A_77, %dma_wait3A] : memref<10240x128xf32, #tpu.memory_space<vmem_shared>> -> memref<128x128xf32, #tpu.memory_space<vmem_shared>>
      %dma_wait3A_120 = arith.constant 0 : i32
      %dma_wait3A_121 = tpu.memref_slice %arg11[%add3A_77, %dma_wait3A_120] : memref<10240x128xf32, #tpu.memory_space<vmem_shared>> -> memref<128x128xf32, #tpu.memory_space<vmem_shared>>
      tpu.wait_dma2 semaphore(%run_scoped3A : memref<!tpu.dma_semaphore, #tpu.memory_space<semaphore_mem>>) src(%arg10 : memref<128x128xf32, #tpu.memory_space<vmem>>) dst(%dma_wait3A_121 : memref<128x128xf32, #tpu.memory_space<vmem_shared>>)
      tpu.yield
    }) : () -> ()
    %mul3A_78 = arith.constant 640 : i32
    %mul3A_79 = arith.muli %arg1, %mul3A_78 : i32
    %add3A_80 = arith.constant 384 : i32
    %add3A_81 = arith.addi %mul3A_79, %add3A_80 : i32
    "tpu.region"() ({
      %run_scoped3A = tpu.sem_alloc : memref<!tpu.dma_semaphore, #tpu.memory_space<semaphore_mem>>
      %dma_start3A = arith.constant 0 : i32
      %dma_start3A_116 = tpu.memref_slice %arg11[%add3A_81, %dma_start3A] : memref<10240x128xf32, #tpu.memory_space<vmem_shared>> -> memref<128x128xf32, #tpu.memory_space<vmem_shared>>
      %dma_start3A_117 = arith.constant 0 : i32
      %dma_start3A_118 = tpu.memref_slice %arg11[%add3A_81, %dma_start3A_117] : memref<10240x128xf32, #tpu.memory_space<vmem_shared>> -> memref<128x128xf32, #tpu.memory_space<vmem_shared>>
      tpu.enqueue_dma source(%arg10 : memref<128x128xf32, #tpu.memory_space<vmem>>) target(%dma_start3A_118 : memref<128x128xf32, #tpu.memory_space<vmem_shared>>) target_semaphore(%run_scoped3A : memref<!tpu.dma_semaphore, #tpu.memory_space<semaphore_mem>>)
      %dma_wait3A = arith.constant 0 : i32
      %dma_wait3A_119 = tpu.memref_slice %arg11[%add3A_81, %dma_wait3A] : memref<10240x128xf32, #tpu.memory_space<vmem_shared>> -> memref<128x128xf32, #tpu.memory_space<vmem_shared>>
      %dma_wait3A_120 = arith.constant 0 : i32
      %dma_wait3A_121 = tpu.memref_slice %arg11[%add3A_81, %dma_wait3A_120] : memref<10240x128xf32, #tpu.memory_space<vmem_shared>> -> memref<128x128xf32, #tpu.memory_space<vmem_shared>>
      tpu.wait_dma2 semaphore(%run_scoped3A : memref<!tpu.dma_semaphore, #tpu.memory_space<semaphore_mem>>) src(%arg10 : memref<128x128xf32, #tpu.memory_space<vmem>>) dst(%dma_wait3A_121 : memref<128x128xf32, #tpu.memory_space<vmem_shared>>)
      tpu.yield
    }) : () -> ()
    %mul3A_82 = arith.constant 640 : i32
    %mul3A_83 = arith.muli %arg1, %mul3A_82 : i32
    %add3A_84 = arith.constant 512 : i32
    %add3A_85 = arith.addi %mul3A_83, %add3A_84 : i32
    "tpu.region"() ({
      %run_scoped3A = tpu.sem_alloc : memref<!tpu.dma_semaphore, #tpu.memory_space<semaphore_mem>>
      %dma_start3A = arith.constant 0 : i32
      %dma_start3A_116 = tpu.memref_slice %arg11[%add3A_85, %dma_start3A] : memref<10240x128xf32, #tpu.memory_space<vmem_shared>> -> memref<128x128xf32, #tpu.memory_space<vmem_shared>>
      %dma_start3A_117 = arith.constant 0 : i32
      %dma_start3A_118 = tpu.memref_slice %arg11[%add3A_85, %dma_start3A_117] : memref<10240x128xf32, #tpu.memory_space<vmem_shared>> -> memref<128x128xf32, #tpu.memory_space<vmem_shared>>
      tpu.enqueue_dma source(%arg10 : memref<128x128xf32, #tpu.memory_space<vmem>>) target(%dma_start3A_118 : memref<128x128xf32, #tpu.memory_space<vmem_shared>>) target_semaphore(%run_scoped3A : memref<!tpu.dma_semaphore, #tpu.memory_space<semaphore_mem>>)
      %dma_wait3A = arith.constant 0 : i32
      %dma_wait3A_119 = tpu.memref_slice %arg11[%add3A_85, %dma_wait3A] : memref<10240x128xf32, #tpu.memory_space<vmem_shared>> -> memref<128x128xf32, #tpu.memory_space<vmem_shared>>
      %dma_wait3A_120 = arith.constant 0 : i32
      %dma_wait3A_121 = tpu.memref_slice %arg11[%add3A_85, %dma_wait3A_120] : memref<10240x128xf32, #tpu.memory_space<vmem_shared>> -> memref<128x128xf32, #tpu.memory_space<vmem_shared>>
      tpu.wait_dma2 semaphore(%run_scoped3A : memref<!tpu.dma_semaphore, #tpu.memory_space<semaphore_mem>>) src(%arg10 : memref<128x128xf32, #tpu.memory_space<vmem>>) dst(%dma_wait3A_121 : memref<128x128xf32, #tpu.memory_space<vmem_shared>>)
      tpu.yield
    }) : () -> ()
    %barrier3A_86 = arith.constant 0 : index
    tpu.barrier barrier_id(%barrier3A_86)
    %scan3A_87 = arith.constant 0 : i32
    %scan3A_88 = arith.constant 0 : i32
    %scan3A_89 = arith.constant 80 : i32
    %scan3A_90 = arith.addi %scan3A_88, %scan3A_89 : i32
    %scan3A_91 = arith.constant 1 : i32
    %scan3A_92 = scf.for %scan3A_116 = %scan3A_88 to %scan3A_90 step %scan3A_91 iter_args(%scan3A_117 = %scan3A_87) -> (i32)  : i32 {
      %dma_start3A = arith.constant 0 : i32
      %dma_start3A_118 = tpu.memref_slice %arg8[%scan3A_116, %dma_start3A] : memref<80x128xi32, #tpu.memory_space<vmem>> -> memref<1x128xi32, #tpu.memory_space<vmem>>
      %dma_start3A_119 = tpu.memref_squeeze %dma_start3A_118 : memref<1x128xi32, #tpu.memory_space<vmem>> -> memref<128xi32, #tpu.memory_space<vmem>>
      %dma_start3A_120 = arith.constant 0 : i32
      %dma_start3A_121 = arith.constant 0 : i32
      %dma_start3A_122 = tpu.memref_slice %arg5[%dma_start3A_120, %dma_start3A_121] : memref<20480x128xf32, #tpu.memory_space<hbm>> -> memref<20480x128xf32, #tpu.memory_space<hbm>>
      tpu.enqueue_indirect_dma source(%dma_start3A_122 : memref<20480x128xf32, #tpu.memory_space<hbm>>) target(%arg10 : memref<128x128xf32, #tpu.memory_space<vmem>>) offsets(%dma_start3A_119 : memref<128xi32, #tpu.memory_space<vmem>>) semaphore(%arg12 : memref<!tpu.dma_semaphore, #tpu.memory_space<semaphore_mem>>)
      %dma_wait3A = arith.constant 0 : i32
      %dma_wait3A_123 = tpu.memref_slice %arg8[%scan3A_116, %dma_wait3A] : memref<80x128xi32, #tpu.memory_space<vmem>> -> memref<1x128xi32, #tpu.memory_space<vmem>>
      %dma_wait3A_124 = tpu.memref_squeeze %dma_wait3A_123 : memref<1x128xi32, #tpu.memory_space<vmem>> -> memref<128xi32, #tpu.memory_space<vmem>>
      %dma_wait3A_125 = arith.constant 0 : i32
      %dma_wait3A_126 = arith.constant 0 : i32
      %dma_wait3A_127 = tpu.memref_slice %arg5[%dma_wait3A_125, %dma_wait3A_126] : memref<20480x128xf32, #tpu.memory_space<hbm>> -> memref<20480x128xf32, #tpu.memory_space<hbm>>
      tpu.wait_indirect_dma semaphore(%arg12 : memref<!tpu.dma_semaphore, #tpu.memory_space<semaphore_mem>>) src(%dma_wait3A_127 : memref<20480x128xf32, #tpu.memory_space<hbm>>) dst(%arg10 : memref<128x128xf32, #tpu.memory_space<vmem>>)
      "tpu.region"() ({
        %run_scoped3A = tpu.sem_alloc : memref<!tpu.dma_semaphore, #tpu.memory_space<semaphore_mem>>
        %dma_start3A_129 = arith.constant 0 : i32
        %dma_start3A_130 = tpu.memref_slice %arg9[%scan3A_116, %dma_start3A_129] : memref<80x128xi32, #tpu.memory_space<vmem>> -> memref<1x128xi32, #tpu.memory_space<vmem>>
        %dma_start3A_131 = tpu.memref_squeeze %dma_start3A_130 : memref<1x128xi32, #tpu.memory_space<vmem>> -> memref<128xi32, #tpu.memory_space<vmem>>
        %dma_start3A_132 = arith.constant 0 : i32
        %dma_start3A_133 = arith.constant 0 : i32
        %dma_start3A_134 = tpu.memref_slice %arg11[%dma_start3A_132, %dma_start3A_133] : memref<10240x128xf32, #tpu.memory_space<vmem_shared>> -> memref<10240x128xf32, #tpu.memory_space<vmem_shared>>
        tpu.enqueue_indirect_dma source(%arg10 : memref<128x128xf32, #tpu.memory_space<vmem>>) target(%dma_start3A_134 : memref<10240x128xf32, #tpu.memory_space<vmem_shared>>) offsets(%dma_start3A_131 : memref<128xi32, #tpu.memory_space<vmem>>) semaphore(%run_scoped3A : memref<!tpu.dma_semaphore, #tpu.memory_space<semaphore_mem>>) {add = true}
        %dma_wait3A_135 = arith.constant 0 : i32
        %dma_wait3A_136 = tpu.memref_slice %arg9[%scan3A_116, %dma_wait3A_135] : memref<80x128xi32, #tpu.memory_space<vmem>> -> memref<1x128xi32, #tpu.memory_space<vmem>>
        %dma_wait3A_137 = tpu.memref_squeeze %dma_wait3A_136 : memref<1x128xi32, #tpu.memory_space<vmem>> -> memref<128xi32, #tpu.memory_space<vmem>>
        %dma_wait3A_138 = arith.constant 0 : i32
        %dma_wait3A_139 = arith.constant 0 : i32
        %dma_wait3A_140 = tpu.memref_slice %arg11[%dma_wait3A_138, %dma_wait3A_139] : memref<10240x128xf32, #tpu.memory_space<vmem_shared>> -> memref<10240x128xf32, #tpu.memory_space<vmem_shared>>
        tpu.wait_indirect_dma semaphore(%run_scoped3A : memref<!tpu.dma_semaphore, #tpu.memory_space<semaphore_mem>>) src(%arg10 : memref<128x128xf32, #tpu.memory_space<vmem>>) dst(%dma_wait3A_140 : memref<10240x128xf32, #tpu.memory_space<vmem_shared>>)
        tpu.yield
      }) : () -> ()
      %scan3A_128 = arith.constant 0 : i32
      scf.yield %scan3A_128 : i32
    }
    %scan3A_93 = arith.constant 80 : i32
    %barrier3A_94 = arith.constant 0 : index
    tpu.barrier barrier_id(%barrier3A_94)
    %mul3A_95 = arith.constant 640 : i32
    %mul3A_96 = arith.muli %arg1, %mul3A_95 : i32
    %add3A_97 = arith.constant 0 : i32
    %add3A_98 = arith.addi %mul3A_96, %add3A_97 : i32
    "tpu.region"() ({
      %run_scoped3A = tpu.sem_alloc : memref<!tpu.dma_semaphore, #tpu.memory_space<semaphore_mem>>
      %dma_start3A = arith.constant 0 : i32
      %dma_start3A_116 = tpu.memref_slice %arg11[%add3A_98, %dma_start3A] : memref<10240x128xf32, #tpu.memory_space<vmem_shared>> -> memref<128x128xf32, #tpu.memory_space<vmem_shared>>
      %dma_start3A_117 = arith.constant 0 : i32
      %dma_start3A_118 = tpu.memref_slice %arg11[%add3A_98, %dma_start3A_117] : memref<10240x128xf32, #tpu.memory_space<vmem_shared>> -> memref<128x128xf32, #tpu.memory_space<vmem_shared>>
      tpu.enqueue_dma source(%dma_start3A_118 : memref<128x128xf32, #tpu.memory_space<vmem_shared>>) target(%arg10 : memref<128x128xf32, #tpu.memory_space<vmem>>) target_semaphore(%run_scoped3A : memref<!tpu.dma_semaphore, #tpu.memory_space<semaphore_mem>>)
      %dma_wait3A = arith.constant 0 : i32
      %dma_wait3A_119 = tpu.memref_slice %arg11[%add3A_98, %dma_wait3A] : memref<10240x128xf32, #tpu.memory_space<vmem_shared>> -> memref<128x128xf32, #tpu.memory_space<vmem_shared>>
      %dma_wait3A_120 = arith.constant 0 : i32
      %dma_wait3A_121 = tpu.memref_slice %arg11[%add3A_98, %dma_wait3A_120] : memref<10240x128xf32, #tpu.memory_space<vmem_shared>> -> memref<128x128xf32, #tpu.memory_space<vmem_shared>>
      tpu.wait_dma2 semaphore(%run_scoped3A : memref<!tpu.dma_semaphore, #tpu.memory_space<semaphore_mem>>) src(%dma_wait3A_121 : memref<128x128xf32, #tpu.memory_space<vmem_shared>>) dst(%arg10 : memref<128x128xf32, #tpu.memory_space<vmem>>)
      tpu.yield
    }) : () -> ()
    "tpu.region"() ({
      %run_scoped3A = tpu.sem_alloc : memref<!tpu.dma_semaphore, #tpu.memory_space<semaphore_mem>>
      %dma_start3A = arith.constant 0 : i32
      %dma_start3A_116 = tpu.memref_slice %arg7[%arg0, %add3A_98, %dma_start3A] : memref<2x10240x128xf32, #tpu.memory_space<hbm>> -> memref<1x128x128xf32, #tpu.memory_space<hbm>>
      %dma_start3A_117 = tpu.memref_squeeze %dma_start3A_116 : memref<1x128x128xf32, #tpu.memory_space<hbm>> -> memref<128x128xf32, #tpu.memory_space<hbm>>
      %dma_start3A_118 = arith.constant 0 : i32
      %dma_start3A_119 = tpu.memref_slice %arg7[%arg0, %add3A_98, %dma_start3A_118] : memref<2x10240x128xf32, #tpu.memory_space<hbm>> -> memref<1x128x128xf32, #tpu.memory_space<hbm>>
      %dma_start3A_120 = tpu.memref_squeeze %dma_start3A_119 : memref<1x128x128xf32, #tpu.memory_space<hbm>> -> memref<128x128xf32, #tpu.memory_space<hbm>>
      tpu.enqueue_dma source(%arg10 : memref<128x128xf32, #tpu.memory_space<vmem>>) target(%dma_start3A_120 : memref<128x128xf32, #tpu.memory_space<hbm>>) target_semaphore(%run_scoped3A : memref<!tpu.dma_semaphore, #tpu.memory_space<semaphore_mem>>)
      %dma_wait3A = arith.constant 0 : i32
      %dma_wait3A_121 = tpu.memref_slice %arg7[%arg0, %add3A_98, %dma_wait3A] : memref<2x10240x128xf32, #tpu.memory_space<hbm>> -> memref<1x128x128xf32, #tpu.memory_space<hbm>>
      %dma_wait3A_122 = tpu.memref_squeeze %dma_wait3A_121 : memref<1x128x128xf32, #tpu.memory_space<hbm>> -> memref<128x128xf32, #tpu.memory_space<hbm>>
      %dma_wait3A_123 = arith.constant 0 : i32
      %dma_wait3A_124 = tpu.memref_slice %arg7[%arg0, %add3A_98, %dma_wait3A_123] : memref<2x10240x128xf32, #tpu.memory_space<hbm>> -> memref<1x128x128xf32, #tpu.memory_space<hbm>>
      %dma_wait3A_125 = tpu.memref_squeeze %dma_wait3A_124 : memref<1x128x128xf32, #tpu.memory_space<hbm>> -> memref<128x128xf32, #tpu.memory_space<hbm>>
      tpu.wait_dma2 semaphore(%run_scoped3A : memref<!tpu.dma_semaphore, #tpu.memory_space<semaphore_mem>>) src(%arg10 : memref<128x128xf32, #tpu.memory_space<vmem>>) dst(%dma_wait3A_125 : memref<128x128xf32, #tpu.memory_space<hbm>>)
      tpu.yield
    }) : () -> ()
    %mul3A_99 = arith.constant 640 : i32
    %mul3A_100 = arith.muli %arg1, %mul3A_99 : i32
    %add3A_101 = arith.constant 128 : i32
    %add3A_102 = arith.addi %mul3A_100, %add3A_101 : i32
    "tpu.region"() ({
      %run_scoped3A = tpu.sem_alloc : memref<!tpu.dma_semaphore, #tpu.memory_space<semaphore_mem>>
      %dma_start3A = arith.constant 0 : i32
      %dma_start3A_116 = tpu.memref_slice %arg11[%add3A_102, %dma_start3A] : memref<10240x128xf32, #tpu.memory_space<vmem_shared>> -> memref<128x128xf32, #tpu.memory_space<vmem_shared>>
      %dma_start3A_117 = arith.constant 0 : i32
      %dma_start3A_118 = tpu.memref_slice %arg11[%add3A_102, %dma_start3A_117] : memref<10240x128xf32, #tpu.memory_space<vmem_shared>> -> memref<128x128xf32, #tpu.memory_space<vmem_shared>>
      tpu.enqueue_dma source(%dma_start3A_118 : memref<128x128xf32, #tpu.memory_space<vmem_shared>>) target(%arg10 : memref<128x128xf32, #tpu.memory_space<vmem>>) target_semaphore(%run_scoped3A : memref<!tpu.dma_semaphore, #tpu.memory_space<semaphore_mem>>)
      %dma_wait3A = arith.constant 0 : i32
      %dma_wait3A_119 = tpu.memref_slice %arg11[%add3A_102, %dma_wait3A] : memref<10240x128xf32, #tpu.memory_space<vmem_shared>> -> memref<128x128xf32, #tpu.memory_space<vmem_shared>>
      %dma_wait3A_120 = arith.constant 0 : i32
      %dma_wait3A_121 = tpu.memref_slice %arg11[%add3A_102, %dma_wait3A_120] : memref<10240x128xf32, #tpu.memory_space<vmem_shared>> -> memref<128x128xf32, #tpu.memory_space<vmem_shared>>
      tpu.wait_dma2 semaphore(%run_scoped3A : memref<!tpu.dma_semaphore, #tpu.memory_space<semaphore_mem>>) src(%dma_wait3A_121 : memref<128x128xf32, #tpu.memory_space<vmem_shared>>) dst(%arg10 : memref<128x128xf32, #tpu.memory_space<vmem>>)
      tpu.yield
    }) : () -> ()
    "tpu.region"() ({
      %run_scoped3A = tpu.sem_alloc : memref<!tpu.dma_semaphore, #tpu.memory_space<semaphore_mem>>
      %dma_start3A = arith.constant 0 : i32
      %dma_start3A_116 = tpu.memref_slice %arg7[%arg0, %add3A_102, %dma_start3A] : memref<2x10240x128xf32, #tpu.memory_space<hbm>> -> memref<1x128x128xf32, #tpu.memory_space<hbm>>
      %dma_start3A_117 = tpu.memref_squeeze %dma_start3A_116 : memref<1x128x128xf32, #tpu.memory_space<hbm>> -> memref<128x128xf32, #tpu.memory_space<hbm>>
      %dma_start3A_118 = arith.constant 0 : i32
      %dma_start3A_119 = tpu.memref_slice %arg7[%arg0, %add3A_102, %dma_start3A_118] : memref<2x10240x128xf32, #tpu.memory_space<hbm>> -> memref<1x128x128xf32, #tpu.memory_space<hbm>>
      %dma_start3A_120 = tpu.memref_squeeze %dma_start3A_119 : memref<1x128x128xf32, #tpu.memory_space<hbm>> -> memref<128x128xf32, #tpu.memory_space<hbm>>
      tpu.enqueue_dma source(%arg10 : memref<128x128xf32, #tpu.memory_space<vmem>>) target(%dma_start3A_120 : memref<128x128xf32, #tpu.memory_space<hbm>>) target_semaphore(%run_scoped3A : memref<!tpu.dma_semaphore, #tpu.memory_space<semaphore_mem>>)
      %dma_wait3A = arith.constant 0 : i32
      %dma_wait3A_121 = tpu.memref_slice %arg7[%arg0, %add3A_102, %dma_wait3A] : memref<2x10240x128xf32, #tpu.memory_space<hbm>> -> memref<1x128x128xf32, #tpu.memory_space<hbm>>
      %dma_wait3A_122 = tpu.memref_squeeze %dma_wait3A_121 : memref<1x128x128xf32, #tpu.memory_space<hbm>> -> memref<128x128xf32, #tpu.memory_space<hbm>>
      %dma_wait3A_123 = arith.constant 0 : i32
      %dma_wait3A_124 = tpu.memref_slice %arg7[%arg0, %add3A_102, %dma_wait3A_123] : memref<2x10240x128xf32, #tpu.memory_space<hbm>> -> memref<1x128x128xf32, #tpu.memory_space<hbm>>
      %dma_wait3A_125 = tpu.memref_squeeze %dma_wait3A_124 : memref<1x128x128xf32, #tpu.memory_space<hbm>> -> memref<128x128xf32, #tpu.memory_space<hbm>>
      tpu.wait_dma2 semaphore(%run_scoped3A : memref<!tpu.dma_semaphore, #tpu.memory_space<semaphore_mem>>) src(%arg10 : memref<128x128xf32, #tpu.memory_space<vmem>>) dst(%dma_wait3A_125 : memref<128x128xf32, #tpu.memory_space<hbm>>)
      tpu.yield
    }) : () -> ()
    %mul3A_103 = arith.constant 640 : i32
    %mul3A_104 = arith.muli %arg1, %mul3A_103 : i32
    %add3A_105 = arith.constant 256 : i32
    %add3A_106 = arith.addi %mul3A_104, %add3A_105 : i32
    "tpu.region"() ({
      %run_scoped3A = tpu.sem_alloc : memref<!tpu.dma_semaphore, #tpu.memory_space<semaphore_mem>>
      %dma_start3A = arith.constant 0 : i32
      %dma_start3A_116 = tpu.memref_slice %arg11[%add3A_106, %dma_start3A] : memref<10240x128xf32, #tpu.memory_space<vmem_shared>> -> memref<128x128xf32, #tpu.memory_space<vmem_shared>>
      %dma_start3A_117 = arith.constant 0 : i32
      %dma_start3A_118 = tpu.memref_slice %arg11[%add3A_106, %dma_start3A_117] : memref<10240x128xf32, #tpu.memory_space<vmem_shared>> -> memref<128x128xf32, #tpu.memory_space<vmem_shared>>
      tpu.enqueue_dma source(%dma_start3A_118 : memref<128x128xf32, #tpu.memory_space<vmem_shared>>) target(%arg10 : memref<128x128xf32, #tpu.memory_space<vmem>>) target_semaphore(%run_scoped3A : memref<!tpu.dma_semaphore, #tpu.memory_space<semaphore_mem>>)
      %dma_wait3A = arith.constant 0 : i32
      %dma_wait3A_119 = tpu.memref_slice %arg11[%add3A_106, %dma_wait3A] : memref<10240x128xf32, #tpu.memory_space<vmem_shared>> -> memref<128x128xf32, #tpu.memory_space<vmem_shared>>
      %dma_wait3A_120 = arith.constant 0 : i32
      %dma_wait3A_121 = tpu.memref_slice %arg11[%add3A_106, %dma_wait3A_120] : memref<10240x128xf32, #tpu.memory_space<vmem_shared>> -> memref<128x128xf32, #tpu.memory_space<vmem_shared>>
      tpu.wait_dma2 semaphore(%run_scoped3A : memref<!tpu.dma_semaphore, #tpu.memory_space<semaphore_mem>>) src(%dma_wait3A_121 : memref<128x128xf32, #tpu.memory_space<vmem_shared>>) dst(%arg10 : memref<128x128xf32, #tpu.memory_space<vmem>>)
      tpu.yield
    }) : () -> ()
    "tpu.region"() ({
      %run_scoped3A = tpu.sem_alloc : memref<!tpu.dma_semaphore, #tpu.memory_space<semaphore_mem>>
      %dma_start3A = arith.constant 0 : i32
      %dma_start3A_116 = tpu.memref_slice %arg7[%arg0, %add3A_106, %dma_start3A] : memref<2x10240x128xf32, #tpu.memory_space<hbm>> -> memref<1x128x128xf32, #tpu.memory_space<hbm>>
      %dma_start3A_117 = tpu.memref_squeeze %dma_start3A_116 : memref<1x128x128xf32, #tpu.memory_space<hbm>> -> memref<128x128xf32, #tpu.memory_space<hbm>>
      %dma_start3A_118 = arith.constant 0 : i32
      %dma_start3A_119 = tpu.memref_slice %arg7[%arg0, %add3A_106, %dma_start3A_118] : memref<2x10240x128xf32, #tpu.memory_space<hbm>> -> memref<1x128x128xf32, #tpu.memory_space<hbm>>
      %dma_start3A_120 = tpu.memref_squeeze %dma_start3A_119 : memref<1x128x128xf32, #tpu.memory_space<hbm>> -> memref<128x128xf32, #tpu.memory_space<hbm>>
      tpu.enqueue_dma source(%arg10 : memref<128x128xf32, #tpu.memory_space<vmem>>) target(%dma_start3A_120 : memref<128x128xf32, #tpu.memory_space<hbm>>) target_semaphore(%run_scoped3A : memref<!tpu.dma_semaphore, #tpu.memory_space<semaphore_mem>>)
      %dma_wait3A = arith.constant 0 : i32
      %dma_wait3A_121 = tpu.memref_slice %arg7[%arg0, %add3A_106, %dma_wait3A] : memref<2x10240x128xf32, #tpu.memory_space<hbm>> -> memref<1x128x128xf32, #tpu.memory_space<hbm>>
      %dma_wait3A_122 = tpu.memref_squeeze %dma_wait3A_121 : memref<1x128x128xf32, #tpu.memory_space<hbm>> -> memref<128x128xf32, #tpu.memory_space<hbm>>
      %dma_wait3A_123 = arith.constant 0 : i32
      %dma_wait3A_124 = tpu.memref_slice %arg7[%arg0, %add3A_106, %dma_wait3A_123] : memref<2x10240x128xf32, #tpu.memory_space<hbm>> -> memref<1x128x128xf32, #tpu.memory_space<hbm>>
      %dma_wait3A_125 = tpu.memref_squeeze %dma_wait3A_124 : memref<1x128x128xf32, #tpu.memory_space<hbm>> -> memref<128x128xf32, #tpu.memory_space<hbm>>
      tpu.wait_dma2 semaphore(%run_scoped3A : memref<!tpu.dma_semaphore, #tpu.memory_space<semaphore_mem>>) src(%arg10 : memref<128x128xf32, #tpu.memory_space<vmem>>) dst(%dma_wait3A_125 : memref<128x128xf32, #tpu.memory_space<hbm>>)
      tpu.yield
    }) : () -> ()
    %mul3A_107 = arith.constant 640 : i32
    %mul3A_108 = arith.muli %arg1, %mul3A_107 : i32
    %add3A_109 = arith.constant 384 : i32
    %add3A_110 = arith.addi %mul3A_108, %add3A_109 : i32
    "tpu.region"() ({
      %run_scoped3A = tpu.sem_alloc : memref<!tpu.dma_semaphore, #tpu.memory_space<semaphore_mem>>
      %dma_start3A = arith.constant 0 : i32
      %dma_start3A_116 = tpu.memref_slice %arg11[%add3A_110, %dma_start3A] : memref<10240x128xf32, #tpu.memory_space<vmem_shared>> -> memref<128x128xf32, #tpu.memory_space<vmem_shared>>
      %dma_start3A_117 = arith.constant 0 : i32
      %dma_start3A_118 = tpu.memref_slice %arg11[%add3A_110, %dma_start3A_117] : memref<10240x128xf32, #tpu.memory_space<vmem_shared>> -> memref<128x128xf32, #tpu.memory_space<vmem_shared>>
      tpu.enqueue_dma source(%dma_start3A_118 : memref<128x128xf32, #tpu.memory_space<vmem_shared>>) target(%arg10 : memref<128x128xf32, #tpu.memory_space<vmem>>) target_semaphore(%run_scoped3A : memref<!tpu.dma_semaphore, #tpu.memory_space<semaphore_mem>>)
      %dma_wait3A = arith.constant 0 : i32
      %dma_wait3A_119 = tpu.memref_slice %arg11[%add3A_110, %dma_wait3A] : memref<10240x128xf32, #tpu.memory_space<vmem_shared>> -> memref<128x128xf32, #tpu.memory_space<vmem_shared>>
      %dma_wait3A_120 = arith.constant 0 : i32
      %dma_wait3A_121 = tpu.memref_slice %arg11[%add3A_110, %dma_wait3A_120] : memref<10240x128xf32, #tpu.memory_space<vmem_shared>> -> memref<128x128xf32, #tpu.memory_space<vmem_shared>>
      tpu.wait_dma2 semaphore(%run_scoped3A : memref<!tpu.dma_semaphore, #tpu.memory_space<semaphore_mem>>) src(%dma_wait3A_121 : memref<128x128xf32, #tpu.memory_space<vmem_shared>>) dst(%arg10 : memref<128x128xf32, #tpu.memory_space<vmem>>)
      tpu.yield
    }) : () -> ()
    "tpu.region"() ({
      %run_scoped3A = tpu.sem_alloc : memref<!tpu.dma_semaphore, #tpu.memory_space<semaphore_mem>>
      %dma_start3A = arith.constant 0 : i32
      %dma_start3A_116 = tpu.memref_slice %arg7[%arg0, %add3A_110, %dma_start3A] : memref<2x10240x128xf32, #tpu.memory_space<hbm>> -> memref<1x128x128xf32, #tpu.memory_space<hbm>>
      %dma_start3A_117 = tpu.memref_squeeze %dma_start3A_116 : memref<1x128x128xf32, #tpu.memory_space<hbm>> -> memref<128x128xf32, #tpu.memory_space<hbm>>
      %dma_start3A_118 = arith.constant 0 : i32
      %dma_start3A_119 = tpu.memref_slice %arg7[%arg0, %add3A_110, %dma_start3A_118] : memref<2x10240x128xf32, #tpu.memory_space<hbm>> -> memref<1x128x128xf32, #tpu.memory_space<hbm>>
      %dma_start3A_120 = tpu.memref_squeeze %dma_start3A_119 : memref<1x128x128xf32, #tpu.memory_space<hbm>> -> memref<128x128xf32, #tpu.memory_space<hbm>>
      tpu.enqueue_dma source(%arg10 : memref<128x128xf32, #tpu.memory_space<vmem>>) target(%dma_start3A_120 : memref<128x128xf32, #tpu.memory_space<hbm>>) target_semaphore(%run_scoped3A : memref<!tpu.dma_semaphore, #tpu.memory_space<semaphore_mem>>)
      %dma_wait3A = arith.constant 0 : i32
      %dma_wait3A_121 = tpu.memref_slice %arg7[%arg0, %add3A_110, %dma_wait3A] : memref<2x10240x128xf32, #tpu.memory_space<hbm>> -> memref<1x128x128xf32, #tpu.memory_space<hbm>>
      %dma_wait3A_122 = tpu.memref_squeeze %dma_wait3A_121 : memref<1x128x128xf32, #tpu.memory_space<hbm>> -> memref<128x128xf32, #tpu.memory_space<hbm>>
      %dma_wait3A_123 = arith.constant 0 : i32
      %dma_wait3A_124 = tpu.memref_slice %arg7[%arg0, %add3A_110, %dma_wait3A_123] : memref<2x10240x128xf32, #tpu.memory_space<hbm>> -> memref<1x128x128xf32, #tpu.memory_space<hbm>>
      %dma_wait3A_125 = tpu.memref_squeeze %dma_wait3A_124 : memref<1x128x128xf32, #tpu.memory_space<hbm>> -> memref<128x128xf32, #tpu.memory_space<hbm>>
      tpu.wait_dma2 semaphore(%run_scoped3A : memref<!tpu.dma_semaphore, #tpu.memory_space<semaphore_mem>>) src(%arg10 : memref<128x128xf32, #tpu.memory_space<vmem>>) dst(%dma_wait3A_125 : memref<128x128xf32, #tpu.memory_space<hbm>>)
      tpu.yield
    }) : () -> ()
    %mul3A_111 = arith.constant 640 : i32
    %mul3A_112 = arith.muli %arg1, %mul3A_111 : i32
    %add3A_113 = arith.constant 512 : i32
    %add3A_114 = arith.addi %mul3A_112, %add3A_113 : i32
    "tpu.region"() ({
      %run_scoped3A = tpu.sem_alloc : memref<!tpu.dma_semaphore, #tpu.memory_space<semaphore_mem>>
      %dma_start3A = arith.constant 0 : i32
      %dma_start3A_116 = tpu.memref_slice %arg11[%add3A_114, %dma_start3A] : memref<10240x128xf32, #tpu.memory_space<vmem_shared>> -> memref<128x128xf32, #tpu.memory_space<vmem_shared>>
      %dma_start3A_117 = arith.constant 0 : i32
      %dma_start3A_118 = tpu.memref_slice %arg11[%add3A_114, %dma_start3A_117] : memref<10240x128xf32, #tpu.memory_space<vmem_shared>> -> memref<128x128xf32, #tpu.memory_space<vmem_shared>>
      tpu.enqueue_dma source(%dma_start3A_118 : memref<128x128xf32, #tpu.memory_space<vmem_shared>>) target(%arg10 : memref<128x128xf32, #tpu.memory_space<vmem>>) target_semaphore(%run_scoped3A : memref<!tpu.dma_semaphore, #tpu.memory_space<semaphore_mem>>)
      %dma_wait3A = arith.constant 0 : i32
      %dma_wait3A_119 = tpu.memref_slice %arg11[%add3A_114, %dma_wait3A] : memref<10240x128xf32, #tpu.memory_space<vmem_shared>> -> memref<128x128xf32, #tpu.memory_space<vmem_shared>>
      %dma_wait3A_120 = arith.constant 0 : i32
      %dma_wait3A_121 = tpu.memref_slice %arg11[%add3A_114, %dma_wait3A_120] : memref<10240x128xf32, #tpu.memory_space<vmem_shared>> -> memref<128x128xf32, #tpu.memory_space<vmem_shared>>
      tpu.wait_dma2 semaphore(%run_scoped3A : memref<!tpu.dma_semaphore, #tpu.memory_space<semaphore_mem>>) src(%dma_wait3A_121 : memref<128x128xf32, #tpu.memory_space<vmem_shared>>) dst(%arg10 : memref<128x128xf32, #tpu.memory_space<vmem>>)
      tpu.yield
    }) : () -> ()
    "tpu.region"() ({
      %run_scoped3A = tpu.sem_alloc : memref<!tpu.dma_semaphore, #tpu.memory_space<semaphore_mem>>
      %dma_start3A = arith.constant 0 : i32
      %dma_start3A_116 = tpu.memref_slice %arg7[%arg0, %add3A_114, %dma_start3A] : memref<2x10240x128xf32, #tpu.memory_space<hbm>> -> memref<1x128x128xf32, #tpu.memory_space<hbm>>
      %dma_start3A_117 = tpu.memref_squeeze %dma_start3A_116 : memref<1x128x128xf32, #tpu.memory_space<hbm>> -> memref<128x128xf32, #tpu.memory_space<hbm>>
      %dma_start3A_118 = arith.constant 0 : i32
      %dma_start3A_119 = tpu.memref_slice %arg7[%arg0, %add3A_114, %dma_start3A_118] : memref<2x10240x128xf32, #tpu.memory_space<hbm>> -> memref<1x128x128xf32, #tpu.memory_space<hbm>>
      %dma_start3A_120 = tpu.memref_squeeze %dma_start3A_119 : memref<1x128x128xf32, #tpu.memory_space<hbm>> -> memref<128x128xf32, #tpu.memory_space<hbm>>
      tpu.enqueue_dma source(%arg10 : memref<128x128xf32, #tpu.memory_space<vmem>>) target(%dma_start3A_120 : memref<128x128xf32, #tpu.memory_space<hbm>>) target_semaphore(%run_scoped3A : memref<!tpu.dma_semaphore, #tpu.memory_space<semaphore_mem>>)
      %dma_wait3A = arith.constant 0 : i32
      %dma_wait3A_121 = tpu.memref_slice %arg7[%arg0, %add3A_114, %dma_wait3A] : memref<2x10240x128xf32, #tpu.memory_space<hbm>> -> memref<1x128x128xf32, #tpu.memory_space<hbm>>
      %dma_wait3A_122 = tpu.memref_squeeze %dma_wait3A_121 : memref<1x128x128xf32, #tpu.memory_space<hbm>> -> memref<128x128xf32, #tpu.memory_space<hbm>>
      %dma_wait3A_123 = arith.constant 0 : i32
      %dma_wait3A_124 = tpu.memref_slice %arg7[%arg0, %add3A_114, %dma_wait3A_123] : memref<2x10240x128xf32, #tpu.memory_space<hbm>> -> memref<1x128x128xf32, #tpu.memory_space<hbm>>
      %dma_wait3A_125 = tpu.memref_squeeze %dma_wait3A_124 : memref<1x128x128xf32, #tpu.memory_space<hbm>> -> memref<128x128xf32, #tpu.memory_space<hbm>>
      tpu.wait_dma2 semaphore(%run_scoped3A : memref<!tpu.dma_semaphore, #tpu.memory_space<semaphore_mem>>) src(%arg10 : memref<128x128xf32, #tpu.memory_space<vmem>>) dst(%dma_wait3A_125 : memref<128x128xf32, #tpu.memory_space<hbm>>)
      tpu.yield
    }) : () -> ()
    %barrier3A_115 = arith.constant 0 : index
    tpu.barrier barrier_id(%barrier3A_115)
    return
  }
}

module attributes {stable_mosaic.version = 14 : i64} {
  func.func @_tc1_body(%arg0: i32, %arg1: memref<2x128x128xf32, #tpu.memory_space<vmem>>, %arg2: memref<128x256xf32, #tpu.memory_space<vmem>>, %arg3: memref<256x256xf32, #tpu.memory_space<vmem>>, %arg4: memref<2x128x128xf32, #tpu.memory_space<vmem>>, %arg5: memref<1x1x128xf32, #tpu.memory_space<vmem>>, %arg6: memref<128x128xf32, #tpu.memory_space<vmem>>) attributes {dimension_semantics = [#tpu.dimension_semantics<arbitrary>], iteration_bounds = array<i64: 80>, scalar_prefetch = 0 : i64, scratch_operands = 0 : i64, tpu.core_type = #tpu.core_type<tc>, window_params = [{transform_indices = @transform_0, window_bounds = array<i64: 2, 128, 128>}, {transform_indices = @transform_1, window_bounds = array<i64: 128, 256>}, {pipeline_mode = #tpu.pipeline_mode<synchronous>, transform_indices = @transform_2, window_bounds = array<i64: 256, 256>}, {transform_indices = @transform_3, window_bounds = array<i64: 2, 128, 128>}, {transform_indices = @transform_4, window_bounds = array<i64: 1, 1, 128>}, {transform_indices = @transform_5, window_bounds = array<i64: 128, 128>}]} {
    %get3A = arith.constant 0 : index
    %get3A_0 = arith.constant 0 : index
    %get3A_1 = arith.constant 0 : index
    %get3A_2 = vector.load %arg1[%get3A, %get3A_0, %get3A_1] : memref<2x128x128xf32, #tpu.memory_space<vmem>>, vector<1x128x1xf32>
    %get3A_3 = vector.shape_cast %get3A_2 : vector<1x128x1xf32> to vector<128xf32>
    %get3A_4 = arith.constant 1 : index
    %get3A_5 = arith.constant 0 : index
    %get3A_6 = arith.constant 0 : index
    %get3A_7 = vector.load %arg1[%get3A_4, %get3A_5, %get3A_6] : memref<2x128x128xf32, #tpu.memory_space<vmem>>, vector<1x128x1xf32>
    %get3A_8 = vector.shape_cast %get3A_7 : vector<1x128x1xf32> to vector<128xf32>
    %add3A = arith.addf %get3A_3, %get3A_8 : vector<128xf32>
    %add3A_9 = arith.constant 1.000000e+00 : f32
    %add3A_10 = vector.broadcast %add3A_9 : f32 to vector<128xf32>
    %add3A_11 = arith.addf %add3A, %add3A_10 : vector<128xf32>
    %max3A = arith.constant 9.99999996E-13 : f32
    %max3A_12 = vector.broadcast %max3A : f32 to vector<128xf32>
    %max3A_13 = arith.maximumf %add3A_11, %max3A_12 : vector<128xf32>
    %rsqrt3A = math.rsqrt %max3A_13 : vector<128xf32>
    %get3A_14 = arith.constant 0 : index
    %get3A_15 = arith.constant 0 : index
    %get3A_16 = vector.load %arg2[%get3A_14, %get3A_15] : memref<128x256xf32, #tpu.memory_space<vmem>>, vector<128x256xf32>
    %get3A_17 = arith.constant 0 : index
    %get3A_18 = arith.constant 0 : index
    %get3A_19 = vector.load %arg3[%get3A_17, %get3A_18] : memref<256x256xf32, #tpu.memory_space<vmem>>, vector<256x256xf32>
    %dot_general3A = arith.constant dense<0.000000e+00> : vector<128x256xf32>
    %dot_general3A_20 = tpu.matmul %get3A_16, %get3A_19, %dot_general3A {dimension_numbers = #tpu.dot_dimension_numbers<[1], [0], [0], [1], [0, 0, 1, 1], [], []>, transpose_lhs_hint = false} : vector<128x256xf32>, vector<256x256xf32>, vector<128x256xf32> -> vector<128x256xf32>
    %broadcast_in_dim3A = vector.shape_cast %rsqrt3A : vector<128xf32> to vector<128x1xf32>
    %mul3A = vector.broadcast %broadcast_in_dim3A : vector<128x1xf32> to vector<128x256xf32>
    %mul3A_21 = arith.mulf %dot_general3A_20, %mul3A : vector<128x256xf32>
    %slice3A = vector.extract_strided_slice %mul3A_21 {offsets = [0, 0], sizes = [128, 128], strides = [1, 1]} : vector<128x256xf32> to vector<128x128xf32>
    %swap3A = arith.constant 0 : index
    %swap3A_22 = arith.constant 0 : index
    %swap3A_23 = arith.constant 0 : index
    %swap3A_24 = vector.load %arg4[%swap3A, %swap3A_22, %swap3A_23] : memref<2x128x128xf32, #tpu.memory_space<vmem>>, vector<1x128x128xf32>
    %swap3A_25 = vector.shape_cast %swap3A_24 : vector<1x128x128xf32> to vector<128x128xf32>
    %swap3A_26 = vector.shape_cast %slice3A : vector<128x128xf32> to vector<1x128x128xf32>
    tpu.vector_store %arg4[%swap3A, %swap3A_22, %swap3A_23], %swap3A_26 {strides = array<i32>} : memref<2x128x128xf32, #tpu.memory_space<vmem>>, vector<1x128x128xf32>,
    %slice3A_27 = vector.extract_strided_slice %mul3A_21 {offsets = [0, 128], sizes = [128, 128], strides = [1, 1]} : vector<128x256xf32> to vector<128x128xf32>
    %swap3A_28 = arith.constant 1 : index
    %swap3A_29 = arith.constant 0 : index
    %swap3A_30 = arith.constant 0 : index
    %swap3A_31 = vector.load %arg4[%swap3A_28, %swap3A_29, %swap3A_30] : memref<2x128x128xf32, #tpu.memory_space<vmem>>, vector<1x128x128xf32>
    %swap3A_32 = vector.shape_cast %swap3A_31 : vector<1x128x128xf32> to vector<128x128xf32>
    %swap3A_33 = vector.shape_cast %slice3A_27 : vector<128x128xf32> to vector<1x128x128xf32>
    tpu.vector_store %arg4[%swap3A_28, %swap3A_29, %swap3A_30], %swap3A_33 {strides = array<i32>} : memref<2x128x128xf32, #tpu.memory_space<vmem>>, vector<1x128x128xf32>,
    %swap3A_34 = arith.constant 0 : index
    %swap3A_35 = arith.constant 0 : index
    %swap3A_36 = arith.constant 0 : index
    %swap3A_37 = vector.load %arg5[%swap3A_34, %swap3A_35, %swap3A_36] : memref<1x1x128xf32, #tpu.memory_space<vmem>>, vector<1x1x128xf32>
    %swap3A_38 = vector.shape_cast %swap3A_37 : vector<1x1x128xf32> to vector<128xf32>
    %swap3A_39 = vector.shape_cast %rsqrt3A : vector<128xf32> to vector<1x1x128xf32>
    tpu.vector_store %arg5[%swap3A_34, %swap3A_35, %swap3A_36], %swap3A_39 {strides = array<i32>} : memref<1x1x128xf32, #tpu.memory_space<vmem>>, vector<1x1x128xf32>,
    %iota3A = tpu.iota {dimensions = array<i32: 1>} : vector<128x128xi32>
    %eq3A = arith.constant 0 : i32
    %eq3A_40 = vector.broadcast %eq3A : i32 to vector<128x128xi32>
    %eq3A_41 = arith.cmpi eq, %iota3A, %eq3A_40 : vector<128x128xi32>
    %broadcast_in_dim3A_42 = vector.shape_cast %rsqrt3A : vector<128xf32> to vector<128x1xf32>
    %jit3A = arith.constant 0.000000e+00 : f32
    %broadcast_in_dim3A_43 = vector.shape_cast %broadcast_in_dim3A_42 : vector<128x1xf32> to vector<128x1xf32>
    %broadcast_in_dim3A_44 = vector.broadcast %broadcast_in_dim3A_43 : vector<128x1xf32> to vector<128x128xf32>
    %broadcast_in_dim3A_45 = vector.broadcast %jit3A : f32 to vector<128x128xf32>
    %select_n3A = arith.select %eq3A_41, %broadcast_in_dim3A_44, %broadcast_in_dim3A_45 : vector<128x128xi1>, vector<128x128xf32>
    %swap3A_46 = arith.constant 0 : index
    %swap3A_47 = arith.constant 0 : index
    %swap3A_48 = vector.load %arg6[%swap3A_46, %swap3A_47] : memref<128x128xf32, #tpu.memory_space<vmem>>, vector<128x128xf32>
    tpu.vector_store %arg6[%swap3A_46, %swap3A_47], %select_n3A {strides = array<i32>} : memref<128x128xf32, #tpu.memory_space<vmem>>, vector<128x128xf32>,
    return
  }
  func.func @transform_0(%arg0: i32) -> (i32, i32, i32) {
    %c0_i32 = arith.constant 0 : i32
    %c0_i32_0 = arith.constant 0 : i32
    %c0_i32_1 = arith.constant 0 : i32
    return %c0_i32, %arg0, %c0_i32_0 : i32, i32, i32
  }
  func.func @transform_1(%arg0: i32) -> (i32, i32) {
    %c0_i32 = arith.constant 0 : i32
    %c0_i32_0 = arith.constant 0 : i32
    return %arg0, %c0_i32 : i32, i32
  }
  func.func @transform_2(%arg0: i32) -> (i32, i32) {
    %c0_i32 = arith.constant 0 : i32
    %c0_i32_0 = arith.constant 0 : i32
    %c0_i32_1 = arith.constant 0 : i32
    return %c0_i32, %c0_i32_0 : i32, i32
  }
  func.func @transform_3(%arg0: i32) -> (i32, i32, i32) {
    %c0_i32 = arith.constant 0 : i32
    %c0_i32_0 = arith.constant 0 : i32
    %c0_i32_1 = arith.constant 0 : i32
    return %c0_i32, %arg0, %c0_i32_0 : i32, i32, i32
  }
  func.func @transform_4(%arg0: i32) -> (i32, i32, i32) {
    %c0_i32 = arith.constant 0 : i32
    %c0_i32_0 = arith.constant 0 : i32
    %c0_i32_1 = arith.constant 0 : i32
    return %arg0, %c0_i32, %c0_i32_0 : i32, i32, i32
  }
  func.func @transform_5(%arg0: i32) -> (i32, i32) {
    %c0_i32 = arith.constant 0 : i32
    %c0_i32_0 = arith.constant 0 : i32
    return %arg0, %c0_i32 : i32, i32
  }
}

module attributes {stable_mosaic.version = 14 : i64} {
  func.func @_tc2_body(%arg0: i32, %arg1: memref<2x128x128xf32, #tpu.memory_space<vmem>>, %arg2: memref<2x128x128xf32, #tpu.memory_space<vmem>>, %arg3: memref<1x1x128xf32, #tpu.memory_space<vmem>>, %arg4: memref<1x256xf32, #tpu.memory_space<vmem>>, %arg5: memref<256x256xf32, #tpu.memory_space<vmem>>, %arg6: memref<256x256xf32, #tpu.memory_space<vmem>>, %arg7: memref<2x128x128xf32, #tpu.memory_space<vmem>>, %arg8: memref<2x128x128xf32, #tpu.memory_space<vmem>>) attributes {dimension_semantics = [#tpu.dimension_semantics<arbitrary>], iteration_bounds = array<i64: 80>, scalar_prefetch = 0 : i64, scratch_operands = 0 : i64, tpu.core_type = #tpu.core_type<tc>, window_params = [{transform_indices = @transform_0, window_bounds = array<i64: 2, 128, 128>}, {transform_indices = @transform_1, window_bounds = array<i64: 2, 128, 128>}, {transform_indices = @transform_2, window_bounds = array<i64: 1, 1, 128>}, {pipeline_mode = #tpu.pipeline_mode<synchronous>, transform_indices = @transform_3, window_bounds = array<i64: 1, 256>}, {pipeline_mode = #tpu.pipeline_mode<synchronous>, transform_indices = @transform_4, window_bounds = array<i64: 256, 256>}, {pipeline_mode = #tpu.pipeline_mode<synchronous>, transform_indices = @transform_5, window_bounds = array<i64: 256, 256>}, {transform_indices = @transform_6, window_bounds = array<i64: 2, 128, 128>}, {transform_indices = @transform_7, window_bounds = array<i64: 2, 128, 128>}]} {
    %get3A = arith.constant 0 : index
    %get3A_0 = arith.constant 0 : index
    %get3A_1 = arith.constant 0 : index
    %get3A_2 = vector.load %arg3[%get3A, %get3A_0, %get3A_1] : memref<1x1x128xf32, #tpu.memory_space<vmem>>, vector<1x1x128xf32>
    %get3A_3 = vector.shape_cast %get3A_2 : vector<1x1x128xf32> to vector<128xf32>
    %get3A_4 = arith.constant 0 : index
    %get3A_5 = arith.constant 0 : index
    %get3A_6 = arith.constant 0 : index
    %get3A_7 = vector.load %arg1[%get3A_4, %get3A_5, %get3A_6] : memref<2x128x128xf32, #tpu.memory_space<vmem>>, vector<1x128x128xf32>
    %get3A_8 = vector.shape_cast %get3A_7 : vector<1x128x128xf32> to vector<128x128xf32>
    %get3A_9 = arith.constant 0 : index
    %get3A_10 = arith.constant 0 : index
    %get3A_11 = arith.constant 0 : index
    %get3A_12 = vector.load %arg2[%get3A_9, %get3A_10, %get3A_11] : memref<2x128x128xf32, #tpu.memory_space<vmem>>, vector<1x128x128xf32>
    %get3A_13 = vector.shape_cast %get3A_12 : vector<1x128x128xf32> to vector<128x128xf32>
    %add3A = arith.addf %get3A_8, %get3A_13 : vector<128x128xf32>
    %get3A_14 = arith.constant 1 : index
    %get3A_15 = arith.constant 0 : index
    %get3A_16 = arith.constant 0 : index
    %get3A_17 = vector.load %arg1[%get3A_14, %get3A_15, %get3A_16] : memref<2x128x128xf32, #tpu.memory_space<vmem>>, vector<1x128x128xf32>
    %get3A_18 = vector.shape_cast %get3A_17 : vector<1x128x128xf32> to vector<128x128xf32>
    %get3A_19 = arith.constant 1 : index
    %get3A_20 = arith.constant 0 : index
    %get3A_21 = arith.constant 0 : index
    %get3A_22 = vector.load %arg2[%get3A_19, %get3A_20, %get3A_21] : memref<2x128x128xf32, #tpu.memory_space<vmem>>, vector<1x128x128xf32>
    %get3A_23 = vector.shape_cast %get3A_22 : vector<1x128x128xf32> to vector<128x128xf32>
    %add3A_24 = arith.addf %get3A_18, %get3A_23 : vector<128x128xf32>
    %concatenate3A = tpu.concatenate %add3A, %add3A_24 in 1 : vector<128x128xf32>, vector<128x128xf32> -> vector<128x256xf32>
    %broadcast_in_dim3A = vector.shape_cast %get3A_3 : vector<128xf32> to vector<128x1xf32>
    %mul3A = vector.broadcast %broadcast_in_dim3A : vector<128x1xf32> to vector<128x256xf32>
    %mul3A_25 = arith.mulf %concatenate3A, %mul3A : vector<128x256xf32>
    %get3A_26 = arith.constant 0 : index
    %get3A_27 = arith.constant 0 : index
    %get3A_28 = vector.load %arg4[%get3A_26, %get3A_27] : memref<1x256xf32, #tpu.memory_space<vmem>>, vector<1x256xf32>
    %get3A_29 = vector.shape_cast %get3A_28 : vector<1x256xf32> to vector<256xf32>
    %broadcast_in_dim3A_30 = vector.shape_cast %get3A_29 : vector<256xf32> to vector<1x256xf32>
    %add3A_31 = vector.broadcast %broadcast_in_dim3A_30 : vector<1x256xf32> to vector<128x256xf32>
    %add3A_32 = arith.addf %mul3A_25, %add3A_31 : vector<128x256xf32>
    %max3A = arith.constant 0.000000e+00 : f32
    %max3A_33 = vector.broadcast %max3A : f32 to vector<128x256xf32>
    %max3A_34 = arith.maximumf %add3A_32, %max3A_33 : vector<128x256xf32>
    %get3A_35 = arith.constant 0 : index
    %get3A_36 = arith.constant 0 : index
    %get3A_37 = vector.load %arg5[%get3A_35, %get3A_36] : memref<256x256xf32, #tpu.memory_space<vmem>>, vector<256x256xf32>
    %dot_general3A = arith.constant dense<0.000000e+00> : vector<128x256xf32>
    %dot_general3A_38 = tpu.matmul %max3A_34, %get3A_37, %dot_general3A {dimension_numbers = #tpu.dot_dimension_numbers<[1], [0], [0], [1], [0, 0, 1, 1], [], []>, transpose_lhs_hint = false} : vector<128x256xf32>, vector<256x256xf32>, vector<128x256xf32> -> vector<128x256xf32>
    %broadcast_in_dim3A_39 = vector.shape_cast %get3A_3 : vector<128xf32> to vector<128x1xf32>
    %mul3A_40 = vector.broadcast %broadcast_in_dim3A_39 : vector<128x1xf32> to vector<128x256xf32>
    %mul3A_41 = arith.mulf %dot_general3A_38, %mul3A_40 : vector<128x256xf32>
    %get3A_42 = arith.constant 0 : index
    %get3A_43 = arith.constant 0 : index
    %get3A_44 = vector.load %arg6[%get3A_42, %get3A_43] : memref<256x256xf32, #tpu.memory_space<vmem>>, vector<256x256xf32>
    %dot_general3A_45 = arith.constant dense<0.000000e+00> : vector<128x256xf32>
    %dot_general3A_46 = tpu.matmul %max3A_34, %get3A_44, %dot_general3A_45 {dimension_numbers = #tpu.dot_dimension_numbers<[1], [0], [0], [1], [0, 0, 1, 1], [], []>, transpose_lhs_hint = false} : vector<128x256xf32>, vector<256x256xf32>, vector<128x256xf32> -> vector<128x256xf32>
    %broadcast_in_dim3A_47 = vector.shape_cast %get3A_3 : vector<128xf32> to vector<128x1xf32>
    %mul3A_48 = vector.broadcast %broadcast_in_dim3A_47 : vector<128x1xf32> to vector<128x256xf32>
    %mul3A_49 = arith.mulf %dot_general3A_46, %mul3A_48 : vector<128x256xf32>
    %slice3A = vector.extract_strided_slice %mul3A_41 {offsets = [0, 0], sizes = [128, 128], strides = [1, 1]} : vector<128x256xf32> to vector<128x128xf32>
    %swap3A = arith.constant 0 : index
    %swap3A_50 = arith.constant 0 : index
    %swap3A_51 = arith.constant 0 : index
    %swap3A_52 = vector.load %arg7[%swap3A, %swap3A_50, %swap3A_51] : memref<2x128x128xf32, #tpu.memory_space<vmem>>, vector<1x128x128xf32>
    %swap3A_53 = vector.shape_cast %swap3A_52 : vector<1x128x128xf32> to vector<128x128xf32>
    %swap3A_54 = vector.shape_cast %slice3A : vector<128x128xf32> to vector<1x128x128xf32>
    tpu.vector_store %arg7[%swap3A, %swap3A_50, %swap3A_51], %swap3A_54 {strides = array<i32>} : memref<2x128x128xf32, #tpu.memory_space<vmem>>, vector<1x128x128xf32>,
    %slice3A_55 = vector.extract_strided_slice %mul3A_41 {offsets = [0, 128], sizes = [128, 128], strides = [1, 1]} : vector<128x256xf32> to vector<128x128xf32>
    %swap3A_56 = arith.constant 1 : index
    %swap3A_57 = arith.constant 0 : index
    %swap3A_58 = arith.constant 0 : index
    %swap3A_59 = vector.load %arg7[%swap3A_56, %swap3A_57, %swap3A_58] : memref<2x128x128xf32, #tpu.memory_space<vmem>>, vector<1x128x128xf32>
    %swap3A_60 = vector.shape_cast %swap3A_59 : vector<1x128x128xf32> to vector<128x128xf32>
    %swap3A_61 = vector.shape_cast %slice3A_55 : vector<128x128xf32> to vector<1x128x128xf32>
    tpu.vector_store %arg7[%swap3A_56, %swap3A_57, %swap3A_58], %swap3A_61 {strides = array<i32>} : memref<2x128x128xf32, #tpu.memory_space<vmem>>, vector<1x128x128xf32>,
    %slice3A_62 = vector.extract_strided_slice %mul3A_49 {offsets = [0, 0], sizes = [128, 128], strides = [1, 1]} : vector<128x256xf32> to vector<128x128xf32>
    %swap3A_63 = arith.constant 0 : index
    %swap3A_64 = arith.constant 0 : index
    %swap3A_65 = arith.constant 0 : index
    %swap3A_66 = vector.load %arg8[%swap3A_63, %swap3A_64, %swap3A_65] : memref<2x128x128xf32, #tpu.memory_space<vmem>>, vector<1x128x128xf32>
    %swap3A_67 = vector.shape_cast %swap3A_66 : vector<1x128x128xf32> to vector<128x128xf32>
    %swap3A_68 = vector.shape_cast %slice3A_62 : vector<128x128xf32> to vector<1x128x128xf32>
    tpu.vector_store %arg8[%swap3A_63, %swap3A_64, %swap3A_65], %swap3A_68 {strides = array<i32>} : memref<2x128x128xf32, #tpu.memory_space<vmem>>, vector<1x128x128xf32>,
    %slice3A_69 = vector.extract_strided_slice %mul3A_49 {offsets = [0, 128], sizes = [128, 128], strides = [1, 1]} : vector<128x256xf32> to vector<128x128xf32>
    %swap3A_70 = arith.constant 1 : index
    %swap3A_71 = arith.constant 0 : index
    %swap3A_72 = arith.constant 0 : index
    %swap3A_73 = vector.load %arg8[%swap3A_70, %swap3A_71, %swap3A_72] : memref<2x128x128xf32, #tpu.memory_space<vmem>>, vector<1x128x128xf32>
    %swap3A_74 = vector.shape_cast %swap3A_73 : vector<1x128x128xf32> to vector<128x128xf32>
    %swap3A_75 = vector.shape_cast %slice3A_69 : vector<128x128xf32> to vector<1x128x128xf32>
    tpu.vector_store %arg8[%swap3A_70, %swap3A_71, %swap3A_72], %swap3A_75 {strides = array<i32>} : memref<2x128x128xf32, #tpu.memory_space<vmem>>, vector<1x128x128xf32>,
    return
  }
  func.func @transform_0(%arg0: i32) -> (i32, i32, i32) {
    %c0_i32 = arith.constant 0 : i32
    %c0_i32_0 = arith.constant 0 : i32
    %c0_i32_1 = arith.constant 0 : i32
    return %c0_i32, %arg0, %c0_i32_0 : i32, i32, i32
  }
  func.func @transform_1(%arg0: i32) -> (i32, i32, i32) {
    %c0_i32 = arith.constant 0 : i32
    %c0_i32_0 = arith.constant 0 : i32
    %c0_i32_1 = arith.constant 0 : i32
    return %c0_i32, %arg0, %c0_i32_0 : i32, i32, i32
  }
  func.func @transform_2(%arg0: i32) -> (i32, i32, i32) {
    %c0_i32 = arith.constant 0 : i32
    %c0_i32_0 = arith.constant 0 : i32
    %c0_i32_1 = arith.constant 0 : i32
    return %arg0, %c0_i32, %c0_i32_0 : i32, i32, i32
  }
  func.func @transform_3(%arg0: i32) -> (i32, i32) {
    %c0_i32 = arith.constant 0 : i32
    %c0_i32_0 = arith.constant 0 : i32
    %c0_i32_1 = arith.constant 0 : i32
    return %c0_i32, %c0_i32_0 : i32, i32
  }
  func.func @transform_4(%arg0: i32) -> (i32, i32) {
    %c0_i32 = arith.constant 0 : i32
    %c0_i32_0 = arith.constant 0 : i32
    %c0_i32_1 = arith.constant 0 : i32
    return %c0_i32, %c0_i32_0 : i32, i32
  }
  func.func @transform_5(%arg0: i32) -> (i32, i32) {
    %c0_i32 = arith.constant 0 : i32
    %c0_i32_0 = arith.constant 0 : i32
    %c0_i32_1 = arith.constant 0 : i32
    return %c0_i32, %c0_i32_0 : i32, i32
  }
  func.func @transform_6(%arg0: i32) -> (i32, i32, i32) {
    %c0_i32 = arith.constant 0 : i32
    %c0_i32_0 = arith.constant 0 : i32
    %c0_i32_1 = arith.constant 0 : i32
    return %c0_i32, %arg0, %c0_i32_0 : i32, i32, i32
  }
  func.func @transform_7(%arg0: i32) -> (i32, i32, i32) {
    %c0_i32 = arith.constant 0 : i32
    %c0_i32_0 = arith.constant 0 : i32
    %c0_i32_1 = arith.constant 0 : i32
    return %c0_i32, %arg0, %c0_i32_0 : i32, i32, i32
  }
}

module attributes {stable_mosaic.version = 14 : i64} {
  func.func @_tc3_body(%arg0: i32, %arg1: memref<2x128x128xf32, #tpu.memory_space<vmem>>, %arg2: memref<2x128x128xf32, #tpu.memory_space<vmem>>, %arg3: memref<2x128x128xf32, #tpu.memory_space<vmem>>, %arg4: memref<2x128x128xf32, #tpu.memory_space<vmem>>, %arg5: memref<1x1x128xf32, #tpu.memory_space<vmem>>, %arg6: memref<2x128x128xf32, #tpu.memory_space<vmem>>, %arg7: memref<128x256xf32, #tpu.memory_space<vmem>>, %arg8: memref<1x256xf32, #tpu.memory_space<vmem>>, %arg9: memref<1x256xf32, #tpu.memory_space<vmem>>, %arg10: memref<1x256xf32, #tpu.memory_space<vmem>>, %arg11: memref<256x256xf32, #tpu.memory_space<vmem>>, %arg12: memref<128x256xf32, #tpu.memory_space<vmem>>, %arg13: memref<128x256xf32, #tpu.memory_space<vmem>>, %arg14: memref<128x256xf32, #tpu.memory_space<vmem>>, %arg15: memref<1x1xf32, #tpu.memory_space<vmem>>) attributes {dimension_semantics = [#tpu.dimension_semantics<arbitrary>], iteration_bounds = array<i64: 80>, scalar_prefetch = 0 : i64, scratch_operands = 0 : i64, tpu.core_type = #tpu.core_type<tc>, window_params = [{transform_indices = @transform_0, window_bounds = array<i64: 2, 128, 128>}, {transform_indices = @transform_1, window_bounds = array<i64: 2, 128, 128>}, {transform_indices = @transform_2, window_bounds = array<i64: 2, 128, 128>}, {transform_indices = @transform_3, window_bounds = array<i64: 2, 128, 128>}, {transform_indices = @transform_4, window_bounds = array<i64: 1, 1, 128>}, {transform_indices = @transform_5, window_bounds = array<i64: 2, 128, 128>}, {transform_indices = @transform_6, window_bounds = array<i64: 128, 256>}, {pipeline_mode = #tpu.pipeline_mode<synchronous>, transform_indices = @transform_7, window_bounds = array<i64: 1, 256>}, {pipeline_mode = #tpu.pipeline_mode<synchronous>, transform_indices = @transform_8, window_bounds = array<i64: 1, 256>}, {pipeline_mode = #tpu.pipeline_mode<synchronous>, transform_indices = @transform_9, window_bounds = array<i64: 1, 256>}, {pipeline_mode = #tpu.pipeline_mode<synchronous>, transform_indices = @transform_10, window_bounds = array<i64: 256, 256>}, {transform_indices = @transform_11, window_bounds = array<i64: 128, 256>}, {transform_indices = @transform_12, window_bounds = array<i64: 128, 256>}, {transform_indices = @transform_13, window_bounds = array<i64: 128, 256>}, {pipeline_mode = #tpu.pipeline_mode<synchronous>, transform_indices = @transform_14, window_bounds = array<i64: 1, 1>}]} {
    %get3A = arith.constant 0 : index
    %get3A_0 = arith.constant 0 : index
    %get3A_1 = arith.constant 0 : index
    %get3A_2 = vector.load %arg5[%get3A, %get3A_0, %get3A_1] : memref<1x1x128xf32, #tpu.memory_space<vmem>>, vector<1x1x128xf32>
    %get3A_3 = vector.shape_cast %get3A_2 : vector<1x1x128xf32> to vector<128xf32>
    %get3A_4 = arith.constant 0 : index
    %get3A_5 = arith.constant 0 : index
    %get3A_6 = arith.constant 0 : index
    %get3A_7 = vector.load %arg1[%get3A_4, %get3A_5, %get3A_6] : memref<2x128x128xf32, #tpu.memory_space<vmem>>, vector<1x128x128xf32>
    %get3A_8 = vector.shape_cast %get3A_7 : vector<1x128x128xf32> to vector<128x128xf32>
    %get3A_9 = arith.constant 0 : index
    %get3A_10 = arith.constant 0 : index
    %get3A_11 = arith.constant 0 : index
    %get3A_12 = vector.load %arg2[%get3A_9, %get3A_10, %get3A_11] : memref<2x128x128xf32, #tpu.memory_space<vmem>>, vector<1x128x128xf32>
    %get3A_13 = vector.shape_cast %get3A_12 : vector<1x128x128xf32> to vector<128x128xf32>
    %add3A = arith.addf %get3A_8, %get3A_13 : vector<128x128xf32>
    %get3A_14 = arith.constant 1 : index
    %get3A_15 = arith.constant 0 : index
    %get3A_16 = arith.constant 0 : index
    %get3A_17 = vector.load %arg1[%get3A_14, %get3A_15, %get3A_16] : memref<2x128x128xf32, #tpu.memory_space<vmem>>, vector<1x128x128xf32>
    %get3A_18 = vector.shape_cast %get3A_17 : vector<1x128x128xf32> to vector<128x128xf32>
    %get3A_19 = arith.constant 1 : index
    %get3A_20 = arith.constant 0 : index
    %get3A_21 = arith.constant 0 : index
    %get3A_22 = vector.load %arg2[%get3A_19, %get3A_20, %get3A_21] : memref<2x128x128xf32, #tpu.memory_space<vmem>>, vector<1x128x128xf32>
    %get3A_23 = vector.shape_cast %get3A_22 : vector<1x128x128xf32> to vector<128x128xf32>
    %add3A_24 = arith.addf %get3A_18, %get3A_23 : vector<128x128xf32>
    %concatenate3A = tpu.concatenate %add3A, %add3A_24 in 1 : vector<128x128xf32>, vector<128x128xf32> -> vector<128x256xf32>
    %broadcast_in_dim3A = vector.shape_cast %get3A_3 : vector<128xf32> to vector<128x1xf32>
    %mul3A = vector.broadcast %broadcast_in_dim3A : vector<128x1xf32> to vector<128x256xf32>
    %mul3A_25 = arith.mulf %concatenate3A, %mul3A : vector<128x256xf32>
    %get3A_26 = arith.constant 0 : index
    %get3A_27 = arith.constant 0 : index
    %get3A_28 = vector.load %arg9[%get3A_26, %get3A_27] : memref<1x256xf32, #tpu.memory_space<vmem>>, vector<1x256xf32>
    %get3A_29 = vector.shape_cast %get3A_28 : vector<1x256xf32> to vector<256xf32>
    %broadcast_in_dim3A_30 = vector.shape_cast %get3A_29 : vector<256xf32> to vector<1x256xf32>
    %add3A_31 = vector.broadcast %broadcast_in_dim3A_30 : vector<1x256xf32> to vector<128x256xf32>
    %add3A_32 = arith.addf %mul3A_25, %add3A_31 : vector<128x256xf32>
    %get3A_33 = arith.constant 0 : index
    %get3A_34 = arith.constant 0 : index
    %get3A_35 = arith.constant 0 : index
    %get3A_36 = vector.load %arg3[%get3A_33, %get3A_34, %get3A_35] : memref<2x128x128xf32, #tpu.memory_space<vmem>>, vector<1x128x128xf32>
    %get3A_37 = vector.shape_cast %get3A_36 : vector<1x128x128xf32> to vector<128x128xf32>
    %get3A_38 = arith.constant 0 : index
    %get3A_39 = arith.constant 0 : index
    %get3A_40 = arith.constant 0 : index
    %get3A_41 = vector.load %arg4[%get3A_38, %get3A_39, %get3A_40] : memref<2x128x128xf32, #tpu.memory_space<vmem>>, vector<1x128x128xf32>
    %get3A_42 = vector.shape_cast %get3A_41 : vector<1x128x128xf32> to vector<128x128xf32>
    %add3A_43 = arith.addf %get3A_37, %get3A_42 : vector<128x128xf32>
    %get3A_44 = arith.constant 1 : index
    %get3A_45 = arith.constant 0 : index
    %get3A_46 = arith.constant 0 : index
    %get3A_47 = vector.load %arg3[%get3A_44, %get3A_45, %get3A_46] : memref<2x128x128xf32, #tpu.memory_space<vmem>>, vector<1x128x128xf32>
    %get3A_48 = vector.shape_cast %get3A_47 : vector<1x128x128xf32> to vector<128x128xf32>
    %get3A_49 = arith.constant 1 : index
    %get3A_50 = arith.constant 0 : index
    %get3A_51 = arith.constant 0 : index
    %get3A_52 = vector.load %arg4[%get3A_49, %get3A_50, %get3A_51] : memref<2x128x128xf32, #tpu.memory_space<vmem>>, vector<1x128x128xf32>
    %get3A_53 = vector.shape_cast %get3A_52 : vector<1x128x128xf32> to vector<128x128xf32>
    %add3A_54 = arith.addf %get3A_48, %get3A_53 : vector<128x128xf32>
    %concatenate3A_55 = tpu.concatenate %add3A_43, %add3A_54 in 1 : vector<128x128xf32>, vector<128x128xf32> -> vector<128x256xf32>
    %broadcast_in_dim3A_56 = vector.shape_cast %get3A_3 : vector<128xf32> to vector<128x1xf32>
    %mul3A_57 = vector.broadcast %broadcast_in_dim3A_56 : vector<128x1xf32> to vector<128x256xf32>
    %mul3A_58 = arith.mulf %concatenate3A_55, %mul3A_57 : vector<128x256xf32>
    %get3A_59 = arith.constant 0 : index
    %get3A_60 = arith.constant 0 : index
    %get3A_61 = vector.load %arg10[%get3A_59, %get3A_60] : memref<1x256xf32, #tpu.memory_space<vmem>>, vector<1x256xf32>
    %get3A_62 = vector.shape_cast %get3A_61 : vector<1x256xf32> to vector<256xf32>
    %broadcast_in_dim3A_63 = vector.shape_cast %get3A_62 : vector<256xf32> to vector<1x256xf32>
    %add3A_64 = vector.broadcast %broadcast_in_dim3A_63 : vector<1x256xf32> to vector<128x256xf32>
    %add3A_65 = arith.addf %mul3A_58, %add3A_64 : vector<128x256xf32>
    %swap3A = arith.constant 0 : index
    %swap3A_66 = arith.constant 0 : index
    %swap3A_67 = vector.load %arg12[%swap3A, %swap3A_66] : memref<128x256xf32, #tpu.memory_space<vmem>>, vector<128x256xf32>
    tpu.vector_store %arg12[%swap3A, %swap3A_66], %add3A_32 {strides = array<i32>} : memref<128x256xf32, #tpu.memory_space<vmem>>, vector<128x256xf32>,
    %swap3A_68 = arith.constant 0 : index
    %swap3A_69 = arith.constant 0 : index
    %swap3A_70 = vector.load %arg13[%swap3A_68, %swap3A_69] : memref<128x256xf32, #tpu.memory_space<vmem>>, vector<128x256xf32>
    tpu.vector_store %arg13[%swap3A_68, %swap3A_69], %add3A_65 {strides = array<i32>} : memref<128x256xf32, #tpu.memory_space<vmem>>, vector<128x256xf32>,
    %get3A_71 = arith.constant 0 : index
    %get3A_72 = arith.constant 0 : index
    %get3A_73 = arith.constant 0 : index
    %get3A_74 = vector.load %arg6[%get3A_71, %get3A_72, %get3A_73] : memref<2x128x128xf32, #tpu.memory_space<vmem>>, vector<1x128x1xf32>
    %get3A_75 = vector.shape_cast %get3A_74 : vector<1x128x1xf32> to vector<128xf32>
    %get3A_76 = arith.constant 1 : index
    %get3A_77 = arith.constant 0 : index
    %get3A_78 = arith.constant 0 : index
    %get3A_79 = vector.load %arg6[%get3A_76, %get3A_77, %get3A_78] : memref<2x128x128xf32, #tpu.memory_space<vmem>>, vector<1x128x1xf32>
    %get3A_80 = vector.shape_cast %get3A_79 : vector<1x128x1xf32> to vector<128xf32>
    %add3A_81 = arith.addf %get3A_75, %get3A_80 : vector<128xf32>
    %add3A_82 = arith.addf %add3A_81, %get3A_3 : vector<128xf32>
    %mul3A_83 = arith.mulf %get3A_3, %add3A_82 : vector<128xf32>
    %get3A_84 = arith.constant 0 : index
    %get3A_85 = arith.constant 0 : index
    %get3A_86 = vector.load %arg8[%get3A_84, %get3A_85] : memref<1x256xf32, #tpu.memory_space<vmem>>, vector<1x256xf32>
    %max3A = arith.constant 0.000000e+00 : f32
    %max3A_87 = vector.broadcast %max3A : f32 to vector<1x256xf32>
    %max3A_88 = arith.maximumf %get3A_86, %max3A_87 : vector<1x256xf32>
    %reshape3A = vector.shape_cast %max3A_88 : vector<1x256xf32> to vector<256x1xf32>
    %get3A_89 = arith.constant 0 : index
    %get3A_90 = arith.constant 0 : index
    %get3A_91 = vector.load %arg11[%get3A_89, %get3A_90] : memref<256x256xf32, #tpu.memory_space<vmem>>, vector<256x256xf32>
    %mul3A_92 = vector.broadcast %reshape3A : vector<256x1xf32> to vector<256x256xf32>
    %mul3A_93 = arith.mulf %mul3A_92, %get3A_91 : vector<256x256xf32>
    %reduce_sum3A = arith.constant dense<0.000000e+00> : vector<256xf32>
    %reduce_sum3A_94 = vector.multi_reduction <add>, %mul3A_93, %reduce_sum3A [0] : vector<256x256xf32> to vector<256xf32>
    %broadcast_in_dim3A_95 = vector.shape_cast %mul3A_83 : vector<128xf32> to vector<128x1xf32>
    %broadcast_in_dim3A_96 = vector.shape_cast %reduce_sum3A_94 : vector<256xf32> to vector<1x256xf32>
    %mul3A_97 = vector.broadcast %broadcast_in_dim3A_95 : vector<128x1xf32> to vector<128x256xf32>
    %mul3A_98 = vector.broadcast %broadcast_in_dim3A_96 : vector<1x256xf32> to vector<128x256xf32>
    %mul3A_99 = arith.mulf %mul3A_97, %mul3A_98 : vector<128x256xf32>
    %get3A_100 = arith.constant 0 : index
    %get3A_101 = arith.constant 0 : index
    %get3A_102 = vector.load %arg9[%get3A_100, %get3A_101] : memref<1x256xf32, #tpu.memory_space<vmem>>, vector<1x256xf32>
    %get3A_103 = vector.shape_cast %get3A_102 : vector<1x256xf32> to vector<256xf32>
    %broadcast_in_dim3A_104 = vector.shape_cast %get3A_103 : vector<256xf32> to vector<1x256xf32>
    %add3A_105 = vector.broadcast %broadcast_in_dim3A_104 : vector<1x256xf32> to vector<128x256xf32>
    %add3A_106 = arith.addf %mul3A_99, %add3A_105 : vector<128x256xf32>
    %logistic3A = arith.negf %add3A_106 : vector<128x256xf32>
    %logistic3A_107 = math.exp %logistic3A : vector<128x256xf32>
    %logistic3A_108 = arith.constant 1.000000e+00 : f32
    %logistic3A_109 = vector.broadcast %logistic3A_108 : f32 to vector<128x256xf32>
    %logistic3A_110 = arith.addf %logistic3A_109, %logistic3A_107 : vector<128x256xf32>
    %logistic3A_111 = arith.divf %logistic3A_109, %logistic3A_110 : vector<128x256xf32>
    %swap3A_112 = arith.constant 0 : index
    %swap3A_113 = arith.constant 0 : index
    %swap3A_114 = vector.load %arg14[%swap3A_112, %swap3A_113] : memref<128x256xf32, #tpu.memory_space<vmem>>, vector<128x256xf32>
    tpu.vector_store %arg14[%swap3A_112, %swap3A_113], %logistic3A_111 {strides = array<i32>} : memref<128x256xf32, #tpu.memory_space<vmem>>, vector<128x256xf32>,
    %mul3A_115 = arith.constant 128 : i32
    %mul3A_116 = arith.muli %arg0, %mul3A_115 : i32
    %iota3A = tpu.iota {dimensions = array<i32: 0>} : vector<128x256xi32>
    %add3A_117 = vector.broadcast %mul3A_116 : i32 to vector<128x256xi32>
    %add3A_118 = arith.addi %add3A_117, %iota3A : vector<128x256xi32>
    %lt3A = arith.constant 10000 : i32
    %lt3A_119 = vector.broadcast %lt3A : i32 to vector<128x256xi32>
    %lt3A_120 = arith.cmpi slt, %add3A_118, %lt3A_119 : vector<128x256xi32>
    %jit3A = arith.constant 1.000000e-07 : f32
    %jit3A_121 = arith.constant 0.99999988 : f32
    %max3A_122 = vector.broadcast %jit3A : f32 to vector<128x256xf32>
    %max3A_123 = arith.maximumf %max3A_122, %logistic3A_111 : vector<128x256xf32>
    %min3A = vector.broadcast %jit3A_121 : f32 to vector<128x256xf32>
    %min3A_124 = arith.minimumf %min3A, %max3A_123 : vector<128x256xf32>
    %get3A_125 = arith.constant 0 : index
    %get3A_126 = arith.constant 0 : index
    %get3A_127 = vector.load %arg7[%get3A_125, %get3A_126] : memref<128x256xf32, #tpu.memory_space<vmem>>, vector<128x256xf32>
    %log3A = math.log %min3A_124 : vector<128x256xf32>
    %mul3A_128 = arith.mulf %get3A_127, %log3A : vector<128x256xf32>
    %sub3A = arith.constant 1.000000e+00 : f32
    %sub3A_129 = vector.broadcast %sub3A : f32 to vector<128x256xf32>
    %sub3A_130 = arith.subf %sub3A_129, %get3A_127 : vector<128x256xf32>
    %sub3A_131 = arith.constant 1.000000e+00 : f32
    %sub3A_132 = vector.broadcast %sub3A_131 : f32 to vector<128x256xf32>
    %sub3A_133 = arith.subf %sub3A_132, %min3A_124 : vector<128x256xf32>
    %log3A_134 = math.log %sub3A_133 : vector<128x256xf32>
    %mul3A_135 = arith.mulf %sub3A_130, %log3A_134 : vector<128x256xf32>
    %add3A_136 = arith.addf %mul3A_128, %mul3A_135 : vector<128x256xf32>
    %neg3A = arith.constant 0.000000e+00 : f32
    %neg3A_137 = vector.broadcast %neg3A : f32 to vector<128x256xf32>
    %neg3A_138 = arith.subf %neg3A_137, %add3A_136 : vector<128x256xf32>
    %jit3A_139 = arith.constant 0.000000e+00 : f32
    %broadcast_in_dim3A_140 = vector.broadcast %jit3A_139 : f32 to vector<128x256xf32>
    %select_n3A = arith.select %lt3A_120, %neg3A_138, %broadcast_in_dim3A_140 : vector<128x256xi1>, vector<128x256xf32>
    %reduce_sum3A_141 = vector.shape_cast %select_n3A : vector<128x256xf32> to vector<1x128x256xf32>
    %reduce_sum3A_142 = arith.constant dense<0.000000e+00> : vector<1xf32>
    %reduce_sum3A_143 = vector.multi_reduction <add>, %reduce_sum3A_141, %reduce_sum3A_142 [1, 2] : vector<1x128x256xf32> to vector<1xf32>
    %reduce_sum3A_144 = vector.shape_cast %reduce_sum3A_143 : vector<1xf32> to vector<1x1x1xf32>
    %reduce_sum3A_145 = vector.extract %reduce_sum3A_144[0, 0, 0] : f32 from vector<1x1x1xf32>
    %add3A_146 = arith.constant 1.000000e+00 : f32
    %add3A_147 = vector.broadcast %add3A_146 : f32 to vector<128x256xf32>
    %add3A_148 = arith.addf %add3A_147, %add3A_65 : vector<128x256xf32>
    %mul3A_149 = arith.mulf %add3A_32, %add3A_32 : vector<128x256xf32>
    %sub3A_150 = arith.subf %add3A_148, %mul3A_149 : vector<128x256xf32>
    %exp3A = math.exp %add3A_65 : vector<128x256xf32>
    %sub3A_151 = arith.subf %sub3A_150, %exp3A : vector<128x256xf32>
    %jit3A_152 = arith.constant 0.000000e+00 : f32
    %broadcast_in_dim3A_153 = vector.broadcast %jit3A_152 : f32 to vector<128x256xf32>
    %select_n3A_154 = arith.select %lt3A_120, %sub3A_151, %broadcast_in_dim3A_153 : vector<128x256xi1>, vector<128x256xf32>
    %reduce_sum3A_155 = vector.shape_cast %select_n3A_154 : vector<128x256xf32> to vector<1x128x256xf32>
    %reduce_sum3A_156 = arith.constant dense<0.000000e+00> : vector<1xf32>
    %reduce_sum3A_157 = vector.multi_reduction <add>, %reduce_sum3A_155, %reduce_sum3A_156 [1, 2] : vector<1x128x256xf32> to vector<1xf32>
    %reduce_sum3A_158 = vector.shape_cast %reduce_sum3A_157 : vector<1xf32> to vector<1x1x1xf32>
    %reduce_sum3A_159 = vector.extract %reduce_sum3A_158[0, 0, 0] : f32 from vector<1x1x1xf32>
    %div3A = arith.constant 2.560000e+06 : f32
    %div3A_160 = arith.divf %reduce_sum3A_145, %div3A : f32
    %mul3A_161 = arith.constant 5.000000e-01 : f32
    %mul3A_162 = arith.mulf %mul3A_161, %reduce_sum3A_159 : f32
    %sub3A_163 = arith.subf %div3A_160, %mul3A_162 : f32
    %eq3A = arith.constant 0 : i32
    %eq3A_164 = arith.cmpi eq, %arg0, %eq3A : i32
    %convert_element_type3A = arith.extui %eq3A_164 : i1 to i32
    %cond3A = arith.constant 0 : i32
    %cond3A_165 = arith.cmpi ne, %convert_element_type3A, %cond3A : i32
    scf.if %cond3A_165 {
      %broadcast_in_dim3A_174 = arith.constant 0.000000e+00 : f32
      %broadcast_in_dim3A_175 = vector.broadcast %broadcast_in_dim3A_174 : f32 to vector<1x1xf32>
      %swap3A_176 = arith.constant 0 : index
      %swap3A_177 = arith.constant 0 : index
      %swap3A_178 = vector.load %arg15[%swap3A_176, %swap3A_177] : memref<1x1xf32, #tpu.memory_space<vmem>>, vector<1x1xf32>
      tpu.vector_store %arg15[%swap3A_176, %swap3A_177], %broadcast_in_dim3A_175 {strides = array<i32>} : memref<1x1xf32, #tpu.memory_space<vmem>>, vector<1x1xf32>,
    } else {
    }
    %get3A_166 = arith.constant 0 : index
    %get3A_167 = arith.constant 0 : index
    %get3A_168 = vector.load %arg15[%get3A_166, %get3A_167] : memref<1x1xf32, #tpu.memory_space<vmem>>, vector<1x1xf32>
    %add3A_169 = vector.broadcast %sub3A_163 : f32 to vector<1x1xf32>
    %add3A_170 = arith.addf %get3A_168, %add3A_169 : vector<1x1xf32>
    %swap3A_171 = arith.constant 0 : index
    %swap3A_172 = arith.constant 0 : index
    %swap3A_173 = vector.load %arg15[%swap3A_171, %swap3A_172] : memref<1x1xf32, #tpu.memory_space<vmem>>, vector<1x1xf32>
    tpu.vector_store %arg15[%swap3A_171, %swap3A_172], %add3A_170 {strides = array<i32>} : memref<1x1xf32, #tpu.memory_space<vmem>>, vector<1x1xf32>,
    return
  }
  func.func @transform_0(%arg0: i32) -> (i32, i32, i32) {
    %c0_i32 = arith.constant 0 : i32
    %c0_i32_0 = arith.constant 0 : i32
    %c0_i32_1 = arith.constant 0 : i32
    return %c0_i32, %arg0, %c0_i32_0 : i32, i32, i32
  }
  func.func @transform_1(%arg0: i32) -> (i32, i32, i32) {
    %c0_i32 = arith.constant 0 : i32
    %c0_i32_0 = arith.constant 0 : i32
    %c0_i32_1 = arith.constant 0 : i32
    return %c0_i32, %arg0, %c0_i32_0 : i32, i32, i32
  }
  func.func @transform_2(%arg0: i32) -> (i32, i32, i32) {
    %c0_i32 = arith.constant 0 : i32
    %c0_i32_0 = arith.constant 0 : i32
    %c0_i32_1 = arith.constant 0 : i32
    return %c0_i32, %arg0, %c0_i32_0 : i32, i32, i32
  }
  func.func @transform_3(%arg0: i32) -> (i32, i32, i32) {
    %c0_i32 = arith.constant 0 : i32
    %c0_i32_0 = arith.constant 0 : i32
    %c0_i32_1 = arith.constant 0 : i32
    return %c0_i32, %arg0, %c0_i32_0 : i32, i32, i32
  }
  func.func @transform_4(%arg0: i32) -> (i32, i32, i32) {
    %c0_i32 = arith.constant 0 : i32
    %c0_i32_0 = arith.constant 0 : i32
    %c0_i32_1 = arith.constant 0 : i32
    return %arg0, %c0_i32, %c0_i32_0 : i32, i32, i32
  }
  func.func @transform_5(%arg0: i32) -> (i32, i32, i32) {
    %c0_i32 = arith.constant 0 : i32
    %c0_i32_0 = arith.constant 0 : i32
    %c0_i32_1 = arith.constant 0 : i32
    return %c0_i32, %arg0, %c0_i32_0 : i32, i32, i32
  }
  func.func @transform_6(%arg0: i32) -> (i32, i32) {
    %c0_i32 = arith.constant 0 : i32
    %c0_i32_0 = arith.constant 0 : i32
    return %arg0, %c0_i32 : i32, i32
  }
  func.func @transform_7(%arg0: i32) -> (i32, i32) {
    %c0_i32 = arith.constant 0 : i32
    %c0_i32_0 = arith.constant 0 : i32
    %c0_i32_1 = arith.constant 0 : i32
    return %c0_i32, %c0_i32_0 : i32, i32
  }
  func.func @transform_8(%arg0: i32) -> (i32, i32) {
    %c0_i32 = arith.constant 0 : i32
    %c0_i32_0 = arith.constant 0 : i32
    %c0_i32_1 = arith.constant 0 : i32
    return %c0_i32, %c0_i32_0 : i32, i32
  }
  func.func @transform_9(%arg0: i32) -> (i32, i32) {
    %c0_i32 = arith.constant 0 : i32
    %c0_i32_0 = arith.constant 0 : i32
    %c0_i32_1 = arith.constant 0 : i32
    return %c0_i32, %c0_i32_0 : i32, i32
  }
  func.func @transform_10(%arg0: i32) -> (i32, i32) {
    %c0_i32 = arith.constant 0 : i32
    %c0_i32_0 = arith.constant 0 : i32
    %c0_i32_1 = arith.constant 0 : i32
    return %c0_i32, %c0_i32_0 : i32, i32
  }
  func.func @transform_11(%arg0: i32) -> (i32, i32) {
    %c0_i32 = arith.constant 0 : i32
    %c0_i32_0 = arith.constant 0 : i32
    return %arg0, %c0_i32 : i32, i32
  }
  func.func @transform_12(%arg0: i32) -> (i32, i32) {
    %c0_i32 = arith.constant 0 : i32
    %c0_i32_0 = arith.constant 0 : i32
    return %arg0, %c0_i32 : i32, i32
  }
  func.func @transform_13(%arg0: i32) -> (i32, i32) {
    %c0_i32 = arith.constant 0 : i32
    %c0_i32_0 = arith.constant 0 : i32
    return %arg0, %c0_i32 : i32, i32
  }
  func.func @transform_14(%arg0: i32) -> (i32, i32) {
    %c0_i32 = arith.constant 0 : i32
    %c0_i32_0 = arith.constant 0 : i32
    %c0_i32_1 = arith.constant 0 : i32
    return %c0_i32, %c0_i32_0 : i32, i32
  }
}

</mosaic_0001>

<sc_bundles>
// kernel: kernel.11.cloned.1.call-start
scs
__scs_entry_jumppad:
0x0: {  	(pc) =	sbr.rel $0x88, $3  }
0x1: {  	(tag) =	ssettag $0x0;
	lr =	simm.s32 $0x1  }
0x2: {  	[smem:$0x3F99] =	sst lr;
	_ =	strace $0xD0000000  }
0x3: {  	_ = 	snop  }
0x4: {  	_ = 	snop  }
0x5: {  	_ = 	snop  }
0x6: {  	_ = 	snop  }
0x7: {  	_ = 	snop  }
__scs_overlays_trampoline_lowered:
0x8: {  	[smem:$0x3FA8] =	sst s0  }
0x9: {  	[smem:$0x3FA9] =	sst s1  }
0xa: {  	[smem:$0x3FAA] =	sst s2  }
0xb: {  	[smem:$0x3FAB] =	sst s3  }
0xc: {  	[smem:$0x3FAC] =	sst s4  }
0xd: {  	[smem:$0x3FAD] =	sst s5  }
0xe: {  	[smem:$0x3FAE] =	sst s6  }
0xf: {  	[smem:$0x3FAF] =	sst s7  }
0x10: {  	[smem:$0x3FB0] =	sst s8  }
0x11: {  	[smem:$0x3FB1] =	sst s9;
	s0 =	simm.s32 @!p0 $0x0  }
0x12: {  	s1 =	sld [smem:$0x3F97];
	s0 =	simm.s32 @p0 $0x1  }
0x13: {  	[smem:$0x3FB2] =	sst s0;
	s0 =	simm.s32 @!p1 $0x0  }
0x14: {  	s2 =	sld [smem:$0x3F96];
	s0 =	simm.s32 @p1 $0x1  }
0x15: {  	[smem:$0x3FB3] =	sst s0;
	s0 =	simm.s32 @!p2 $0x0  }
0x16: {  	s3 =	sld [smem:$0x3FDB];
	s0 =	simm.s32 @p2 $0x1  }
0x17: {  	s4 =	simm.s32 $0x1BF5;
	[smem:$0x3FB5] =	sst s0  }
0x18: {  	s0 =	sld [smem:$0x3F98];
	_ =	swait.ge [sflag:s4], $0x0  }
0x19: {  	s7 =	sld [smem:$0x3F99]  }
0x1a: {  	s8 =	sadd.s32 $0xFFFFE003, lr  }
0x1b: {  	s9 =	sadd.s32 $0xFFFFFEF7, lr;
	s5 =	simm.s32 $0xFFFFFFFF;
	p2 =	slt.u32 s8, $0xFFFFF086  }
0x1c: {  	p1 =	slt.u32 s9, $0xF7A;
	s5 =	simm.s32 @!p2 $0x0  }
0x1d: {  	s5 =	simm.s32 @p1 $0x1;
	p0 =	seq.s32 s7, s2  }
0x1e: {  	s7 =	smul.u32 @!p0 $0xF7A, s2;
	p2 =	seq.s32 @!p0 s5, $0x0  }
0x1f: {  	s9 =	smul.u32 $0xF7A, s1;
	s8 =	simm.s32 @!p0 $0x1BF5;
	p2 =	por !p2, p0  }
0x20: {  	[sflag:s8] =	ssyncset.s32 @!p0 $0xFFFFF086;
	s6 =	sadd.s32 @!p0 s3, s7;
	s7 =	simm.s32 @!p0 $0x108  }
0x21: {  	s3 =	sadd.s32 s3, s9;
	s6 =	sadd.s32 @!p0 $0x88, s6;
	s7 =	simm.s32 @p2 $0x1082  }
0x22: {  	[simem:s7], [sflag:s8] =	dma.local @!p0 [hbm:s6], $0xF7A  }
0x23: {  	s9 =	sor.u32 $0xD0000000, s2;
	s6 =	simm.s32 $0x108;
	_ =	swait.ge @!p0 [sflag:s8], $0x0  }
0x24: {  	s3 =	sadd.s32 $0x88, s3;
	s6 =	simm.s32 @!p1 $0x1082;
	[sflag:s4] =	ssyncset.s32 $0xFFFFF086  }
0x25: {  	[simem:s6], [sflag:s4] =	dma.local [hbm:s3], $0xF7A  }
0x26: {  	[smem:$0x3F99] =	sst s1;
	(tag) =	ssettag s2;
	_ =	strace s9  }
0x27: {  	s1 =	sld [smem:$0x3FA9]  }
0x28: {  	s2 =	sld [smem:$0x3FAA]  }
0x29: {  	s4 =	sld [smem:$0x3FAC]  }
0x2a: {  	p0 =	seq.s32 s5, $0x0;
	s5 =	sld [smem:$0x3FAD]  }
0x2b: {  	s6 =	sld [smem:$0x3FAE]  }
0x2c: {  	s7 =	sld [smem:$0x3FAF]  }
0x2d: {  	s3 =	simm.s32 $0x108;
	s8 =	sld [smem:$0x3FB0]  }
0x2e: {  	s3 =	simm.s32 @!p0 $0x1082;
	s9 =	sld [smem:$0x3FB1]  }
0x2f: {  	lr =	sadd.s32 s0, s3;
	s0 =	sld [smem:$0x3FA8]  }
0x30: {  	s3 =	sld [smem:$0x3FAB]  }
0x31: {  	[smem:$0x3FB4] =	sst s10  }
0x32: {  	s10 =	sld [smem:$0x3FB2];
	_ =	sdelay $0x3  }
0x33: {  	p0 =	seq.s32 s10, $0x1;
	s10 =	sld [smem:$0x3FB4];
	_ =	sdelay $0x3  }
0x34: {  	[smem:$0x3FB4] =	sst s10  }
0x35: {  	s10 =	sld [smem:$0x3FB3];
	_ =	sdelay $0x3  }
0x36: {  	p1 =	seq.s32 s10, $0x1;
	s10 =	sld [smem:$0x3FB4];
	_ =	sdelay $0x3  }
0x37: {  	[smem:$0x3FB4] =	sst s10  }
0x38: {  	s10 =	sld [smem:$0x3FB5]  }
0x39: {  	_ = 	snop;
	(pc) =	sbr.ind lr, $3  }
0x3a: {  	_ = 	snop  }
0x3b: {  	_ = 	snop  }
0x3c: {  	p2 =	seq.s32 s10, $0x1;
	s10 =	sld [smem:$0x3FB4]  }
0x3d: {  	_ =	shalt  }
0x3e: {  	_ =	shalt  }
0x3f: {  	_ =	shalt  }
0x40: {  	_ =	shalt  }
0x41: {  	_ =	shalt  }
0x42: {  	_ =	shalt  }
0x43: {  	_ =	shalt  }
0x44: {  	_ =	shalt  }
0x45: {  	_ =	shalt  }
0x46: {  	_ =	shalt  }
0x47: {  	_ =	shalt  }
0x48: {  	_ =	shalt  }
0x49: {  	_ =	shalt  }
0x4a: {  	_ =	shalt  }
0x4b: {  	_ =	shalt  }
0x4c: {  	_ =	shalt  }
0x4d: {  	_ =	shalt  }
0x4e: {  	_ =	shalt  }
0x4f: {  	_ =	shalt  }
0x50: {  	_ =	shalt  }
0x51: {  	_ =	shalt  }
0x52: {  	_ =	shalt  }
0x53: {  	_ =	shalt  }
0x54: {  	_ =	shalt  }
0x55: {  	_ =	shalt  }
0x56: {  	_ =	shalt  }
0x57: {  	_ =	shalt  }
0x58: {  	_ =	shalt  }
0x59: {  	_ =	shalt  }
0x5a: {  	_ =	shalt  }
0x5b: {  	_ =	shalt  }
0x5c: {  	_ =	shalt  }
0x5d: {  	_ =	shalt  }
0x5e: {  	_ =	shalt  }
0x5f: {  	_ =	shalt  }
0x60: {  	_ =	shalt  }
0x61: {  	_ =	shalt  }
0x62: {  	_ =	shalt  }
0x63: {  	_ =	shalt  }
0x64: {  	_ =	shalt  }
0x65: {  	_ =	shalt  }
0x66: {  	_ =	shalt  }
0x67: {  	_ =	shalt  }
0x68: {  	_ =	shalt  }
0x69: {  	_ =	shalt  }
0x6a: {  	_ =	shalt  }
0x6b: {  	_ =	shalt  }
0x6c: {  	_ =	shalt  }
0x6d: {  	_ =	shalt  }
0x6e: {  	_ =	shalt  }
0x6f: {  	_ =	shalt  }
0x70: {  	_ =	shalt  }
0x71: {  	_ =	shalt  }
0x72: {  	_ =	shalt  }
0x73: {  	_ =	shalt  }
0x74: {  	_ =	shalt  }
0x75: {  	_ =	shalt  }
0x76: {  	_ =	shalt  }
0x77: {  	_ =	shalt  }
0x78: {  	_ =	shalt  }
0x79: {  	_ =	shalt  }
0x7a: {  	_ =	shalt  }
0x7b: {  	_ =	shalt  }
0x7c: {  	_ =	shalt  }
0x7d: {  	_ =	shalt  }
0x7e: {  	_ =	shalt  }
0x7f: {  	_ =	shalt  }
0x80: {  	_ =	shalt  }
0x81: {  	_ =	shalt  }
0x82: {  	_ =	shalt  }
0x83: {  	_ =	shalt  }
0x84: {  	_ =	shalt  }
0x85: {  	_ =	shalt  }
0x86: {  	_ =	shalt  }
0x87: {  	_ =	shalt  }
.Lfunc_end0:
.L_simem_size_0:
called_computation.1_lowered:
.L_overlay_start_0:
0x88: {  	s2 =	sld [smem:$0x3FD9]  }
0x89: {  	s3 =	sld [smem:$0x3FFE];
	_ =	sdelay $0x1  }
0x8a: {  	s1 =	srdreg.scid  }
0x8b: {  	s0 =	sand.u32 $0x1, s1  }
0x8c: {  	s14 =	sshll.u32 s0, $0xA;
	s2 =	sadd.s32 s3, s2  }
0x8d: {  	s2 =	sadd.s32 s2, s14  }
0x8e: {  	[smem:$0x3FC0] =	sst s2  }
0x8f: {  	_ = 	snop  }
0x90: {  	s2 =	sld [smem:$0x3FD0];
	_ =	sdelay $0x2  }
0x91: {  	s15 =	simm.s32 $0xA;
	s4 =	simm.s32 $0x10  }
0x92: {  	[smem:s4], [sflag:s15] =	dma.local [hbm:s2], $0x1  }
0x93: {  	_ =	swait.eq [sflag:s15], $0x1  }
0x94: {  	s16 =	sld [smem:$0x10];
	[sflag:s15] =	ssyncset.done $0x0  }
0x95: {  	s17 =	sld [smem:$0x11];
	[sflag:s15] =	ssyncadd.s32 $0xFFFFFFFF  }
0x96: {  	s18 =	sld [smem:$0x12];
	(tm) =	ssettm $0x1  }
0x97: {  	s5 =	sld [smem:$0x3FFB];
	_ =	sdelay $0x3  }
0x98: {  	_ =	strace s5  }
0x99: {  	s5 =	sld [smem:$0x3FFC];
	_ =	sdelay $0x3  }
0x9a: {  	_ =	strace s5  }
0x9b: {  	s5 =	sld [smem:$0x3FFD];
	_ =	sdelay $0x3  }
0x9c: {  	_ =	strace s5  }
0x9d: {  	_ =	strace $0x8FFFFFFF  }
0x9e: {  	s19 =	sld [smem:$0x3FDB];
	_ =	sdelay $0x1  }
0x9f: {  	s6 =	simm.s32 $_scs_section_size  }
0xa0: {  	s7 =	simm.s32 $_size__tile_overlayer_lowered;
	s8 =	simm.s32 $_tile_overlayer_lowered  }
0xa1: {  	s22 =	simm.s32 $0x1BFF;
	s21 =	sshll.u32 s8, $0x1;
	s5 =	sadd.s32 s6, s19  }
0xa2: {  	s9 =	simm.s32 $0x0;
	s20 =	sshll.u32 s7, $0x1;
	s7 =	sadd.s32 s21, s5  }
0xa3: {  	[timem:s9], [sflag:s22] =	dma.local [hbm:s7], s20  }
0xa4: {  	_ =	swait.ge [sflag:s22], s20  }
0xa5: {  	s6 =	ssub.s32 $0x0, s20;
	[sflag:s22] =	ssyncset.done $0x0  }
0xa6: {  	[sflag:s22] =	ssyncadd.s32 s6;
	_ =	sdelay $0x1  }
0xa7: {  	s23 =	simm.s32 $0x1B8B  }
0xa8: {  	_ =	swait.ge [sflag:s23], $0x1  }
0xa9: {  	[sflag:s23] =	ssyncset.done $0x0  }
0xaa: {  	s25 =	simm.s32 $0x1B8E;
	s24 =	sld [smem:$0x3FFE];
	[sflag:s23] =	ssyncadd.s32 $0xFFFFFFFF  }
0xab: {  	s26 =	simm.s32 $execute0_lowered;
	[smem:$0x3FD2] =	sst s25  }
0xac: {  	s7 =	sshll.u32 s26, $0x1;
	_ =	strace $0x80000049;
	[dreg:$0x1] =	wrdreg $0xFFFFFFFF  }
0xad: {  	s28 =	simm.s32 $_size_execute0_lowered;
	s5 =	sadd.s32 s5, s7;
	[dreg:$0x0] =	wrdreg $0x0  }
0xae: {  	s7 =	sshll.u32 s28, $0x1;
	[dreg:$0x2] =	wrdreg s5  }
0xaf: {  	[dreg:$0x3] =	wrdreg s7  }
0xb0: {  	[dreg:$0x4] =	wrdreg $0xC0  }
0xb1: {  	_ =	task [dreg:s9], $0x5FFFF  }
0xb2: {  	[dreg:$0x1] =	wrdreg $0xFFFFFFFF  }
0xb3: {  	[dreg:$0x0] =	wrdreg $0x60  }
0xb4: {  	[dreg:$0x2] =	wrdreg s17  }
0xb5: {  	[dreg:$0x3] =	wrdreg s16  }
0xb6: {  	[dreg:$0x4] =	wrdreg s18  }
0xb7: {  	[dreg:$0x5] =	wrdreg s24  }
0xb8: {  	[dreg:$0x6] =	wrdreg $0xB8000  }
0xb9: {  	[dreg:$0x7] =	wrdreg $0x9  }
0xba: {  	_ =	task.clear_ibuf [dreg:s9], $0x8FFFF;
	_ =	strace $0x90000049  }
0xbb: {  	s29 =	simm.s32 $0x9;
	_ =	strace $0x8000004B  }
0xbc: {  	_ =	swait.ge [sflag:s29], $0x1  }
0xbd: {  	[sflag:s29] =	ssyncadd.s32 $0xFFFFFFFF  }
0xbe: {  	_ =	strace $0x9000004B  }
0xbf: {  	_ =	sfence  }
0xc0: {  	s30 =	sld [smem:$0x0];
	_ =	sdelay $0x2  }
0xc1: {  	s31 =	sshll.u32 s1, $0xD;
	s1 =	sshrl.u32 s1, $0x2  }
0xc2: {  	s3 =	sand.u32 $0x4000, s31;
	s1 =	sadd.s32 s1, s30  }
0xc3: {  	s0 =	sor.u32 s3, s0;
	s1 =	sshll.u32 s1, $0x11  }
0xc4: {  	s0 =	sor.u32 s1, s0  }
0xc5: {  	s0 =	sadd.s32 $0x8F2B, s0  }
0xc6: {  	[sflag:s0] =	ssyncadd.remote.s32 $0x1  }
0xc7: {  	_ =	sfence.sel $0xFFFF  }
0xc8: {  	[dreg:$0x0] =	wrdreg $0xFFFFFFFF;
	(pc) =	sbr.abs _section_cstart, $3  }
0xc9: {  	[dreg:$0x1] =	wrdreg $0xFFFFFFFF  }
0xca: {  	_ =	task.clear_ibuf [dreg:s9], $0x2FFFF;
	_ =	strace $0x9FFFFFFF  }
0xcb: {  	(tm) =	ssettm $0x7FFFFFFF  }
tec
execute0_lowered:
.L_overlay_start_1:
0x0: {  	(tag) =	ssettag $0x1  }
0x1: {  	s0 =	rddreg [dreg:$0x0]  }
0x2: {  	s6 =	rddreg [dreg:$0x1]  }
0x3: {  	s2 =	srdreg.scid;
	s1 =	rddreg [dreg:$0x2]  }
0x4: {  	s12 =	rddreg [dreg:$0x3];
	s14 =	stileid.u32  }
0x5: {  	s10 =	simm.s32 $0x1400;
	s28 =	simm.s32 $0x2;
	s29 =	simm.s32 $0x0  }
0x6: {  	s7 =	sand.u32 $0x1, s2;
	s2 =	rddreg [dreg:$0x4];
	s5 =	sand.u32 $0x1, s14  }
0x7: {  	s13 =	sadd.s32 $0x3C00, s12;
	s18 =	sadd.s32 $0xA3C00, s12;
	s22 =	smul.u32 $0x500, s14  }
0x8: {  	s24 =	smul.u32 $0x14000, s14;
	s3 =	sshll.u32 s7, $0x4;
	p0 =	seq.s32 s5, $0x1  }
0x9: {  	s5 =	simm.s32 $0x1;
	s9 =	ssub.s32 $0x2, s7;
	s11 =	smul.u32 $0x140000, s7  }
0xa: {  	s4 =	sor.u32 s14, s3;
	s3 =	simm.s32 $0x0;
	s21 =	sshrl.u32 s9, $0x1  }
0xb: {  	s10 =	simm.s32 @!p0 $0x0;
	s26 =	sadd.s32 s6, s22;
	s22 =	sadd.s32 $0x8000, s24  }
0xc: {  	p1 =	seq.s32 s4, $0x0;
	[smem:$0x7FF] =	sst s3;
	s8 =	sshrl.u32 s4, $0x1  }
0xd: {  	s4 =	smul.u32 $0x500, s4;
	s25 =	ssub.s32 s9, s21;
	p1 =	por !p1, !p0  }
0xe: {  	[dreg:$0x7] =	wrdreg s26;
	s21 =	sadd.s32 $0x4000, s24;
	p1 =	por !p1, !p1  }
0xf: {  	s26 =	sadd.s32 s11, s21;
	s21 =	sadd.s32 s21, s2;
	s5 =	simm.s32 @!p1 $0x0  }
0x10: {  	s25 =	smax.u32 s25, $0x1;
	s4 =	sadd.s32 s0, s4;
	s5 =	ssub.s32 s8, s5  }
0x11: {  	s15 =	sshrl.u32 s26, $0x3;
	s26 =	simm.s32 $0x1;
	s5 =	smul.u32 $0x2800, s5  }
0x12: {  	[dreg:$0x6] =	wrdreg s4;
	s4 =	smul.u32 $0x50000, s14;
	s9 =	sadd.s32 s13, s15  }
0x13: {  	s15 =	sadd.s32 s18, s15;
	s23 =	sadd.s32 s10, s5;
	s5 =	sadd.s32 s24, s11  }
0x14: {  	s30 =	sshrl.u32 s23, $0x3;
	s23 =	sadd.s32 $0xC000, s24;
	s24 =	sadd.s32 $0x10000, s24  }
0x15: {  	s31 =	sadd.s32 s6, s30;
	s7 =	sadd.s32 s0, s30;
	s6 =	sshrl.u32 s5, $0x3  }
0x16: {  	s30 =	sadd.s32 s11, s22;
	s16 =	sadd.s32 s11, s23;
	s0 =	sshrl.u32 s4, $0x2  }
0x17: {  	s22 =	sadd.s32 s22, s2;
	s23 =	sadd.s32 s23, s2;
	[dreg:$0x8] =	wrdreg s31  }
0x18: {  	s8 =	sadd.s32 s13, s6;
	s17 =	sshrl.u32 s30, $0x3;
	s19 =	sshrl.u32 s16, $0x3  }
0x19: {  	s31 =	sadd.s32 s11, s24;
	s14 =	sadd.s32 s18, s6;
	s24 =	sadd.s32 s24, s2  }
0x1a: {  	s10 =	sadd.s32 s13, s17;
	s11 =	sadd.s32 s13, s19;
	s20 =	sshrl.u32 s31, $0x3  }
0x1b: {  	s16 =	sadd.s32 s18, s17;
	s17 =	sadd.s32 s18, s19;
	_ =	strace $0x8000004A  }
0x1c: {  	s19 =	sadd.s32 $0x53C00, s12;
	s12 =	simm.s32 $0x5000;
	s13 =	sadd.s32 s13, s20  }
0x1d: {  	v0 =	vimm.f32 $0.0e+00;
	s18 =	sadd.s32 s18, s20;
	s20 =	sadd.s32 s0, s2;
	s0 =	simm.s32 $0x80  }
.LBB2_1:
0x1e: {  	s4 =	rddreg [dreg:$0x6]  }
0x1f: {  	[tilespmem:s3], [sflag:$0x2] =	stream.linear.gather [hbm4b:s4+s3], $0x2800, $0x38;
	[tilespmem:$0x1F800] =	vst v63  }
0x20: {  	_ =	swait.ge [sflag:s28], $0x2800  }
0x21: {  	[sflag:s28] =	ssyncset.done $0x0  }
0x22: {  	s5 =	simm.s32 $0x2800;
	s6 =	rddreg [dreg:$0x7];
	[sflag:s28] =	ssyncadd.s32 $0xFFFFD800  }
0x23: {  	[tilespmem:s5], [sflag:$0x2] =	stream.linear.gather [hbm4b:s6+s3], $0x2800, $0x38;
	[tilespmem:$0x1F800] =	vst v63  }
0x24: {  	_ =	swait.ge [sflag:s28], $0x2800  }
0x25: {  	[sflag:s28] =	ssyncset.done $0x0  }
0x26: {  	s6 =	simm.s32 $0x9000;
	s5 =	rddreg [dreg:$0x8];
	[sflag:s28] =	ssyncadd.s32 $0xFFFFD800  }
0x27: {  	[tilespmem:s6], [sflag:$0x2] =	stream.linear.gather [hbm4b:s5+s3], $0x1400, $0x38;
	[tilespmem:$0x1F800] =	vst v63  }
0x28: {  	_ =	swait.ge [sflag:s28], $0x1400  }
0x29: {  	[sflag:s28] =	ssyncset.done $0x0  }
0x2a: {  	s6 =	simm.s32 $0xA400;
	[sflag:s28] =	ssyncadd.s32 $0xFFFFEC00  }
0x2b: {  	[tilespmem:s6], [sflag:$0x2] =	stream.linear.gather [hbm4b:s7+s3], $0x1400, $0x38;
	[tilespmem:$0x1F800] =	vst v63  }
0x2c: {  	_ =	swait.ge [sflag:s28], $0x1400  }
0x2d: {  	[sflag:s28] =	ssyncset.done $0x0  }
0x2e: {  	s30 =	simm.s32 $0x0;
	s31 =	simm.s32 $0x200;
	[sflag:s28] =	ssyncadd.s32 $0xFFFFEC00  }
.LBB2_2:
0x2f: {  	p0 =	sne.s32 s31, $0xFE00;
	[tilespmem:s30+$0x5070] =	vst v0  }
0x30: {  	[tilespmem:s30+$0x5000] =	vst v0  }
0x31: {  	[tilespmem:s30+$0x5010] =	vst v0  }
.Ltmp0:
0x32: {  	[tilespmem:s30+$0x5020] =	vst v0;
	(pc) =	sbr.rel @p0 .LBB2_2-.Ltmp0, $4  }
0x33: {  	[tilespmem:s30+$0x5030] =	vst v0  }
0x34: {  	[tilespmem:s30+$0x5040] =	vst v0  }
0x35: {  	[tilespmem:s30+$0x5050] =	vst v0  }
0x36: {  	[tilespmem:s30+$0x5060] =	vst v0;
	s30 =	sshra.s32 s31, $0x2;
	s31 =	sadd.s32 $0x200, s31  }
0x37: {  	[tilespmem:s30+$0x5070] =	vst v0  }
0x38: {  	[tilespmem:s30+$0x5000] =	vst v0  }
0x39: {  	[tilespmem:s30+$0x5010] =	vst v0  }
0x3a: {  	[tilespmem:s30+$0x5020] =	vst v0  }
0x3b: {  	[tilespmem:s30+$0x5030] =	vst v0  }
0x3c: {  	[tilespmem:s30+$0x5040] =	vst v0  }
0x3d: {  	[tilespmem:s30+$0x5050] =	vst v0  }
0x3e: {  	[tilespmem:s30+$0x5060] =	vst v0  }
0x3f: {  	[spmem:s20] =	stream.linear.scatter [tilespmem:s12], [sflag:$0x2], $0x4000, $0x38;
	[tilespmem:$0x1F800] =	vst v63  }
0x40: {  	_ =	swait.ge [sflag:s28], $0x4000  }
0x41: {  	[sflag:s28] =	ssyncset.done $0x0  }
0x42: {  	[sflag:s28] =	ssyncadd.s32 $0xFFFFC000  }
0x43: {  	[spmem:s21] =	stream.linear.scatter [tilespmem:s12], [sflag:$0x2], $0x4000, $0x38;
	[tilespmem:$0x1F800] =	vst v63  }
0x44: {  	_ =	swait.ge [sflag:s28], $0x4000  }
0x45: {  	[sflag:s28] =	ssyncset.done $0x0  }
0x46: {  	[sflag:s28] =	ssyncadd.s32 $0xFFFFC000  }
0x47: {  	[spmem:s22] =	stream.linear.scatter [tilespmem:s12], [sflag:$0x2], $0x4000, $0x38;
	[tilespmem:$0x1F800] =	vst v63  }
0x48: {  	_ =	swait.ge [sflag:s28], $0x4000  }
0x49: {  	[sflag:s28] =	ssyncset.done $0x0  }
0x4a: {  	[sflag:s28] =	ssyncadd.s32 $0xFFFFC000  }
0x4b: {  	[spmem:s23] =	stream.linear.scatter [tilespmem:s12], [sflag:$0x2], $0x4000, $0x38;
	[tilespmem:$0x1F800] =	vst v63  }
0x4c: {  	_ =	swait.ge [sflag:s28], $0x4000  }
0x4d: {  	[sflag:s28] =	ssyncset.done $0x0  }
0x4e: {  	[sflag:s28] =	ssyncadd.s32 $0xFFFFC000  }
0x4f: {  	[spmem:s24] =	stream.linear.scatter [tilespmem:s12], [sflag:$0x2], $0x4000, $0x38;
	[tilespmem:$0x1F800] =	vst v63  }
0x50: {  	_ =	swait.ge [sflag:s28], $0x4000  }
0x51: {  	[sflag:s28] =	ssyncset.done $0x0  }
0x52: {  	[sflag:s28] =	ssyncadd.s32 $0xFFFFC000  }
0x53: {  	s30 =	simm.s32 $0x0;
	[bflag:$0x0] =	sbarrier.arrive $0xFFFF  }
0x54: {  	[tilespmem:s12], [sflag:$0x1] =	stream.indirect.gather [hbm4b:s19+s0], $0x80, s30, s0, $0xb8;
	[tilespmem:$0x1F800] =	vst v63  }
0x55: {  	_ =	swait.ge [sflag:s26], $0x4000  }
0x56: {  	[sflag:s26] =	ssyncset.done $0x0  }
0x57: {  	s30 =	simm.s32 $0x2800;
	[sflag:s26] =	ssyncadd.s32 $0xFFFFC000  }
0x58: {  	[spmem:s2] =	stream.indirect.scatter.add.f32 [tilespmem:s12], [sflag:$0x2], $0x80, s30, s0, $0xb8;
	[tilespmem:$0x1F800] =	vst v63  }
0x59: {  	_ =	swait.ge [sflag:s28], $0x4000  }
0x5a: {  	s31 =	simm.s32 $0x400;
	s30 =	simm.s32 $0x200;
	[sflag:s28] =	ssyncset.done $0x0  }
.LBB2_4:
0x5b: {  	s4 =	sshra.s32 s30, $0x2  }
0x5c: {  	[sflag:s28] =	ssyncadd.s32 $0xFFFFC000;
	s30 =	smov.u32 s31;
	s5 =	sadd.s32 $0x200, s31  }
0x5d: {  	[tilespmem:s12], [sflag:$0x1] =	stream.indirect.gather [hbm4b:s19+s0], $0x80, s4, s0, $0xb8;
	[tilespmem:$0x1F800] =	vst v63  }
0x5e: {  	p0 =	sne.s32 s31, $0x9E00;
	_ =	swait.ge [sflag:s26], $0x4000  }
.Ltmp1:
0x5f: {  	[sflag:s26] =	ssyncset.done $0x0;
	(pc) =	sbr.rel @p0 .LBB2_4-.Ltmp1, $4  }
0x60: {  	s4 =	sadd.s32 $0x2800, s4;
	[sflag:s26] =	ssyncadd.s32 $0xFFFFC000  }
0x61: {  	[spmem:s2] =	stream.indirect.scatter.add.f32 [tilespmem:s12], [sflag:$0x2], $0x80, s4, s0, $0xb8;
	[tilespmem:$0x1F800] =	vst v63  }
0x62: {  	_ =	swait.ge [sflag:s28], $0x4000  }
0x63: {  	s31 =	smov.u32 s5;
	[sflag:s28] =	ssyncset.done $0x0  }
0x64: {  	s4 =	sshra.s32 s30, $0x2;
	[sflag:s28] =	ssyncadd.s32 $0xFFFFC000  }
0x65: {  	[tilespmem:s12], [sflag:$0x1] =	stream.indirect.gather [hbm4b:s19+s0], $0x80, s4, s0, $0xb8;
	[tilespmem:$0x1F800] =	vst v63  }
0x66: {  	_ =	swait.ge [sflag:s26], $0x4000  }
0x67: {  	[sflag:s26] =	ssyncset.done $0x0  }
0x68: {  	s4 =	sadd.s32 $0x2800, s4;
	[sflag:s26] =	ssyncadd.s32 $0xFFFFC000  }
0x69: {  	[spmem:s2] =	stream.indirect.scatter.add.f32 [tilespmem:s12], [sflag:$0x2], $0x80, s4, s0, $0xb8;
	[tilespmem:$0x1F800] =	vst v63  }
0x6a: {  	_ =	swait.ge [sflag:s28], $0x4000  }
0x6b: {  	[sflag:s28] =	ssyncset.done $0x0  }
0x6c: {  	[sflag:s28] =	ssyncadd.s32 $0xFFFFC000  }
0x6d: {  	[bflag:$0x0] =	sbarrier.arrive $0xFFFF  }
0x6e: {  	[tilespmem:s12], [sflag:$0x2] =	stream.linear.gather [spmem:s20], $0x4000, $0x38;
	[tilespmem:$0x1F800] =	vst v63  }
0x6f: {  	_ =	swait.ge [sflag:s28], $0x4000  }
0x70: {  	[sflag:s28] =	ssyncset.done $0x0  }
0x71: {  	s6 =	simm.s32 $0x0;
	[sflag:s28] =	ssyncadd.s32 $0xFFFFC000  }
0x72: {  	[hbm4b:s8+s6] =	stream.linear.scatter [tilespmem:s12], [sflag:$0x2], $0x4000, $0x38;
	[tilespmem:$0x1F800] =	vst v63  }
0x73: {  	_ =	swait.ge [sflag:s28], $0x4000  }
0x74: {  	[sflag:s28] =	ssyncset.done $0x0  }
0x75: {  	[sflag:s28] =	ssyncadd.s32 $0xFFFFC000  }
0x76: {  	[tilespmem:s12], [sflag:$0x2] =	stream.linear.gather [spmem:s21], $0x4000, $0x38;
	[tilespmem:$0x1F800] =	vst v63  }
0x77: {  	_ =	swait.ge [sflag:s28], $0x4000  }
0x78: {  	[sflag:s28] =	ssyncset.done $0x0  }
0x79: {  	[sflag:s28] =	ssyncadd.s32 $0xFFFFC000  }
0x7a: {  	[hbm4b:s9+s6] =	stream.linear.scatter [tilespmem:s12], [sflag:$0x2], $0x4000, $0x38;
	[tilespmem:$0x1F800] =	vst v63  }
0x7b: {  	_ =	swait.ge [sflag:s28], $0x4000  }
0x7c: {  	[sflag:s28] =	ssyncset.done $0x0  }
0x7d: {  	[sflag:s28] =	ssyncadd.s32 $0xFFFFC000  }
0x7e: {  	[tilespmem:s12], [sflag:$0x2] =	stream.linear.gather [spmem:s22], $0x4000, $0x38;
	[tilespmem:$0x1F800] =	vst v63  }
0x7f: {  	_ =	swait.ge [sflag:s28], $0x4000  }
0x80: {  	[sflag:s28] =	ssyncset.done $0x0  }
0x81: {  	[sflag:s28] =	ssyncadd.s32 $0xFFFFC000  }
0x82: {  	[hbm4b:s10+s6] =	stream.linear.scatter [tilespmem:s12], [sflag:$0x2], $0x4000, $0x38;
	[tilespmem:$0x1F800] =	vst v63  }
0x83: {  	_ =	swait.ge [sflag:s28], $0x4000  }
0x84: {  	[sflag:s28] =	ssyncset.done $0x0  }
0x85: {  	[sflag:s28] =	ssyncadd.s32 $0xFFFFC000  }
0x86: {  	[tilespmem:s12], [sflag:$0x2] =	stream.linear.gather [spmem:s23], $0x4000, $0x38;
	[tilespmem:$0x1F800] =	vst v63  }
0x87: {  	_ =	swait.ge [sflag:s28], $0x4000  }
0x88: {  	[sflag:s28] =	ssyncset.done $0x0  }
0x89: {  	[sflag:s28] =	ssyncadd.s32 $0xFFFFC000  }
0x8a: {  	[hbm4b:s11+s6] =	stream.linear.scatter [tilespmem:s12], [sflag:$0x2], $0x4000, $0x38;
	[tilespmem:$0x1F800] =	vst v63  }
0x8b: {  	_ =	swait.ge [sflag:s28], $0x4000  }
0x8c: {  	[sflag:s28] =	ssyncset.done $0x0  }
0x8d: {  	[sflag:s28] =	ssyncadd.s32 $0xFFFFC000  }
0x8e: {  	[tilespmem:s12], [sflag:$0x2] =	stream.linear.gather [spmem:s24], $0x4000, $0x38;
	[tilespmem:$0x1F800] =	vst v63  }
0x8f: {  	_ =	swait.ge [sflag:s28], $0x4000  }
0x90: {  	[sflag:s28] =	ssyncset.done $0x0  }
0x91: {  	[sflag:s28] =	ssyncadd.s32 $0xFFFFC000  }
0x92: {  	[hbm4b:s13+s6] =	stream.linear.scatter [tilespmem:s12], [sflag:$0x2], $0x4000, $0x38;
	[tilespmem:$0x1F800] =	vst v63  }
0x93: {  	_ =	swait.ge [sflag:s28], $0x4000  }
0x94: {  	[sflag:s28] =	ssyncset.done $0x0  }
0x95: {  	[sflag:s28] =	ssyncadd.s32 $0xFFFFC000  }
0x96: {  	s30 =	simm.s32 $0x0;
	s31 =	simm.s32 $0x200;
	[bflag:$0x0] =	sbarrier.arrive $0xFFFF  }
.LBB2_6:
0x97: {  	p0 =	sne.s32 s31, $0xFE00;
	[tilespmem:s30+$0x5070] =	vst v0  }
0x98: {  	[tilespmem:s30+$0x5000] =	vst v0  }
0x99: {  	[tilespmem:s30+$0x5010] =	vst v0  }
.Ltmp2:
0x9a: {  	[tilespmem:s30+$0x5020] =	vst v0;
	(pc) =	sbr.rel @p0 .LBB2_6-.Ltmp2, $4  }
0x9b: {  	[tilespmem:s30+$0x5030] =	vst v0  }
0x9c: {  	[tilespmem:s30+$0x5040] =	vst v0  }
0x9d: {  	[tilespmem:s30+$0x5050] =	vst v0  }
0x9e: {  	[tilespmem:s30+$0x5060] =	vst v0;
	s30 =	sshra.s32 s31, $0x2;
	s31 =	sadd.s32 $0x200, s31  }
0x9f: {  	[tilespmem:s30+$0x5070] =	vst v0  }
0xa0: {  	[tilespmem:s30+$0x5000] =	vst v0  }
0xa1: {  	[tilespmem:s30+$0x5010] =	vst v0  }
0xa2: {  	[tilespmem:s30+$0x5020] =	vst v0  }
0xa3: {  	[tilespmem:s30+$0x5030] =	vst v0  }
0xa4: {  	[tilespmem:s30+$0x5040] =	vst v0  }
0xa5: {  	[tilespmem:s30+$0x5050] =	vst v0  }
0xa6: {  	[tilespmem:s30+$0x5060] =	vst v0  }
0xa7: {  	[spmem:s20] =	stream.linear.scatter [tilespmem:s12], [sflag:$0x2], $0x4000, $0x38;
	[tilespmem:$0x1F800] =	vst v63  }
0xa8: {  	_ =	swait.ge [sflag:s28], $0x4000  }
0xa9: {  	[sflag:s28] =	ssyncset.done $0x0  }
0xaa: {  	[sflag:s28] =	ssyncadd.s32 $0xFFFFC000  }
0xab: {  	[spmem:s21] =	stream.linear.scatter [tilespmem:s12], [sflag:$0x2], $0x4000, $0x38;
	[tilespmem:$0x1F800] =	vst v63  }
0xac: {  	_ =	swait.ge [sflag:s28], $0x4000  }
0xad: {  	[sflag:s28] =	ssyncset.done $0x0  }
0xae: {  	[sflag:s28] =	ssyncadd.s32 $0xFFFFC000  }
0xaf: {  	[spmem:s22] =	stream.linear.scatter [tilespmem:s12], [sflag:$0x2], $0x4000, $0x38;
	[tilespmem:$0x1F800] =	vst v63  }
0xb0: {  	_ =	swait.ge [sflag:s28], $0x4000  }
0xb1: {  	[sflag:s28] =	ssyncset.done $0x0  }
0xb2: {  	[sflag:s28] =	ssyncadd.s32 $0xFFFFC000  }
0xb3: {  	[spmem:s23] =	stream.linear.scatter [tilespmem:s12], [sflag:$0x2], $0x4000, $0x38;
	[tilespmem:$0x1F800] =	vst v63  }
0xb4: {  	_ =	swait.ge [sflag:s28], $0x4000  }
0xb5: {  	[sflag:s28] =	ssyncset.done $0x0  }
0xb6: {  	[sflag:s28] =	ssyncadd.s32 $0xFFFFC000  }
0xb7: {  	[spmem:s24] =	stream.linear.scatter [tilespmem:s12], [sflag:$0x2], $0x4000, $0x38;
	[tilespmem:$0x1F800] =	vst v63  }
0xb8: {  	_ =	swait.ge [sflag:s28], $0x4000  }
0xb9: {  	[sflag:s28] =	ssyncset.done $0x0  }
0xba: {  	[sflag:s28] =	ssyncadd.s32 $0xFFFFC000  }
0xbb: {  	s4 =	simm.s32 $0xA400;
	[bflag:$0x0] =	sbarrier.arrive $0xFFFF  }
0xbc: {  	[tilespmem:s12], [sflag:$0x1] =	stream.indirect.gather [hbm4b:s1+s0], $0x80, s4, s0, $0xb8;
	[tilespmem:$0x1F800] =	vst v63  }
0xbd: {  	_ =	swait.ge [sflag:s26], $0x4000  }
0xbe: {  	[sflag:s26] =	ssyncset.done $0x0  }
0xbf: {  	s6 =	simm.s32 $0x9000;
	[sflag:s26] =	ssyncadd.s32 $0xFFFFC000  }
0xc0: {  	[spmem:s2] =	stream.indirect.scatter.add.f32 [tilespmem:s12], [sflag:$0x2], $0x80, s6, s0, $0xb8;
	[tilespmem:$0x1F800] =	vst v63  }
0xc1: {  	_ =	swait.ge [sflag:s28], $0x4000  }
0xc2: {  	s31 =	simm.s32 $0x400;
	s30 =	simm.s32 $0x80;
	[sflag:s28] =	ssyncset.done $0x0  }
.LBB2_8:
0xc3: {  	s4 =	sadd.s32 $0xA400, s30  }
0xc4: {  	[sflag:s28] =	ssyncadd.s32 $0xFFFFC000;
	s5 =	smov.u32 s31;
	s6 =	sadd.s32 $0x200, s31  }
0xc5: {  	[tilespmem:s12], [sflag:$0x1] =	stream.indirect.gather [hbm4b:s1+s0], $0x80, s4, s0, $0xb8;
	[tilespmem:$0x1F800] =	vst v63  }
0xc6: {  	p0 =	sne.s32 s31, $0x4E00;
	_ =	swait.ge [sflag:s26], $0x4000  }
.Ltmp3:
0xc7: {  	[sflag:s26] =	ssyncset.done $0x0;
	(pc) =	sbr.rel @p0 .LBB2_8-.Ltmp3, $4  }
0xc8: {  	s4 =	sadd.s32 $0x9000, s30;
	[sflag:s26] =	ssyncadd.s32 $0xFFFFC000  }
0xc9: {  	[spmem:s2] =	stream.indirect.scatter.add.f32 [tilespmem:s12], [sflag:$0x2], $0x80, s4, s0, $0xb8;
	[tilespmem:$0x1F800] =	vst v63  }
0xca: {  	_ =	swait.ge [sflag:s28], $0x4000  }
0xcb: {  	s30 =	sshra.s32 s5, $0x2;
	s31 =	smov.u32 s6;
	[sflag:s28] =	ssyncset.done $0x0  }
0xcc: {  	s4 =	sadd.s32 $0xA400, s30;
	[sflag:s28] =	ssyncadd.s32 $0xFFFFC000  }
0xcd: {  	[tilespmem:s12], [sflag:$0x1] =	stream.indirect.gather [hbm4b:s1+s0], $0x80, s4, s0, $0xb8;
	[tilespmem:$0x1F800] =	vst v63  }
0xce: {  	_ =	swait.ge [sflag:s26], $0x4000  }
0xcf: {  	[sflag:s26] =	ssyncset.done $0x0  }
0xd0: {  	s31 =	sadd.s32 $0x9000, s30;
	[sflag:s26] =	ssyncadd.s32 $0xFFFFC000  }
0xd1: {  	[spmem:s2] =	stream.indirect.scatter.add.f32 [tilespmem:s12], [sflag:$0x2], $0x80, s31, s0, $0xb8;
	[tilespmem:$0x1F800] =	vst v63  }
0xd2: {  	_ =	swait.ge [sflag:s28], $0x4000  }
0xd3: {  	[sflag:s28] =	ssyncset.done $0x0  }
0xd4: {  	[sflag:s28] =	ssyncadd.s32 $0xFFFFC000  }
0xd5: {  	[bflag:$0x0] =	sbarrier.arrive $0xFFFF  }
0xd6: {  	[tilespmem:s12], [sflag:$0x2] =	stream.linear.gather [spmem:s20], $0x4000, $0x38;
	[tilespmem:$0x1F800] =	vst v63  }
0xd7: {  	_ =	swait.ge [sflag:s28], $0x4000  }
0xd8: {  	[sflag:s28] =	ssyncset.done $0x0  }
0xd9: {  	[sflag:s28] =	ssyncadd.s32 $0xFFFFC000  }
0xda: {  	[hbm4b:s14+s3] =	stream.linear.scatter [tilespmem:s12], [sflag:$0x2], $0x4000, $0x38;
	[tilespmem:$0x1F800] =	vst v63  }
0xdb: {  	_ =	swait.ge [sflag:s28], $0x4000  }
0xdc: {  	[sflag:s28] =	ssyncset.done $0x0  }
0xdd: {  	[sflag:s28] =	ssyncadd.s32 $0xFFFFC000  }
0xde: {  	[tilespmem:s12], [sflag:$0x2] =	stream.linear.gather [spmem:s21], $0x4000, $0x38;
	[tilespmem:$0x1F800] =	vst v63  }
0xdf: {  	_ =	swait.ge [sflag:s28], $0x4000  }
0xe0: {  	[sflag:s28] =	ssyncset.done $0x0  }
0xe1: {  	[sflag:s28] =	ssyncadd.s32 $0xFFFFC000  }
0xe2: {  	[hbm4b:s15+s3] =	stream.linear.scatter [tilespmem:s12], [sflag:$0x2], $0x4000, $0x38;
	[tilespmem:$0x1F800] =	vst v63  }
0xe3: {  	_ =	swait.ge [sflag:s28], $0x4000  }
0xe4: {  	[sflag:s28] =	ssyncset.done $0x0  }
0xe5: {  	[sflag:s28] =	ssyncadd.s32 $0xFFFFC000  }
0xe6: {  	[tilespmem:s12], [sflag:$0x2] =	stream.linear.gather [spmem:s22], $0x4000, $0x38;
	[tilespmem:$0x1F800] =	vst v63  }
0xe7: {  	_ =	swait.ge [sflag:s28], $0x4000  }
0xe8: {  	[sflag:s28] =	ssyncset.done $0x0  }
0xe9: {  	[sflag:s28] =	ssyncadd.s32 $0xFFFFC000  }
0xea: {  	[hbm4b:s16+s3] =	stream.linear.scatter [tilespmem:s12], [sflag:$0x2], $0x4000, $0x38;
	[tilespmem:$0x1F800] =	vst v63  }
0xeb: {  	_ =	swait.ge [sflag:s28], $0x4000  }
0xec: {  	[sflag:s28] =	ssyncset.done $0x0  }
0xed: {  	[sflag:s28] =	ssyncadd.s32 $0xFFFFC000  }
0xee: {  	[tilespmem:s12], [sflag:$0x2] =	stream.linear.gather [spmem:s23], $0x4000, $0x38;
	[tilespmem:$0x1F800] =	vst v63  }
0xef: {  	_ =	swait.ge [sflag:s28], $0x4000  }
0xf0: {  	[sflag:s28] =	ssyncset.done $0x0  }
0xf1: {  	[sflag:s28] =	ssyncadd.s32 $0xFFFFC000  }
0xf2: {  	[hbm4b:s17+s3] =	stream.linear.scatter [tilespmem:s12], [sflag:$0x2], $0x4000, $0x38;
	[tilespmem:$0x1F800] =	vst v63  }
0xf3: {  	_ =	swait.ge [sflag:s28], $0x4000  }
0xf4: {  	[sflag:s28] =	ssyncset.done $0x0  }
0xf5: {  	[sflag:s28] =	ssyncadd.s32 $0xFFFFC000  }
0xf6: {  	[tilespmem:s12], [sflag:$0x2] =	stream.linear.gather [spmem:s24], $0x4000, $0x38;
	[tilespmem:$0x1F800] =	vst v63  }
0xf7: {  	s29 =	sadd.s32 $0x1, s29;
	_ =	swait.ge [sflag:s28], $0x4000  }
0xf8: {  	p0 =	sne.s32 s29, s25;
	[sflag:s28] =	ssyncset.done $0x0  }
.Ltmp4:
0xf9: {  	[sflag:s28] =	ssyncadd.s32 $0xFFFFC000;
	(pc) =	sbr.rel @p0 .LBB2_1-.Ltmp4, $4  }
0xfa: {  	[hbm4b:s18+s3] =	stream.linear.scatter [tilespmem:s12], [sflag:$0x2], $0x4000, $0x38;
	[tilespmem:$0x1F800] =	vst v63  }
0xfb: {  	_ =	swait.ge [sflag:s28], $0x4000  }
0xfc: {  	[sflag:s28] =	ssyncset.done $0x0  }
0xfd: {  	[sflag:s28] =	ssyncadd.s32 $0xFFFFC000  }
0xfe: {  	_ =	sfence.sel $0x180000  }
0xff: {  	[bflag:$0x0] =	sbarrier.arrive $0xFFFF  }
0x100: {  	_ =	strace $0x9000004A  }
0x101: {  	s0 =	stileid.u32;
	[bflag:$0x2] =	sbarrier.arrive $0xFFFF  }
0x102: {  	p0 =	sne.s32 s0, $0x0;
	s0 =	rddreg [dreg:$0x5]  }
0x103: {  	s0 =	sadd.s32 @!p0 $0x100000, s0  }
0x104: {  	[sflag:s0] =	ssyncadd.tile.s32 @!p0 $0x1;
	_ =	shalt  }
.Lfunc_end2:
_tile_overlayer_lowered:
.L_overlay_start_2:
0x105: {  	(tag) =	ssettag $0x2  }
0x106: {  	s0 =	rddreg [dreg:$0x0];
	s2 =	stileid.u32  }
0x107: {  	s1 =	rddreg [dreg:$0x1];
	p0 =	sne.s32 s2, $0x0  }
0x108: {  	s3 =	rddreg [dreg:$0x2];
	[bflag:$0x3] =	sbarrier.arrive $0xFFFF;
	s2 =	simm.s32 @!p0 $0x1C02  }
0x109: {  	[timem:s3], [sflag:s2] =	dma.local @!p0 [hbm:s0], s1  }
0x10a: {  	s0 =	simm.s32 @!p0 $0x2  }
0x10b: {  	_ =	swait.ge @!p0 [sflag:s0], s1  }
0x10c: {  	s1 =	ssub.s32 @!p0 $0x0, s1;
	[sflag:s0] =	ssyncset.done @!p0 $0x0  }
0x10d: {  	[sflag:s0] =	ssyncadd.s32 @!p0 s1  }
0x10e: {  	[bflag:$0x3] =	sbarrier.arrive $0xFFFF  }
0x10f: {  	_ =	shalt  }

// kernel: kernel.14.cloned.1.call-start
scs
__scs_entry_jumppad:
0x0: {  	(pc) =	sbr.rel $0x88, $3  }
0x1: {  	(tag) =	ssettag $0x0;
	lr =	simm.s32 $0x1  }
0x2: {  	[smem:$0x3F99] =	sst lr;
	_ =	strace $0xD0000000  }
0x3: {  	_ = 	snop  }
0x4: {  	_ = 	snop  }
0x5: {  	_ = 	snop  }
0x6: {  	_ = 	snop  }
0x7: {  	_ = 	snop  }
__scs_overlays_trampoline_lowered:
0x8: {  	[smem:$0x3FA8] =	sst s0  }
0x9: {  	[smem:$0x3FA9] =	sst s1  }
0xa: {  	[smem:$0x3FAA] =	sst s2  }
0xb: {  	[smem:$0x3FAB] =	sst s3  }
0xc: {  	[smem:$0x3FAC] =	sst s4  }
0xd: {  	[smem:$0x3FAD] =	sst s5  }
0xe: {  	[smem:$0x3FAE] =	sst s6  }
0xf: {  	[smem:$0x3FAF] =	sst s7  }
0x10: {  	[smem:$0x3FB0] =	sst s8  }
0x11: {  	[smem:$0x3FB1] =	sst s9;
	s0 =	simm.s32 @!p0 $0x0  }
0x12: {  	s1 =	sld [smem:$0x3F97];
	s0 =	simm.s32 @p0 $0x1  }
0x13: {  	[smem:$0x3FB2] =	sst s0;
	s0 =	simm.s32 @!p1 $0x0  }
0x14: {  	s2 =	sld [smem:$0x3F96];
	s0 =	simm.s32 @p1 $0x1  }
0x15: {  	[smem:$0x3FB3] =	sst s0;
	s0 =	simm.s32 @!p2 $0x0  }
0x16: {  	s3 =	sld [smem:$0x3FDB];
	s0 =	simm.s32 @p2 $0x1  }
0x17: {  	s4 =	simm.s32 $0x1BF5;
	[smem:$0x3FB5] =	sst s0  }
0x18: {  	s0 =	sld [smem:$0x3F98];
	_ =	swait.ge [sflag:s4], $0x0  }
0x19: {  	s7 =	sld [smem:$0x3F99]  }
0x1a: {  	s8 =	sadd.s32 $0xFFFFE003, lr  }
0x1b: {  	s9 =	sadd.s32 $0xFFFFFEF7, lr;
	s5 =	simm.s32 $0xFFFFFFFF;
	p2 =	slt.u32 s8, $0xFFFFF086  }
0x1c: {  	p1 =	slt.u32 s9, $0xF7A;
	s5 =	simm.s32 @!p2 $0x0  }
0x1d: {  	s5 =	simm.s32 @p1 $0x1;
	p0 =	seq.s32 s7, s2  }
0x1e: {  	s7 =	smul.u32 @!p0 $0xF7A, s2;
	p2 =	seq.s32 @!p0 s5, $0x0  }
0x1f: {  	s9 =	smul.u32 $0xF7A, s1;
	s8 =	simm.s32 @!p0 $0x1BF5;
	p2 =	por !p2, p0  }
0x20: {  	[sflag:s8] =	ssyncset.s32 @!p0 $0xFFFFF086;
	s6 =	sadd.s32 @!p0 s3, s7;
	s7 =	simm.s32 @!p0 $0x108  }
0x21: {  	s3 =	sadd.s32 s3, s9;
	s6 =	sadd.s32 @!p0 $0x88, s6;
	s7 =	simm.s32 @p2 $0x1082  }
0x22: {  	[simem:s7], [sflag:s8] =	dma.local @!p0 [hbm:s6], $0xF7A  }
0x23: {  	s9 =	sor.u32 $0xD0000000, s2;
	s6 =	simm.s32 $0x108;
	_ =	swait.ge @!p0 [sflag:s8], $0x0  }
0x24: {  	s3 =	sadd.s32 $0x88, s3;
	s6 =	simm.s32 @!p1 $0x1082;
	[sflag:s4] =	ssyncset.s32 $0xFFFFF086  }
0x25: {  	[simem:s6], [sflag:s4] =	dma.local [hbm:s3], $0xF7A  }
0x26: {  	[smem:$0x3F99] =	sst s1;
	(tag) =	ssettag s2;
	_ =	strace s9  }
0x27: {  	s1 =	sld [smem:$0x3FA9]  }
0x28: {  	s2 =	sld [smem:$0x3FAA]  }
0x29: {  	s4 =	sld [smem:$0x3FAC]  }
0x2a: {  	p0 =	seq.s32 s5, $0x0;
	s5 =	sld [smem:$0x3FAD]  }
0x2b: {  	s6 =	sld [smem:$0x3FAE]  }
0x2c: {  	s7 =	sld [smem:$0x3FAF]  }
0x2d: {  	s3 =	simm.s32 $0x108;
	s8 =	sld [smem:$0x3FB0]  }
0x2e: {  	s3 =	simm.s32 @!p0 $0x1082;
	s9 =	sld [smem:$0x3FB1]  }
0x2f: {  	lr =	sadd.s32 s0, s3;
	s0 =	sld [smem:$0x3FA8]  }
0x30: {  	s3 =	sld [smem:$0x3FAB]  }
0x31: {  	[smem:$0x3FB4] =	sst s10  }
0x32: {  	s10 =	sld [smem:$0x3FB2];
	_ =	sdelay $0x3  }
0x33: {  	p0 =	seq.s32 s10, $0x1;
	s10 =	sld [smem:$0x3FB4];
	_ =	sdelay $0x3  }
0x34: {  	[smem:$0x3FB4] =	sst s10  }
0x35: {  	s10 =	sld [smem:$0x3FB3];
	_ =	sdelay $0x3  }
0x36: {  	p1 =	seq.s32 s10, $0x1;
	s10 =	sld [smem:$0x3FB4];
	_ =	sdelay $0x3  }
0x37: {  	[smem:$0x3FB4] =	sst s10  }
0x38: {  	s10 =	sld [smem:$0x3FB5]  }
0x39: {  	_ = 	snop;
	(pc) =	sbr.ind lr, $3  }
0x3a: {  	_ = 	snop  }
0x3b: {  	_ = 	snop  }
0x3c: {  	p2 =	seq.s32 s10, $0x1;
	s10 =	sld [smem:$0x3FB4]  }
0x3d: {  	_ =	shalt  }
0x3e: {  	_ =	shalt  }
0x3f: {  	_ =	shalt  }
0x40: {  	_ =	shalt  }
0x41: {  	_ =	shalt  }
0x42: {  	_ =	shalt  }
0x43: {  	_ =	shalt  }
0x44: {  	_ =	shalt  }
0x45: {  	_ =	shalt  }
0x46: {  	_ =	shalt  }
0x47: {  	_ =	shalt  }
0x48: {  	_ =	shalt  }
0x49: {  	_ =	shalt  }
0x4a: {  	_ =	shalt  }
0x4b: {  	_ =	shalt  }
0x4c: {  	_ =	shalt  }
0x4d: {  	_ =	shalt  }
0x4e: {  	_ =	shalt  }
0x4f: {  	_ =	shalt  }
0x50: {  	_ =	shalt  }
0x51: {  	_ =	shalt  }
0x52: {  	_ =	shalt  }
0x53: {  	_ =	shalt  }
0x54: {  	_ =	shalt  }
0x55: {  	_ =	shalt  }
0x56: {  	_ =	shalt  }
0x57: {  	_ =	shalt  }
0x58: {  	_ =	shalt  }
0x59: {  	_ =	shalt  }
0x5a: {  	_ =	shalt  }
0x5b: {  	_ =	shalt  }
0x5c: {  	_ =	shalt  }
0x5d: {  	_ =	shalt  }
0x5e: {  	_ =	shalt  }
0x5f: {  	_ =	shalt  }
0x60: {  	_ =	shalt  }
0x61: {  	_ =	shalt  }
0x62: {  	_ =	shalt  }
0x63: {  	_ =	shalt  }
0x64: {  	_ =	shalt  }
0x65: {  	_ =	shalt  }
0x66: {  	_ =	shalt  }
0x67: {  	_ =	shalt  }
0x68: {  	_ =	shalt  }
0x69: {  	_ =	shalt  }
0x6a: {  	_ =	shalt  }
0x6b: {  	_ =	shalt  }
0x6c: {  	_ =	shalt  }
0x6d: {  	_ =	shalt  }
0x6e: {  	_ =	shalt  }
0x6f: {  	_ =	shalt  }
0x70: {  	_ =	shalt  }
0x71: {  	_ =	shalt  }
0x72: {  	_ =	shalt  }
0x73: {  	_ =	shalt  }
0x74: {  	_ =	shalt  }
0x75: {  	_ =	shalt  }
0x76: {  	_ =	shalt  }
0x77: {  	_ =	shalt  }
0x78: {  	_ =	shalt  }
0x79: {  	_ =	shalt  }
0x7a: {  	_ =	shalt  }
0x7b: {  	_ =	shalt  }
0x7c: {  	_ =	shalt  }
0x7d: {  	_ =	shalt  }
0x7e: {  	_ =	shalt  }
0x7f: {  	_ =	shalt  }
0x80: {  	_ =	shalt  }
0x81: {  	_ =	shalt  }
0x82: {  	_ =	shalt  }
0x83: {  	_ =	shalt  }
0x84: {  	_ =	shalt  }
0x85: {  	_ =	shalt  }
0x86: {  	_ =	shalt  }
0x87: {  	_ =	shalt  }
.Lfunc_end0:
.L_simem_size_0:
called_computation.2_lowered:
.L_overlay_start_0:
0x88: {  	s2 =	sld [smem:$0x3FD9]  }
0x89: {  	s3 =	sld [smem:$0x3FFE];
	_ =	sdelay $0x1  }
0x8a: {  	s1 =	srdreg.scid  }
0x8b: {  	s0 =	sand.u32 $0x1, s1  }
0x8c: {  	s14 =	sshll.u32 s0, $0xA;
	s2 =	sadd.s32 s3, s2  }
0x8d: {  	s2 =	sadd.s32 s2, s14  }
0x8e: {  	[smem:$0x3FC0] =	sst s2  }
0x8f: {  	_ = 	snop  }
0x90: {  	s2 =	sld [smem:$0x3FD0];
	_ =	sdelay $0x2  }
0x91: {  	s15 =	simm.s32 $0xA;
	s4 =	simm.s32 $0x10  }
0x92: {  	[smem:s4], [sflag:s15] =	dma.local [hbm:s2], $0x1  }
0x93: {  	_ =	swait.eq [sflag:s15], $0x1  }
0x94: {  	[sflag:s15] =	ssyncset.done $0x0  }
0x95: {  	s16 =	sld [smem:$0x10];
	[sflag:s15] =	ssyncadd.s32 $0xFFFFFFFF  }
0x96: {  	s17 =	sld [smem:$0x11];
	(tm) =	ssettm $0x1  }
0x97: {  	s18 =	sld [smem:$0x3FFB];
	_ =	sdelay $0x3  }
0x98: {  	_ =	strace s18  }
0x99: {  	s4 =	sld [smem:$0x3FFC];
	_ =	sdelay $0x3  }
0x9a: {  	_ =	strace s4  }
0x9b: {  	s4 =	sld [smem:$0x3FFD];
	_ =	sdelay $0x3  }
0x9c: {  	_ =	strace s4  }
0x9d: {  	_ =	strace $0x8FFFFFFF  }
0x9e: {  	s19 =	sld [smem:$0x3FDB];
	_ =	sdelay $0x1  }
0x9f: {  	s5 =	simm.s32 $_scs_section_size  }
0xa0: {  	s6 =	simm.s32 $_size__tile_overlayer_lowered;
	s7 =	simm.s32 $_tile_overlayer_lowered  }
0xa1: {  	s22 =	simm.s32 $0x1BFF;
	s21 =	sshll.u32 s7, $0x1;
	s4 =	sadd.s32 s5, s19  }
0xa2: {  	s8 =	simm.s32 $0x0;
	s20 =	sshll.u32 s6, $0x1;
	s6 =	sadd.s32 s21, s4  }
0xa3: {  	[timem:s8], [sflag:s22] =	dma.local [hbm:s6], s20  }
0xa4: {  	_ =	swait.ge [sflag:s22], s20  }
0xa5: {  	s5 =	ssub.s32 $0x0, s20;
	[sflag:s22] =	ssyncset.done $0x0  }
0xa6: {  	[sflag:s22] =	ssyncadd.s32 s5;
	_ =	sdelay $0x1  }
0xa7: {  	s23 =	simm.s32 $0x1B8B  }
0xa8: {  	_ =	swait.ge [sflag:s23], $0x1  }
0xa9: {  	[sflag:s23] =	ssyncset.done $0x0  }
0xaa: {  	s25 =	simm.s32 $0x1B8E;
	s24 =	sld [smem:$0x3FFE];
	[sflag:s23] =	ssyncadd.s32 $0xFFFFFFFF  }
0xab: {  	s26 =	simm.s32 $execute0_lowered;
	[smem:$0x3FD2] =	sst s25  }
0xac: {  	s6 =	sshll.u32 s26, $0x1;
	_ =	strace $0x8000004C;
	[dreg:$0x1] =	wrdreg $0xFFFFFFFF  }
0xad: {  	s28 =	simm.s32 $_size_execute0_lowered;
	s4 =	sadd.s32 s4, s6;
	[dreg:$0x0] =	wrdreg $0x0  }
0xae: {  	s6 =	sshll.u32 s28, $0x1;
	[dreg:$0x2] =	wrdreg s4  }
0xaf: {  	[dreg:$0x3] =	wrdreg s6  }
0xb0: {  	[dreg:$0x4] =	wrdreg $0xC0  }
0xb1: {  	_ =	task [dreg:s8], $0x5FFFF  }
0xb2: {  	[dreg:$0x1] =	wrdreg $0xFFFFFFFF  }
0xb3: {  	[dreg:$0x0] =	wrdreg $0x60  }
0xb4: {  	[dreg:$0x2] =	wrdreg s17  }
0xb5: {  	[dreg:$0x3] =	wrdreg s16  }
0xb6: {  	[dreg:$0x4] =	wrdreg s24  }
0xb7: {  	[dreg:$0x5] =	wrdreg $0x90000  }
0xb8: {  	[dreg:$0x6] =	wrdreg $0x9  }
0xb9: {  	_ =	task.clear_ibuf [dreg:s8], $0x7FFFF;
	_ =	strace $0x9000004C  }
0xba: {  	s29 =	simm.s32 $0x9;
	_ =	strace $0x8000004E  }
0xbb: {  	_ =	swait.ge [sflag:s29], $0x1  }
0xbc: {  	[sflag:s29] =	ssyncadd.s32 $0xFFFFFFFF  }
0xbd: {  	_ =	strace $0x9000004E  }
0xbe: {  	_ =	sfence  }
0xbf: {  	s30 =	sld [smem:$0x0];
	_ =	sdelay $0x2  }
0xc0: {  	s31 =	sshll.u32 s1, $0xD;
	s1 =	sshrl.u32 s1, $0x2  }
0xc1: {  	s3 =	sand.u32 $0x4000, s31;
	s1 =	sadd.s32 s1, s30  }
0xc2: {  	s0 =	sor.u32 s3, s0;
	s1 =	sshll.u32 s1, $0x11  }
0xc3: {  	s0 =	sor.u32 s1, s0  }
0xc4: {  	s0 =	sadd.s32 $0x8F2B, s0  }
0xc5: {  	[sflag:s0] =	ssyncadd.remote.s32 $0x1  }
0xc6: {  	_ =	sfence.sel $0xFFFF  }
0xc7: {  	[dreg:$0x0] =	wrdreg $0xFFFFFFFF;
	(pc) =	sbr.abs _section_cstart, $3  }
0xc8: {  	[dreg:$0x1] =	wrdreg $0xFFFFFFFF  }
0xc9: {  	_ =	task.clear_ibuf [dreg:s8], $0x2FFFF;
	_ =	strace $0x9FFFFFFF  }
0xca: {  	(tm) =	ssettm $0x7FFFFFFF  }
0xcb: {  	_ =	shalt  }
tec
execute0_lowered:
.L_overlay_start_1:
0x0: {  	(tag) =	ssettag $0x1  }
0x1: {  	s0 =	rddreg [dreg:$0x0]  }
0x2: {  	s7 =	rddreg [dreg:$0x1]  }
0x3: {  	s6 =	rddreg [dreg:$0x2]  }
0x4: {  	s1 =	rddreg [dreg:$0x3];
	s2 =	srdreg.scid  }
0x5: {  	s3 =	simm.s32 $0x0;
	s21 =	stileid.u32;
	s28 =	simm.s32 $0x80  }
0x6: {  	s29 =	simm.s32 $0x1;
	s30 =	simm.s32 $0x0;
	s9 =	sand.u32 $0x1, s2  }
0x7: {  	[smem:$0x7FF] =	sst s3;
	s5 =	sadd.s32 $0x53C00, s6;
	s11 =	smul.u32 $0x50000, s21  }
0x8: {  	s17 =	sadd.s32 $0xF3C00, s6;
	s22 =	sadd.s32 $0x143C00, s6;
	s12 =	smul.u32 $0x500, s21  }
0x9: {  	s13 =	smul.u32 $0x14000, s21;
	s4 =	sshll.u32 s9, $0x4;
	_ =	strace $0x8000004D  }
0xa: {  	s10 =	ssub.s32 $0x2, s9;
	s16 =	smul.u32 $0x140000, s9;
	s8 =	sor.u32 s21, s4  }
0xb: {  	s4 =	sadd.s32 $0x3C00, s6;
	s24 =	sshrl.u32 s10, $0x1;
	s25 =	sshrl.u32 s11, $0x2  }
0xc: {  	s7 =	sadd.s32 s7, s12;
	s26 =	sadd.s32 $0x4000, s13;
	s15 =	sadd.s32 $0x8000, s13  }
0xd: {  	s18 =	sadd.s32 $0xC000, s13;
	s19 =	sadd.s32 $0x10000, s13;
	s8 =	smul.u32 $0x500, s8  }
0xe: {  	s23 =	ssub.s32 s10, s24;
	s9 =	sadd.s32 s26, s1;
	s10 =	sadd.s32 s15, s1  }
0xf: {  	s11 =	sadd.s32 s18, s1;
	s31 =	sadd.s32 s13, s16;
	s12 =	sadd.s32 s19, s1  }
0x10: {  	s15 =	sadd.s32 s16, s15;
	s18 =	sadd.s32 s16, s18;
	s20 =	sshrl.u32 s31, $0x3  }
0x11: {  	s21 =	sshrl.u32 s15, $0x3;
	s24 =	sshrl.u32 s18, $0x3;
	s23 =	smax.u32 s23, $0x1  }
0x12: {  	s6 =	sadd.s32 s0, s8;
	s8 =	sadd.s32 s25, s1;
	s0 =	sadd.s32 s16, s26  }
0x13: {  	s13 =	sadd.s32 s17, s20;
	s16 =	sadd.s32 s16, s19;
	s15 =	sadd.s32 s17, s21  }
0x14: {  	s18 =	sadd.s32 s22, s20;
	s20 =	sadd.s32 s22, s21;
	s21 =	sadd.s32 s22, s24  }
0x15: {  	s26 =	simm.s32 $0x5000;
	s0 =	sshrl.u32 s0, $0x3;
	s25 =	sshrl.u32 s16, $0x3  }
0x16: {  	s16 =	sadd.s32 s17, s24;
	s24 =	simm.s32 $0x2;
	s14 =	sadd.s32 s17, s0  }
0x17: {  	v0 =	vimm.f32 $0.0e+00;
	s17 =	sadd.s32 s17, s25;
	s19 =	sadd.s32 s22, s0;
	s22 =	sadd.s32 s22, s25  }
.LBB2_1:
0x18: {  	[tilespmem:s3], [sflag:$0x2] =	stream.linear.gather [hbm4b:s6+s3], $0x2800, $0x38;
	[tilespmem:$0x1D000] =	vst v63  }
0x19: {  	_ =	swait.ge [sflag:s24], $0x2800  }
0x1a: {  	[sflag:s24] =	ssyncset.done $0x0  }
0x1b: {  	s0 =	simm.s32 $0x2800;
	[sflag:s24] =	ssyncadd.s32 $0xFFFFD800  }
0x1c: {  	[tilespmem:s0], [sflag:$0x2] =	stream.linear.gather [hbm4b:s7+s3], $0x2800, $0x38;
	[tilespmem:$0x1D000] =	vst v63  }
0x1d: {  	_ =	swait.ge [sflag:s24], $0x2800  }
0x1e: {  	[sflag:s24] =	ssyncset.done $0x0  }
0x1f: {  	s31 =	simm.s32 $0x0;
	s0 =	simm.s32 $0x200;
	[sflag:s24] =	ssyncadd.s32 $0xFFFFD800  }
.LBB2_2:
0x20: {  	p0 =	sne.s32 s0, $0xFE00;
	[tilespmem:s31+$0x5070] =	vst v0  }
0x21: {  	[tilespmem:s31+$0x5000] =	vst v0  }
0x22: {  	[tilespmem:s31+$0x5010] =	vst v0  }
.Ltmp0:
0x23: {  	[tilespmem:s31+$0x5020] =	vst v0;
	(pc) =	sbr.rel @p0 .LBB2_2-.Ltmp0, $4  }
0x24: {  	[tilespmem:s31+$0x5030] =	vst v0  }
0x25: {  	[tilespmem:s31+$0x5040] =	vst v0  }
0x26: {  	[tilespmem:s31+$0x5050] =	vst v0  }
0x27: {  	[tilespmem:s31+$0x5060] =	vst v0;
	s31 =	sshra.s32 s0, $0x2;
	s0 =	sadd.s32 $0x200, s0  }
0x28: {  	[tilespmem:s31+$0x5070] =	vst v0  }
0x29: {  	[tilespmem:s31+$0x5000] =	vst v0  }
0x2a: {  	[tilespmem:s31+$0x5010] =	vst v0  }
0x2b: {  	[tilespmem:s31+$0x5020] =	vst v0  }
0x2c: {  	[tilespmem:s31+$0x5030] =	vst v0  }
0x2d: {  	[tilespmem:s31+$0x5040] =	vst v0  }
0x2e: {  	[tilespmem:s31+$0x5050] =	vst v0  }
0x2f: {  	[tilespmem:s31+$0x5060] =	vst v0  }
0x30: {  	[spmem:s8] =	stream.linear.scatter [tilespmem:s26], [sflag:$0x2], $0x4000, $0x38;
	[tilespmem:$0x1D000] =	vst v63  }
0x31: {  	_ =	swait.ge [sflag:s24], $0x4000  }
0x32: {  	[sflag:s24] =	ssyncset.done $0x0  }
0x33: {  	[sflag:s24] =	ssyncadd.s32 $0xFFFFC000  }
0x34: {  	[spmem:s9] =	stream.linear.scatter [tilespmem:s26], [sflag:$0x2], $0x4000, $0x38;
	[tilespmem:$0x1D000] =	vst v63  }
0x35: {  	_ =	swait.ge [sflag:s24], $0x4000  }
0x36: {  	[sflag:s24] =	ssyncset.done $0x0  }
0x37: {  	[sflag:s24] =	ssyncadd.s32 $0xFFFFC000  }
0x38: {  	[spmem:s10] =	stream.linear.scatter [tilespmem:s26], [sflag:$0x2], $0x4000, $0x38;
	[tilespmem:$0x1D000] =	vst v63  }
0x39: {  	_ =	swait.ge [sflag:s24], $0x4000  }
0x3a: {  	[sflag:s24] =	ssyncset.done $0x0  }
0x3b: {  	[sflag:s24] =	ssyncadd.s32 $0xFFFFC000  }
0x3c: {  	[spmem:s11] =	stream.linear.scatter [tilespmem:s26], [sflag:$0x2], $0x4000, $0x38;
	[tilespmem:$0x1D000] =	vst v63  }
0x3d: {  	_ =	swait.ge [sflag:s24], $0x4000  }
0x3e: {  	[sflag:s24] =	ssyncset.done $0x0  }
0x3f: {  	[sflag:s24] =	ssyncadd.s32 $0xFFFFC000  }
0x40: {  	[spmem:s12] =	stream.linear.scatter [tilespmem:s26], [sflag:$0x2], $0x4000, $0x38;
	[tilespmem:$0x1D000] =	vst v63  }
0x41: {  	_ =	swait.ge [sflag:s24], $0x4000  }
0x42: {  	[sflag:s24] =	ssyncset.done $0x0  }
0x43: {  	[sflag:s24] =	ssyncadd.s32 $0xFFFFC000  }
0x44: {  	s0 =	simm.s32 $0x0;
	[bflag:$0x0] =	sbarrier.arrive $0xFFFF  }
0x45: {  	[tilespmem:s26], [sflag:$0x1] =	stream.indirect.gather [hbm4b:s4+s28], $0x80, s0, s28, $0xb8;
	[tilespmem:$0x1D000] =	vst v63  }
0x46: {  	_ =	swait.ge [sflag:s29], $0x4000  }
0x47: {  	[sflag:s29] =	ssyncset.done $0x0  }
0x48: {  	s25 =	simm.s32 $0x2800;
	[sflag:s29] =	ssyncadd.s32 $0xFFFFC000  }
0x49: {  	[spmem:s1] =	stream.indirect.scatter.add.f32 [tilespmem:s26], [sflag:$0x2], $0x80, s25, s28, $0xb8;
	[tilespmem:$0x1D000] =	vst v63  }
0x4a: {  	_ =	swait.ge [sflag:s24], $0x4000  }
0x4b: {  	s31 =	simm.s32 $0x200;
	s0 =	simm.s32 $0x400;
	[sflag:s24] =	ssyncset.done $0x0  }
.LBB2_4:
0x4c: {  	s2 =	sshra.s32 s31, $0x2  }
0x4d: {  	[sflag:s24] =	ssyncadd.s32 $0xFFFFC000;
	s31 =	smov.u32 s0;
	s25 =	sadd.s32 $0x200, s0  }
0x4e: {  	[tilespmem:s26], [sflag:$0x1] =	stream.indirect.gather [hbm4b:s4+s28], $0x80, s2, s28, $0xb8;
	[tilespmem:$0x1D000] =	vst v63  }
0x4f: {  	p0 =	sne.s32 s0, $0x9E00;
	_ =	swait.ge [sflag:s29], $0x4000  }
.Ltmp1:
0x50: {  	[sflag:s29] =	ssyncset.done $0x0;
	(pc) =	sbr.rel @p0 .LBB2_4-.Ltmp1, $4  }
0x51: {  	s0 =	sadd.s32 $0x2800, s2;
	[sflag:s29] =	ssyncadd.s32 $0xFFFFC000  }
0x52: {  	[spmem:s1] =	stream.indirect.scatter.add.f32 [tilespmem:s26], [sflag:$0x2], $0x80, s0, s28, $0xb8;
	[tilespmem:$0x1D000] =	vst v63  }
0x53: {  	_ =	swait.ge [sflag:s24], $0x4000  }
0x54: {  	s0 =	smov.u32 s25;
	[sflag:s24] =	ssyncset.done $0x0  }
0x55: {  	s0 =	sshra.s32 s31, $0x2;
	[sflag:s24] =	ssyncadd.s32 $0xFFFFC000  }
0x56: {  	[tilespmem:s26], [sflag:$0x1] =	stream.indirect.gather [hbm4b:s4+s28], $0x80, s0, s28, $0xb8;
	[tilespmem:$0x1D000] =	vst v63  }
0x57: {  	_ =	swait.ge [sflag:s29], $0x4000  }
0x58: {  	[sflag:s29] =	ssyncset.done $0x0  }
0x59: {  	s0 =	sadd.s32 $0x2800, s0;
	[sflag:s29] =	ssyncadd.s32 $0xFFFFC000  }
0x5a: {  	[spmem:s1] =	stream.indirect.scatter.add.f32 [tilespmem:s26], [sflag:$0x2], $0x80, s0, s28, $0xb8;
	[tilespmem:$0x1D000] =	vst v63  }
0x5b: {  	_ =	swait.ge [sflag:s24], $0x4000  }
0x5c: {  	[sflag:s24] =	ssyncset.done $0x0  }
0x5d: {  	[sflag:s24] =	ssyncadd.s32 $0xFFFFC000  }
0x5e: {  	[bflag:$0x0] =	sbarrier.arrive $0xFFFF  }
0x5f: {  	[tilespmem:s26], [sflag:$0x2] =	stream.linear.gather [spmem:s8], $0x4000, $0x38;
	[tilespmem:$0x1D000] =	vst v63  }
0x60: {  	_ =	swait.ge [sflag:s24], $0x4000  }
0x61: {  	[sflag:s24] =	ssyncset.done $0x0  }
0x62: {  	s25 =	simm.s32 $0x0;
	[sflag:s24] =	ssyncadd.s32 $0xFFFFC000  }
0x63: {  	[hbm4b:s13+s25] =	stream.linear.scatter [tilespmem:s26], [sflag:$0x2], $0x4000, $0x38;
	[tilespmem:$0x1D000] =	vst v63  }
0x64: {  	_ =	swait.ge [sflag:s24], $0x4000  }
0x65: {  	[sflag:s24] =	ssyncset.done $0x0  }
0x66: {  	[sflag:s24] =	ssyncadd.s32 $0xFFFFC000  }
0x67: {  	[tilespmem:s26], [sflag:$0x2] =	stream.linear.gather [spmem:s9], $0x4000, $0x38;
	[tilespmem:$0x1D000] =	vst v63  }
0x68: {  	_ =	swait.ge [sflag:s24], $0x4000  }
0x69: {  	[sflag:s24] =	ssyncset.done $0x0  }
0x6a: {  	[sflag:s24] =	ssyncadd.s32 $0xFFFFC000  }
0x6b: {  	[hbm4b:s14+s25] =	stream.linear.scatter [tilespmem:s26], [sflag:$0x2], $0x4000, $0x38;
	[tilespmem:$0x1D000] =	vst v63  }
0x6c: {  	_ =	swait.ge [sflag:s24], $0x4000  }
0x6d: {  	[sflag:s24] =	ssyncset.done $0x0  }
0x6e: {  	[sflag:s24] =	ssyncadd.s32 $0xFFFFC000  }
0x6f: {  	[tilespmem:s26], [sflag:$0x2] =	stream.linear.gather [spmem:s10], $0x4000, $0x38;
	[tilespmem:$0x1D000] =	vst v63  }
0x70: {  	_ =	swait.ge [sflag:s24], $0x4000  }
0x71: {  	[sflag:s24] =	ssyncset.done $0x0  }
0x72: {  	[sflag:s24] =	ssyncadd.s32 $0xFFFFC000  }
0x73: {  	[hbm4b:s15+s25] =	stream.linear.scatter [tilespmem:s26], [sflag:$0x2], $0x4000, $0x38;
	[tilespmem:$0x1D000] =	vst v63  }
0x74: {  	_ =	swait.ge [sflag:s24], $0x4000  }
0x75: {  	[sflag:s24] =	ssyncset.done $0x0  }
0x76: {  	[sflag:s24] =	ssyncadd.s32 $0xFFFFC000  }
0x77: {  	[tilespmem:s26], [sflag:$0x2] =	stream.linear.gather [spmem:s11], $0x4000, $0x38;
	[tilespmem:$0x1D000] =	vst v63  }
0x78: {  	_ =	swait.ge [sflag:s24], $0x4000  }
0x79: {  	[sflag:s24] =	ssyncset.done $0x0  }
0x7a: {  	[sflag:s24] =	ssyncadd.s32 $0xFFFFC000  }
0x7b: {  	[hbm4b:s16+s25] =	stream.linear.scatter [tilespmem:s26], [sflag:$0x2], $0x4000, $0x38;
	[tilespmem:$0x1D000] =	vst v63  }
0x7c: {  	_ =	swait.ge [sflag:s24], $0x4000  }
0x7d: {  	[sflag:s24] =	ssyncset.done $0x0  }
0x7e: {  	[sflag:s24] =	ssyncadd.s32 $0xFFFFC000  }
0x7f: {  	[tilespmem:s26], [sflag:$0x2] =	stream.linear.gather [spmem:s12], $0x4000, $0x38;
	[tilespmem:$0x1D000] =	vst v63  }
0x80: {  	_ =	swait.ge [sflag:s24], $0x4000  }
0x81: {  	[sflag:s24] =	ssyncset.done $0x0  }
0x82: {  	[sflag:s24] =	ssyncadd.s32 $0xFFFFC000  }
0x83: {  	[hbm4b:s17+s25] =	stream.linear.scatter [tilespmem:s26], [sflag:$0x2], $0x4000, $0x38;
	[tilespmem:$0x1D000] =	vst v63  }
0x84: {  	_ =	swait.ge [sflag:s24], $0x4000  }
0x85: {  	[sflag:s24] =	ssyncset.done $0x0  }
0x86: {  	[sflag:s24] =	ssyncadd.s32 $0xFFFFC000  }
0x87: {  	s31 =	simm.s32 $0x0;
	s0 =	simm.s32 $0x200;
	[bflag:$0x0] =	sbarrier.arrive $0xFFFF  }
.LBB2_6:
0x88: {  	p0 =	sne.s32 s0, $0xFE00;
	[tilespmem:s31+$0x5070] =	vst v0  }
0x89: {  	[tilespmem:s31+$0x5000] =	vst v0  }
0x8a: {  	[tilespmem:s31+$0x5010] =	vst v0  }
.Ltmp2:
0x8b: {  	[tilespmem:s31+$0x5020] =	vst v0;
	(pc) =	sbr.rel @p0 .LBB2_6-.Ltmp2, $4  }
0x8c: {  	[tilespmem:s31+$0x5030] =	vst v0  }
0x8d: {  	[tilespmem:s31+$0x5040] =	vst v0  }
0x8e: {  	[tilespmem:s31+$0x5050] =	vst v0  }
0x8f: {  	[tilespmem:s31+$0x5060] =	vst v0;
	s31 =	sshra.s32 s0, $0x2;
	s0 =	sadd.s32 $0x200, s0  }
0x90: {  	[tilespmem:s31+$0x5070] =	vst v0  }
0x91: {  	[tilespmem:s31+$0x5000] =	vst v0  }
0x92: {  	[tilespmem:s31+$0x5010] =	vst v0  }
0x93: {  	[tilespmem:s31+$0x5020] =	vst v0  }
0x94: {  	[tilespmem:s31+$0x5030] =	vst v0  }
0x95: {  	[tilespmem:s31+$0x5040] =	vst v0  }
0x96: {  	[tilespmem:s31+$0x5050] =	vst v0  }
0x97: {  	[tilespmem:s31+$0x5060] =	vst v0  }
0x98: {  	[spmem:s8] =	stream.linear.scatter [tilespmem:s26], [sflag:$0x2], $0x4000, $0x38;
	[tilespmem:$0x1D000] =	vst v63  }
0x99: {  	_ =	swait.ge [sflag:s24], $0x4000  }
0x9a: {  	[sflag:s24] =	ssyncset.done $0x0  }
0x9b: {  	[sflag:s24] =	ssyncadd.s32 $0xFFFFC000  }
0x9c: {  	[spmem:s9] =	stream.linear.scatter [tilespmem:s26], [sflag:$0x2], $0x4000, $0x38;
	[tilespmem:$0x1D000] =	vst v63  }
0x9d: {  	_ =	swait.ge [sflag:s24], $0x4000  }
0x9e: {  	[sflag:s24] =	ssyncset.done $0x0  }
0x9f: {  	[sflag:s24] =	ssyncadd.s32 $0xFFFFC000  }
0xa0: {  	[spmem:s10] =	stream.linear.scatter [tilespmem:s26], [sflag:$0x2], $0x4000, $0x38;
	[tilespmem:$0x1D000] =	vst v63  }
0xa1: {  	_ =	swait.ge [sflag:s24], $0x4000  }
0xa2: {  	[sflag:s24] =	ssyncset.done $0x0  }
0xa3: {  	[sflag:s24] =	ssyncadd.s32 $0xFFFFC000  }
0xa4: {  	[spmem:s11] =	stream.linear.scatter [tilespmem:s26], [sflag:$0x2], $0x4000, $0x38;
	[tilespmem:$0x1D000] =	vst v63  }
0xa5: {  	_ =	swait.ge [sflag:s24], $0x4000  }
0xa6: {  	[sflag:s24] =	ssyncset.done $0x0  }
0xa7: {  	[sflag:s24] =	ssyncadd.s32 $0xFFFFC000  }
0xa8: {  	[spmem:s12] =	stream.linear.scatter [tilespmem:s26], [sflag:$0x2], $0x4000, $0x38;
	[tilespmem:$0x1D000] =	vst v63  }
0xa9: {  	_ =	swait.ge [sflag:s24], $0x4000  }
0xaa: {  	[sflag:s24] =	ssyncset.done $0x0  }
0xab: {  	[sflag:s24] =	ssyncadd.s32 $0xFFFFC000  }
0xac: {  	s0 =	simm.s32 $0x0;
	[bflag:$0x0] =	sbarrier.arrive $0xFFFF  }
0xad: {  	[tilespmem:s26], [sflag:$0x1] =	stream.indirect.gather [hbm4b:s5+s28], $0x80, s0, s28, $0xb8;
	[tilespmem:$0x1D000] =	vst v63  }
0xae: {  	_ =	swait.ge [sflag:s29], $0x4000  }
0xaf: {  	[sflag:s29] =	ssyncset.done $0x0  }
0xb0: {  	s25 =	simm.s32 $0x2800;
	[sflag:s29] =	ssyncadd.s32 $0xFFFFC000  }
0xb1: {  	[spmem:s1] =	stream.indirect.scatter.add.f32 [tilespmem:s26], [sflag:$0x2], $0x80, s25, s28, $0xb8;
	[tilespmem:$0x1D000] =	vst v63  }
0xb2: {  	_ =	swait.ge [sflag:s24], $0x4000  }
0xb3: {  	s31 =	simm.s32 $0x200;
	s0 =	simm.s32 $0x400;
	[sflag:s24] =	ssyncset.done $0x0  }
.LBB2_8:
0xb4: {  	s2 =	sshra.s32 s31, $0x2  }
0xb5: {  	[sflag:s24] =	ssyncadd.s32 $0xFFFFC000;
	s31 =	smov.u32 s0;
	s25 =	sadd.s32 $0x200, s0  }
0xb6: {  	[tilespmem:s26], [sflag:$0x1] =	stream.indirect.gather [hbm4b:s5+s28], $0x80, s2, s28, $0xb8;
	[tilespmem:$0x1D000] =	vst v63  }
0xb7: {  	p0 =	sne.s32 s0, $0x9E00;
	_ =	swait.ge [sflag:s29], $0x4000  }
.Ltmp3:
0xb8: {  	[sflag:s29] =	ssyncset.done $0x0;
	(pc) =	sbr.rel @p0 .LBB2_8-.Ltmp3, $4  }
0xb9: {  	s0 =	sadd.s32 $0x2800, s2;
	[sflag:s29] =	ssyncadd.s32 $0xFFFFC000  }
0xba: {  	[spmem:s1] =	stream.indirect.scatter.add.f32 [tilespmem:s26], [sflag:$0x2], $0x80, s0, s28, $0xb8;
	[tilespmem:$0x1D000] =	vst v63  }
0xbb: {  	_ =	swait.ge [sflag:s24], $0x4000  }
0xbc: {  	s0 =	smov.u32 s25;
	[sflag:s24] =	ssyncset.done $0x0  }
0xbd: {  	s0 =	sshra.s32 s31, $0x2;
	[sflag:s24] =	ssyncadd.s32 $0xFFFFC000  }
0xbe: {  	[tilespmem:s26], [sflag:$0x1] =	stream.indirect.gather [hbm4b:s5+s28], $0x80, s0, s28, $0xb8;
	[tilespmem:$0x1D000] =	vst v63  }
0xbf: {  	_ =	swait.ge [sflag:s29], $0x4000  }
0xc0: {  	[sflag:s29] =	ssyncset.done $0x0  }
0xc1: {  	s0 =	sadd.s32 $0x2800, s0;
	[sflag:s29] =	ssyncadd.s32 $0xFFFFC000  }
0xc2: {  	[spmem:s1] =	stream.indirect.scatter.add.f32 [tilespmem:s26], [sflag:$0x2], $0x80, s0, s28, $0xb8;
	[tilespmem:$0x1D000] =	vst v63  }
0xc3: {  	_ =	swait.ge [sflag:s24], $0x4000  }
0xc4: {  	[sflag:s24] =	ssyncset.done $0x0  }
0xc5: {  	[sflag:s24] =	ssyncadd.s32 $0xFFFFC000  }
0xc6: {  	[bflag:$0x0] =	sbarrier.arrive $0xFFFF  }
0xc7: {  	[tilespmem:s26], [sflag:$0x2] =	stream.linear.gather [spmem:s8], $0x4000, $0x38;
	[tilespmem:$0x1D000] =	vst v63  }
0xc8: {  	_ =	swait.ge [sflag:s24], $0x4000  }
0xc9: {  	[sflag:s24] =	ssyncset.done $0x0  }
0xca: {  	[sflag:s24] =	ssyncadd.s32 $0xFFFFC000  }
0xcb: {  	[hbm4b:s18+s3] =	stream.linear.scatter [tilespmem:s26], [sflag:$0x2], $0x4000, $0x38;
	[tilespmem:$0x1D000] =	vst v63  }
0xcc: {  	_ =	swait.ge [sflag:s24], $0x4000  }
0xcd: {  	[sflag:s24] =	ssyncset.done $0x0  }
0xce: {  	[sflag:s24] =	ssyncadd.s32 $0xFFFFC000  }
0xcf: {  	[tilespmem:s26], [sflag:$0x2] =	stream.linear.gather [spmem:s9], $0x4000, $0x38;
	[tilespmem:$0x1D000] =	vst v63  }
0xd0: {  	_ =	swait.ge [sflag:s24], $0x4000  }
0xd1: {  	[sflag:s24] =	ssyncset.done $0x0  }
0xd2: {  	[sflag:s24] =	ssyncadd.s32 $0xFFFFC000  }
0xd3: {  	[hbm4b:s19+s3] =	stream.linear.scatter [tilespmem:s26], [sflag:$0x2], $0x4000, $0x38;
	[tilespmem:$0x1D000] =	vst v63  }
0xd4: {  	_ =	swait.ge [sflag:s24], $0x4000  }
0xd5: {  	[sflag:s24] =	ssyncset.done $0x0  }
0xd6: {  	[sflag:s24] =	ssyncadd.s32 $0xFFFFC000  }
0xd7: {  	[tilespmem:s26], [sflag:$0x2] =	stream.linear.gather [spmem:s10], $0x4000, $0x38;
	[tilespmem:$0x1D000] =	vst v63  }
0xd8: {  	_ =	swait.ge [sflag:s24], $0x4000  }
0xd9: {  	[sflag:s24] =	ssyncset.done $0x0  }
0xda: {  	[sflag:s24] =	ssyncadd.s32 $0xFFFFC000  }
0xdb: {  	[hbm4b:s20+s3] =	stream.linear.scatter [tilespmem:s26], [sflag:$0x2], $0x4000, $0x38;
	[tilespmem:$0x1D000] =	vst v63  }
0xdc: {  	_ =	swait.ge [sflag:s24], $0x4000  }
0xdd: {  	[sflag:s24] =	ssyncset.done $0x0  }
0xde: {  	[sflag:s24] =	ssyncadd.s32 $0xFFFFC000  }
0xdf: {  	[tilespmem:s26], [sflag:$0x2] =	stream.linear.gather [spmem:s11], $0x4000, $0x38;
	[tilespmem:$0x1D000] =	vst v63  }
0xe0: {  	_ =	swait.ge [sflag:s24], $0x4000  }
0xe1: {  	[sflag:s24] =	ssyncset.done $0x0  }
0xe2: {  	[sflag:s24] =	ssyncadd.s32 $0xFFFFC000  }
0xe3: {  	[hbm4b:s21+s3] =	stream.linear.scatter [tilespmem:s26], [sflag:$0x2], $0x4000, $0x38;
	[tilespmem:$0x1D000] =	vst v63  }
0xe4: {  	_ =	swait.ge [sflag:s24], $0x4000  }
0xe5: {  	[sflag:s24] =	ssyncset.done $0x0  }
0xe6: {  	[sflag:s24] =	ssyncadd.s32 $0xFFFFC000  }
0xe7: {  	[tilespmem:s26], [sflag:$0x2] =	stream.linear.gather [spmem:s12], $0x4000, $0x38;
	[tilespmem:$0x1D000] =	vst v63  }
0xe8: {  	_ =	swait.ge [sflag:s24], $0x4000  }
0xe9: {  	s30 =	sadd.s32 $0x1, s30;
	[sflag:s24] =	ssyncset.done $0x0  }
0xea: {  	p0 =	sne.s32 s30, s23;
	[sflag:s24] =	ssyncadd.s32 $0xFFFFC000  }
0xeb: {  	[hbm4b:s22+s3] =	stream.linear.scatter [tilespmem:s26], [sflag:$0x2], $0x4000, $0x38;
	[tilespmem:$0x1D000] =	vst v63  }
.Ltmp4:
0xec: {  	_ =	swait.ge [sflag:s24], $0x4000;
	(pc) =	sbr.rel @p0 .LBB2_1-.Ltmp4, $3  }
0xed: {  	[sflag:s24] =	ssyncset.done $0x0  }
0xee: {  	[sflag:s24] =	ssyncadd.s32 $0xFFFFC000  }
0xef: {  	[bflag:$0x0] =	sbarrier.arrive $0xFFFF;
	_ =	sdelay $0x1  }
0xf0: {  	_ =	sfence.sel $0x180000  }
0xf1: {  	[bflag:$0x0] =	sbarrier.arrive $0xFFFF  }
0xf2: {  	_ =	strace $0x9000004D  }
0xf3: {  	s0 =	stileid.u32;
	[bflag:$0x2] =	sbarrier.arrive $0xFFFF  }
0xf4: {  	p0 =	sne.s32 s0, $0x0;
	s0 =	rddreg [dreg:$0x4]  }
0xf5: {  	s0 =	sadd.s32 @!p0 $0x100000, s0  }
0xf6: {  	[sflag:s0] =	ssyncadd.tile.s32 @!p0 $0x1;
	_ =	shalt  }
.Lfunc_end2:
_tile_overlayer_lowered:
.L_overlay_start_2:
0xf7: {  	(tag) =	ssettag $0x2  }
0xf8: {  	s0 =	rddreg [dreg:$0x0];
	s2 =	stileid.u32  }
0xf9: {  	s1 =	rddreg [dreg:$0x1];
	p0 =	sne.s32 s2, $0x0  }
0xfa: {  	s3 =	rddreg [dreg:$0x2];
	[bflag:$0x3] =	sbarrier.arrive $0xFFFF;
	s2 =	simm.s32 @!p0 $0x1C02  }
0xfb: {  	[timem:s3], [sflag:s2] =	dma.local @!p0 [hbm:s0], s1  }
0xfc: {  	s0 =	simm.s32 @!p0 $0x2  }
0xfd: {  	_ =	swait.ge @!p0 [sflag:s0], s1  }
0xfe: {  	s1 =	ssub.s32 @!p0 $0x0, s1;
	[sflag:s0] =	ssyncset.done @!p0 $0x0  }
0xff: {  	[sflag:s0] =	ssyncadd.s32 @!p0 s1  }
0x100: {  	[bflag:$0x3] =	sbarrier.arrive $0xFFFF  }
0x101: {  	_ =	shalt  }

// kernel: kernel.8.cloned.1.call-start
scs
__scs_entry_jumppad:
0x0: {  	(pc) =	sbr.rel $0x88, $3  }
0x1: {  	(tag) =	ssettag $0x0;
	lr =	simm.s32 $0x1  }
0x2: {  	[smem:$0x3F99] =	sst lr;
	_ =	strace $0xD0000000  }
0x3: {  	_ = 	snop  }
0x4: {  	_ = 	snop  }
0x5: {  	_ = 	snop  }
0x6: {  	_ = 	snop  }
0x7: {  	_ = 	snop  }
__scs_overlays_trampoline_lowered:
0x8: {  	[smem:$0x3FA8] =	sst s0  }
0x9: {  	[smem:$0x3FA9] =	sst s1  }
0xa: {  	[smem:$0x3FAA] =	sst s2  }
0xb: {  	[smem:$0x3FAB] =	sst s3  }
0xc: {  	[smem:$0x3FAC] =	sst s4  }
0xd: {  	[smem:$0x3FAD] =	sst s5  }
0xe: {  	[smem:$0x3FAE] =	sst s6  }
0xf: {  	[smem:$0x3FAF] =	sst s7  }
0x10: {  	[smem:$0x3FB0] =	sst s8  }
0x11: {  	[smem:$0x3FB1] =	sst s9;
	s0 =	simm.s32 @!p0 $0x0  }
0x12: {  	s1 =	sld [smem:$0x3F97];
	s0 =	simm.s32 @p0 $0x1  }
0x13: {  	[smem:$0x3FB2] =	sst s0;
	s0 =	simm.s32 @!p1 $0x0  }
0x14: {  	s2 =	sld [smem:$0x3F96];
	s0 =	simm.s32 @p1 $0x1  }
0x15: {  	[smem:$0x3FB3] =	sst s0;
	s0 =	simm.s32 @!p2 $0x0  }
0x16: {  	s3 =	sld [smem:$0x3FDB];
	s0 =	simm.s32 @p2 $0x1  }
0x17: {  	s4 =	simm.s32 $0x1BF5;
	[smem:$0x3FB5] =	sst s0  }
0x18: {  	s0 =	sld [smem:$0x3F98];
	_ =	swait.ge [sflag:s4], $0x0  }
0x19: {  	s7 =	sld [smem:$0x3F99]  }
0x1a: {  	s8 =	sadd.s32 $0xFFFFE003, lr  }
0x1b: {  	s9 =	sadd.s32 $0xFFFFFEF7, lr;
	s5 =	simm.s32 $0xFFFFFFFF;
	p2 =	slt.u32 s8, $0xFFFFF086  }
0x1c: {  	p1 =	slt.u32 s9, $0xF7A;
	s5 =	simm.s32 @!p2 $0x0  }
0x1d: {  	s5 =	simm.s32 @p1 $0x1;
	p0 =	seq.s32 s7, s2  }
0x1e: {  	s7 =	smul.u32 @!p0 $0xF7A, s2;
	p2 =	seq.s32 @!p0 s5, $0x0  }
0x1f: {  	s9 =	smul.u32 $0xF7A, s1;
	s8 =	simm.s32 @!p0 $0x1BF5;
	p2 =	por !p2, p0  }
0x20: {  	[sflag:s8] =	ssyncset.s32 @!p0 $0xFFFFF086;
	s6 =	sadd.s32 @!p0 s3, s7;
	s7 =	simm.s32 @!p0 $0x108  }
0x21: {  	s3 =	sadd.s32 s3, s9;
	s6 =	sadd.s32 @!p0 $0x88, s6;
	s7 =	simm.s32 @p2 $0x1082  }
0x22: {  	[simem:s7], [sflag:s8] =	dma.local @!p0 [hbm:s6], $0xF7A  }
0x23: {  	s9 =	sor.u32 $0xD0000000, s2;
	s6 =	simm.s32 $0x108;
	_ =	swait.ge @!p0 [sflag:s8], $0x0  }
0x24: {  	s3 =	sadd.s32 $0x88, s3;
	s6 =	simm.s32 @!p1 $0x1082;
	[sflag:s4] =	ssyncset.s32 $0xFFFFF086  }
0x25: {  	[simem:s6], [sflag:s4] =	dma.local [hbm:s3], $0xF7A  }
0x26: {  	[smem:$0x3F99] =	sst s1;
	(tag) =	ssettag s2;
	_ =	strace s9  }
0x27: {  	s1 =	sld [smem:$0x3FA9]  }
0x28: {  	s2 =	sld [smem:$0x3FAA]  }
0x29: {  	s4 =	sld [smem:$0x3FAC]  }
0x2a: {  	p0 =	seq.s32 s5, $0x0;
	s5 =	sld [smem:$0x3FAD]  }
0x2b: {  	s6 =	sld [smem:$0x3FAE]  }
0x2c: {  	s7 =	sld [smem:$0x3FAF]  }
0x2d: {  	s3 =	simm.s32 $0x108;
	s8 =	sld [smem:$0x3FB0]  }
0x2e: {  	s3 =	simm.s32 @!p0 $0x1082;
	s9 =	sld [smem:$0x3FB1]  }
0x2f: {  	lr =	sadd.s32 s0, s3;
	s0 =	sld [smem:$0x3FA8]  }
0x30: {  	s3 =	sld [smem:$0x3FAB]  }
0x31: {  	[smem:$0x3FB4] =	sst s10  }
0x32: {  	s10 =	sld [smem:$0x3FB2];
	_ =	sdelay $0x3  }
0x33: {  	p0 =	seq.s32 s10, $0x1;
	s10 =	sld [smem:$0x3FB4];
	_ =	sdelay $0x3  }
0x34: {  	[smem:$0x3FB4] =	sst s10  }
0x35: {  	s10 =	sld [smem:$0x3FB3];
	_ =	sdelay $0x3  }
0x36: {  	p1 =	seq.s32 s10, $0x1;
	s10 =	sld [smem:$0x3FB4];
	_ =	sdelay $0x3  }
0x37: {  	[smem:$0x3FB4] =	sst s10  }
0x38: {  	s10 =	sld [smem:$0x3FB5]  }
0x39: {  	_ = 	snop;
	(pc) =	sbr.ind lr, $3  }
0x3a: {  	_ = 	snop  }
0x3b: {  	_ = 	snop  }
0x3c: {  	p2 =	seq.s32 s10, $0x1;
	s10 =	sld [smem:$0x3FB4]  }
0x3d: {  	_ =	shalt  }
0x3e: {  	_ =	shalt  }
0x3f: {  	_ =	shalt  }
0x40: {  	_ =	shalt  }
0x41: {  	_ =	shalt  }
0x42: {  	_ =	shalt  }
0x43: {  	_ =	shalt  }
0x44: {  	_ =	shalt  }
0x45: {  	_ =	shalt  }
0x46: {  	_ =	shalt  }
0x47: {  	_ =	shalt  }
0x48: {  	_ =	shalt  }
0x49: {  	_ =	shalt  }
0x4a: {  	_ =	shalt  }
0x4b: {  	_ =	shalt  }
0x4c: {  	_ =	shalt  }
0x4d: {  	_ =	shalt  }
0x4e: {  	_ =	shalt  }
0x4f: {  	_ =	shalt  }
0x50: {  	_ =	shalt  }
0x51: {  	_ =	shalt  }
0x52: {  	_ =	shalt  }
0x53: {  	_ =	shalt  }
0x54: {  	_ =	shalt  }
0x55: {  	_ =	shalt  }
0x56: {  	_ =	shalt  }
0x57: {  	_ =	shalt  }
0x58: {  	_ =	shalt  }
0x59: {  	_ =	shalt  }
0x5a: {  	_ =	shalt  }
0x5b: {  	_ =	shalt  }
0x5c: {  	_ =	shalt  }
0x5d: {  	_ =	shalt  }
0x5e: {  	_ =	shalt  }
0x5f: {  	_ =	shalt  }
0x60: {  	_ =	shalt  }
0x61: {  	_ =	shalt  }
0x62: {  	_ =	shalt  }
0x63: {  	_ =	shalt  }
0x64: {  	_ =	shalt  }
0x65: {  	_ =	shalt  }
0x66: {  	_ =	shalt  }
0x67: {  	_ =	shalt  }
0x68: {  	_ =	shalt  }
0x69: {  	_ =	shalt  }
0x6a: {  	_ =	shalt  }
0x6b: {  	_ =	shalt  }
0x6c: {  	_ =	shalt  }
0x6d: {  	_ =	shalt  }
0x6e: {  	_ =	shalt  }
0x6f: {  	_ =	shalt  }
0x70: {  	_ =	shalt  }
0x71: {  	_ =	shalt  }
0x72: {  	_ =	shalt  }
0x73: {  	_ =	shalt  }
0x74: {  	_ =	shalt  }
0x75: {  	_ =	shalt  }
0x76: {  	_ =	shalt  }
0x77: {  	_ =	shalt  }
0x78: {  	_ =	shalt  }
0x79: {  	_ =	shalt  }
0x7a: {  	_ =	shalt  }
0x7b: {  	_ =	shalt  }
0x7c: {  	_ =	shalt  }
0x7d: {  	_ =	shalt  }
0x7e: {  	_ =	shalt  }
0x7f: {  	_ =	shalt  }
0x80: {  	_ =	shalt  }
0x81: {  	_ =	shalt  }
0x82: {  	_ =	shalt  }
0x83: {  	_ =	shalt  }
0x84: {  	_ =	shalt  }
0x85: {  	_ =	shalt  }
0x86: {  	_ =	shalt  }
0x87: {  	_ =	shalt  }
.Lfunc_end0:
.L_simem_size_0:
called_computation_lowered:
.L_overlay_start_0:
0x88: {  	s2 =	sld [smem:$0x3FD9]  }
0x89: {  	s3 =	sld [smem:$0x3FFE];
	_ =	sdelay $0x1  }
0x8a: {  	s1 =	srdreg.scid  }
0x8b: {  	s0 =	sand.u32 $0x1, s1  }
0x8c: {  	s14 =	sshll.u32 s0, $0xA;
	s2 =	sadd.s32 s3, s2  }
0x8d: {  	s2 =	sadd.s32 s2, s14  }
0x8e: {  	[smem:$0x3FC0] =	sst s2  }
0x8f: {  	_ = 	snop  }
0x90: {  	s2 =	sld [smem:$0x3FD0];
	_ =	sdelay $0x2  }
0x91: {  	s15 =	simm.s32 $0xA;
	s4 =	simm.s32 $0x10  }
0x92: {  	[smem:s4], [sflag:s15] =	dma.local [hbm:s2], $0x1  }
0x93: {  	_ =	swait.eq [sflag:s15], $0x1  }
0x94: {  	[sflag:s15] =	ssyncset.done $0x0  }
0x95: {  	[sflag:s15] =	ssyncadd.s32 $0xFFFFFFFF  }
0x96: {  	s16 =	sld [smem:$0x10];
	(tm) =	ssettm $0x1  }
0x97: {  	s17 =	sld [smem:$0x3FFB];
	_ =	sdelay $0x3  }
0x98: {  	_ =	strace s17  }
0x99: {  	s3 =	sld [smem:$0x3FFC];
	_ =	sdelay $0x3  }
0x9a: {  	_ =	strace s3  }
0x9b: {  	s3 =	sld [smem:$0x3FFD];
	_ =	sdelay $0x3  }
0x9c: {  	_ =	strace s3  }
0x9d: {  	_ =	strace $0x8FFFFFFF  }
0x9e: {  	s18 =	sld [smem:$0x3FDB];
	_ =	sdelay $0x1  }
0x9f: {  	s19 =	simm.s32 $_scs_section_size  }
0xa0: {  	s5 =	simm.s32 $_size__tile_overlayer_lowered;
	s6 =	simm.s32 $_tile_overlayer_lowered  }
0xa1: {  	s22 =	simm.s32 $0x1BFF;
	s21 =	sshll.u32 s6, $0x1;
	s3 =	sadd.s32 s19, s18  }
0xa2: {  	s7 =	simm.s32 $0x0;
	s20 =	sshll.u32 s5, $0x1;
	s5 =	sadd.s32 s21, s3  }
0xa3: {  	[timem:s7], [sflag:s22] =	dma.local [hbm:s5], s20  }
0xa4: {  	_ =	swait.ge [sflag:s22], s20  }
0xa5: {  	s4 =	ssub.s32 $0x0, s20;
	[sflag:s22] =	ssyncset.done $0x0  }
0xa6: {  	[sflag:s22] =	ssyncadd.s32 s4;
	_ =	sdelay $0x1  }
0xa7: {  	s23 =	simm.s32 $0x1B8B  }
0xa8: {  	_ =	swait.ge [sflag:s23], $0x1  }
0xa9: {  	[sflag:s23] =	ssyncset.done $0x0  }
0xaa: {  	s25 =	simm.s32 $0x1B8E;
	s24 =	sld [smem:$0x3FFE];
	[sflag:s23] =	ssyncadd.s32 $0xFFFFFFFF  }
0xab: {  	s26 =	simm.s32 $execute0_lowered;
	[smem:$0x3FD2] =	sst s25  }
0xac: {  	s5 =	sshll.u32 s26, $0x1;
	_ =	strace $0x80000046;
	[dreg:$0x1] =	wrdreg $0xFFFFFFFF  }
0xad: {  	s28 =	simm.s32 $_size_execute0_lowered;
	s3 =	sadd.s32 s3, s5;
	[dreg:$0x0] =	wrdreg $0x0  }
0xae: {  	s5 =	sshll.u32 s28, $0x1;
	[dreg:$0x2] =	wrdreg s3  }
0xaf: {  	[dreg:$0x3] =	wrdreg s5  }
0xb0: {  	[dreg:$0x4] =	wrdreg $0xC0  }
0xb1: {  	_ =	task [dreg:s7], $0x5FFFF  }
0xb2: {  	[dreg:$0x1] =	wrdreg $0xFFFFFFFF  }
0xb3: {  	[dreg:$0x0] =	wrdreg $0x60  }
0xb4: {  	[dreg:$0x2] =	wrdreg s16  }
0xb5: {  	[dreg:$0x3] =	wrdreg s24  }
0xb6: {  	[dreg:$0x4] =	wrdreg $0x54000  }
0xb7: {  	[dreg:$0x5] =	wrdreg $0x9  }
0xb8: {  	_ =	task.clear_ibuf [dreg:s7], $0x6FFFF;
	_ =	strace $0x90000046  }
0xb9: {  	s29 =	simm.s32 $0x9;
	_ =	strace $0x80000048  }
0xba: {  	_ =	swait.ge [sflag:s29], $0x1  }
0xbb: {  	[sflag:s29] =	ssyncadd.s32 $0xFFFFFFFF  }
0xbc: {  	_ =	strace $0x90000048  }
0xbd: {  	_ =	sfence  }
0xbe: {  	s30 =	sld [smem:$0x0];
	_ =	sdelay $0x2  }
0xbf: {  	s31 =	sshll.u32 s1, $0xD;
	s1 =	sshrl.u32 s1, $0x2  }
0xc0: {  	s3 =	sand.u32 $0x4000, s31;
	s1 =	sadd.s32 s1, s30  }
0xc1: {  	s0 =	sor.u32 s3, s0;
	s1 =	sshll.u32 s1, $0x11  }
0xc2: {  	s0 =	sor.u32 s1, s0  }
0xc3: {  	s0 =	sadd.s32 $0x8F2B, s0  }
0xc4: {  	[sflag:s0] =	ssyncadd.remote.s32 $0x1  }
0xc5: {  	_ =	sfence.sel $0xFFFF  }
0xc6: {  	[dreg:$0x0] =	wrdreg $0xFFFFFFFF;
	(pc) =	sbr.abs _section_cstart, $3  }
0xc7: {  	[dreg:$0x1] =	wrdreg $0xFFFFFFFF  }
0xc8: {  	_ =	task.clear_ibuf [dreg:s7], $0x2FFFF;
	_ =	strace $0x9FFFFFFF  }
0xc9: {  	(tm) =	ssettm $0x7FFFFFFF  }
tec
execute0_lowered:
.L_overlay_start_1:
0x0: {  	(tag) =	ssettag $0x1  }
0x1: {  	s11 =	rddreg [dreg:$0x0]  }
0x2: {  	s3 =	rddreg [dreg:$0x1]  }
0x3: {  	s1 =	rddreg [dreg:$0x2]  }
0x4: {  	s0 =	rddreg [dreg:$0x3]  }
0x5: {  	s2 =	simm.s32 $0x0;
	s4 =	srdreg.scid;
	s7 =	simm.s32 $0x1  }
0x6: {  	s20 =	simm.s32 $0x1400;
	s10 =	simm.s32 $0x1400;
	[smem:$0x7FF] =	sst s2  }
0x7: {  	s9 =	sand.u32 $0x1, s4;
	s16 =	sadd.s32 $0x3C00, s3;
	s3 =	stileid.u32  }
0x8: {  	_ =	strace $0x80000047;
	s4 =	ssub.s32 $0x2, s9;
	s30 =	smul.u32 $0x50000, s3  }
0x9: {  	s29 =	sshll.u32 s9, $0x4;
	s12 =	smul.u32 $0x14000, s3;
	s31 =	sand.u32 $0x1, s3  }
0xa: {  	s21 =	smul.u32 $0x140000, s9;
	s9 =	simm.s32 $0x1;
	s5 =	sshrl.u32 s4, $0x1  }
0xb: {  	s6 =	sor.u32 s3, s29;
	p0 =	seq.s32 s31, $0x1;
	s17 =	ssub.s32 s4, s5  }
0xc: {  	s5 =	sshrl.u32 s30, $0x2;
	p1 =	seq.s32 s6, $0x0;
	s13 =	sadd.s32 $0x4000, s12  }
0xd: {  	s14 =	sadd.s32 $0x8000, s12;
	s8 =	sshrl.u32 s6, $0x1;
	s15 =	sadd.s32 $0xC000, s12  }
0xe: {  	s18 =	sadd.s32 $0x10000, s12;
	s20 =	simm.s32 @!p0 $0x0;
	s12 =	sadd.s32 s12, s21  }
0xf: {  	s4 =	sadd.s32 s5, s1;
	p1 =	por !p1, !p0;
	s5 =	sadd.s32 s13, s1  }
0x10: {  	s6 =	sadd.s32 s14, s1;
	s13 =	sadd.s32 s21, s13;
	s12 =	sshrl.u32 s12, $0x3  }
0x11: {  	s14 =	sadd.s32 s21, s14;
	s17 =	smax.u32 s17, $0x1;
	p1 =	por !p1, !p1  }
0x12: {  	s13 =	sshrl.u32 s13, $0x3;
	s12 =	sadd.s32 s16, s12;
	s7 =	simm.s32 @!p1 $0x0  }
0x13: {  	s14 =	sshrl.u32 s14, $0x3;
	s13 =	sadd.s32 s16, s13;
	s8 =	ssub.s32 s8, s7  }
0x14: {  	s14 =	sadd.s32 s16, s14;
	s7 =	sadd.s32 s15, s1;
	s19 =	smul.u32 $0x2800, s8  }
0x15: {  	s15 =	sadd.s32 s21, s15;
	s8 =	sadd.s32 s18, s1;
	s18 =	sadd.s32 s21, s18  }
0x16: {  	s15 =	sshrl.u32 s15, $0x3;
	s18 =	sshrl.u32 s18, $0x3;
	s19 =	sadd.s32 s20, s19  }
0x17: {  	v0 =	vimm.f32 $0.0e+00;
	vm0 =	vcmask $0x300;
	s15 =	sadd.s32 s16, s15;
	s16 =	sadd.s32 s16, s18;
	s19 =	sshrl.u32 s19, $0x3  }
0x18: {  	v1 =	vsel vm0, $0x3F800000, v0;
	s18 =	simm.s32 $0x80;
	s11 =	sadd.s32 s11, s19;
	s19 =	simm.s32 $0x0  }
.LBB2_1:
0x19: {  	s20 =	simm.s32 $0x0;
	s21 =	simm.s32 $0x200  }
.LBB2_2:
0x1a: {  	p0 =	sne.s32 s21, $0xFE00;
	[tilespmem:s20+$0x1470] =	vst v0  }
0x1b: {  	[tilespmem:s20+$0x1400] =	vst v0  }
0x1c: {  	[tilespmem:s20+$0x1410] =	vst v0  }
.Ltmp0:
0x1d: {  	[tilespmem:s20+$0x1420] =	vst v0;
	(pc) =	sbr.rel @p0 .LBB2_2-.Ltmp0, $4  }
0x1e: {  	[tilespmem:s20+$0x1430] =	vst v0  }
0x1f: {  	[tilespmem:s20+$0x1440] =	vst v0  }
0x20: {  	[tilespmem:s20+$0x1450] =	vst v0  }
0x21: {  	[tilespmem:s20+$0x1460] =	vst v0;
	s20 =	sshra.s32 s21, $0x2;
	s21 =	sadd.s32 $0x200, s21  }
0x22: {  	[tilespmem:s20+$0x1470] =	vst v0  }
0x23: {  	[tilespmem:s20+$0x1400] =	vst v0  }
0x24: {  	[tilespmem:s20+$0x1410] =	vst v0  }
0x25: {  	[tilespmem:s20+$0x1420] =	vst v0  }
0x26: {  	[tilespmem:s20+$0x1430] =	vst v0  }
0x27: {  	[tilespmem:s20+$0x1440] =	vst v0  }
0x28: {  	[tilespmem:s20+$0x1450] =	vst v0  }
0x29: {  	[tilespmem:s20+$0x1460] =	vst v0  }
0x2a: {  	[spmem:s4] =	stream.linear.scatter [tilespmem:s10], [sflag:$0x1], $0x4000, $0x38;
	[tilespmem:$0x19400] =	vst v63  }
0x2b: {  	_ =	swait.ge [sflag:s9], $0x4000  }
0x2c: {  	[sflag:s9] =	ssyncset.done $0x0  }
0x2d: {  	[sflag:s9] =	ssyncadd.s32 $0xFFFFC000  }
0x2e: {  	[spmem:s5] =	stream.linear.scatter [tilespmem:s10], [sflag:$0x1], $0x4000, $0x38;
	[tilespmem:$0x19400] =	vst v63  }
0x2f: {  	_ =	swait.ge [sflag:s9], $0x4000  }
0x30: {  	[sflag:s9] =	ssyncset.done $0x0  }
0x31: {  	[sflag:s9] =	ssyncadd.s32 $0xFFFFC000  }
0x32: {  	[spmem:s6] =	stream.linear.scatter [tilespmem:s10], [sflag:$0x1], $0x4000, $0x38;
	[tilespmem:$0x19400] =	vst v63  }
0x33: {  	_ =	swait.ge [sflag:s9], $0x4000  }
0x34: {  	[sflag:s9] =	ssyncset.done $0x0  }
0x35: {  	[sflag:s9] =	ssyncadd.s32 $0xFFFFC000  }
0x36: {  	[spmem:s7] =	stream.linear.scatter [tilespmem:s10], [sflag:$0x1], $0x4000, $0x38;
	[tilespmem:$0x19400] =	vst v63  }
0x37: {  	_ =	swait.ge [sflag:s9], $0x4000  }
0x38: {  	[sflag:s9] =	ssyncset.done $0x0  }
0x39: {  	[sflag:s9] =	ssyncadd.s32 $0xFFFFC000  }
0x3a: {  	[spmem:s8] =	stream.linear.scatter [tilespmem:s10], [sflag:$0x1], $0x4000, $0x38;
	[tilespmem:$0x19400] =	vst v63  }
0x3b: {  	_ =	swait.ge [sflag:s9], $0x4000  }
0x3c: {  	[sflag:s9] =	ssyncset.done $0x0  }
0x3d: {  	s20 =	simm.s32 $0x200;
	s21 =	simm.s32 $0x0;
	[sflag:s9] =	ssyncadd.s32 $0xFFFFC000  }
.LBB2_4:
0x3e: {  	p0 =	sne.s32 s20, $0xFE00;
	[tilespmem:s21+$0x1400] =	vst v1;
	s21 =	smov.u32 s20;
	s20 =	sadd.s32 $0x200, s20  }
.Ltmp1:
0x3f: {  	(pc) =	sbr.rel @p0 .LBB2_4-.Ltmp1, $2  }
0x40: {  	_ =	sdelay $0x2  }
0x41: {  	s21 =	sshra.s32 s21, $0x2  }
0x42: {  	[tilespmem:s21+$0x1400] =	vst v1;
	s20 =	simm.s32 $0x0  }
0x43: {  	[tilespmem:s20], [sflag:$0x1] =	stream.linear.gather [hbm4b:s11+s20], $0x1400, $0x38;
	[tilespmem:$0x19400] =	vst v63  }
0x44: {  	_ =	swait.ge [sflag:s9], $0x1400  }
0x45: {  	[sflag:s9] =	ssyncset.done $0x0  }
0x46: {  	[sflag:s9] =	ssyncadd.s32 $0xFFFFEC00  }
0x47: {  	s31 =	simm.s32 $0x0;
	[bflag:$0x0] =	sbarrier.arrive $0xFFFF  }
0x48: {  	[spmem:s1] =	stream.indirect.scatter.add.f32 [tilespmem:s10], [sflag:$0x1], $0x80, s31, s18, $0xb8;
	[tilespmem:$0x19400] =	vst v63  }
0x49: {  	_ =	swait.ge [sflag:s9], $0x4000  }
0x4a: {  	s20 =	simm.s32 $0x200;
	[sflag:s9] =	ssyncset.done $0x0  }
.LBB2_6:
0x4b: {  	s21 =	sshra.s32 s20, $0x2;
	[sflag:s9] =	ssyncadd.s32 $0xFFFFC000;
	p0 =	sne.s32 s20, $0x4E00  }
0x4c: {  	[spmem:s1] =	stream.indirect.scatter.add.f32 [tilespmem:s10], [sflag:$0x1], $0x80, s21, s18, $0xb8;
	[tilespmem:$0x19400] =	vst v63  }
.Ltmp2:
0x4d: {  	_ = 	snop;
	(pc) =	sbr.rel @p0 .LBB2_6-.Ltmp2, $4  }
0x4e: {  	_ = 	snop  }
0x4f: {  	s20 =	sadd.s32 $0x200, s20  }
0x50: {  	_ =	swait.ge [sflag:s9], $0x4000  }
0x51: {  	[sflag:s9] =	ssyncset.done $0x0  }
0x52: {  	[sflag:s9] =	ssyncadd.s32 $0xFFFFC000  }
0x53: {  	[bflag:$0x0] =	sbarrier.arrive $0xFFFF  }
0x54: {  	[tilespmem:s10], [sflag:$0x1] =	stream.linear.gather [spmem:s4], $0x4000, $0x38;
	[tilespmem:$0x19400] =	vst v63  }
0x55: {  	_ =	swait.ge [sflag:s9], $0x4000  }
0x56: {  	[sflag:s9] =	ssyncset.done $0x0  }
0x57: {  	[sflag:s9] =	ssyncadd.s32 $0xFFFFC000  }
0x58: {  	[hbm4b:s12+s2] =	stream.linear.scatter [tilespmem:s10], [sflag:$0x1], $0x4000, $0x38;
	[tilespmem:$0x19400] =	vst v63  }
0x59: {  	_ =	swait.ge [sflag:s9], $0x4000  }
0x5a: {  	[sflag:s9] =	ssyncset.done $0x0  }
0x5b: {  	[sflag:s9] =	ssyncadd.s32 $0xFFFFC000  }
0x5c: {  	[tilespmem:s10], [sflag:$0x1] =	stream.linear.gather [spmem:s5], $0x4000, $0x38;
	[tilespmem:$0x19400] =	vst v63  }
0x5d: {  	_ =	swait.ge [sflag:s9], $0x4000  }
0x5e: {  	[sflag:s9] =	ssyncset.done $0x0  }
0x5f: {  	[sflag:s9] =	ssyncadd.s32 $0xFFFFC000  }
0x60: {  	[hbm4b:s13+s2] =	stream.linear.scatter [tilespmem:s10], [sflag:$0x1], $0x4000, $0x38;
	[tilespmem:$0x19400] =	vst v63  }
0x61: {  	_ =	swait.ge [sflag:s9], $0x4000  }
0x62: {  	[sflag:s9] =	ssyncset.done $0x0  }
0x63: {  	[sflag:s9] =	ssyncadd.s32 $0xFFFFC000  }
0x64: {  	[tilespmem:s10], [sflag:$0x1] =	stream.linear.gather [spmem:s6], $0x4000, $0x38;
	[tilespmem:$0x19400] =	vst v63  }
0x65: {  	_ =	swait.ge [sflag:s9], $0x4000  }
0x66: {  	[sflag:s9] =	ssyncset.done $0x0  }
0x67: {  	[sflag:s9] =	ssyncadd.s32 $0xFFFFC000  }
0x68: {  	[hbm4b:s14+s2] =	stream.linear.scatter [tilespmem:s10], [sflag:$0x1], $0x4000, $0x38;
	[tilespmem:$0x19400] =	vst v63  }
0x69: {  	_ =	swait.ge [sflag:s9], $0x4000  }
0x6a: {  	[sflag:s9] =	ssyncset.done $0x0  }
0x6b: {  	[sflag:s9] =	ssyncadd.s32 $0xFFFFC000  }
0x6c: {  	[tilespmem:s10], [sflag:$0x1] =	stream.linear.gather [spmem:s7], $0x4000, $0x38;
	[tilespmem:$0x19400] =	vst v63  }
0x6d: {  	_ =	swait.ge [sflag:s9], $0x4000  }
0x6e: {  	[sflag:s9] =	ssyncset.done $0x0  }
0x6f: {  	[sflag:s9] =	ssyncadd.s32 $0xFFFFC000  }
0x70: {  	[hbm4b:s15+s2] =	stream.linear.scatter [tilespmem:s10], [sflag:$0x1], $0x4000, $0x38;
	[tilespmem:$0x19400] =	vst v63  }
0x71: {  	_ =	swait.ge [sflag:s9], $0x4000  }
0x72: {  	[sflag:s9] =	ssyncset.done $0x0  }
0x73: {  	[sflag:s9] =	ssyncadd.s32 $0xFFFFC000  }
0x74: {  	[tilespmem:s10], [sflag:$0x1] =	stream.linear.gather [spmem:s8], $0x4000, $0x38;
	[tilespmem:$0x19400] =	vst v63  }
0x75: {  	s19 =	sadd.s32 $0x1, s19;
	_ =	swait.ge [sflag:s9], $0x4000  }
0x76: {  	p0 =	sne.s32 s19, s17;
	[sflag:s9] =	ssyncset.done $0x0  }
.Ltmp3:
0x77: {  	[sflag:s9] =	ssyncadd.s32 $0xFFFFC000;
	(pc) =	sbr.rel @p0 .LBB2_1-.Ltmp3, $4  }
0x78: {  	[hbm4b:s16+s2] =	stream.linear.scatter [tilespmem:s10], [sflag:$0x1], $0x4000, $0x38;
	[tilespmem:$0x19400] =	vst v63  }
0x79: {  	_ =	swait.ge [sflag:s9], $0x4000  }
0x7a: {  	[sflag:s9] =	ssyncset.done $0x0  }
0x7b: {  	[sflag:s9] =	ssyncadd.s32 $0xFFFFC000  }
0x7c: {  	_ =	sfence.sel $0x180000  }
0x7d: {  	[bflag:$0x0] =	sbarrier.arrive $0xFFFF  }
0x7e: {  	p0 =	sne.s32 s3, $0x0;
	_ =	strace $0x90000047  }
0x7f: {  	s0 =	sadd.s32 @!p0 $0x100000, s0;
	[bflag:$0x2] =	sbarrier.arrive $0xFFFF  }
0x80: {  	[sflag:s0] =	ssyncadd.tile.s32 @!p0 $0x1;
	_ =	shalt  }
.Lfunc_end2:
_tile_overlayer_lowered:
.L_overlay_start_2:
0x81: {  	(tag) =	ssettag $0x2  }
0x82: {  	s0 =	rddreg [dreg:$0x0];
	s2 =	stileid.u32  }
0x83: {  	s1 =	rddreg [dreg:$0x1];
	p0 =	sne.s32 s2, $0x0  }
0x84: {  	s3 =	rddreg [dreg:$0x2];
	[bflag:$0x3] =	sbarrier.arrive $0xFFFF;
	s2 =	simm.s32 @!p0 $0x1C01  }
0x85: {  	[timem:s3], [sflag:s2] =	dma.local @!p0 [hbm:s0], s1  }
0x86: {  	s0 =	simm.s32 @!p0 $0x1  }
0x87: {  	_ =	swait.ge @!p0 [sflag:s0], s1  }
0x88: {  	s1 =	ssub.s32 @!p0 $0x0, s1;
	[sflag:s0] =	ssyncset.done @!p0 $0x0  }
0x89: {  	[sflag:s0] =	ssyncadd.s32 @!p0 s1  }
0x8a: {  	[bflag:$0x3] =	sbarrier.arrive $0xFFFF  }
0x8b: {  	_ =	shalt  }

</sc_bundles>
